<compile_context>
chip_gen: v7x
topology: tpu7x:2x2x1
jax: 0.10.2.dev20260603
libtpu: 0.0.44.dev20260713+nightly
codegen_flags: <defaults>
</compile_context>

<pallas_src>
import jax
import jax.numpy as jnp
from jax import lax
from jax.experimental import pallas as pl
from jax.experimental.pallas import tpu as pltpu
from jax.experimental.pallas import tpu_sc as plsc

_N = 10000
_E = 320000
_D = 128
_NC = 2
_NS = 16
_NW = _NC * _NS
_C = 80
_T = _E // _C
_TPW = _T // _NW
_RPT = (_N // _NS) // 8 * 8
_RTAIL = _N - _NS * _RPT
_SB = 208

_mesh = plsc.VectorSubcoreMesh(core_axis_name="c", subcore_axis_name="s")


def _sc_agg_body(h_hbm, src_hbm, dst_hbm, zf_hbm, agg_out,
                 src_i, dst_i, rows, sbuf, agg_sh, gs0, gs1, is0, is1):
    gsems = (gs0, gs1)
    isems = (is0, is1)
    c = lax.axis_index("c")
    s = lax.axis_index("s")
    wid = s * _NC + c
    wbase = wid * (_E // _NW)
    tb = _NS * _RPT

    def idx_s(i):
        return src_hbm.at[pl.ds(wbase + i * _C, _C)]

    def idx_d(i):
        return dst_hbm.at[pl.ds(wbase + i * _C, _C)]

    def pref(i, b4, sem):
        pltpu.async_copy(idx_s(i), src_i.at[b4], sem)
        pltpu.async_copy(idx_d(i), dst_i.at[b4], sem)

    def wait_i(i, b4, sem):
        pltpu.make_async_copy(idx_s(i), src_i.at[b4], sem).wait()
        pltpu.make_async_copy(idx_d(i), dst_i.at[b4], sem).wait()

    def gath(rb, b4, sem):
        pltpu.async_copy(h_hbm.at[src_i.at[b4]], rows.at[rb], sem)

    def wait_g(rb, b4, sem):
        pltpu.make_async_copy(h_hbm.at[src_i.at[b4]], rows.at[rb], sem).wait()

    def scat(rb, b4):
        pltpu.sync_copy(rows.at[rb], agg_sh.at[dst_i.at[b4]], add=True)

    pltpu.sync_copy(zf_hbm, sbuf)
    for k in range(_RPT // _SB):
        pltpu.sync_copy(sbuf, agg_sh.at[pl.ds(s * _RPT + k * _SB, _SB)])

    @pl.when(s == 0)
    def _():
        pltpu.sync_copy(sbuf.at[pl.ds(0, _RTAIL)], agg_sh.at[pl.ds(tb, _RTAIL)])

    pltpu.sync_copy(idx_s(0), src_i.at[0])
    pltpu.sync_copy(idx_d(0), dst_i.at[0])
    pref(1, 1, isems[1])
    gath(0, 0, gsems[0])
    plsc.subcore_barrier()

    def quad(j, carry):
        for k in range(4):
            i = 4 * j + k
            b4, n4, p4 = k, (k + 1) % 4, (k + 2) % 4
            br, nbr = k % 2, (k + 1) % 2
            wait_i(i + 1, n4, isems[nbr])
            gath(nbr, n4, gsems[nbr])

            @pl.when(i + 2 < _TPW)
            def _():
                pref(i + 2, p4, isems[br])

            wait_g(br, b4, gsems[br])
            scat(br, b4)
        return carry

    lax.fori_loop(0, _TPW // 4, quad, 0)
    wait_g(0, 0, gsems[0])
    scat(0, 0)
    plsc.subcore_barrier()

    for k in range(_RPT // _SB):
        off = s * _RPT + k * _SB
        pltpu.sync_copy(agg_sh.at[pl.ds(off, _SB)], sbuf)
        pltpu.sync_copy(sbuf, agg_out.at[c].at[pl.ds(off, _SB)])

    @pl.when(s == 0)
    def _():
        pltpu.sync_copy(agg_sh.at[pl.ds(tb, _RTAIL)], sbuf.at[pl.ds(0, _RTAIL)])
        pltpu.sync_copy(sbuf.at[pl.ds(0, _RTAIL)],
                        agg_out.at[c].at[pl.ds(tb, _RTAIL)])


_sc_agg = pl.kernel(
    _sc_agg_body,
    out_type=[jax.ShapeDtypeStruct((_NC, _N, _D), jnp.float32)],
    mesh=_mesh,
    scratch_types=[
        pltpu.VMEM((4, _C), jnp.int32),
        pltpu.VMEM((4, _C), jnp.int32),
        pltpu.VMEM((2, _C, _D), jnp.float32),
        pltpu.VMEM((_SB, _D), jnp.float32),
        pltpu.VMEM_SHARED((_N, _D), jnp.float32),
        pltpu.SemaphoreType.DMA,
        pltpu.SemaphoreType.DMA,
        pltpu.SemaphoreType.DMA,
        pltpu.SemaphoreType.DMA,
    ],
)


def _sc_deg_body(dst_hbm, zf_hbm, ones_hbm, deg_out,
                 dst_i, ones_v, sbuf, deg_sh, ss0, ss1, is0, is1):
    ssems = (ss0, ss1)
    isems = (is0, is1)
    c = lax.axis_index("c")
    s = lax.axis_index("s")
    wid = s * _NC + c
    wbase = wid * (_E // _NW)
    tb = _NS * _RPT

    def idx_d(i):
        return dst_hbm.at[pl.ds(wbase + i * _C, _C)]

    pltpu.sync_copy(zf_hbm, sbuf)
    for k in range(_RPT // _SB):
        pltpu.sync_copy(sbuf, deg_sh.at[pl.ds(s * _RPT + k * _SB, _SB)])
    pltpu.sync_copy(ones_hbm, ones_v)

    @pl.when(s == 0)
    def _():
        pltpu.sync_copy(sbuf.at[pl.ds(0, _RTAIL)], deg_sh.at[pl.ds(tb, _RTAIL)])

    def pref(i, b4, sem):
        pltpu.async_copy(idx_d(i), dst_i.at[b4], sem)

    def wait_i(i, b4, sem):
        pltpu.make_async_copy(idx_d(i), dst_i.at[b4], sem).wait()

    def scat(b4, sem):
        pltpu.async_copy(ones_v, deg_sh.at[dst_i.at[b4]], sem, add=True)

    def wait_s(b4, sem):
        pltpu.make_async_copy(ones_v, deg_sh.at[dst_i.at[b4]], sem).wait()

    pltpu.sync_copy(idx_d(0), dst_i.at[0])
    pref(1, 1, isems[1])
    plsc.subcore_barrier()

    scat(0, ssems[0])

    def quad(j, carry):
        for k in range(4):
            i = 4 * j + k
            b4, n4, p4 = k, (k + 1) % 4, (k + 2) % 4
            br, nbr = k % 2, (k + 1) % 2
            wait_i(i + 1, n4, isems[nbr])
            scat(n4, ssems[nbr])
            wait_s(b4, ssems[br])

            @pl.when(i + 2 < _TPW)
            def _():
                pref(i + 2, p4, isems[br])
        return carry

    lax.fori_loop(0, _TPW // 4, quad, 0)
    wait_s(0, ssems[0])
    plsc.subcore_barrier()

    for k in range(_RPT // _SB):
        off = s * _RPT + k * _SB
        pltpu.sync_copy(deg_sh.at[pl.ds(off, _SB)], sbuf)
        pltpu.sync_copy(sbuf, deg_out.at[c].at[pl.ds(off, _SB)])

    @pl.when(s == 0)
    def _():
        pltpu.sync_copy(deg_sh.at[pl.ds(tb, _RTAIL)], sbuf.at[pl.ds(0, _RTAIL)])
        pltpu.sync_copy(sbuf.at[pl.ds(0, _RTAIL)],
                        deg_out.at[c].at[pl.ds(tb, _RTAIL)])


_sc_deg = pl.kernel(
    _sc_deg_body,
    out_type=[jax.ShapeDtypeStruct((_NC, _N, _D), jnp.float32)],
    mesh=_mesh,
    scratch_types=[
        pltpu.VMEM((4, _C), jnp.int32),
        pltpu.VMEM((_C, _D), jnp.float32),
        pltpu.VMEM((_SB, _D), jnp.float32),
        pltpu.VMEM_SHARED((_N, _D), jnp.float32),
        pltpu.SemaphoreType.DMA,
        pltpu.SemaphoreType.DMA,
        pltpu.SemaphoreType.DMA,
        pltpu.SemaphoreType.DMA,
    ],
)


def _mm_t(a, w):
    return lax.dot_general(a, w, (((1,), (1,)), ((), ())),
                           preferred_element_type=jnp.float32)


def _tc_bn_body(agg_ref, deg_ref, h_ref, wn_ref, ws_ref, b_ref, g_ref,
                be_ref, out_ref):
    dd = deg_ref[0] + deg_ref[1]
    invd = 1.0 / jnp.maximum(dd[:, 0:1], 1.0)
    agg = (agg_ref[0] + agg_ref[1]) * invd
    y = _mm_t(agg, wn_ref[...]) + _mm_t(h_ref[...], ws_ref[...]) + b_ref[...]
    m = jnp.mean(y, axis=0, keepdims=True)
    v = jnp.mean((y - m) ** 2, axis=0, keepdims=True)
    yn = (y - m) * lax.rsqrt(v + 1e-5) * g_ref[...] + be_ref[...]
    out_ref[...] = jnp.where(yn >= 0, yn, 0.1 * yn)


def _tc_final_body(agg_ref, deg_ref, h_ref, wn_ref, ws_ref, b_ref, out_ref):
    dd = deg_ref[0] + deg_ref[1]
    invd = 1.0 / jnp.maximum(dd[:, 0:1], 1.0)
    agg = (agg_ref[0] + agg_ref[1]) * invd
    out_ref[...] = (_mm_t(agg, wn_ref[...]) + _mm_t(h_ref[...], ws_ref[...])
                    + b_ref[...])


def _tc_bn(agg, deg, h, wn, ws, b, g, be):
    return pl.pallas_call(
        _tc_bn_body,
        out_shape=jax.ShapeDtypeStruct((_N, _D), jnp.float32),
    )(agg, deg, h, wn, ws, b, g, be)


def _tc_final(agg, deg, h, wn, ws, b):
    return pl.pallas_call(
        _tc_final_body,
        out_shape=jax.ShapeDtypeStruct((_N, _D), jnp.float32),
    )(agg, deg, h, wn, ws, b)


def kernel(x, edge_index, W1n, W1s, b1, g1, be1, W2n, W2s, b2, g2, be2,
           W3n, W3s, b3):
    src = edge_index[0].astype(jnp.int32)
    dst = edge_index[1].astype(jnp.int32)
    zf = jnp.zeros((_SB, _D), jnp.float32)
    ones = jnp.ones((_C, _D), jnp.float32)
    b1r, g1r, be1r = b1.reshape(1, -1), g1.reshape(1, -1), be1.reshape(1, -1)
    b2r, g2r, be2r = b2.reshape(1, -1), g2.reshape(1, -1), be2.reshape(1, -1)
    b3r = b3.reshape(1, -1)

    (deg,) = _sc_deg(dst, zf, ones)
    (agg1,) = _sc_agg(x, src, dst, zf)
    h1 = _tc_bn(agg1, deg, x, W1n, W1s, b1r, g1r, be1r)
    (agg2,) = _sc_agg(h1, src, dst, zf)
    h2 = _tc_bn(agg2, deg, h1, W2n, W2s, b2r, g2r, be2r)
    (agg3,) = _sc_agg(h2, src, dst, zf)
    return _tc_final(agg3, deg, h2, W3n, W3s, b3r)

# --- scband reference (transcript-rebuilt; emitter-appended) ---
"""Pipeline reference for scband-graph-sage-22943715295669 (READ-ONLY COPY).

The authoritative reference and input builder live on the scoring server;
editing this copy changes nothing except your own understanding.
"""

import jax, jax.numpy as jnp
import numpy as np

N = 10000
E = 320000
D = 128
H = 128
O = 128


def setup_inputs(seed: int = 0) -> dict:
    key = jax.random.key(seed)
    ks = jax.random.split(key, 20)
    x = jax.random.normal(ks[0], (N, D), dtype=jnp.float32)
    edge_index = jax.random.randint(ks[1], (2, E), 0, N)
    sD = 1.0 / np.sqrt(D)
    sH = 1.0 / np.sqrt(H)
    inp = {
        'x': x,
        'edge_index': edge_index,
        'W1n': jax.random.normal(ks[2], (H, D), dtype=jnp.float32) * sD,
        'W1s': jax.random.normal(ks[3], (H, D), dtype=jnp.float32) * sD,
        'b1': jnp.zeros((H,), dtype=jnp.float32),
        'g1': jnp.ones((H,), dtype=jnp.float32),
        'be1': jnp.zeros((H,), dtype=jnp.float32),
        'W2n': jax.random.normal(ks[4], (H, H), dtype=jnp.float32) * sH,
        'W2s': jax.random.normal(ks[5], (H, H), dtype=jnp.float32) * sH,
        'b2': jnp.zeros((H,), dtype=jnp.float32),
        'g2': jnp.ones((H,), dtype=jnp.float32),
        'be2': jnp.zeros((H,), dtype=jnp.float32),
        'W3n': jax.random.normal(ks[6], (O, H), dtype=jnp.float32) * sH,
        'W3s': jax.random.normal(ks[7], (O, H), dtype=jnp.float32) * sH,
        'b3': jnp.zeros((O,), dtype=jnp.float32),
    }
    return inp


def _sage_conv(x, edge_index, Wn, Ws, b):
    # PyG SAGEConv with mean aggregation:
    # out = lin_l(mean_{j in N(i)} x_j) + lin_r(x_i)
    src = edge_index[0]
    dst = edge_index[1]
    msg = jnp.take(x, src, axis=0)
    agg_sum = jax.ops.segment_sum(msg, dst, num_segments=N)
    deg = jax.ops.segment_sum(jnp.ones((edge_index.shape[1],), dtype=x.dtype), dst, num_segments=N)
    agg = agg_sum / jnp.clip(deg, 1.0)[:, None]
    return agg @ Wn.T + x @ Ws.T + b


def _batch_norm(x, gamma, beta, eps=1e-5):
    # training-mode batch statistics over the node dimension
    m = jnp.mean(x, axis=0)
    v = jnp.var(x, axis=0)
    return (x - m) / jnp.sqrt(v + eps) * gamma + beta


def _leaky_relu(x):
    return jnp.where(x >= 0, x, 0.1 * x)


def reference(x, edge_index, W1n, W1s, b1, g1, be1, W2n, W2s, b2, g2, be2, W3n, W3s, b3):
    h = _sage_conv(x, edge_index, W1n, W1s, b1)
    h = _leaky_relu(_batch_norm(h, g1, be1))
    # dropout is identity in eval mode
    h = _sage_conv(h, edge_index, W2n, W2s, b2)
    h = _leaky_relu(_batch_norm(h, g2, be2))
    out = _sage_conv(h, edge_index, W3n, W3s, b3)
    return out

if __name__ == "__main__":
    import jax
    _d = setup_inputs()
    print(jax.jit(kernel)(*tuple(_d.values())))

</pallas_src>

<mosaic_0001>
#map = affine_map<(d0, d1) -> (0, 0)>
#map1 = affine_map<(d0, d1) -> (0)>
#map2 = affine_map<(d0, d1) -> (0, 0, 0)>
module attributes {stable_mosaic.version = 14 : i64} {
  func.func @_sc_agg_body(%arg0: i32, %arg1: i32, %arg2: memref<10000x128xf32, #tpu.memory_space<hbm>>, %arg3: memref<320000xi32, #tpu.memory_space<hbm>>, %arg4: memref<320000xi32, #tpu.memory_space<hbm>>, %arg5: memref<208x128xf32, #tpu.memory_space<hbm>>, %arg6: memref<2x10000x128xf32, #tpu.memory_space<hbm>>, %arg7: memref<4x80xi32, #tpu.memory_space<vmem>>, %arg8: memref<4x80xi32, #tpu.memory_space<vmem>>, %arg9: memref<2x80x128xf32, #tpu.memory_space<vmem>>, %arg10: memref<208x128xf32, #tpu.memory_space<vmem>>, %arg11: memref<10000x128xf32, #tpu.memory_space<vmem_shared>>, %arg12: memref<!tpu.dma_semaphore, #tpu.memory_space<semaphore_mem>>, %arg13: memref<!tpu.dma_semaphore, #tpu.memory_space<semaphore_mem>>, %arg14: memref<!tpu.dma_semaphore, #tpu.memory_space<semaphore_mem>>, %arg15: memref<!tpu.dma_semaphore, #tpu.memory_space<semaphore_mem>>) attributes {dimension_semantics = [#tpu.dimension_semantics<core_parallel>, #tpu.dimension_semantics<subcore_parallel>], iteration_bounds = array<i64: 2, 16>, scalar_prefetch = 0 : i64, scratch_operands = 9 : i64, tpu.core_type = #tpu.core_type<sc_vector_subcore>, window_params = [{transform_indices = #map}, {transform_indices = #map1}, {transform_indices = #map1}, {transform_indices = #map}, {transform_indices = #map2}]} {
    %mul3A = arith.constant 2 : i32
    %mul3A_0 = arith.muli %arg1, %mul3A : i32
    %add3A = arith.addi %mul3A_0, %arg0 : i32
    %mul3A_1 = arith.constant 10000 : i32
    %mul3A_2 = arith.muli %add3A, %mul3A_1 : i32
    "tpu.region"() ({
      %run_scoped3A_91 = tpu.sem_alloc : memref<!tpu.dma_semaphore, #tpu.memory_space<semaphore_mem>>
      tpu.enqueue_dma source(%arg5 : memref<208x128xf32, #tpu.memory_space<hbm>>) target(%arg10 : memref<208x128xf32, #tpu.memory_space<vmem>>) target_semaphore(%run_scoped3A_91 : memref<!tpu.dma_semaphore, #tpu.memory_space<semaphore_mem>>)
      tpu.wait_dma2 semaphore(%run_scoped3A_91 : memref<!tpu.dma_semaphore, #tpu.memory_space<semaphore_mem>>) src(%arg5 : memref<208x128xf32, #tpu.memory_space<hbm>>) dst(%arg10 : memref<208x128xf32, #tpu.memory_space<vmem>>)
      tpu.yield
    }) : () -> ()
    %mul3A_3 = arith.constant 624 : i32
    %mul3A_4 = arith.muli %arg1, %mul3A_3 : i32
    %add3A_5 = arith.constant 0 : i32
    %add3A_6 = arith.addi %mul3A_4, %add3A_5 : i32
    "tpu.region"() ({
      %run_scoped3A_91 = tpu.sem_alloc : memref<!tpu.dma_semaphore, #tpu.memory_space<semaphore_mem>>
      %dma_start3A_92 = arith.constant 0 : i32
      %dma_start3A_93 = tpu.memref_slice %arg11[%add3A_6, %dma_start3A_92] : memref<10000x128xf32, #tpu.memory_space<vmem_shared>> -> memref<208x128xf32, #tpu.memory_space<vmem_shared>>
      %dma_start3A_94 = arith.constant 0 : i32
      %dma_start3A_95 = tpu.memref_slice %arg11[%add3A_6, %dma_start3A_94] : memref<10000x128xf32, #tpu.memory_space<vmem_shared>> -> memref<208x128xf32, #tpu.memory_space<vmem_shared>>
      tpu.enqueue_dma source(%arg10 : memref<208x128xf32, #tpu.memory_space<vmem>>) target(%dma_start3A_95 : memref<208x128xf32, #tpu.memory_space<vmem_shared>>) target_semaphore(%run_scoped3A_91 : memref<!tpu.dma_semaphore, #tpu.memory_space<semaphore_mem>>)
      %dma_wait3A_96 = arith.constant 0 : i32
      %dma_wait3A_97 = tpu.memref_slice %arg11[%add3A_6, %dma_wait3A_96] : memref<10000x128xf32, #tpu.memory_space<vmem_shared>> -> memref<208x128xf32, #tpu.memory_space<vmem_shared>>
      %dma_wait3A_98 = arith.constant 0 : i32
      %dma_wait3A_99 = tpu.memref_slice %arg11[%add3A_6, %dma_wait3A_98] : memref<10000x128xf32, #tpu.memory_space<vmem_shared>> -> memref<208x128xf32, #tpu.memory_space<vmem_shared>>
      tpu.wait_dma2 semaphore(%run_scoped3A_91 : memref<!tpu.dma_semaphore, #tpu.memory_space<semaphore_mem>>) src(%arg10 : memref<208x128xf32, #tpu.memory_space<vmem>>) dst(%dma_wait3A_99 : memref<208x128xf32, #tpu.memory_space<vmem_shared>>)
      tpu.yield
    }) : () -> ()
    %mul3A_7 = arith.constant 624 : i32
    %mul3A_8 = arith.muli %arg1, %mul3A_7 : i32
    %add3A_9 = arith.constant 208 : i32
    %add3A_10 = arith.addi %mul3A_8, %add3A_9 : i32
    "tpu.region"() ({
      %run_scoped3A_91 = tpu.sem_alloc : memref<!tpu.dma_semaphore, #tpu.memory_space<semaphore_mem>>
      %dma_start3A_92 = arith.constant 0 : i32
      %dma_start3A_93 = tpu.memref_slice %arg11[%add3A_10, %dma_start3A_92] : memref<10000x128xf32, #tpu.memory_space<vmem_shared>> -> memref<208x128xf32, #tpu.memory_space<vmem_shared>>
      %dma_start3A_94 = arith.constant 0 : i32
      %dma_start3A_95 = tpu.memref_slice %arg11[%add3A_10, %dma_start3A_94] : memref<10000x128xf32, #tpu.memory_space<vmem_shared>> -> memref<208x128xf32, #tpu.memory_space<vmem_shared>>
      tpu.enqueue_dma source(%arg10 : memref<208x128xf32, #tpu.memory_space<vmem>>) target(%dma_start3A_95 : memref<208x128xf32, #tpu.memory_space<vmem_shared>>) target_semaphore(%run_scoped3A_91 : memref<!tpu.dma_semaphore, #tpu.memory_space<semaphore_mem>>)
      %dma_wait3A_96 = arith.constant 0 : i32
      %dma_wait3A_97 = tpu.memref_slice %arg11[%add3A_10, %dma_wait3A_96] : memref<10000x128xf32, #tpu.memory_space<vmem_shared>> -> memref<208x128xf32, #tpu.memory_space<vmem_shared>>
      %dma_wait3A_98 = arith.constant 0 : i32
      %dma_wait3A_99 = tpu.memref_slice %arg11[%add3A_10, %dma_wait3A_98] : memref<10000x128xf32, #tpu.memory_space<vmem_shared>> -> memref<208x128xf32, #tpu.memory_space<vmem_shared>>
      tpu.wait_dma2 semaphore(%run_scoped3A_91 : memref<!tpu.dma_semaphore, #tpu.memory_space<semaphore_mem>>) src(%arg10 : memref<208x128xf32, #tpu.memory_space<vmem>>) dst(%dma_wait3A_99 : memref<208x128xf32, #tpu.memory_space<vmem_shared>>)
      tpu.yield
    }) : () -> ()
    %mul3A_11 = arith.constant 624 : i32
    %mul3A_12 = arith.muli %arg1, %mul3A_11 : i32
    %add3A_13 = arith.constant 416 : i32
    %add3A_14 = arith.addi %mul3A_12, %add3A_13 : i32
    "tpu.region"() ({
      %run_scoped3A_91 = tpu.sem_alloc : memref<!tpu.dma_semaphore, #tpu.memory_space<semaphore_mem>>
      %dma_start3A_92 = arith.constant 0 : i32
      %dma_start3A_93 = tpu.memref_slice %arg11[%add3A_14, %dma_start3A_92] : memref<10000x128xf32, #tpu.memory_space<vmem_shared>> -> memref<208x128xf32, #tpu.memory_space<vmem_shared>>
      %dma_start3A_94 = arith.constant 0 : i32
      %dma_start3A_95 = tpu.memref_slice %arg11[%add3A_14, %dma_start3A_94] : memref<10000x128xf32, #tpu.memory_space<vmem_shared>> -> memref<208x128xf32, #tpu.memory_space<vmem_shared>>
      tpu.enqueue_dma source(%arg10 : memref<208x128xf32, #tpu.memory_space<vmem>>) target(%dma_start3A_95 : memref<208x128xf32, #tpu.memory_space<vmem_shared>>) target_semaphore(%run_scoped3A_91 : memref<!tpu.dma_semaphore, #tpu.memory_space<semaphore_mem>>)
      %dma_wait3A_96 = arith.constant 0 : i32
      %dma_wait3A_97 = tpu.memref_slice %arg11[%add3A_14, %dma_wait3A_96] : memref<10000x128xf32, #tpu.memory_space<vmem_shared>> -> memref<208x128xf32, #tpu.memory_space<vmem_shared>>
      %dma_wait3A_98 = arith.constant 0 : i32
      %dma_wait3A_99 = tpu.memref_slice %arg11[%add3A_14, %dma_wait3A_98] : memref<10000x128xf32, #tpu.memory_space<vmem_shared>> -> memref<208x128xf32, #tpu.memory_space<vmem_shared>>
      tpu.wait_dma2 semaphore(%run_scoped3A_91 : memref<!tpu.dma_semaphore, #tpu.memory_space<semaphore_mem>>) src(%arg10 : memref<208x128xf32, #tpu.memory_space<vmem>>) dst(%dma_wait3A_99 : memref<208x128xf32, #tpu.memory_space<vmem_shared>>)
      tpu.yield
    }) : () -> ()
    %eq3A = arith.constant 0 : i32
    %eq3A_15 = arith.cmpi eq, %arg1, %eq3A : i32
    %convert_element_type3A = arith.extui %eq3A_15 : i1 to i32
    %cond3A = arith.constant 0 : i32
    %cond3A_16 = arith.cmpi ne, %convert_element_type3A, %cond3A : i32
    scf.if %cond3A_16 {
      "tpu.region"() ({
        %run_scoped3A_91 = tpu.sem_alloc : memref<!tpu.dma_semaphore, #tpu.memory_space<semaphore_mem>>
        %dma_start3A_92 = arith.constant 0 : i32
        %dma_start3A_93 = arith.constant 0 : i32
        %dma_start3A_94 = tpu.memref_slice %arg10[%dma_start3A_92, %dma_start3A_93] : memref<208x128xf32, #tpu.memory_space<vmem>> -> memref<16x128xf32, #tpu.memory_space<vmem>>
        %dma_start3A_95 = arith.constant 9984 : i32
        %dma_start3A_96 = arith.constant 0 : i32
        %dma_start3A_97 = tpu.memref_slice %arg11[%dma_start3A_95, %dma_start3A_96] : memref<10000x128xf32, #tpu.memory_space<vmem_shared>> -> memref<16x128xf32, #tpu.memory_space<vmem_shared>>
        %dma_start3A_98 = arith.constant 9984 : i32
        %dma_start3A_99 = arith.constant 0 : i32
        %dma_start3A_100 = tpu.memref_slice %arg11[%dma_start3A_98, %dma_start3A_99] : memref<10000x128xf32, #tpu.memory_space<vmem_shared>> -> memref<16x128xf32, #tpu.memory_space<vmem_shared>>
        %dma_start3A_101 = arith.constant 0 : i32
        %dma_start3A_102 = arith.constant 0 : i32
        %dma_start3A_103 = tpu.memref_slice %arg10[%dma_start3A_101, %dma_start3A_102] : memref<208x128xf32, #tpu.memory_space<vmem>> -> memref<16x128xf32, #tpu.memory_space<vmem>>
        tpu.enqueue_dma source(%dma_start3A_103 : memref<16x128xf32, #tpu.memory_space<vmem>>) target(%dma_start3A_100 : memref<16x128xf32, #tpu.memory_space<vmem_shared>>) target_semaphore(%run_scoped3A_91 : memref<!tpu.dma_semaphore, #tpu.memory_space<semaphore_mem>>)
        %dma_wait3A_104 = arith.constant 0 : i32
        %dma_wait3A_105 = arith.constant 0 : i32
        %dma_wait3A_106 = tpu.memref_slice %arg10[%dma_wait3A_104, %dma_wait3A_105] : memref<208x128xf32, #tpu.memory_space<vmem>> -> memref<16x128xf32, #tpu.memory_space<vmem>>
        %dma_wait3A_107 = arith.constant 9984 : i32
        %dma_wait3A_108 = arith.constant 0 : i32
        %dma_wait3A_109 = tpu.memref_slice %arg11[%dma_wait3A_107, %dma_wait3A_108] : memref<10000x128xf32, #tpu.memory_space<vmem_shared>> -> memref<16x128xf32, #tpu.memory_space<vmem_shared>>
        %dma_wait3A_110 = arith.constant 9984 : i32
        %dma_wait3A_111 = arith.constant 0 : i32
        %dma_wait3A_112 = tpu.memref_slice %arg11[%dma_wait3A_110, %dma_wait3A_111] : memref<10000x128xf32, #tpu.memory_space<vmem_shared>> -> memref<16x128xf32, #tpu.memory_space<vmem_shared>>
        %dma_wait3A_113 = arith.constant 0 : i32
        %dma_wait3A_114 = arith.constant 0 : i32
        %dma_wait3A_115 = tpu.memref_slice %arg10[%dma_wait3A_113, %dma_wait3A_114] : memref<208x128xf32, #tpu.memory_space<vmem>> -> memref<16x128xf32, #tpu.memory_space<vmem>>
        tpu.wait_dma2 semaphore(%run_scoped3A_91 : memref<!tpu.dma_semaphore, #tpu.memory_space<semaphore_mem>>) src(%dma_wait3A_115 : memref<16x128xf32, #tpu.memory_space<vmem>>) dst(%dma_wait3A_112 : memref<16x128xf32, #tpu.memory_space<vmem_shared>>)
        tpu.yield
      }) : () -> ()
    } else {
    }
    %add3A_17 = arith.constant 0 : i32
    %add3A_18 = arith.addi %mul3A_2, %add3A_17 : i32
    %run_scoped3A = arith.constant 0 : i32
    "tpu.region"() ({
      %run_scoped3A_91 = tpu.sem_alloc : memref<!tpu.dma_semaphore, #tpu.memory_space<semaphore_mem>>
      %dma_start3A_92 = arith.constant 0 : i32
      %dma_start3A_93 = tpu.memref_slice %arg7[%run_scoped3A, %dma_start3A_92] : memref<4x80xi32, #tpu.memory_space<vmem>> -> memref<1x80xi32, #tpu.memory_space<vmem>>
      %dma_start3A_94 = tpu.memref_squeeze %dma_start3A_93 : memref<1x80xi32, #tpu.memory_space<vmem>> -> memref<80xi32, #tpu.memory_space<vmem>>
      %dma_start3A_95 = tpu.memref_slice %arg3[%add3A_18] : memref<320000xi32, #tpu.memory_space<hbm>> -> memref<80xi32, #tpu.memory_space<hbm>>
      %dma_start3A_96 = arith.constant 0 : i32
      %dma_start3A_97 = tpu.memref_slice %arg7[%run_scoped3A, %dma_start3A_96] : memref<4x80xi32, #tpu.memory_space<vmem>> -> memref<1x80xi32, #tpu.memory_space<vmem>>
      %dma_start3A_98 = tpu.memref_squeeze %dma_start3A_97 : memref<1x80xi32, #tpu.memory_space<vmem>> -> memref<80xi32, #tpu.memory_space<vmem>>
      %dma_start3A_99 = tpu.memref_slice %arg3[%add3A_18] : memref<320000xi32, #tpu.memory_space<hbm>> -> memref<80xi32, #tpu.memory_space<hbm>>
      tpu.enqueue_dma source(%dma_start3A_99 : memref<80xi32, #tpu.memory_space<hbm>>) target(%dma_start3A_98 : memref<80xi32, #tpu.memory_space<vmem>>) target_semaphore(%run_scoped3A_91 : memref<!tpu.dma_semaphore, #tpu.memory_space<semaphore_mem>>)
      %dma_wait3A_100 = arith.constant 0 : i32
      %dma_wait3A_101 = tpu.memref_slice %arg7[%run_scoped3A, %dma_wait3A_100] : memref<4x80xi32, #tpu.memory_space<vmem>> -> memref<1x80xi32, #tpu.memory_space<vmem>>
      %dma_wait3A_102 = tpu.memref_squeeze %dma_wait3A_101 : memref<1x80xi32, #tpu.memory_space<vmem>> -> memref<80xi32, #tpu.memory_space<vmem>>
      %dma_wait3A_103 = tpu.memref_slice %arg3[%add3A_18] : memref<320000xi32, #tpu.memory_space<hbm>> -> memref<80xi32, #tpu.memory_space<hbm>>
      %dma_wait3A_104 = arith.constant 0 : i32
      %dma_wait3A_105 = tpu.memref_slice %arg7[%run_scoped3A, %dma_wait3A_104] : memref<4x80xi32, #tpu.memory_space<vmem>> -> memref<1x80xi32, #tpu.memory_space<vmem>>
      %dma_wait3A_106 = tpu.memref_squeeze %dma_wait3A_105 : memref<1x80xi32, #tpu.memory_space<vmem>> -> memref<80xi32, #tpu.memory_space<vmem>>
      %dma_wait3A_107 = tpu.memref_slice %arg3[%add3A_18] : memref<320000xi32, #tpu.memory_space<hbm>> -> memref<80xi32, #tpu.memory_space<hbm>>
      tpu.wait_dma2 semaphore(%run_scoped3A_91 : memref<!tpu.dma_semaphore, #tpu.memory_space<semaphore_mem>>) src(%dma_wait3A_107 : memref<80xi32, #tpu.memory_space<hbm>>) dst(%dma_wait3A_106 : memref<80xi32, #tpu.memory_space<vmem>>)
      tpu.yield
    }) : () -> ()
    %add3A_19 = arith.constant 0 : i32
    %add3A_20 = arith.addi %mul3A_2, %add3A_19 : i32
    %run_scoped3A_21 = arith.constant 0 : i32
    "tpu.region"() ({
      %run_scoped3A_91 = tpu.sem_alloc : memref<!tpu.dma_semaphore, #tpu.memory_space<semaphore_mem>>
      %dma_start3A_92 = arith.constant 0 : i32
      %dma_start3A_93 = tpu.memref_slice %arg8[%run_scoped3A_21, %dma_start3A_92] : memref<4x80xi32, #tpu.memory_space<vmem>> -> memref<1x80xi32, #tpu.memory_space<vmem>>
      %dma_start3A_94 = tpu.memref_squeeze %dma_start3A_93 : memref<1x80xi32, #tpu.memory_space<vmem>> -> memref<80xi32, #tpu.memory_space<vmem>>
      %dma_start3A_95 = tpu.memref_slice %arg4[%add3A_20] : memref<320000xi32, #tpu.memory_space<hbm>> -> memref<80xi32, #tpu.memory_space<hbm>>
      %dma_start3A_96 = arith.constant 0 : i32
      %dma_start3A_97 = tpu.memref_slice %arg8[%run_scoped3A_21, %dma_start3A_96] : memref<4x80xi32, #tpu.memory_space<vmem>> -> memref<1x80xi32, #tpu.memory_space<vmem>>
      %dma_start3A_98 = tpu.memref_squeeze %dma_start3A_97 : memref<1x80xi32, #tpu.memory_space<vmem>> -> memref<80xi32, #tpu.memory_space<vmem>>
      %dma_start3A_99 = tpu.memref_slice %arg4[%add3A_20] : memref<320000xi32, #tpu.memory_space<hbm>> -> memref<80xi32, #tpu.memory_space<hbm>>
      tpu.enqueue_dma source(%dma_start3A_99 : memref<80xi32, #tpu.memory_space<hbm>>) target(%dma_start3A_98 : memref<80xi32, #tpu.memory_space<vmem>>) target_semaphore(%run_scoped3A_91 : memref<!tpu.dma_semaphore, #tpu.memory_space<semaphore_mem>>)
      %dma_wait3A_100 = arith.constant 0 : i32
      %dma_wait3A_101 = tpu.memref_slice %arg8[%run_scoped3A_21, %dma_wait3A_100] : memref<4x80xi32, #tpu.memory_space<vmem>> -> memref<1x80xi32, #tpu.memory_space<vmem>>
      %dma_wait3A_102 = tpu.memref_squeeze %dma_wait3A_101 : memref<1x80xi32, #tpu.memory_space<vmem>> -> memref<80xi32, #tpu.memory_space<vmem>>
      %dma_wait3A_103 = tpu.memref_slice %arg4[%add3A_20] : memref<320000xi32, #tpu.memory_space<hbm>> -> memref<80xi32, #tpu.memory_space<hbm>>
      %dma_wait3A_104 = arith.constant 0 : i32
      %dma_wait3A_105 = tpu.memref_slice %arg8[%run_scoped3A_21, %dma_wait3A_104] : memref<4x80xi32, #tpu.memory_space<vmem>> -> memref<1x80xi32, #tpu.memory_space<vmem>>
      %dma_wait3A_106 = tpu.memref_squeeze %dma_wait3A_105 : memref<1x80xi32, #tpu.memory_space<vmem>> -> memref<80xi32, #tpu.memory_space<vmem>>
      %dma_wait3A_107 = tpu.memref_slice %arg4[%add3A_20] : memref<320000xi32, #tpu.memory_space<hbm>> -> memref<80xi32, #tpu.memory_space<hbm>>
      tpu.wait_dma2 semaphore(%run_scoped3A_91 : memref<!tpu.dma_semaphore, #tpu.memory_space<semaphore_mem>>) src(%dma_wait3A_107 : memref<80xi32, #tpu.memory_space<hbm>>) dst(%dma_wait3A_106 : memref<80xi32, #tpu.memory_space<vmem>>)
      tpu.yield
    }) : () -> ()
    %add3A_22 = arith.constant 80 : i32
    %add3A_23 = arith.addi %mul3A_2, %add3A_22 : i32
    %dma_start3A = arith.constant 1 : i32
    %dma_start3A_24 = arith.constant 0 : i32
    %dma_start3A_25 = tpu.memref_slice %arg7[%dma_start3A, %dma_start3A_24] : memref<4x80xi32, #tpu.memory_space<vmem>> -> memref<1x80xi32, #tpu.memory_space<vmem>>
    %dma_start3A_26 = tpu.memref_squeeze %dma_start3A_25 : memref<1x80xi32, #tpu.memory_space<vmem>> -> memref<80xi32, #tpu.memory_space<vmem>>
    %dma_start3A_27 = tpu.memref_slice %arg3[%add3A_23] : memref<320000xi32, #tpu.memory_space<hbm>> -> memref<80xi32, #tpu.memory_space<hbm>>
    %dma_start3A_28 = arith.constant 0 : i32
    %dma_start3A_29 = tpu.memref_slice %arg7[%dma_start3A, %dma_start3A_28] : memref<4x80xi32, #tpu.memory_space<vmem>> -> memref<1x80xi32, #tpu.memory_space<vmem>>
    %dma_start3A_30 = tpu.memref_squeeze %dma_start3A_29 : memref<1x80xi32, #tpu.memory_space<vmem>> -> memref<80xi32, #tpu.memory_space<vmem>>
    %dma_start3A_31 = tpu.memref_slice %arg3[%add3A_23] : memref<320000xi32, #tpu.memory_space<hbm>> -> memref<80xi32, #tpu.memory_space<hbm>>
    tpu.enqueue_dma source(%dma_start3A_31 : memref<80xi32, #tpu.memory_space<hbm>>) target(%dma_start3A_30 : memref<80xi32, #tpu.memory_space<vmem>>) target_semaphore(%arg15 : memref<!tpu.dma_semaphore, #tpu.memory_space<semaphore_mem>>)
    %add3A_32 = arith.constant 80 : i32
    %add3A_33 = arith.addi %mul3A_2, %add3A_32 : i32
    %dma_start3A_34 = arith.constant 1 : i32
    %dma_start3A_35 = arith.constant 0 : i32
    %dma_start3A_36 = tpu.memref_slice %arg8[%dma_start3A_34, %dma_start3A_35] : memref<4x80xi32, #tpu.memory_space<vmem>> -> memref<1x80xi32, #tpu.memory_space<vmem>>
    %dma_start3A_37 = tpu.memref_squeeze %dma_start3A_36 : memref<1x80xi32, #tpu.memory_space<vmem>> -> memref<80xi32, #tpu.memory_space<vmem>>
    %dma_start3A_38 = tpu.memref_slice %arg4[%add3A_33] : memref<320000xi32, #tpu.memory_space<hbm>> -> memref<80xi32, #tpu.memory_space<hbm>>
    %dma_start3A_39 = arith.constant 0 : i32
    %dma_start3A_40 = tpu.memref_slice %arg8[%dma_start3A_34, %dma_start3A_39] : memref<4x80xi32, #tpu.memory_space<vmem>> -> memref<1x80xi32, #tpu.memory_space<vmem>>
    %dma_start3A_41 = tpu.memref_squeeze %dma_start3A_40 : memref<1x80xi32, #tpu.memory_space<vmem>> -> memref<80xi32, #tpu.memory_space<vmem>>
    %dma_start3A_42 = tpu.memref_slice %arg4[%add3A_33] : memref<320000xi32, #tpu.memory_space<hbm>> -> memref<80xi32, #tpu.memory_space<hbm>>
    tpu.enqueue_dma source(%dma_start3A_42 : memref<80xi32, #tpu.memory_space<hbm>>) target(%dma_start3A_41 : memref<80xi32, #tpu.memory_space<vmem>>) target_semaphore(%arg15 : memref<!tpu.dma_semaphore, #tpu.memory_space<semaphore_mem>>)
    %dma_start3A_43 = arith.constant 0 : i32
    %dma_start3A_44 = arith.constant 0 : i32
    %dma_start3A_45 = arith.constant 0 : i32
    %dma_start3A_46 = arith.constant 0 : i32
    %dma_start3A_47 = tpu.memref_slice %arg9[%dma_start3A_44, %dma_start3A_45, %dma_start3A_46] : memref<2x80x128xf32, #tpu.memory_space<vmem>> -> memref<1x80x128xf32, #tpu.memory_space<vmem>>
    %dma_start3A_48 = tpu.memref_squeeze %dma_start3A_47 : memref<1x80x128xf32, #tpu.memory_space<vmem>> -> memref<80x128xf32, #tpu.memory_space<vmem>>
    %dma_start3A_49 = arith.constant 0 : i32
    %dma_start3A_50 = tpu.memref_slice %arg7[%dma_start3A_43, %dma_start3A_49] : memref<4x80xi32, #tpu.memory_space<vmem>> -> memref<1x80xi32, #tpu.memory_space<vmem>>
    %dma_start3A_51 = tpu.memref_squeeze %dma_start3A_50 : memref<1x80xi32, #tpu.memory_space<vmem>> -> memref<80xi32, #tpu.memory_space<vmem>>
    %dma_start3A_52 = arith.constant 0 : i32
    %dma_start3A_53 = arith.constant 0 : i32
    %dma_start3A_54 = tpu.memref_slice %arg2[%dma_start3A_52, %dma_start3A_53] : memref<10000x128xf32, #tpu.memory_space<hbm>> -> memref<10000x128xf32, #tpu.memory_space<hbm>>
    tpu.enqueue_indirect_dma source(%dma_start3A_54 : memref<10000x128xf32, #tpu.memory_space<hbm>>) target(%dma_start3A_48 : memref<80x128xf32, #tpu.memory_space<vmem>>) offsets(%dma_start3A_51 : memref<80xi32, #tpu.memory_space<vmem>>) semaphore(%arg12 : memref<!tpu.dma_semaphore, #tpu.memory_space<semaphore_mem>>)
    %barrier3A = arith.constant 0 : index
    tpu.barrier barrier_id(%barrier3A)
    %scan3A = arith.constant 0 : i32
    %scan3A_55 = arith.constant 0 : i32
    %scan3A_56 = arith.constant 31 : i32
    %scan3A_57 = arith.addi %scan3A_55, %scan3A_56 : i32
    %scan3A_58 = arith.constant 1 : i32
    scf.for %scan3A_91 = %scan3A_55 to %scan3A_57 step %scan3A_58  : i32 {
      %mul3A_92 = arith.constant 4 : i32
      %mul3A_93 = arith.muli %mul3A_92, %scan3A_91 : i32
      %add3A_94 = arith.constant 0 : i32
      %add3A_95 = arith.addi %mul3A_93, %add3A_94 : i32
      %add3A_96 = arith.constant 1 : i32
      %add3A_97 = arith.addi %add3A_95, %add3A_96 : i32
      %mul3A_98 = arith.constant 80 : i32
      %mul3A_99 = arith.muli %add3A_97, %mul3A_98 : i32
      %add3A_100 = arith.addi %mul3A_2, %mul3A_99 : i32
      %dma_wait3A_101 = arith.constant 1 : i32
      %dma_wait3A_102 = arith.constant 0 : i32
      %dma_wait3A_103 = tpu.memref_slice %arg7[%dma_wait3A_101, %dma_wait3A_102] : memref<4x80xi32, #tpu.memory_space<vmem>> -> memref<1x80xi32, #tpu.memory_space<vmem>>
      %dma_wait3A_104 = tpu.memref_squeeze %dma_wait3A_103 : memref<1x80xi32, #tpu.memory_space<vmem>> -> memref<80xi32, #tpu.memory_space<vmem>>
      %dma_wait3A_105 = tpu.memref_slice %arg3[%add3A_100] : memref<320000xi32, #tpu.memory_space<hbm>> -> memref<80xi32, #tpu.memory_space<hbm>>
      %dma_wait3A_106 = arith.constant 0 : i32
      %dma_wait3A_107 = tpu.memref_slice %arg7[%dma_wait3A_101, %dma_wait3A_106] : memref<4x80xi32, #tpu.memory_space<vmem>> -> memref<1x80xi32, #tpu.memory_space<vmem>>
      %dma_wait3A_108 = tpu.memref_squeeze %dma_wait3A_107 : memref<1x80xi32, #tpu.memory_space<vmem>> -> memref<80xi32, #tpu.memory_space<vmem>>
      %dma_wait3A_109 = tpu.memref_slice %arg3[%add3A_100] : memref<320000xi32, #tpu.memory_space<hbm>> -> memref<80xi32, #tpu.memory_space<hbm>>
      tpu.wait_dma2 semaphore(%arg15 : memref<!tpu.dma_semaphore, #tpu.memory_space<semaphore_mem>>) src(%dma_wait3A_109 : memref<80xi32, #tpu.memory_space<hbm>>) dst(%dma_wait3A_108 : memref<80xi32, #tpu.memory_space<vmem>>)
      %mul3A_110 = arith.constant 80 : i32
      %mul3A_111 = arith.muli %add3A_97, %mul3A_110 : i32
      %add3A_112 = arith.addi %mul3A_2, %mul3A_111 : i32
      %dma_wait3A_113 = arith.constant 1 : i32
      %dma_wait3A_114 = arith.constant 0 : i32
      %dma_wait3A_115 = tpu.memref_slice %arg8[%dma_wait3A_113, %dma_wait3A_114] : memref<4x80xi32, #tpu.memory_space<vmem>> -> memref<1x80xi32, #tpu.memory_space<vmem>>
      %dma_wait3A_116 = tpu.memref_squeeze %dma_wait3A_115 : memref<1x80xi32, #tpu.memory_space<vmem>> -> memref<80xi32, #tpu.memory_space<vmem>>
      %dma_wait3A_117 = tpu.memref_slice %arg4[%add3A_112] : memref<320000xi32, #tpu.memory_space<hbm>> -> memref<80xi32, #tpu.memory_space<hbm>>
      %dma_wait3A_118 = arith.constant 0 : i32
      %dma_wait3A_119 = tpu.memref_slice %arg8[%dma_wait3A_113, %dma_wait3A_118] : memref<4x80xi32, #tpu.memory_space<vmem>> -> memref<1x80xi32, #tpu.memory_space<vmem>>
      %dma_wait3A_120 = tpu.memref_squeeze %dma_wait3A_119 : memref<1x80xi32, #tpu.memory_space<vmem>> -> memref<80xi32, #tpu.memory_space<vmem>>
      %dma_wait3A_121 = tpu.memref_slice %arg4[%add3A_112] : memref<320000xi32, #tpu.memory_space<hbm>> -> memref<80xi32, #tpu.memory_space<hbm>>
      tpu.wait_dma2 semaphore(%arg15 : memref<!tpu.dma_semaphore, #tpu.memory_space<semaphore_mem>>) src(%dma_wait3A_121 : memref<80xi32, #tpu.memory_space<hbm>>) dst(%dma_wait3A_120 : memref<80xi32, #tpu.memory_space<vmem>>)
      %dma_start3A_122 = arith.constant 1 : i32
      %dma_start3A_123 = arith.constant 1 : i32
      %dma_start3A_124 = arith.constant 0 : i32
      %dma_start3A_125 = arith.constant 0 : i32
      %dma_start3A_126 = tpu.memref_slice %arg9[%dma_start3A_123, %dma_start3A_124, %dma_start3A_125] : memref<2x80x128xf32, #tpu.memory_space<vmem>> -> memref<1x80x128xf32, #tpu.memory_space<vmem>>
      %dma_start3A_127 = tpu.memref_squeeze %dma_start3A_126 : memref<1x80x128xf32, #tpu.memory_space<vmem>> -> memref<80x128xf32, #tpu.memory_space<vmem>>
      %dma_start3A_128 = arith.constant 0 : i32
      %dma_start3A_129 = tpu.memref_slice %arg7[%dma_start3A_122, %dma_start3A_128] : memref<4x80xi32, #tpu.memory_space<vmem>> -> memref<1x80xi32, #tpu.memory_space<vmem>>
      %dma_start3A_130 = tpu.memref_squeeze %dma_start3A_129 : memref<1x80xi32, #tpu.memory_space<vmem>> -> memref<80xi32, #tpu.memory_space<vmem>>
      %dma_start3A_131 = arith.constant 0 : i32
      %dma_start3A_132 = arith.constant 0 : i32
      %dma_start3A_133 = tpu.memref_slice %arg2[%dma_start3A_131, %dma_start3A_132] : memref<10000x128xf32, #tpu.memory_space<hbm>> -> memref<10000x128xf32, #tpu.memory_space<hbm>>
      tpu.enqueue_indirect_dma source(%dma_start3A_133 : memref<10000x128xf32, #tpu.memory_space<hbm>>) target(%dma_start3A_127 : memref<80x128xf32, #tpu.memory_space<vmem>>) offsets(%dma_start3A_130 : memref<80xi32, #tpu.memory_space<vmem>>) semaphore(%arg13 : memref<!tpu.dma_semaphore, #tpu.memory_space<semaphore_mem>>)
      %add3A_134 = arith.constant 2 : i32
      %add3A_135 = arith.addi %add3A_95, %add3A_134 : i32
      %lt3A = arith.constant 125 : i32
      %lt3A_136 = arith.cmpi slt, %add3A_135, %lt3A : i32
      %convert_element_type3A_137 = arith.extui %lt3A_136 : i1 to i32
      %cond3A_138 = arith.constant 0 : i32
      %cond3A_139 = arith.cmpi ne, %convert_element_type3A_137, %cond3A_138 : i32
      scf.if %cond3A_139 {
        %add3A_343 = arith.constant 2 : i32
        %add3A_344 = arith.addi %add3A_95, %add3A_343 : i32
        %mul3A_345 = arith.constant 80 : i32
        %mul3A_346 = arith.muli %add3A_344, %mul3A_345 : i32
        %add3A_347 = arith.addi %mul3A_2, %mul3A_346 : i32
        %dma_start3A_348 = arith.constant 2 : i32
        %dma_start3A_349 = arith.constant 0 : i32
        %dma_start3A_350 = tpu.memref_slice %arg7[%dma_start3A_348, %dma_start3A_349] : memref<4x80xi32, #tpu.memory_space<vmem>> -> memref<1x80xi32, #tpu.memory_space<vmem>>
        %dma_start3A_351 = tpu.memref_squeeze %dma_start3A_350 : memref<1x80xi32, #tpu.memory_space<vmem>> -> memref<80xi32, #tpu.memory_space<vmem>>
        %dma_start3A_352 = tpu.memref_slice %arg3[%add3A_347] : memref<320000xi32, #tpu.memory_space<hbm>> -> memref<80xi32, #tpu.memory_space<hbm>>
        %dma_start3A_353 = arith.constant 0 : i32
        %dma_start3A_354 = tpu.memref_slice %arg7[%dma_start3A_348, %dma_start3A_353] : memref<4x80xi32, #tpu.memory_space<vmem>> -> memref<1x80xi32, #tpu.memory_space<vmem>>
        %dma_start3A_355 = tpu.memref_squeeze %dma_start3A_354 : memref<1x80xi32, #tpu.memory_space<vmem>> -> memref<80xi32, #tpu.memory_space<vmem>>
        %dma_start3A_356 = tpu.memref_slice %arg3[%add3A_347] : memref<320000xi32, #tpu.memory_space<hbm>> -> memref<80xi32, #tpu.memory_space<hbm>>
        tpu.enqueue_dma source(%dma_start3A_356 : memref<80xi32, #tpu.memory_space<hbm>>) target(%dma_start3A_355 : memref<80xi32, #tpu.memory_space<vmem>>) target_semaphore(%arg14 : memref<!tpu.dma_semaphore, #tpu.memory_space<semaphore_mem>>)
        %mul3A_357 = arith.constant 80 : i32
        %mul3A_358 = arith.muli %add3A_344, %mul3A_357 : i32
        %add3A_359 = arith.addi %mul3A_2, %mul3A_358 : i32
        %dma_start3A_360 = arith.constant 2 : i32
        %dma_start3A_361 = arith.constant 0 : i32
        %dma_start3A_362 = tpu.memref_slice %arg8[%dma_start3A_360, %dma_start3A_361] : memref<4x80xi32, #tpu.memory_space<vmem>> -> memref<1x80xi32, #tpu.memory_space<vmem>>
        %dma_start3A_363 = tpu.memref_squeeze %dma_start3A_362 : memref<1x80xi32, #tpu.memory_space<vmem>> -> memref<80xi32, #tpu.memory_space<vmem>>
        %dma_start3A_364 = tpu.memref_slice %arg4[%add3A_359] : memref<320000xi32, #tpu.memory_space<hbm>> -> memref<80xi32, #tpu.memory_space<hbm>>
        %dma_start3A_365 = arith.constant 0 : i32
        %dma_start3A_366 = tpu.memref_slice %arg8[%dma_start3A_360, %dma_start3A_365] : memref<4x80xi32, #tpu.memory_space<vmem>> -> memref<1x80xi32, #tpu.memory_space<vmem>>
        %dma_start3A_367 = tpu.memref_squeeze %dma_start3A_366 : memref<1x80xi32, #tpu.memory_space<vmem>> -> memref<80xi32, #tpu.memory_space<vmem>>
        %dma_start3A_368 = tpu.memref_slice %arg4[%add3A_359] : memref<320000xi32, #tpu.memory_space<hbm>> -> memref<80xi32, #tpu.memory_space<hbm>>
        tpu.enqueue_dma source(%dma_start3A_368 : memref<80xi32, #tpu.memory_space<hbm>>) target(%dma_start3A_367 : memref<80xi32, #tpu.memory_space<vmem>>) target_semaphore(%arg14 : memref<!tpu.dma_semaphore, #tpu.memory_space<semaphore_mem>>)
      } else {
      }
      %dma_wait3A_140 = arith.constant 0 : i32
      %dma_wait3A_141 = arith.constant 0 : i32
      %dma_wait3A_142 = arith.constant 0 : i32
      %dma_wait3A_143 = arith.constant 0 : i32
      %dma_wait3A_144 = tpu.memref_slice %arg9[%dma_wait3A_141, %dma_wait3A_142, %dma_wait3A_143] : memref<2x80x128xf32, #tpu.memory_space<vmem>> -> memref<1x80x128xf32, #tpu.memory_space<vmem>>
      %dma_wait3A_145 = tpu.memref_squeeze %dma_wait3A_144 : memref<1x80x128xf32, #tpu.memory_space<vmem>> -> memref<80x128xf32, #tpu.memory_space<vmem>>
      %dma_wait3A_146 = arith.constant 0 : i32
      %dma_wait3A_147 = tpu.memref_slice %arg7[%dma_wait3A_140, %dma_wait3A_146] : memref<4x80xi32, #tpu.memory_space<vmem>> -> memref<1x80xi32, #tpu.memory_space<vmem>>
      %dma_wait3A_148 = tpu.memref_squeeze %dma_wait3A_147 : memref<1x80xi32, #tpu.memory_space<vmem>> -> memref<80xi32, #tpu.memory_space<vmem>>
      %dma_wait3A_149 = arith.constant 0 : i32
      %dma_wait3A_150 = arith.constant 0 : i32
      %dma_wait3A_151 = tpu.memref_slice %arg2[%dma_wait3A_149, %dma_wait3A_150] : memref<10000x128xf32, #tpu.memory_space<hbm>> -> memref<10000x128xf32, #tpu.memory_space<hbm>>
      tpu.wait_indirect_dma semaphore(%arg12 : memref<!tpu.dma_semaphore, #tpu.memory_space<semaphore_mem>>) src(%dma_wait3A_151 : memref<10000x128xf32, #tpu.memory_space<hbm>>) dst(%dma_wait3A_145 : memref<80x128xf32, #tpu.memory_space<vmem>>)
      %run_scoped3A_152 = arith.constant 0 : i32
      %run_scoped3A_153 = arith.constant 0 : i32
      "tpu.region"() ({
        %run_scoped3A_343 = tpu.sem_alloc : memref<!tpu.dma_semaphore, #tpu.memory_space<semaphore_mem>>
        %dma_start3A_344 = arith.constant 0 : i32
        %dma_start3A_345 = arith.constant 0 : i32
        %dma_start3A_346 = tpu.memref_slice %arg9[%run_scoped3A_152, %dma_start3A_344, %dma_start3A_345] : memref<2x80x128xf32, #tpu.memory_space<vmem>> -> memref<1x80x128xf32, #tpu.memory_space<vmem>>
        %dma_start3A_347 = tpu.memref_squeeze %dma_start3A_346 : memref<1x80x128xf32, #tpu.memory_space<vmem>> -> memref<80x128xf32, #tpu.memory_space<vmem>>
        %dma_start3A_348 = arith.constant 0 : i32
        %dma_start3A_349 = tpu.memref_slice %arg8[%run_scoped3A_153, %dma_start3A_348] : memref<4x80xi32, #tpu.memory_space<vmem>> -> memref<1x80xi32, #tpu.memory_space<vmem>>
        %dma_start3A_350 = tpu.memref_squeeze %dma_start3A_349 : memref<1x80xi32, #tpu.memory_space<vmem>> -> memref<80xi32, #tpu.memory_space<vmem>>
        %dma_start3A_351 = arith.constant 0 : i32
        %dma_start3A_352 = arith.constant 0 : i32
        %dma_start3A_353 = tpu.memref_slice %arg11[%dma_start3A_351, %dma_start3A_352] : memref<10000x128xf32, #tpu.memory_space<vmem_shared>> -> memref<10000x128xf32, #tpu.memory_space<vmem_shared>>
        tpu.enqueue_indirect_dma source(%dma_start3A_347 : memref<80x128xf32, #tpu.memory_space<vmem>>) target(%dma_start3A_353 : memref<10000x128xf32, #tpu.memory_space<vmem_shared>>) offsets(%dma_start3A_350 : memref<80xi32, #tpu.memory_space<vmem>>) semaphore(%run_scoped3A_343 : memref<!tpu.dma_semaphore, #tpu.memory_space<semaphore_mem>>) {add = true}
        %dma_wait3A_354 = arith.constant 0 : i32
        %dma_wait3A_355 = arith.constant 0 : i32
        %dma_wait3A_356 = tpu.memref_slice %arg9[%run_scoped3A_152, %dma_wait3A_354, %dma_wait3A_355] : memref<2x80x128xf32, #tpu.memory_space<vmem>> -> memref<1x80x128xf32, #tpu.memory_space<vmem>>
        %dma_wait3A_357 = tpu.memref_squeeze %dma_wait3A_356 : memref<1x80x128xf32, #tpu.memory_space<vmem>> -> memref<80x128xf32, #tpu.memory_space<vmem>>
        %dma_wait3A_358 = arith.constant 0 : i32
        %dma_wait3A_359 = tpu.memref_slice %arg8[%run_scoped3A_153, %dma_wait3A_358] : memref<4x80xi32, #tpu.memory_space<vmem>> -> memref<1x80xi32, #tpu.memory_space<vmem>>
        %dma_wait3A_360 = tpu.memref_squeeze %dma_wait3A_359 : memref<1x80xi32, #tpu.memory_space<vmem>> -> memref<80xi32, #tpu.memory_space<vmem>>
        %dma_wait3A_361 = arith.constant 0 : i32
        %dma_wait3A_362 = arith.constant 0 : i32
        %dma_wait3A_363 = tpu.memref_slice %arg11[%dma_wait3A_361, %dma_wait3A_362] : memref<10000x128xf32, #tpu.memory_space<vmem_shared>> -> memref<10000x128xf32, #tpu.memory_space<vmem_shared>>
        tpu.wait_indirect_dma semaphore(%run_scoped3A_343 : memref<!tpu.dma_semaphore, #tpu.memory_space<semaphore_mem>>) src(%dma_wait3A_357 : memref<80x128xf32, #tpu.memory_space<vmem>>) dst(%dma_wait3A_363 : memref<10000x128xf32, #tpu.memory_space<vmem_shared>>)
        tpu.yield
      }) : () -> ()
      %mul3A_154 = arith.constant 4 : i32
      %mul3A_155 = arith.muli %mul3A_154, %scan3A_91 : i32
      %add3A_156 = arith.constant 1 : i32
      %add3A_157 = arith.addi %mul3A_155, %add3A_156 : i32
      %add3A_158 = arith.constant 1 : i32
      %add3A_159 = arith.addi %add3A_157, %add3A_158 : i32
      %mul3A_160 = arith.constant 80 : i32
      %mul3A_161 = arith.muli %add3A_159, %mul3A_160 : i32
      %add3A_162 = arith.addi %mul3A_2, %mul3A_161 : i32
      %dma_wait3A_163 = arith.constant 2 : i32
      %dma_wait3A_164 = arith.constant 0 : i32
      %dma_wait3A_165 = tpu.memref_slice %arg7[%dma_wait3A_163, %dma_wait3A_164] : memref<4x80xi32, #tpu.memory_space<vmem>> -> memref<1x80xi32, #tpu.memory_space<vmem>>
      %dma_wait3A_166 = tpu.memref_squeeze %dma_wait3A_165 : memref<1x80xi32, #tpu.memory_space<vmem>> -> memref<80xi32, #tpu.memory_space<vmem>>
      %dma_wait3A_167 = tpu.memref_slice %arg3[%add3A_162] : memref<320000xi32, #tpu.memory_space<hbm>> -> memref<80xi32, #tpu.memory_space<hbm>>
      %dma_wait3A_168 = arith.constant 0 : i32
      %dma_wait3A_169 = tpu.memref_slice %arg7[%dma_wait3A_163, %dma_wait3A_168] : memref<4x80xi32, #tpu.memory_space<vmem>> -> memref<1x80xi32, #tpu.memory_space<vmem>>
      %dma_wait3A_170 = tpu.memref_squeeze %dma_wait3A_169 : memref<1x80xi32, #tpu.memory_space<vmem>> -> memref<80xi32, #tpu.memory_space<vmem>>
      %dma_wait3A_171 = tpu.memref_slice %arg3[%add3A_162] : memref<320000xi32, #tpu.memory_space<hbm>> -> memref<80xi32, #tpu.memory_space<hbm>>
      tpu.wait_dma2 semaphore(%arg14 : memref<!tpu.dma_semaphore, #tpu.memory_space<semaphore_mem>>) src(%dma_wait3A_171 : memref<80xi32, #tpu.memory_space<hbm>>) dst(%dma_wait3A_170 : memref<80xi32, #tpu.memory_space<vmem>>)
      %mul3A_172 = arith.constant 80 : i32
      %mul3A_173 = arith.muli %add3A_159, %mul3A_172 : i32
      %add3A_174 = arith.addi %mul3A_2, %mul3A_173 : i32
      %dma_wait3A_175 = arith.constant 2 : i32
      %dma_wait3A_176 = arith.constant 0 : i32
      %dma_wait3A_177 = tpu.memref_slice %arg8[%dma_wait3A_175, %dma_wait3A_176] : memref<4x80xi32, #tpu.memory_space<vmem>> -> memref<1x80xi32, #tpu.memory_space<vmem>>
      %dma_wait3A_178 = tpu.memref_squeeze %dma_wait3A_177 : memref<1x80xi32, #tpu.memory_space<vmem>> -> memref<80xi32, #tpu.memory_space<vmem>>
      %dma_wait3A_179 = tpu.memref_slice %arg4[%add3A_174] : memref<320000xi32, #tpu.memory_space<hbm>> -> memref<80xi32, #tpu.memory_space<hbm>>
      %dma_wait3A_180 = arith.constant 0 : i32
      %dma_wait3A_181 = tpu.memref_slice %arg8[%dma_wait3A_175, %dma_wait3A_180] : memref<4x80xi32, #tpu.memory_space<vmem>> -> memref<1x80xi32, #tpu.memory_space<vmem>>
      %dma_wait3A_182 = tpu.memref_squeeze %dma_wait3A_181 : memref<1x80xi32, #tpu.memory_space<vmem>> -> memref<80xi32, #tpu.memory_space<vmem>>
      %dma_wait3A_183 = tpu.memref_slice %arg4[%add3A_174] : memref<320000xi32, #tpu.memory_space<hbm>> -> memref<80xi32, #tpu.memory_space<hbm>>
      tpu.wait_dma2 semaphore(%arg14 : memref<!tpu.dma_semaphore, #tpu.memory_space<semaphore_mem>>) src(%dma_wait3A_183 : memref<80xi32, #tpu.memory_space<hbm>>) dst(%dma_wait3A_182 : memref<80xi32, #tpu.memory_space<vmem>>)
      %dma_start3A_184 = arith.constant 2 : i32
      %dma_start3A_185 = arith.constant 0 : i32
      %dma_start3A_186 = arith.constant 0 : i32
      %dma_start3A_187 = arith.constant 0 : i32
      %dma_start3A_188 = tpu.memref_slice %arg9[%dma_start3A_185, %dma_start3A_186, %dma_start3A_187] : memref<2x80x128xf32, #tpu.memory_space<vmem>> -> memref<1x80x128xf32, #tpu.memory_space<vmem>>
      %dma_start3A_189 = tpu.memref_squeeze %dma_start3A_188 : memref<1x80x128xf32, #tpu.memory_space<vmem>> -> memref<80x128xf32, #tpu.memory_space<vmem>>
      %dma_start3A_190 = arith.constant 0 : i32
      %dma_start3A_191 = tpu.memref_slice %arg7[%dma_start3A_184, %dma_start3A_190] : memref<4x80xi32, #tpu.memory_space<vmem>> -> memref<1x80xi32, #tpu.memory_space<vmem>>
      %dma_start3A_192 = tpu.memref_squeeze %dma_start3A_191 : memref<1x80xi32, #tpu.memory_space<vmem>> -> memref<80xi32, #tpu.memory_space<vmem>>
      %dma_start3A_193 = arith.constant 0 : i32
      %dma_start3A_194 = arith.constant 0 : i32
      %dma_start3A_195 = tpu.memref_slice %arg2[%dma_start3A_193, %dma_start3A_194] : memref<10000x128xf32, #tpu.memory_space<hbm>> -> memref<10000x128xf32, #tpu.memory_space<hbm>>
      tpu.enqueue_indirect_dma source(%dma_start3A_195 : memref<10000x128xf32, #tpu.memory_space<hbm>>) target(%dma_start3A_189 : memref<80x128xf32, #tpu.memory_space<vmem>>) offsets(%dma_start3A_192 : memref<80xi32, #tpu.memory_space<vmem>>) semaphore(%arg12 : memref<!tpu.dma_semaphore, #tpu.memory_space<semaphore_mem>>)
      %add3A_196 = arith.constant 2 : i32
      %add3A_197 = arith.addi %add3A_157, %add3A_196 : i32
      %lt3A_198 = arith.constant 125 : i32
      %lt3A_199 = arith.cmpi slt, %add3A_197, %lt3A_198 : i32
      %convert_element_type3A_200 = arith.extui %lt3A_199 : i1 to i32
      %cond3A_201 = arith.constant 0 : i32
      %cond3A_202 = arith.cmpi ne, %convert_element_type3A_200, %cond3A_201 : i32
      scf.if %cond3A_202 {
        %add3A_343 = arith.constant 2 : i32
        %add3A_344 = arith.addi %add3A_157, %add3A_343 : i32
        %mul3A_345 = arith.constant 80 : i32
        %mul3A_346 = arith.muli %add3A_344, %mul3A_345 : i32
        %add3A_347 = arith.addi %mul3A_2, %mul3A_346 : i32
        %dma_start3A_348 = arith.constant 3 : i32
        %dma_start3A_349 = arith.constant 0 : i32
        %dma_start3A_350 = tpu.memref_slice %arg7[%dma_start3A_348, %dma_start3A_349] : memref<4x80xi32, #tpu.memory_space<vmem>> -> memref<1x80xi32, #tpu.memory_space<vmem>>
        %dma_start3A_351 = tpu.memref_squeeze %dma_start3A_350 : memref<1x80xi32, #tpu.memory_space<vmem>> -> memref<80xi32, #tpu.memory_space<vmem>>
        %dma_start3A_352 = tpu.memref_slice %arg3[%add3A_347] : memref<320000xi32, #tpu.memory_space<hbm>> -> memref<80xi32, #tpu.memory_space<hbm>>
        %dma_start3A_353 = arith.constant 0 : i32
        %dma_start3A_354 = tpu.memref_slice %arg7[%dma_start3A_348, %dma_start3A_353] : memref<4x80xi32, #tpu.memory_space<vmem>> -> memref<1x80xi32, #tpu.memory_space<vmem>>
        %dma_start3A_355 = tpu.memref_squeeze %dma_start3A_354 : memref<1x80xi32, #tpu.memory_space<vmem>> -> memref<80xi32, #tpu.memory_space<vmem>>
        %dma_start3A_356 = tpu.memref_slice %arg3[%add3A_347] : memref<320000xi32, #tpu.memory_space<hbm>> -> memref<80xi32, #tpu.memory_space<hbm>>
        tpu.enqueue_dma source(%dma_start3A_356 : memref<80xi32, #tpu.memory_space<hbm>>) target(%dma_start3A_355 : memref<80xi32, #tpu.memory_space<vmem>>) target_semaphore(%arg15 : memref<!tpu.dma_semaphore, #tpu.memory_space<semaphore_mem>>)
        %mul3A_357 = arith.constant 80 : i32
        %mul3A_358 = arith.muli %add3A_344, %mul3A_357 : i32
        %add3A_359 = arith.addi %mul3A_2, %mul3A_358 : i32
        %dma_start3A_360 = arith.constant 3 : i32
        %dma_start3A_361 = arith.constant 0 : i32
        %dma_start3A_362 = tpu.memref_slice %arg8[%dma_start3A_360, %dma_start3A_361] : memref<4x80xi32, #tpu.memory_space<vmem>> -> memref<1x80xi32, #tpu.memory_space<vmem>>
        %dma_start3A_363 = tpu.memref_squeeze %dma_start3A_362 : memref<1x80xi32, #tpu.memory_space<vmem>> -> memref<80xi32, #tpu.memory_space<vmem>>
        %dma_start3A_364 = tpu.memref_slice %arg4[%add3A_359] : memref<320000xi32, #tpu.memory_space<hbm>> -> memref<80xi32, #tpu.memory_space<hbm>>
        %dma_start3A_365 = arith.constant 0 : i32
        %dma_start3A_366 = tpu.memref_slice %arg8[%dma_start3A_360, %dma_start3A_365] : memref<4x80xi32, #tpu.memory_space<vmem>> -> memref<1x80xi32, #tpu.memory_space<vmem>>
        %dma_start3A_367 = tpu.memref_squeeze %dma_start3A_366 : memref<1x80xi32, #tpu.memory_space<vmem>> -> memref<80xi32, #tpu.memory_space<vmem>>
        %dma_start3A_368 = tpu.memref_slice %arg4[%add3A_359] : memref<320000xi32, #tpu.memory_space<hbm>> -> memref<80xi32, #tpu.memory_space<hbm>>
        tpu.enqueue_dma source(%dma_start3A_368 : memref<80xi32, #tpu.memory_space<hbm>>) target(%dma_start3A_367 : memref<80xi32, #tpu.memory_space<vmem>>) target_semaphore(%arg15 : memref<!tpu.dma_semaphore, #tpu.memory_space<semaphore_mem>>)
      } else {
      }
      %dma_wait3A_203 = arith.constant 1 : i32
      %dma_wait3A_204 = arith.constant 1 : i32
      %dma_wait3A_205 = arith.constant 0 : i32
      %dma_wait3A_206 = arith.constant 0 : i32
      %dma_wait3A_207 = tpu.memref_slice %arg9[%dma_wait3A_204, %dma_wait3A_205, %dma_wait3A_206] : memref<2x80x128xf32, #tpu.memory_space<vmem>> -> memref<1x80x128xf32, #tpu.memory_space<vmem>>
      %dma_wait3A_208 = tpu.memref_squeeze %dma_wait3A_207 : memref<1x80x128xf32, #tpu.memory_space<vmem>> -> memref<80x128xf32, #tpu.memory_space<vmem>>
      %dma_wait3A_209 = arith.constant 0 : i32
      %dma_wait3A_210 = tpu.memref_slice %arg7[%dma_wait3A_203, %dma_wait3A_209] : memref<4x80xi32, #tpu.memory_space<vmem>> -> memref<1x80xi32, #tpu.memory_space<vmem>>
      %dma_wait3A_211 = tpu.memref_squeeze %dma_wait3A_210 : memref<1x80xi32, #tpu.memory_space<vmem>> -> memref<80xi32, #tpu.memory_space<vmem>>
      %dma_wait3A_212 = arith.constant 0 : i32
      %dma_wait3A_213 = arith.constant 0 : i32
      %dma_wait3A_214 = tpu.memref_slice %arg2[%dma_wait3A_212, %dma_wait3A_213] : memref<10000x128xf32, #tpu.memory_space<hbm>> -> memref<10000x128xf32, #tpu.memory_space<hbm>>
      tpu.wait_indirect_dma semaphore(%arg13 : memref<!tpu.dma_semaphore, #tpu.memory_space<semaphore_mem>>) src(%dma_wait3A_214 : memref<10000x128xf32, #tpu.memory_space<hbm>>) dst(%dma_wait3A_208 : memref<80x128xf32, #tpu.memory_space<vmem>>)
      %run_scoped3A_215 = arith.constant 1 : i32
      %run_scoped3A_216 = arith.constant 1 : i32
      "tpu.region"() ({
        %run_scoped3A_343 = tpu.sem_alloc : memref<!tpu.dma_semaphore, #tpu.memory_space<semaphore_mem>>
        %dma_start3A_344 = arith.constant 0 : i32
        %dma_start3A_345 = arith.constant 0 : i32
        %dma_start3A_346 = tpu.memref_slice %arg9[%run_scoped3A_215, %dma_start3A_344, %dma_start3A_345] : memref<2x80x128xf32, #tpu.memory_space<vmem>> -> memref<1x80x128xf32, #tpu.memory_space<vmem>>
        %dma_start3A_347 = tpu.memref_squeeze %dma_start3A_346 : memref<1x80x128xf32, #tpu.memory_space<vmem>> -> memref<80x128xf32, #tpu.memory_space<vmem>>
        %dma_start3A_348 = arith.constant 0 : i32
        %dma_start3A_349 = tpu.memref_slice %arg8[%run_scoped3A_216, %dma_start3A_348] : memref<4x80xi32, #tpu.memory_space<vmem>> -> memref<1x80xi32, #tpu.memory_space<vmem>>
        %dma_start3A_350 = tpu.memref_squeeze %dma_start3A_349 : memref<1x80xi32, #tpu.memory_space<vmem>> -> memref<80xi32, #tpu.memory_space<vmem>>
        %dma_start3A_351 = arith.constant 0 : i32
        %dma_start3A_352 = arith.constant 0 : i32
        %dma_start3A_353 = tpu.memref_slice %arg11[%dma_start3A_351, %dma_start3A_352] : memref<10000x128xf32, #tpu.memory_space<vmem_shared>> -> memref<10000x128xf32, #tpu.memory_space<vmem_shared>>
        tpu.enqueue_indirect_dma source(%dma_start3A_347 : memref<80x128xf32, #tpu.memory_space<vmem>>) target(%dma_start3A_353 : memref<10000x128xf32, #tpu.memory_space<vmem_shared>>) offsets(%dma_start3A_350 : memref<80xi32, #tpu.memory_space<vmem>>) semaphore(%run_scoped3A_343 : memref<!tpu.dma_semaphore, #tpu.memory_space<semaphore_mem>>) {add = true}
        %dma_wait3A_354 = arith.constant 0 : i32
        %dma_wait3A_355 = arith.constant 0 : i32
        %dma_wait3A_356 = tpu.memref_slice %arg9[%run_scoped3A_215, %dma_wait3A_354, %dma_wait3A_355] : memref<2x80x128xf32, #tpu.memory_space<vmem>> -> memref<1x80x128xf32, #tpu.memory_space<vmem>>
        %dma_wait3A_357 = tpu.memref_squeeze %dma_wait3A_356 : memref<1x80x128xf32, #tpu.memory_space<vmem>> -> memref<80x128xf32, #tpu.memory_space<vmem>>
        %dma_wait3A_358 = arith.constant 0 : i32
        %dma_wait3A_359 = tpu.memref_slice %arg8[%run_scoped3A_216, %dma_wait3A_358] : memref<4x80xi32, #tpu.memory_space<vmem>> -> memref<1x80xi32, #tpu.memory_space<vmem>>
        %dma_wait3A_360 = tpu.memref_squeeze %dma_wait3A_359 : memref<1x80xi32, #tpu.memory_space<vmem>> -> memref<80xi32, #tpu.memory_space<vmem>>
        %dma_wait3A_361 = arith.constant 0 : i32
        %dma_wait3A_362 = arith.constant 0 : i32
        %dma_wait3A_363 = tpu.memref_slice %arg11[%dma_wait3A_361, %dma_wait3A_362] : memref<10000x128xf32, #tpu.memory_space<vmem_shared>> -> memref<10000x128xf32, #tpu.memory_space<vmem_shared>>
        tpu.wait_indirect_dma semaphore(%run_scoped3A_343 : memref<!tpu.dma_semaphore, #tpu.memory_space<semaphore_mem>>) src(%dma_wait3A_357 : memref<80x128xf32, #tpu.memory_space<vmem>>) dst(%dma_wait3A_363 : memref<10000x128xf32, #tpu.memory_space<vmem_shared>>)
        tpu.yield
      }) : () -> ()
      %mul3A_217 = arith.constant 4 : i32
      %mul3A_218 = arith.muli %mul3A_217, %scan3A_91 : i32
      %add3A_219 = arith.constant 2 : i32
      %add3A_220 = arith.addi %mul3A_218, %add3A_219 : i32
      %add3A_221 = arith.constant 1 : i32
      %add3A_222 = arith.addi %add3A_220, %add3A_221 : i32
      %mul3A_223 = arith.constant 80 : i32
      %mul3A_224 = arith.muli %add3A_222, %mul3A_223 : i32
      %add3A_225 = arith.addi %mul3A_2, %mul3A_224 : i32
      %dma_wait3A_226 = arith.constant 3 : i32
      %dma_wait3A_227 = arith.constant 0 : i32
      %dma_wait3A_228 = tpu.memref_slice %arg7[%dma_wait3A_226, %dma_wait3A_227] : memref<4x80xi32, #tpu.memory_space<vmem>> -> memref<1x80xi32, #tpu.memory_space<vmem>>
      %dma_wait3A_229 = tpu.memref_squeeze %dma_wait3A_228 : memref<1x80xi32, #tpu.memory_space<vmem>> -> memref<80xi32, #tpu.memory_space<vmem>>
      %dma_wait3A_230 = tpu.memref_slice %arg3[%add3A_225] : memref<320000xi32, #tpu.memory_space<hbm>> -> memref<80xi32, #tpu.memory_space<hbm>>
      %dma_wait3A_231 = arith.constant 0 : i32
      %dma_wait3A_232 = tpu.memref_slice %arg7[%dma_wait3A_226, %dma_wait3A_231] : memref<4x80xi32, #tpu.memory_space<vmem>> -> memref<1x80xi32, #tpu.memory_space<vmem>>
      %dma_wait3A_233 = tpu.memref_squeeze %dma_wait3A_232 : memref<1x80xi32, #tpu.memory_space<vmem>> -> memref<80xi32, #tpu.memory_space<vmem>>
      %dma_wait3A_234 = tpu.memref_slice %arg3[%add3A_225] : memref<320000xi32, #tpu.memory_space<hbm>> -> memref<80xi32, #tpu.memory_space<hbm>>
      tpu.wait_dma2 semaphore(%arg15 : memref<!tpu.dma_semaphore, #tpu.memory_space<semaphore_mem>>) src(%dma_wait3A_234 : memref<80xi32, #tpu.memory_space<hbm>>) dst(%dma_wait3A_233 : memref<80xi32, #tpu.memory_space<vmem>>)
      %mul3A_235 = arith.constant 80 : i32
      %mul3A_236 = arith.muli %add3A_222, %mul3A_235 : i32
      %add3A_237 = arith.addi %mul3A_2, %mul3A_236 : i32
      %dma_wait3A_238 = arith.constant 3 : i32
      %dma_wait3A_239 = arith.constant 0 : i32
      %dma_wait3A_240 = tpu.memref_slice %arg8[%dma_wait3A_238, %dma_wait3A_239] : memref<4x80xi32, #tpu.memory_space<vmem>> -> memref<1x80xi32, #tpu.memory_space<vmem>>
      %dma_wait3A_241 = tpu.memref_squeeze %dma_wait3A_240 : memref<1x80xi32, #tpu.memory_space<vmem>> -> memref<80xi32, #tpu.memory_space<vmem>>
      %dma_wait3A_242 = tpu.memref_slice %arg4[%add3A_237] : memref<320000xi32, #tpu.memory_space<hbm>> -> memref<80xi32, #tpu.memory_space<hbm>>
      %dma_wait3A_243 = arith.constant 0 : i32
      %dma_wait3A_244 = tpu.memref_slice %arg8[%dma_wait3A_238, %dma_wait3A_243] : memref<4x80xi32, #tpu.memory_space<vmem>> -> memref<1x80xi32, #tpu.memory_space<vmem>>
      %dma_wait3A_245 = tpu.memref_squeeze %dma_wait3A_244 : memref<1x80xi32, #tpu.memory_space<vmem>> -> memref<80xi32, #tpu.memory_space<vmem>>
      %dma_wait3A_246 = tpu.memref_slice %arg4[%add3A_237] : memref<320000xi32, #tpu.memory_space<hbm>> -> memref<80xi32, #tpu.memory_space<hbm>>
      tpu.wait_dma2 semaphore(%arg15 : memref<!tpu.dma_semaphore, #tpu.memory_space<semaphore_mem>>) src(%dma_wait3A_246 : memref<80xi32, #tpu.memory_space<hbm>>) dst(%dma_wait3A_245 : memref<80xi32, #tpu.memory_space<vmem>>)
      %dma_start3A_247 = arith.constant 3 : i32
      %dma_start3A_248 = arith.constant 1 : i32
      %dma_start3A_249 = arith.constant 0 : i32
      %dma_start3A_250 = arith.constant 0 : i32
      %dma_start3A_251 = tpu.memref_slice %arg9[%dma_start3A_248, %dma_start3A_249, %dma_start3A_250] : memref<2x80x128xf32, #tpu.memory_space<vmem>> -> memref<1x80x128xf32, #tpu.memory_space<vmem>>
      %dma_start3A_252 = tpu.memref_squeeze %dma_start3A_251 : memref<1x80x128xf32, #tpu.memory_space<vmem>> -> memref<80x128xf32, #tpu.memory_space<vmem>>
      %dma_start3A_253 = arith.constant 0 : i32
      %dma_start3A_254 = tpu.memref_slice %arg7[%dma_start3A_247, %dma_start3A_253] : memref<4x80xi32, #tpu.memory_space<vmem>> -> memref<1x80xi32, #tpu.memory_space<vmem>>
      %dma_start3A_255 = tpu.memref_squeeze %dma_start3A_254 : memref<1x80xi32, #tpu.memory_space<vmem>> -> memref<80xi32, #tpu.memory_space<vmem>>
      %dma_start3A_256 = arith.constant 0 : i32
      %dma_start3A_257 = arith.constant 0 : i32
      %dma_start3A_258 = tpu.memref_slice %arg2[%dma_start3A_256, %dma_start3A_257] : memref<10000x128xf32, #tpu.memory_space<hbm>> -> memref<10000x128xf32, #tpu.memory_space<hbm>>
      tpu.enqueue_indirect_dma source(%dma_start3A_258 : memref<10000x128xf32, #tpu.memory_space<hbm>>) target(%dma_start3A_252 : memref<80x128xf32, #tpu.memory_space<vmem>>) offsets(%dma_start3A_255 : memref<80xi32, #tpu.memory_space<vmem>>) semaphore(%arg13 : memref<!tpu.dma_semaphore, #tpu.memory_space<semaphore_mem>>)
      %add3A_259 = arith.constant 2 : i32
      %add3A_260 = arith.addi %add3A_220, %add3A_259 : i32
      %lt3A_261 = arith.constant 125 : i32
      %lt3A_262 = arith.cmpi slt, %add3A_260, %lt3A_261 : i32
      %convert_element_type3A_263 = arith.extui %lt3A_262 : i1 to i32
      %cond3A_264 = arith.constant 0 : i32
      %cond3A_265 = arith.cmpi ne, %convert_element_type3A_263, %cond3A_264 : i32
      scf.if %cond3A_265 {
        %add3A_343 = arith.constant 2 : i32
        %add3A_344 = arith.addi %add3A_220, %add3A_343 : i32
        %mul3A_345 = arith.constant 80 : i32
        %mul3A_346 = arith.muli %add3A_344, %mul3A_345 : i32
        %add3A_347 = arith.addi %mul3A_2, %mul3A_346 : i32
        %dma_start3A_348 = arith.constant 0 : i32
        %dma_start3A_349 = arith.constant 0 : i32
        %dma_start3A_350 = tpu.memref_slice %arg7[%dma_start3A_348, %dma_start3A_349] : memref<4x80xi32, #tpu.memory_space<vmem>> -> memref<1x80xi32, #tpu.memory_space<vmem>>
        %dma_start3A_351 = tpu.memref_squeeze %dma_start3A_350 : memref<1x80xi32, #tpu.memory_space<vmem>> -> memref<80xi32, #tpu.memory_space<vmem>>
        %dma_start3A_352 = tpu.memref_slice %arg3[%add3A_347] : memref<320000xi32, #tpu.memory_space<hbm>> -> memref<80xi32, #tpu.memory_space<hbm>>
        %dma_start3A_353 = arith.constant 0 : i32
        %dma_start3A_354 = tpu.memref_slice %arg7[%dma_start3A_348, %dma_start3A_353] : memref<4x80xi32, #tpu.memory_space<vmem>> -> memref<1x80xi32, #tpu.memory_space<vmem>>
        %dma_start3A_355 = tpu.memref_squeeze %dma_start3A_354 : memref<1x80xi32, #tpu.memory_space<vmem>> -> memref<80xi32, #tpu.memory_space<vmem>>
        %dma_start3A_356 = tpu.memref_slice %arg3[%add3A_347] : memref<320000xi32, #tpu.memory_space<hbm>> -> memref<80xi32, #tpu.memory_space<hbm>>
        tpu.enqueue_dma source(%dma_start3A_356 : memref<80xi32, #tpu.memory_space<hbm>>) target(%dma_start3A_355 : memref<80xi32, #tpu.memory_space<vmem>>) target_semaphore(%arg14 : memref<!tpu.dma_semaphore, #tpu.memory_space<semaphore_mem>>)
        %mul3A_357 = arith.constant 80 : i32
        %mul3A_358 = arith.muli %add3A_344, %mul3A_357 : i32
        %add3A_359 = arith.addi %mul3A_2, %mul3A_358 : i32
        %dma_start3A_360 = arith.constant 0 : i32
        %dma_start3A_361 = arith.constant 0 : i32
        %dma_start3A_362 = tpu.memref_slice %arg8[%dma_start3A_360, %dma_start3A_361] : memref<4x80xi32, #tpu.memory_space<vmem>> -> memref<1x80xi32, #tpu.memory_space<vmem>>
        %dma_start3A_363 = tpu.memref_squeeze %dma_start3A_362 : memref<1x80xi32, #tpu.memory_space<vmem>> -> memref<80xi32, #tpu.memory_space<vmem>>
        %dma_start3A_364 = tpu.memref_slice %arg4[%add3A_359] : memref<320000xi32, #tpu.memory_space<hbm>> -> memref<80xi32, #tpu.memory_space<hbm>>
        %dma_start3A_365 = arith.constant 0 : i32
        %dma_start3A_366 = tpu.memref_slice %arg8[%dma_start3A_360, %dma_start3A_365] : memref<4x80xi32, #tpu.memory_space<vmem>> -> memref<1x80xi32, #tpu.memory_space<vmem>>
        %dma_start3A_367 = tpu.memref_squeeze %dma_start3A_366 : memref<1x80xi32, #tpu.memory_space<vmem>> -> memref<80xi32, #tpu.memory_space<vmem>>
        %dma_start3A_368 = tpu.memref_slice %arg4[%add3A_359] : memref<320000xi32, #tpu.memory_space<hbm>> -> memref<80xi32, #tpu.memory_space<hbm>>
        tpu.enqueue_dma source(%dma_start3A_368 : memref<80xi32, #tpu.memory_space<hbm>>) target(%dma_start3A_367 : memref<80xi32, #tpu.memory_space<vmem>>) target_semaphore(%arg14 : memref<!tpu.dma_semaphore, #tpu.memory_space<semaphore_mem>>)
      } else {
      }
      %dma_wait3A_266 = arith.constant 2 : i32
      %dma_wait3A_267 = arith.constant 0 : i32
      %dma_wait3A_268 = arith.constant 0 : i32
      %dma_wait3A_269 = arith.constant 0 : i32
      %dma_wait3A_270 = tpu.memref_slice %arg9[%dma_wait3A_267, %dma_wait3A_268, %dma_wait3A_269] : memref<2x80x128xf32, #tpu.memory_space<vmem>> -> memref<1x80x128xf32, #tpu.memory_space<vmem>>
      %dma_wait3A_271 = tpu.memref_squeeze %dma_wait3A_270 : memref<1x80x128xf32, #tpu.memory_space<vmem>> -> memref<80x128xf32, #tpu.memory_space<vmem>>
      %dma_wait3A_272 = arith.constant 0 : i32
      %dma_wait3A_273 = tpu.memref_slice %arg7[%dma_wait3A_266, %dma_wait3A_272] : memref<4x80xi32, #tpu.memory_space<vmem>> -> memref<1x80xi32, #tpu.memory_space<vmem>>
      %dma_wait3A_274 = tpu.memref_squeeze %dma_wait3A_273 : memref<1x80xi32, #tpu.memory_space<vmem>> -> memref<80xi32, #tpu.memory_space<vmem>>
      %dma_wait3A_275 = arith.constant 0 : i32
      %dma_wait3A_276 = arith.constant 0 : i32
      %dma_wait3A_277 = tpu.memref_slice %arg2[%dma_wait3A_275, %dma_wait3A_276] : memref<10000x128xf32, #tpu.memory_space<hbm>> -> memref<10000x128xf32, #tpu.memory_space<hbm>>
      tpu.wait_indirect_dma semaphore(%arg12 : memref<!tpu.dma_semaphore, #tpu.memory_space<semaphore_mem>>) src(%dma_wait3A_277 : memref<10000x128xf32, #tpu.memory_space<hbm>>) dst(%dma_wait3A_271 : memref<80x128xf32, #tpu.memory_space<vmem>>)
      %run_scoped3A_278 = arith.constant 0 : i32
      %run_scoped3A_279 = arith.constant 2 : i32
      "tpu.region"() ({
        %run_scoped3A_343 = tpu.sem_alloc : memref<!tpu.dma_semaphore, #tpu.memory_space<semaphore_mem>>
        %dma_start3A_344 = arith.constant 0 : i32
        %dma_start3A_345 = arith.constant 0 : i32
        %dma_start3A_346 = tpu.memref_slice %arg9[%run_scoped3A_278, %dma_start3A_344, %dma_start3A_345] : memref<2x80x128xf32, #tpu.memory_space<vmem>> -> memref<1x80x128xf32, #tpu.memory_space<vmem>>
        %dma_start3A_347 = tpu.memref_squeeze %dma_start3A_346 : memref<1x80x128xf32, #tpu.memory_space<vmem>> -> memref<80x128xf32, #tpu.memory_space<vmem>>
        %dma_start3A_348 = arith.constant 0 : i32
        %dma_start3A_349 = tpu.memref_slice %arg8[%run_scoped3A_279, %dma_start3A_348] : memref<4x80xi32, #tpu.memory_space<vmem>> -> memref<1x80xi32, #tpu.memory_space<vmem>>
        %dma_start3A_350 = tpu.memref_squeeze %dma_start3A_349 : memref<1x80xi32, #tpu.memory_space<vmem>> -> memref<80xi32, #tpu.memory_space<vmem>>
        %dma_start3A_351 = arith.constant 0 : i32
        %dma_start3A_352 = arith.constant 0 : i32
        %dma_start3A_353 = tpu.memref_slice %arg11[%dma_start3A_351, %dma_start3A_352] : memref<10000x128xf32, #tpu.memory_space<vmem_shared>> -> memref<10000x128xf32, #tpu.memory_space<vmem_shared>>
        tpu.enqueue_indirect_dma source(%dma_start3A_347 : memref<80x128xf32, #tpu.memory_space<vmem>>) target(%dma_start3A_353 : memref<10000x128xf32, #tpu.memory_space<vmem_shared>>) offsets(%dma_start3A_350 : memref<80xi32, #tpu.memory_space<vmem>>) semaphore(%run_scoped3A_343 : memref<!tpu.dma_semaphore, #tpu.memory_space<semaphore_mem>>) {add = true}
        %dma_wait3A_354 = arith.constant 0 : i32
        %dma_wait3A_355 = arith.constant 0 : i32
        %dma_wait3A_356 = tpu.memref_slice %arg9[%run_scoped3A_278, %dma_wait3A_354, %dma_wait3A_355] : memref<2x80x128xf32, #tpu.memory_space<vmem>> -> memref<1x80x128xf32, #tpu.memory_space<vmem>>
        %dma_wait3A_357 = tpu.memref_squeeze %dma_wait3A_356 : memref<1x80x128xf32, #tpu.memory_space<vmem>> -> memref<80x128xf32, #tpu.memory_space<vmem>>
        %dma_wait3A_358 = arith.constant 0 : i32
        %dma_wait3A_359 = tpu.memref_slice %arg8[%run_scoped3A_279, %dma_wait3A_358] : memref<4x80xi32, #tpu.memory_space<vmem>> -> memref<1x80xi32, #tpu.memory_space<vmem>>
        %dma_wait3A_360 = tpu.memref_squeeze %dma_wait3A_359 : memref<1x80xi32, #tpu.memory_space<vmem>> -> memref<80xi32, #tpu.memory_space<vmem>>
        %dma_wait3A_361 = arith.constant 0 : i32
        %dma_wait3A_362 = arith.constant 0 : i32
        %dma_wait3A_363 = tpu.memref_slice %arg11[%dma_wait3A_361, %dma_wait3A_362] : memref<10000x128xf32, #tpu.memory_space<vmem_shared>> -> memref<10000x128xf32, #tpu.memory_space<vmem_shared>>
        tpu.wait_indirect_dma semaphore(%run_scoped3A_343 : memref<!tpu.dma_semaphore, #tpu.memory_space<semaphore_mem>>) src(%dma_wait3A_357 : memref<80x128xf32, #tpu.memory_space<vmem>>) dst(%dma_wait3A_363 : memref<10000x128xf32, #tpu.memory_space<vmem_shared>>)
        tpu.yield
      }) : () -> ()
      %mul3A_280 = arith.constant 4 : i32
      %mul3A_281 = arith.muli %mul3A_280, %scan3A_91 : i32
      %add3A_282 = arith.constant 3 : i32
      %add3A_283 = arith.addi %mul3A_281, %add3A_282 : i32
      %add3A_284 = arith.constant 1 : i32
      %add3A_285 = arith.addi %add3A_283, %add3A_284 : i32
      %mul3A_286 = arith.constant 80 : i32
      %mul3A_287 = arith.muli %add3A_285, %mul3A_286 : i32
      %add3A_288 = arith.addi %mul3A_2, %mul3A_287 : i32
      %dma_wait3A_289 = arith.constant 0 : i32
      %dma_wait3A_290 = arith.constant 0 : i32
      %dma_wait3A_291 = tpu.memref_slice %arg7[%dma_wait3A_289, %dma_wait3A_290] : memref<4x80xi32, #tpu.memory_space<vmem>> -> memref<1x80xi32, #tpu.memory_space<vmem>>
      %dma_wait3A_292 = tpu.memref_squeeze %dma_wait3A_291 : memref<1x80xi32, #tpu.memory_space<vmem>> -> memref<80xi32, #tpu.memory_space<vmem>>
      %dma_wait3A_293 = tpu.memref_slice %arg3[%add3A_288] : memref<320000xi32, #tpu.memory_space<hbm>> -> memref<80xi32, #tpu.memory_space<hbm>>
      %dma_wait3A_294 = arith.constant 0 : i32
      %dma_wait3A_295 = tpu.memref_slice %arg7[%dma_wait3A_289, %dma_wait3A_294] : memref<4x80xi32, #tpu.memory_space<vmem>> -> memref<1x80xi32, #tpu.memory_space<vmem>>
      %dma_wait3A_296 = tpu.memref_squeeze %dma_wait3A_295 : memref<1x80xi32, #tpu.memory_space<vmem>> -> memref<80xi32, #tpu.memory_space<vmem>>
      %dma_wait3A_297 = tpu.memref_slice %arg3[%add3A_288] : memref<320000xi32, #tpu.memory_space<hbm>> -> memref<80xi32, #tpu.memory_space<hbm>>
      tpu.wait_dma2 semaphore(%arg14 : memref<!tpu.dma_semaphore, #tpu.memory_space<semaphore_mem>>) src(%dma_wait3A_297 : memref<80xi32, #tpu.memory_space<hbm>>) dst(%dma_wait3A_296 : memref<80xi32, #tpu.memory_space<vmem>>)
      %mul3A_298 = arith.constant 80 : i32
      %mul3A_299 = arith.muli %add3A_285, %mul3A_298 : i32
      %add3A_300 = arith.addi %mul3A_2, %mul3A_299 : i32
      %dma_wait3A_301 = arith.constant 0 : i32
      %dma_wait3A_302 = arith.constant 0 : i32
      %dma_wait3A_303 = tpu.memref_slice %arg8[%dma_wait3A_301, %dma_wait3A_302] : memref<4x80xi32, #tpu.memory_space<vmem>> -> memref<1x80xi32, #tpu.memory_space<vmem>>
      %dma_wait3A_304 = tpu.memref_squeeze %dma_wait3A_303 : memref<1x80xi32, #tpu.memory_space<vmem>> -> memref<80xi32, #tpu.memory_space<vmem>>
      %dma_wait3A_305 = tpu.memref_slice %arg4[%add3A_300] : memref<320000xi32, #tpu.memory_space<hbm>> -> memref<80xi32, #tpu.memory_space<hbm>>
      %dma_wait3A_306 = arith.constant 0 : i32
      %dma_wait3A_307 = tpu.memref_slice %arg8[%dma_wait3A_301, %dma_wait3A_306] : memref<4x80xi32, #tpu.memory_space<vmem>> -> memref<1x80xi32, #tpu.memory_space<vmem>>
      %dma_wait3A_308 = tpu.memref_squeeze %dma_wait3A_307 : memref<1x80xi32, #tpu.memory_space<vmem>> -> memref<80xi32, #tpu.memory_space<vmem>>
      %dma_wait3A_309 = tpu.memref_slice %arg4[%add3A_300] : memref<320000xi32, #tpu.memory_space<hbm>> -> memref<80xi32, #tpu.memory_space<hbm>>
      tpu.wait_dma2 semaphore(%arg14 : memref<!tpu.dma_semaphore, #tpu.memory_space<semaphore_mem>>) src(%dma_wait3A_309 : memref<80xi32, #tpu.memory_space<hbm>>) dst(%dma_wait3A_308 : memref<80xi32, #tpu.memory_space<vmem>>)
      %dma_start3A_310 = arith.constant 0 : i32
      %dma_start3A_311 = arith.constant 0 : i32
      %dma_start3A_312 = arith.constant 0 : i32
      %dma_start3A_313 = arith.constant 0 : i32
      %dma_start3A_314 = tpu.memref_slice %arg9[%dma_start3A_311, %dma_start3A_312, %dma_start3A_313] : memref<2x80x128xf32, #tpu.memory_space<vmem>> -> memref<1x80x128xf32, #tpu.memory_space<vmem>>
      %dma_start3A_315 = tpu.memref_squeeze %dma_start3A_314 : memref<1x80x128xf32, #tpu.memory_space<vmem>> -> memref<80x128xf32, #tpu.memory_space<vmem>>
      %dma_start3A_316 = arith.constant 0 : i32
      %dma_start3A_317 = tpu.memref_slice %arg7[%dma_start3A_310, %dma_start3A_316] : memref<4x80xi32, #tpu.memory_space<vmem>> -> memref<1x80xi32, #tpu.memory_space<vmem>>
      %dma_start3A_318 = tpu.memref_squeeze %dma_start3A_317 : memref<1x80xi32, #tpu.memory_space<vmem>> -> memref<80xi32, #tpu.memory_space<vmem>>
      %dma_start3A_319 = arith.constant 0 : i32
      %dma_start3A_320 = arith.constant 0 : i32
      %dma_start3A_321 = tpu.memref_slice %arg2[%dma_start3A_319, %dma_start3A_320] : memref<10000x128xf32, #tpu.memory_space<hbm>> -> memref<10000x128xf32, #tpu.memory_space<hbm>>
      tpu.enqueue_indirect_dma source(%dma_start3A_321 : memref<10000x128xf32, #tpu.memory_space<hbm>>) target(%dma_start3A_315 : memref<80x128xf32, #tpu.memory_space<vmem>>) offsets(%dma_start3A_318 : memref<80xi32, #tpu.memory_space<vmem>>) semaphore(%arg12 : memref<!tpu.dma_semaphore, #tpu.memory_space<semaphore_mem>>)
      %add3A_322 = arith.constant 2 : i32
      %add3A_323 = arith.addi %add3A_283, %add3A_322 : i32
      %lt3A_324 = arith.constant 125 : i32
      %lt3A_325 = arith.cmpi slt, %add3A_323, %lt3A_324 : i32
      %convert_element_type3A_326 = arith.extui %lt3A_325 : i1 to i32
      %cond3A_327 = arith.constant 0 : i32
      %cond3A_328 = arith.cmpi ne, %convert_element_type3A_326, %cond3A_327 : i32
      scf.if %cond3A_328 {
        %add3A_343 = arith.constant 2 : i32
        %add3A_344 = arith.addi %add3A_283, %add3A_343 : i32
        %mul3A_345 = arith.constant 80 : i32
        %mul3A_346 = arith.muli %add3A_344, %mul3A_345 : i32
        %add3A_347 = arith.addi %mul3A_2, %mul3A_346 : i32
        %dma_start3A_348 = arith.constant 1 : i32
        %dma_start3A_349 = arith.constant 0 : i32
        %dma_start3A_350 = tpu.memref_slice %arg7[%dma_start3A_348, %dma_start3A_349] : memref<4x80xi32, #tpu.memory_space<vmem>> -> memref<1x80xi32, #tpu.memory_space<vmem>>
        %dma_start3A_351 = tpu.memref_squeeze %dma_start3A_350 : memref<1x80xi32, #tpu.memory_space<vmem>> -> memref<80xi32, #tpu.memory_space<vmem>>
        %dma_start3A_352 = tpu.memref_slice %arg3[%add3A_347] : memref<320000xi32, #tpu.memory_space<hbm>> -> memref<80xi32, #tpu.memory_space<hbm>>
        %dma_start3A_353 = arith.constant 0 : i32
        %dma_start3A_354 = tpu.memref_slice %arg7[%dma_start3A_348, %dma_start3A_353] : memref<4x80xi32, #tpu.memory_space<vmem>> -> memref<1x80xi32, #tpu.memory_space<vmem>>
        %dma_start3A_355 = tpu.memref_squeeze %dma_start3A_354 : memref<1x80xi32, #tpu.memory_space<vmem>> -> memref<80xi32, #tpu.memory_space<vmem>>
        %dma_start3A_356 = tpu.memref_slice %arg3[%add3A_347] : memref<320000xi32, #tpu.memory_space<hbm>> -> memref<80xi32, #tpu.memory_space<hbm>>
        tpu.enqueue_dma source(%dma_start3A_356 : memref<80xi32, #tpu.memory_space<hbm>>) target(%dma_start3A_355 : memref<80xi32, #tpu.memory_space<vmem>>) target_semaphore(%arg15 : memref<!tpu.dma_semaphore, #tpu.memory_space<semaphore_mem>>)
        %mul3A_357 = arith.constant 80 : i32
        %mul3A_358 = arith.muli %add3A_344, %mul3A_357 : i32
        %add3A_359 = arith.addi %mul3A_2, %mul3A_358 : i32
        %dma_start3A_360 = arith.constant 1 : i32
        %dma_start3A_361 = arith.constant 0 : i32
        %dma_start3A_362 = tpu.memref_slice %arg8[%dma_start3A_360, %dma_start3A_361] : memref<4x80xi32, #tpu.memory_space<vmem>> -> memref<1x80xi32, #tpu.memory_space<vmem>>
        %dma_start3A_363 = tpu.memref_squeeze %dma_start3A_362 : memref<1x80xi32, #tpu.memory_space<vmem>> -> memref<80xi32, #tpu.memory_space<vmem>>
        %dma_start3A_364 = tpu.memref_slice %arg4[%add3A_359] : memref<320000xi32, #tpu.memory_space<hbm>> -> memref<80xi32, #tpu.memory_space<hbm>>
        %dma_start3A_365 = arith.constant 0 : i32
        %dma_start3A_366 = tpu.memref_slice %arg8[%dma_start3A_360, %dma_start3A_365] : memref<4x80xi32, #tpu.memory_space<vmem>> -> memref<1x80xi32, #tpu.memory_space<vmem>>
        %dma_start3A_367 = tpu.memref_squeeze %dma_start3A_366 : memref<1x80xi32, #tpu.memory_space<vmem>> -> memref<80xi32, #tpu.memory_space<vmem>>
        %dma_start3A_368 = tpu.memref_slice %arg4[%add3A_359] : memref<320000xi32, #tpu.memory_space<hbm>> -> memref<80xi32, #tpu.memory_space<hbm>>
        tpu.enqueue_dma source(%dma_start3A_368 : memref<80xi32, #tpu.memory_space<hbm>>) target(%dma_start3A_367 : memref<80xi32, #tpu.memory_space<vmem>>) target_semaphore(%arg15 : memref<!tpu.dma_semaphore, #tpu.memory_space<semaphore_mem>>)
      } else {
      }
      %dma_wait3A_329 = arith.constant 3 : i32
      %dma_wait3A_330 = arith.constant 1 : i32
      %dma_wait3A_331 = arith.constant 0 : i32
      %dma_wait3A_332 = arith.constant 0 : i32
      %dma_wait3A_333 = tpu.memref_slice %arg9[%dma_wait3A_330, %dma_wait3A_331, %dma_wait3A_332] : memref<2x80x128xf32, #tpu.memory_space<vmem>> -> memref<1x80x128xf32, #tpu.memory_space<vmem>>
      %dma_wait3A_334 = tpu.memref_squeeze %dma_wait3A_333 : memref<1x80x128xf32, #tpu.memory_space<vmem>> -> memref<80x128xf32, #tpu.memory_space<vmem>>
      %dma_wait3A_335 = arith.constant 0 : i32
      %dma_wait3A_336 = tpu.memref_slice %arg7[%dma_wait3A_329, %dma_wait3A_335] : memref<4x80xi32, #tpu.memory_space<vmem>> -> memref<1x80xi32, #tpu.memory_space<vmem>>
      %dma_wait3A_337 = tpu.memref_squeeze %dma_wait3A_336 : memref<1x80xi32, #tpu.memory_space<vmem>> -> memref<80xi32, #tpu.memory_space<vmem>>
      %dma_wait3A_338 = arith.constant 0 : i32
      %dma_wait3A_339 = arith.constant 0 : i32
      %dma_wait3A_340 = tpu.memref_slice %arg2[%dma_wait3A_338, %dma_wait3A_339] : memref<10000x128xf32, #tpu.memory_space<hbm>> -> memref<10000x128xf32, #tpu.memory_space<hbm>>
      tpu.wait_indirect_dma semaphore(%arg13 : memref<!tpu.dma_semaphore, #tpu.memory_space<semaphore_mem>>) src(%dma_wait3A_340 : memref<10000x128xf32, #tpu.memory_space<hbm>>) dst(%dma_wait3A_334 : memref<80x128xf32, #tpu.memory_space<vmem>>)
      %run_scoped3A_341 = arith.constant 1 : i32
      %run_scoped3A_342 = arith.constant 3 : i32
      "tpu.region"() ({
        %run_scoped3A_343 = tpu.sem_alloc : memref<!tpu.dma_semaphore, #tpu.memory_space<semaphore_mem>>
        %dma_start3A_344 = arith.constant 0 : i32
        %dma_start3A_345 = arith.constant 0 : i32
        %dma_start3A_346 = tpu.memref_slice %arg9[%run_scoped3A_341, %dma_start3A_344, %dma_start3A_345] : memref<2x80x128xf32, #tpu.memory_space<vmem>> -> memref<1x80x128xf32, #tpu.memory_space<vmem>>
        %dma_start3A_347 = tpu.memref_squeeze %dma_start3A_346 : memref<1x80x128xf32, #tpu.memory_space<vmem>> -> memref<80x128xf32, #tpu.memory_space<vmem>>
        %dma_start3A_348 = arith.constant 0 : i32
        %dma_start3A_349 = tpu.memref_slice %arg8[%run_scoped3A_342, %dma_start3A_348] : memref<4x80xi32, #tpu.memory_space<vmem>> -> memref<1x80xi32, #tpu.memory_space<vmem>>
        %dma_start3A_350 = tpu.memref_squeeze %dma_start3A_349 : memref<1x80xi32, #tpu.memory_space<vmem>> -> memref<80xi32, #tpu.memory_space<vmem>>
        %dma_start3A_351 = arith.constant 0 : i32
        %dma_start3A_352 = arith.constant 0 : i32
        %dma_start3A_353 = tpu.memref_slice %arg11[%dma_start3A_351, %dma_start3A_352] : memref<10000x128xf32, #tpu.memory_space<vmem_shared>> -> memref<10000x128xf32, #tpu.memory_space<vmem_shared>>
        tpu.enqueue_indirect_dma source(%dma_start3A_347 : memref<80x128xf32, #tpu.memory_space<vmem>>) target(%dma_start3A_353 : memref<10000x128xf32, #tpu.memory_space<vmem_shared>>) offsets(%dma_start3A_350 : memref<80xi32, #tpu.memory_space<vmem>>) semaphore(%run_scoped3A_343 : memref<!tpu.dma_semaphore, #tpu.memory_space<semaphore_mem>>) {add = true}
        %dma_wait3A_354 = arith.constant 0 : i32
        %dma_wait3A_355 = arith.constant 0 : i32
        %dma_wait3A_356 = tpu.memref_slice %arg9[%run_scoped3A_341, %dma_wait3A_354, %dma_wait3A_355] : memref<2x80x128xf32, #tpu.memory_space<vmem>> -> memref<1x80x128xf32, #tpu.memory_space<vmem>>
        %dma_wait3A_357 = tpu.memref_squeeze %dma_wait3A_356 : memref<1x80x128xf32, #tpu.memory_space<vmem>> -> memref<80x128xf32, #tpu.memory_space<vmem>>
        %dma_wait3A_358 = arith.constant 0 : i32
        %dma_wait3A_359 = tpu.memref_slice %arg8[%run_scoped3A_342, %dma_wait3A_358] : memref<4x80xi32, #tpu.memory_space<vmem>> -> memref<1x80xi32, #tpu.memory_space<vmem>>
        %dma_wait3A_360 = tpu.memref_squeeze %dma_wait3A_359 : memref<1x80xi32, #tpu.memory_space<vmem>> -> memref<80xi32, #tpu.memory_space<vmem>>
        %dma_wait3A_361 = arith.constant 0 : i32
        %dma_wait3A_362 = arith.constant 0 : i32
        %dma_wait3A_363 = tpu.memref_slice %arg11[%dma_wait3A_361, %dma_wait3A_362] : memref<10000x128xf32, #tpu.memory_space<vmem_shared>> -> memref<10000x128xf32, #tpu.memory_space<vmem_shared>>
        tpu.wait_indirect_dma semaphore(%run_scoped3A_343 : memref<!tpu.dma_semaphore, #tpu.memory_space<semaphore_mem>>) src(%dma_wait3A_357 : memref<80x128xf32, #tpu.memory_space<vmem>>) dst(%dma_wait3A_363 : memref<10000x128xf32, #tpu.memory_space<vmem_shared>>)
        tpu.yield
      }) : () -> ()
    }
    %scan3A_59 = arith.constant 31 : i32
    %dma_wait3A = arith.constant 0 : i32
    %dma_wait3A_60 = arith.constant 0 : i32
    %dma_wait3A_61 = arith.constant 0 : i32
    %dma_wait3A_62 = arith.constant 0 : i32
    %dma_wait3A_63 = tpu.memref_slice %arg9[%dma_wait3A_60, %dma_wait3A_61, %dma_wait3A_62] : memref<2x80x128xf32, #tpu.memory_space<vmem>> -> memref<1x80x128xf32, #tpu.memory_space<vmem>>
    %dma_wait3A_64 = tpu.memref_squeeze %dma_wait3A_63 : memref<1x80x128xf32, #tpu.memory_space<vmem>> -> memref<80x128xf32, #tpu.memory_space<vmem>>
    %dma_wait3A_65 = arith.constant 0 : i32
    %dma_wait3A_66 = tpu.memref_slice %arg7[%dma_wait3A, %dma_wait3A_65] : memref<4x80xi32, #tpu.memory_space<vmem>> -> memref<1x80xi32, #tpu.memory_space<vmem>>
    %dma_wait3A_67 = tpu.memref_squeeze %dma_wait3A_66 : memref<1x80xi32, #tpu.memory_space<vmem>> -> memref<80xi32, #tpu.memory_space<vmem>>
    %dma_wait3A_68 = arith.constant 0 : i32
    %dma_wait3A_69 = arith.constant 0 : i32
    %dma_wait3A_70 = tpu.memref_slice %arg2[%dma_wait3A_68, %dma_wait3A_69] : memref<10000x128xf32, #tpu.memory_space<hbm>> -> memref<10000x128xf32, #tpu.memory_space<hbm>>
    tpu.wait_indirect_dma semaphore(%arg12 : memref<!tpu.dma_semaphore, #tpu.memory_space<semaphore_mem>>) src(%dma_wait3A_70 : memref<10000x128xf32, #tpu.memory_space<hbm>>) dst(%dma_wait3A_64 : memref<80x128xf32, #tpu.memory_space<vmem>>)
    %run_scoped3A_71 = arith.constant 0 : i32
    %run_scoped3A_72 = arith.constant 0 : i32
    "tpu.region"() ({
      %run_scoped3A_91 = tpu.sem_alloc : memref<!tpu.dma_semaphore, #tpu.memory_space<semaphore_mem>>
      %dma_start3A_92 = arith.constant 0 : i32
      %dma_start3A_93 = arith.constant 0 : i32
      %dma_start3A_94 = tpu.memref_slice %arg9[%run_scoped3A_71, %dma_start3A_92, %dma_start3A_93] : memref<2x80x128xf32, #tpu.memory_space<vmem>> -> memref<1x80x128xf32, #tpu.memory_space<vmem>>
      %dma_start3A_95 = tpu.memref_squeeze %dma_start3A_94 : memref<1x80x128xf32, #tpu.memory_space<vmem>> -> memref<80x128xf32, #tpu.memory_space<vmem>>
      %dma_start3A_96 = arith.constant 0 : i32
      %dma_start3A_97 = tpu.memref_slice %arg8[%run_scoped3A_72, %dma_start3A_96] : memref<4x80xi32, #tpu.memory_space<vmem>> -> memref<1x80xi32, #tpu.memory_space<vmem>>
      %dma_start3A_98 = tpu.memref_squeeze %dma_start3A_97 : memref<1x80xi32, #tpu.memory_space<vmem>> -> memref<80xi32, #tpu.memory_space<vmem>>
      %dma_start3A_99 = arith.constant 0 : i32
      %dma_start3A_100 = arith.constant 0 : i32
      %dma_start3A_101 = tpu.memref_slice %arg11[%dma_start3A_99, %dma_start3A_100] : memref<10000x128xf32, #tpu.memory_space<vmem_shared>> -> memref<10000x128xf32, #tpu.memory_space<vmem_shared>>
      tpu.enqueue_indirect_dma source(%dma_start3A_95 : memref<80x128xf32, #tpu.memory_space<vmem>>) target(%dma_start3A_101 : memref<10000x128xf32, #tpu.memory_space<vmem_shared>>) offsets(%dma_start3A_98 : memref<80xi32, #tpu.memory_space<vmem>>) semaphore(%run_scoped3A_91 : memref<!tpu.dma_semaphore, #tpu.memory_space<semaphore_mem>>) {add = true}
      %dma_wait3A_102 = arith.constant 0 : i32
      %dma_wait3A_103 = arith.constant 0 : i32
      %dma_wait3A_104 = tpu.memref_slice %arg9[%run_scoped3A_71, %dma_wait3A_102, %dma_wait3A_103] : memref<2x80x128xf32, #tpu.memory_space<vmem>> -> memref<1x80x128xf32, #tpu.memory_space<vmem>>
      %dma_wait3A_105 = tpu.memref_squeeze %dma_wait3A_104 : memref<1x80x128xf32, #tpu.memory_space<vmem>> -> memref<80x128xf32, #tpu.memory_space<vmem>>
      %dma_wait3A_106 = arith.constant 0 : i32
      %dma_wait3A_107 = tpu.memref_slice %arg8[%run_scoped3A_72, %dma_wait3A_106] : memref<4x80xi32, #tpu.memory_space<vmem>> -> memref<1x80xi32, #tpu.memory_space<vmem>>
      %dma_wait3A_108 = tpu.memref_squeeze %dma_wait3A_107 : memref<1x80xi32, #tpu.memory_space<vmem>> -> memref<80xi32, #tpu.memory_space<vmem>>
      %dma_wait3A_109 = arith.constant 0 : i32
      %dma_wait3A_110 = arith.constant 0 : i32
      %dma_wait3A_111 = tpu.memref_slice %arg11[%dma_wait3A_109, %dma_wait3A_110] : memref<10000x128xf32, #tpu.memory_space<vmem_shared>> -> memref<10000x128xf32, #tpu.memory_space<vmem_shared>>
      tpu.wait_indirect_dma semaphore(%run_scoped3A_91 : memref<!tpu.dma_semaphore, #tpu.memory_space<semaphore_mem>>) src(%dma_wait3A_105 : memref<80x128xf32, #tpu.memory_space<vmem>>) dst(%dma_wait3A_111 : memref<10000x128xf32, #tpu.memory_space<vmem_shared>>)
      tpu.yield
    }) : () -> ()
    %barrier3A_73 = arith.constant 0 : index
    tpu.barrier barrier_id(%barrier3A_73)
    %mul3A_74 = arith.constant 624 : i32
    %mul3A_75 = arith.muli %arg1, %mul3A_74 : i32
    %add3A_76 = arith.constant 0 : i32
    %add3A_77 = arith.addi %mul3A_75, %add3A_76 : i32
    "tpu.region"() ({
      %run_scoped3A_91 = tpu.sem_alloc : memref<!tpu.dma_semaphore, #tpu.memory_space<semaphore_mem>>
      %dma_start3A_92 = arith.constant 0 : i32
      %dma_start3A_93 = tpu.memref_slice %arg11[%add3A_77, %dma_start3A_92] : memref<10000x128xf32, #tpu.memory_space<vmem_shared>> -> memref<208x128xf32, #tpu.memory_space<vmem_shared>>
      %dma_start3A_94 = arith.constant 0 : i32
      %dma_start3A_95 = tpu.memref_slice %arg11[%add3A_77, %dma_start3A_94] : memref<10000x128xf32, #tpu.memory_space<vmem_shared>> -> memref<208x128xf32, #tpu.memory_space<vmem_shared>>
      tpu.enqueue_dma source(%dma_start3A_95 : memref<208x128xf32, #tpu.memory_space<vmem_shared>>) target(%arg10 : memref<208x128xf32, #tpu.memory_space<vmem>>) target_semaphore(%run_scoped3A_91 : memref<!tpu.dma_semaphore, #tpu.memory_space<semaphore_mem>>)
      %dma_wait3A_96 = arith.constant 0 : i32
      %dma_wait3A_97 = tpu.memref_slice %arg11[%add3A_77, %dma_wait3A_96] : memref<10000x128xf32, #tpu.memory_space<vmem_shared>> -> memref<208x128xf32, #tpu.memory_space<vmem_shared>>
      %dma_wait3A_98 = arith.constant 0 : i32
      %dma_wait3A_99 = tpu.memref_slice %arg11[%add3A_77, %dma_wait3A_98] : memref<10000x128xf32, #tpu.memory_space<vmem_shared>> -> memref<208x128xf32, #tpu.memory_space<vmem_shared>>
      tpu.wait_dma2 semaphore(%run_scoped3A_91 : memref<!tpu.dma_semaphore, #tpu.memory_space<semaphore_mem>>) src(%dma_wait3A_99 : memref<208x128xf32, #tpu.memory_space<vmem_shared>>) dst(%arg10 : memref<208x128xf32, #tpu.memory_space<vmem>>)
      tpu.yield
    }) : () -> ()
    "tpu.region"() ({
      %run_scoped3A_91 = tpu.sem_alloc : memref<!tpu.dma_semaphore, #tpu.memory_space<semaphore_mem>>
      %dma_start3A_92 = arith.constant 0 : i32
      %dma_start3A_93 = arith.constant 0 : i32
      %dma_start3A_94 = tpu.memref_slice %arg6[%arg0, %dma_start3A_92, %dma_start3A_93] : memref<2x10000x128xf32, #tpu.memory_space<hbm>> -> memref<1x10000x128xf32, #tpu.memory_space<hbm>>
      %dma_start3A_95 = tpu.memref_squeeze %dma_start3A_94 : memref<1x10000x128xf32, #tpu.memory_space<hbm>> -> memref<10000x128xf32, #tpu.memory_space<hbm>>
      %dma_start3A_96 = arith.constant 0 : i32
      %dma_start3A_97 = tpu.memref_slice %dma_start3A_95[%add3A_77, %dma_start3A_96] : memref<10000x128xf32, #tpu.memory_space<hbm>> -> memref<208x128xf32, #tpu.memory_space<hbm>>
      %dma_start3A_98 = arith.constant 0 : i32
      %dma_start3A_99 = arith.constant 0 : i32
      %dma_start3A_100 = tpu.memref_slice %arg6[%arg0, %dma_start3A_98, %dma_start3A_99] : memref<2x10000x128xf32, #tpu.memory_space<hbm>> -> memref<1x10000x128xf32, #tpu.memory_space<hbm>>
      %dma_start3A_101 = tpu.memref_squeeze %dma_start3A_100 : memref<1x10000x128xf32, #tpu.memory_space<hbm>> -> memref<10000x128xf32, #tpu.memory_space<hbm>>
      %dma_start3A_102 = arith.constant 0 : i32
      %dma_start3A_103 = tpu.memref_slice %dma_start3A_101[%add3A_77, %dma_start3A_102] : memref<10000x128xf32, #tpu.memory_space<hbm>> -> memref<208x128xf32, #tpu.memory_space<hbm>>
      tpu.enqueue_dma source(%arg10 : memref<208x128xf32, #tpu.memory_space<vmem>>) target(%dma_start3A_103 : memref<208x128xf32, #tpu.memory_space<hbm>>) target_semaphore(%run_scoped3A_91 : memref<!tpu.dma_semaphore, #tpu.memory_space<semaphore_mem>>)
      %dma_wait3A_104 = arith.constant 0 : i32
      %dma_wait3A_105 = arith.constant 0 : i32
      %dma_wait3A_106 = tpu.memref_slice %arg6[%arg0, %dma_wait3A_104, %dma_wait3A_105] : memref<2x10000x128xf32, #tpu.memory_space<hbm>> -> memref<1x10000x128xf32, #tpu.memory_space<hbm>>
      %dma_wait3A_107 = tpu.memref_squeeze %dma_wait3A_106 : memref<1x10000x128xf32, #tpu.memory_space<hbm>> -> memref<10000x128xf32, #tpu.memory_space<hbm>>
      %dma_wait3A_108 = arith.constant 0 : i32
      %dma_wait3A_109 = tpu.memref_slice %dma_wait3A_107[%add3A_77, %dma_wait3A_108] : memref<10000x128xf32, #tpu.memory_space<hbm>> -> memref<208x128xf32, #tpu.memory_space<hbm>>
      %dma_wait3A_110 = arith.constant 0 : i32
      %dma_wait3A_111 = arith.constant 0 : i32
      %dma_wait3A_112 = tpu.memref_slice %arg6[%arg0, %dma_wait3A_110, %dma_wait3A_111] : memref<2x10000x128xf32, #tpu.memory_space<hbm>> -> memref<1x10000x128xf32, #tpu.memory_space<hbm>>
      %dma_wait3A_113 = tpu.memref_squeeze %dma_wait3A_112 : memref<1x10000x128xf32, #tpu.memory_space<hbm>> -> memref<10000x128xf32, #tpu.memory_space<hbm>>
      %dma_wait3A_114 = arith.constant 0 : i32
      %dma_wait3A_115 = tpu.memref_slice %dma_wait3A_113[%add3A_77, %dma_wait3A_114] : memref<10000x128xf32, #tpu.memory_space<hbm>> -> memref<208x128xf32, #tpu.memory_space<hbm>>
      tpu.wait_dma2 semaphore(%run_scoped3A_91 : memref<!tpu.dma_semaphore, #tpu.memory_space<semaphore_mem>>) src(%arg10 : memref<208x128xf32, #tpu.memory_space<vmem>>) dst(%dma_wait3A_115 : memref<208x128xf32, #tpu.memory_space<hbm>>)
      tpu.yield
    }) : () -> ()
    %mul3A_78 = arith.constant 624 : i32
    %mul3A_79 = arith.muli %arg1, %mul3A_78 : i32
    %add3A_80 = arith.constant 208 : i32
    %add3A_81 = arith.addi %mul3A_79, %add3A_80 : i32
    "tpu.region"() ({
      %run_scoped3A_91 = tpu.sem_alloc : memref<!tpu.dma_semaphore, #tpu.memory_space<semaphore_mem>>
      %dma_start3A_92 = arith.constant 0 : i32
      %dma_start3A_93 = tpu.memref_slice %arg11[%add3A_81, %dma_start3A_92] : memref<10000x128xf32, #tpu.memory_space<vmem_shared>> -> memref<208x128xf32, #tpu.memory_space<vmem_shared>>
      %dma_start3A_94 = arith.constant 0 : i32
      %dma_start3A_95 = tpu.memref_slice %arg11[%add3A_81, %dma_start3A_94] : memref<10000x128xf32, #tpu.memory_space<vmem_shared>> -> memref<208x128xf32, #tpu.memory_space<vmem_shared>>
      tpu.enqueue_dma source(%dma_start3A_95 : memref<208x128xf32, #tpu.memory_space<vmem_shared>>) target(%arg10 : memref<208x128xf32, #tpu.memory_space<vmem>>) target_semaphore(%run_scoped3A_91 : memref<!tpu.dma_semaphore, #tpu.memory_space<semaphore_mem>>)
      %dma_wait3A_96 = arith.constant 0 : i32
      %dma_wait3A_97 = tpu.memref_slice %arg11[%add3A_81, %dma_wait3A_96] : memref<10000x128xf32, #tpu.memory_space<vmem_shared>> -> memref<208x128xf32, #tpu.memory_space<vmem_shared>>
      %dma_wait3A_98 = arith.constant 0 : i32
      %dma_wait3A_99 = tpu.memref_slice %arg11[%add3A_81, %dma_wait3A_98] : memref<10000x128xf32, #tpu.memory_space<vmem_shared>> -> memref<208x128xf32, #tpu.memory_space<vmem_shared>>
      tpu.wait_dma2 semaphore(%run_scoped3A_91 : memref<!tpu.dma_semaphore, #tpu.memory_space<semaphore_mem>>) src(%dma_wait3A_99 : memref<208x128xf32, #tpu.memory_space<vmem_shared>>) dst(%arg10 : memref<208x128xf32, #tpu.memory_space<vmem>>)
      tpu.yield
    }) : () -> ()
    "tpu.region"() ({
      %run_scoped3A_91 = tpu.sem_alloc : memref<!tpu.dma_semaphore, #tpu.memory_space<semaphore_mem>>
      %dma_start3A_92 = arith.constant 0 : i32
      %dma_start3A_93 = arith.constant 0 : i32
      %dma_start3A_94 = tpu.memref_slice %arg6[%arg0, %dma_start3A_92, %dma_start3A_93] : memref<2x10000x128xf32, #tpu.memory_space<hbm>> -> memref<1x10000x128xf32, #tpu.memory_space<hbm>>
      %dma_start3A_95 = tpu.memref_squeeze %dma_start3A_94 : memref<1x10000x128xf32, #tpu.memory_space<hbm>> -> memref<10000x128xf32, #tpu.memory_space<hbm>>
      %dma_start3A_96 = arith.constant 0 : i32
      %dma_start3A_97 = tpu.memref_slice %dma_start3A_95[%add3A_81, %dma_start3A_96] : memref<10000x128xf32, #tpu.memory_space<hbm>> -> memref<208x128xf32, #tpu.memory_space<hbm>>
      %dma_start3A_98 = arith.constant 0 : i32
      %dma_start3A_99 = arith.constant 0 : i32
      %dma_start3A_100 = tpu.memref_slice %arg6[%arg0, %dma_start3A_98, %dma_start3A_99] : memref<2x10000x128xf32, #tpu.memory_space<hbm>> -> memref<1x10000x128xf32, #tpu.memory_space<hbm>>
      %dma_start3A_101 = tpu.memref_squeeze %dma_start3A_100 : memref<1x10000x128xf32, #tpu.memory_space<hbm>> -> memref<10000x128xf32, #tpu.memory_space<hbm>>
      %dma_start3A_102 = arith.constant 0 : i32
      %dma_start3A_103 = tpu.memref_slice %dma_start3A_101[%add3A_81, %dma_start3A_102] : memref<10000x128xf32, #tpu.memory_space<hbm>> -> memref<208x128xf32, #tpu.memory_space<hbm>>
      tpu.enqueue_dma source(%arg10 : memref<208x128xf32, #tpu.memory_space<vmem>>) target(%dma_start3A_103 : memref<208x128xf32, #tpu.memory_space<hbm>>) target_semaphore(%run_scoped3A_91 : memref<!tpu.dma_semaphore, #tpu.memory_space<semaphore_mem>>)
      %dma_wait3A_104 = arith.constant 0 : i32
      %dma_wait3A_105 = arith.constant 0 : i32
      %dma_wait3A_106 = tpu.memref_slice %arg6[%arg0, %dma_wait3A_104, %dma_wait3A_105] : memref<2x10000x128xf32, #tpu.memory_space<hbm>> -> memref<1x10000x128xf32, #tpu.memory_space<hbm>>
      %dma_wait3A_107 = tpu.memref_squeeze %dma_wait3A_106 : memref<1x10000x128xf32, #tpu.memory_space<hbm>> -> memref<10000x128xf32, #tpu.memory_space<hbm>>
      %dma_wait3A_108 = arith.constant 0 : i32
      %dma_wait3A_109 = tpu.memref_slice %dma_wait3A_107[%add3A_81, %dma_wait3A_108] : memref<10000x128xf32, #tpu.memory_space<hbm>> -> memref<208x128xf32, #tpu.memory_space<hbm>>
      %dma_wait3A_110 = arith.constant 0 : i32
      %dma_wait3A_111 = arith.constant 0 : i32
      %dma_wait3A_112 = tpu.memref_slice %arg6[%arg0, %dma_wait3A_110, %dma_wait3A_111] : memref<2x10000x128xf32, #tpu.memory_space<hbm>> -> memref<1x10000x128xf32, #tpu.memory_space<hbm>>
      %dma_wait3A_113 = tpu.memref_squeeze %dma_wait3A_112 : memref<1x10000x128xf32, #tpu.memory_space<hbm>> -> memref<10000x128xf32, #tpu.memory_space<hbm>>
      %dma_wait3A_114 = arith.constant 0 : i32
      %dma_wait3A_115 = tpu.memref_slice %dma_wait3A_113[%add3A_81, %dma_wait3A_114] : memref<10000x128xf32, #tpu.memory_space<hbm>> -> memref<208x128xf32, #tpu.memory_space<hbm>>
      tpu.wait_dma2 semaphore(%run_scoped3A_91 : memref<!tpu.dma_semaphore, #tpu.memory_space<semaphore_mem>>) src(%arg10 : memref<208x128xf32, #tpu.memory_space<vmem>>) dst(%dma_wait3A_115 : memref<208x128xf32, #tpu.memory_space<hbm>>)
      tpu.yield
    }) : () -> ()
    %mul3A_82 = arith.constant 624 : i32
    %mul3A_83 = arith.muli %arg1, %mul3A_82 : i32
    %add3A_84 = arith.constant 416 : i32
    %add3A_85 = arith.addi %mul3A_83, %add3A_84 : i32
    "tpu.region"() ({
      %run_scoped3A_91 = tpu.sem_alloc : memref<!tpu.dma_semaphore, #tpu.memory_space<semaphore_mem>>
      %dma_start3A_92 = arith.constant 0 : i32
      %dma_start3A_93 = tpu.memref_slice %arg11[%add3A_85, %dma_start3A_92] : memref<10000x128xf32, #tpu.memory_space<vmem_shared>> -> memref<208x128xf32, #tpu.memory_space<vmem_shared>>
      %dma_start3A_94 = arith.constant 0 : i32
      %dma_start3A_95 = tpu.memref_slice %arg11[%add3A_85, %dma_start3A_94] : memref<10000x128xf32, #tpu.memory_space<vmem_shared>> -> memref<208x128xf32, #tpu.memory_space<vmem_shared>>
      tpu.enqueue_dma source(%dma_start3A_95 : memref<208x128xf32, #tpu.memory_space<vmem_shared>>) target(%arg10 : memref<208x128xf32, #tpu.memory_space<vmem>>) target_semaphore(%run_scoped3A_91 : memref<!tpu.dma_semaphore, #tpu.memory_space<semaphore_mem>>)
      %dma_wait3A_96 = arith.constant 0 : i32
      %dma_wait3A_97 = tpu.memref_slice %arg11[%add3A_85, %dma_wait3A_96] : memref<10000x128xf32, #tpu.memory_space<vmem_shared>> -> memref<208x128xf32, #tpu.memory_space<vmem_shared>>
      %dma_wait3A_98 = arith.constant 0 : i32
      %dma_wait3A_99 = tpu.memref_slice %arg11[%add3A_85, %dma_wait3A_98] : memref<10000x128xf32, #tpu.memory_space<vmem_shared>> -> memref<208x128xf32, #tpu.memory_space<vmem_shared>>
      tpu.wait_dma2 semaphore(%run_scoped3A_91 : memref<!tpu.dma_semaphore, #tpu.memory_space<semaphore_mem>>) src(%dma_wait3A_99 : memref<208x128xf32, #tpu.memory_space<vmem_shared>>) dst(%arg10 : memref<208x128xf32, #tpu.memory_space<vmem>>)
      tpu.yield
    }) : () -> ()
    "tpu.region"() ({
      %run_scoped3A_91 = tpu.sem_alloc : memref<!tpu.dma_semaphore, #tpu.memory_space<semaphore_mem>>
      %dma_start3A_92 = arith.constant 0 : i32
      %dma_start3A_93 = arith.constant 0 : i32
      %dma_start3A_94 = tpu.memref_slice %arg6[%arg0, %dma_start3A_92, %dma_start3A_93] : memref<2x10000x128xf32, #tpu.memory_space<hbm>> -> memref<1x10000x128xf32, #tpu.memory_space<hbm>>
      %dma_start3A_95 = tpu.memref_squeeze %dma_start3A_94 : memref<1x10000x128xf32, #tpu.memory_space<hbm>> -> memref<10000x128xf32, #tpu.memory_space<hbm>>
      %dma_start3A_96 = arith.constant 0 : i32
      %dma_start3A_97 = tpu.memref_slice %dma_start3A_95[%add3A_85, %dma_start3A_96] : memref<10000x128xf32, #tpu.memory_space<hbm>> -> memref<208x128xf32, #tpu.memory_space<hbm>>
      %dma_start3A_98 = arith.constant 0 : i32
      %dma_start3A_99 = arith.constant 0 : i32
      %dma_start3A_100 = tpu.memref_slice %arg6[%arg0, %dma_start3A_98, %dma_start3A_99] : memref<2x10000x128xf32, #tpu.memory_space<hbm>> -> memref<1x10000x128xf32, #tpu.memory_space<hbm>>
      %dma_start3A_101 = tpu.memref_squeeze %dma_start3A_100 : memref<1x10000x128xf32, #tpu.memory_space<hbm>> -> memref<10000x128xf32, #tpu.memory_space<hbm>>
      %dma_start3A_102 = arith.constant 0 : i32
      %dma_start3A_103 = tpu.memref_slice %dma_start3A_101[%add3A_85, %dma_start3A_102] : memref<10000x128xf32, #tpu.memory_space<hbm>> -> memref<208x128xf32, #tpu.memory_space<hbm>>
      tpu.enqueue_dma source(%arg10 : memref<208x128xf32, #tpu.memory_space<vmem>>) target(%dma_start3A_103 : memref<208x128xf32, #tpu.memory_space<hbm>>) target_semaphore(%run_scoped3A_91 : memref<!tpu.dma_semaphore, #tpu.memory_space<semaphore_mem>>)
      %dma_wait3A_104 = arith.constant 0 : i32
      %dma_wait3A_105 = arith.constant 0 : i32
      %dma_wait3A_106 = tpu.memref_slice %arg6[%arg0, %dma_wait3A_104, %dma_wait3A_105] : memref<2x10000x128xf32, #tpu.memory_space<hbm>> -> memref<1x10000x128xf32, #tpu.memory_space<hbm>>
      %dma_wait3A_107 = tpu.memref_squeeze %dma_wait3A_106 : memref<1x10000x128xf32, #tpu.memory_space<hbm>> -> memref<10000x128xf32, #tpu.memory_space<hbm>>
      %dma_wait3A_108 = arith.constant 0 : i32
      %dma_wait3A_109 = tpu.memref_slice %dma_wait3A_107[%add3A_85, %dma_wait3A_108] : memref<10000x128xf32, #tpu.memory_space<hbm>> -> memref<208x128xf32, #tpu.memory_space<hbm>>
      %dma_wait3A_110 = arith.constant 0 : i32
      %dma_wait3A_111 = arith.constant 0 : i32
      %dma_wait3A_112 = tpu.memref_slice %arg6[%arg0, %dma_wait3A_110, %dma_wait3A_111] : memref<2x10000x128xf32, #tpu.memory_space<hbm>> -> memref<1x10000x128xf32, #tpu.memory_space<hbm>>
      %dma_wait3A_113 = tpu.memref_squeeze %dma_wait3A_112 : memref<1x10000x128xf32, #tpu.memory_space<hbm>> -> memref<10000x128xf32, #tpu.memory_space<hbm>>
      %dma_wait3A_114 = arith.constant 0 : i32
      %dma_wait3A_115 = tpu.memref_slice %dma_wait3A_113[%add3A_85, %dma_wait3A_114] : memref<10000x128xf32, #tpu.memory_space<hbm>> -> memref<208x128xf32, #tpu.memory_space<hbm>>
      tpu.wait_dma2 semaphore(%run_scoped3A_91 : memref<!tpu.dma_semaphore, #tpu.memory_space<semaphore_mem>>) src(%arg10 : memref<208x128xf32, #tpu.memory_space<vmem>>) dst(%dma_wait3A_115 : memref<208x128xf32, #tpu.memory_space<hbm>>)
      tpu.yield
    }) : () -> ()
    %eq3A_86 = arith.constant 0 : i32
    %eq3A_87 = arith.cmpi eq, %arg1, %eq3A_86 : i32
    %convert_element_type3A_88 = arith.extui %eq3A_87 : i1 to i32
    %cond3A_89 = arith.constant 0 : i32
    %cond3A_90 = arith.cmpi ne, %convert_element_type3A_88, %cond3A_89 : i32
    scf.if %cond3A_90 {
      "tpu.region"() ({
        %run_scoped3A_91 = tpu.sem_alloc : memref<!tpu.dma_semaphore, #tpu.memory_space<semaphore_mem>>
        %dma_start3A_92 = arith.constant 0 : i32
        %dma_start3A_93 = arith.constant 0 : i32
        %dma_start3A_94 = tpu.memref_slice %arg10[%dma_start3A_92, %dma_start3A_93] : memref<208x128xf32, #tpu.memory_space<vmem>> -> memref<16x128xf32, #tpu.memory_space<vmem>>
        %dma_start3A_95 = arith.constant 9984 : i32
        %dma_start3A_96 = arith.constant 0 : i32
        %dma_start3A_97 = tpu.memref_slice %arg11[%dma_start3A_95, %dma_start3A_96] : memref<10000x128xf32, #tpu.memory_space<vmem_shared>> -> memref<16x128xf32, #tpu.memory_space<vmem_shared>>
        %dma_start3A_98 = arith.constant 0 : i32
        %dma_start3A_99 = arith.constant 0 : i32
        %dma_start3A_100 = tpu.memref_slice %arg10[%dma_start3A_98, %dma_start3A_99] : memref<208x128xf32, #tpu.memory_space<vmem>> -> memref<16x128xf32, #tpu.memory_space<vmem>>
        %dma_start3A_101 = arith.constant 9984 : i32
        %dma_start3A_102 = arith.constant 0 : i32
        %dma_start3A_103 = tpu.memref_slice %arg11[%dma_start3A_101, %dma_start3A_102] : memref<10000x128xf32, #tpu.memory_space<vmem_shared>> -> memref<16x128xf32, #tpu.memory_space<vmem_shared>>
        tpu.enqueue_dma source(%dma_start3A_103 : memref<16x128xf32, #tpu.memory_space<vmem_shared>>) target(%dma_start3A_100 : memref<16x128xf32, #tpu.memory_space<vmem>>) target_semaphore(%run_scoped3A_91 : memref<!tpu.dma_semaphore, #tpu.memory_space<semaphore_mem>>)
        %dma_wait3A_104 = arith.constant 0 : i32
        %dma_wait3A_105 = arith.constant 0 : i32
        %dma_wait3A_106 = tpu.memref_slice %arg10[%dma_wait3A_104, %dma_wait3A_105] : memref<208x128xf32, #tpu.memory_space<vmem>> -> memref<16x128xf32, #tpu.memory_space<vmem>>
        %dma_wait3A_107 = arith.constant 9984 : i32
        %dma_wait3A_108 = arith.constant 0 : i32
        %dma_wait3A_109 = tpu.memref_slice %arg11[%dma_wait3A_107, %dma_wait3A_108] : memref<10000x128xf32, #tpu.memory_space<vmem_shared>> -> memref<16x128xf32, #tpu.memory_space<vmem_shared>>
        %dma_wait3A_110 = arith.constant 0 : i32
        %dma_wait3A_111 = arith.constant 0 : i32
        %dma_wait3A_112 = tpu.memref_slice %arg10[%dma_wait3A_110, %dma_wait3A_111] : memref<208x128xf32, #tpu.memory_space<vmem>> -> memref<16x128xf32, #tpu.memory_space<vmem>>
        %dma_wait3A_113 = arith.constant 9984 : i32
        %dma_wait3A_114 = arith.constant 0 : i32
        %dma_wait3A_115 = tpu.memref_slice %arg11[%dma_wait3A_113, %dma_wait3A_114] : memref<10000x128xf32, #tpu.memory_space<vmem_shared>> -> memref<16x128xf32, #tpu.memory_space<vmem_shared>>
        tpu.wait_dma2 semaphore(%run_scoped3A_91 : memref<!tpu.dma_semaphore, #tpu.memory_space<semaphore_mem>>) src(%dma_wait3A_115 : memref<16x128xf32, #tpu.memory_space<vmem_shared>>) dst(%dma_wait3A_112 : memref<16x128xf32, #tpu.memory_space<vmem>>)
        tpu.yield
      }) : () -> ()
      "tpu.region"() ({
        %run_scoped3A_91 = tpu.sem_alloc : memref<!tpu.dma_semaphore, #tpu.memory_space<semaphore_mem>>
        %dma_start3A_92 = arith.constant 0 : i32
        %dma_start3A_93 = arith.constant 0 : i32
        %dma_start3A_94 = tpu.memref_slice %arg10[%dma_start3A_92, %dma_start3A_93] : memref<208x128xf32, #tpu.memory_space<vmem>> -> memref<16x128xf32, #tpu.memory_space<vmem>>
        %dma_start3A_95 = arith.constant 0 : i32
        %dma_start3A_96 = arith.constant 0 : i32
        %dma_start3A_97 = tpu.memref_slice %arg6[%arg0, %dma_start3A_95, %dma_start3A_96] : memref<2x10000x128xf32, #tpu.memory_space<hbm>> -> memref<1x10000x128xf32, #tpu.memory_space<hbm>>
        %dma_start3A_98 = tpu.memref_squeeze %dma_start3A_97 : memref<1x10000x128xf32, #tpu.memory_space<hbm>> -> memref<10000x128xf32, #tpu.memory_space<hbm>>
        %dma_start3A_99 = arith.constant 9984 : i32
        %dma_start3A_100 = arith.constant 0 : i32
        %dma_start3A_101 = tpu.memref_slice %dma_start3A_98[%dma_start3A_99, %dma_start3A_100] : memref<10000x128xf32, #tpu.memory_space<hbm>> -> memref<16x128xf32, #tpu.memory_space<hbm>>
        %dma_start3A_102 = arith.constant 0 : i32
        %dma_start3A_103 = arith.constant 0 : i32
        %dma_start3A_104 = tpu.memref_slice %arg6[%arg0, %dma_start3A_102, %dma_start3A_103] : memref<2x10000x128xf32, #tpu.memory_space<hbm>> -> memref<1x10000x128xf32, #tpu.memory_space<hbm>>
        %dma_start3A_105 = tpu.memref_squeeze %dma_start3A_104 : memref<1x10000x128xf32, #tpu.memory_space<hbm>> -> memref<10000x128xf32, #tpu.memory_space<hbm>>
        %dma_start3A_106 = arith.constant 9984 : i32
        %dma_start3A_107 = arith.constant 0 : i32
        %dma_start3A_108 = tpu.memref_slice %dma_start3A_105[%dma_start3A_106, %dma_start3A_107] : memref<10000x128xf32, #tpu.memory_space<hbm>> -> memref<16x128xf32, #tpu.memory_space<hbm>>
        %dma_start3A_109 = arith.constant 0 : i32
        %dma_start3A_110 = arith.constant 0 : i32
        %dma_start3A_111 = tpu.memref_slice %arg10[%dma_start3A_109, %dma_start3A_110] : memref<208x128xf32, #tpu.memory_space<vmem>> -> memref<16x128xf32, #tpu.memory_space<vmem>>
        tpu.enqueue_dma source(%dma_start3A_111 : memref<16x128xf32, #tpu.memory_space<vmem>>) target(%dma_start3A_108 : memref<16x128xf32, #tpu.memory_space<hbm>>) target_semaphore(%run_scoped3A_91 : memref<!tpu.dma_semaphore, #tpu.memory_space<semaphore_mem>>)
        %dma_wait3A_112 = arith.constant 0 : i32
        %dma_wait3A_113 = arith.constant 0 : i32
        %dma_wait3A_114 = tpu.memref_slice %arg10[%dma_wait3A_112, %dma_wait3A_113] : memref<208x128xf32, #tpu.memory_space<vmem>> -> memref<16x128xf32, #tpu.memory_space<vmem>>
        %dma_wait3A_115 = arith.constant 0 : i32
        %dma_wait3A_116 = arith.constant 0 : i32
        %dma_wait3A_117 = tpu.memref_slice %arg6[%arg0, %dma_wait3A_115, %dma_wait3A_116] : memref<2x10000x128xf32, #tpu.memory_space<hbm>> -> memref<1x10000x128xf32, #tpu.memory_space<hbm>>
        %dma_wait3A_118 = tpu.memref_squeeze %dma_wait3A_117 : memref<1x10000x128xf32, #tpu.memory_space<hbm>> -> memref<10000x128xf32, #tpu.memory_space<hbm>>
        %dma_wait3A_119 = arith.constant 9984 : i32
        %dma_wait3A_120 = arith.constant 0 : i32
        %dma_wait3A_121 = tpu.memref_slice %dma_wait3A_118[%dma_wait3A_119, %dma_wait3A_120] : memref<10000x128xf32, #tpu.memory_space<hbm>> -> memref<16x128xf32, #tpu.memory_space<hbm>>
        %dma_wait3A_122 = arith.constant 0 : i32
        %dma_wait3A_123 = arith.constant 0 : i32
        %dma_wait3A_124 = tpu.memref_slice %arg6[%arg0, %dma_wait3A_122, %dma_wait3A_123] : memref<2x10000x128xf32, #tpu.memory_space<hbm>> -> memref<1x10000x128xf32, #tpu.memory_space<hbm>>
        %dma_wait3A_125 = tpu.memref_squeeze %dma_wait3A_124 : memref<1x10000x128xf32, #tpu.memory_space<hbm>> -> memref<10000x128xf32, #tpu.memory_space<hbm>>
        %dma_wait3A_126 = arith.constant 9984 : i32
        %dma_wait3A_127 = arith.constant 0 : i32
        %dma_wait3A_128 = tpu.memref_slice %dma_wait3A_125[%dma_wait3A_126, %dma_wait3A_127] : memref<10000x128xf32, #tpu.memory_space<hbm>> -> memref<16x128xf32, #tpu.memory_space<hbm>>
        %dma_wait3A_129 = arith.constant 0 : i32
        %dma_wait3A_130 = arith.constant 0 : i32
        %dma_wait3A_131 = tpu.memref_slice %arg10[%dma_wait3A_129, %dma_wait3A_130] : memref<208x128xf32, #tpu.memory_space<vmem>> -> memref<16x128xf32, #tpu.memory_space<vmem>>
        tpu.wait_dma2 semaphore(%run_scoped3A_91 : memref<!tpu.dma_semaphore, #tpu.memory_space<semaphore_mem>>) src(%dma_wait3A_131 : memref<16x128xf32, #tpu.memory_space<vmem>>) dst(%dma_wait3A_128 : memref<16x128xf32, #tpu.memory_space<hbm>>)
        tpu.yield
      }) : () -> ()
    } else {
    }
    return
  }
}

#map = affine_map<(d0, d1) -> (0, 0)>
#map1 = affine_map<(d0, d1) -> (0)>
#map2 = affine_map<(d0, d1) -> (0, 0, 0)>
module attributes {stable_mosaic.version = 14 : i64} {
  func.func @_sc_agg_body(%arg0: i32, %arg1: i32, %arg2: memref<10000x128xf32, #tpu.memory_space<hbm>>, %arg3: memref<320000xi32, #tpu.memory_space<hbm>>, %arg4: memref<320000xi32, #tpu.memory_space<hbm>>, %arg5: memref<208x128xf32, #tpu.memory_space<hbm>>, %arg6: memref<2x10000x128xf32, #tpu.memory_space<hbm>>, %arg7: memref<4x80xi32, #tpu.memory_space<vmem>>, %arg8: memref<4x80xi32, #tpu.memory_space<vmem>>, %arg9: memref<2x80x128xf32, #tpu.memory_space<vmem>>, %arg10: memref<208x128xf32, #tpu.memory_space<vmem>>, %arg11: memref<10000x128xf32, #tpu.memory_space<vmem_shared>>, %arg12: memref<!tpu.dma_semaphore, #tpu.memory_space<semaphore_mem>>, %arg13: memref<!tpu.dma_semaphore, #tpu.memory_space<semaphore_mem>>, %arg14: memref<!tpu.dma_semaphore, #tpu.memory_space<semaphore_mem>>, %arg15: memref<!tpu.dma_semaphore, #tpu.memory_space<semaphore_mem>>) attributes {dimension_semantics = [#tpu.dimension_semantics<core_parallel>, #tpu.dimension_semantics<subcore_parallel>], iteration_bounds = array<i64: 2, 16>, scalar_prefetch = 0 : i64, scratch_operands = 9 : i64, tpu.core_type = #tpu.core_type<sc_vector_subcore>, window_params = [{transform_indices = #map}, {transform_indices = #map1}, {transform_indices = #map1}, {transform_indices = #map}, {transform_indices = #map2}]} {
    %mul3A = arith.constant 2 : i32
    %mul3A_0 = arith.muli %arg1, %mul3A : i32
    %add3A = arith.addi %mul3A_0, %arg0 : i32
    %mul3A_1 = arith.constant 10000 : i32
    %mul3A_2 = arith.muli %add3A, %mul3A_1 : i32
    "tpu.region"() ({
      %run_scoped3A_91 = tpu.sem_alloc : memref<!tpu.dma_semaphore, #tpu.memory_space<semaphore_mem>>
      tpu.enqueue_dma source(%arg5 : memref<208x128xf32, #tpu.memory_space<hbm>>) target(%arg10 : memref<208x128xf32, #tpu.memory_space<vmem>>) target_semaphore(%run_scoped3A_91 : memref<!tpu.dma_semaphore, #tpu.memory_space<semaphore_mem>>)
      tpu.wait_dma2 semaphore(%run_scoped3A_91 : memref<!tpu.dma_semaphore, #tpu.memory_space<semaphore_mem>>) src(%arg5 : memref<208x128xf32, #tpu.memory_space<hbm>>) dst(%arg10 : memref<208x128xf32, #tpu.memory_space<vmem>>)
      tpu.yield
    }) : () -> ()
    %mul3A_3 = arith.constant 624 : i32
    %mul3A_4 = arith.muli %arg1, %mul3A_3 : i32
    %add3A_5 = arith.constant 0 : i32
    %add3A_6 = arith.addi %mul3A_4, %add3A_5 : i32
    "tpu.region"() ({
      %run_scoped3A_91 = tpu.sem_alloc : memref<!tpu.dma_semaphore, #tpu.memory_space<semaphore_mem>>
      %dma_start3A_92 = arith.constant 0 : i32
      %dma_start3A_93 = tpu.memref_slice %arg11[%add3A_6, %dma_start3A_92] : memref<10000x128xf32, #tpu.memory_space<vmem_shared>> -> memref<208x128xf32, #tpu.memory_space<vmem_shared>>
      %dma_start3A_94 = arith.constant 0 : i32
      %dma_start3A_95 = tpu.memref_slice %arg11[%add3A_6, %dma_start3A_94] : memref<10000x128xf32, #tpu.memory_space<vmem_shared>> -> memref<208x128xf32, #tpu.memory_space<vmem_shared>>
      tpu.enqueue_dma source(%arg10 : memref<208x128xf32, #tpu.memory_space<vmem>>) target(%dma_start3A_95 : memref<208x128xf32, #tpu.memory_space<vmem_shared>>) target_semaphore(%run_scoped3A_91 : memref<!tpu.dma_semaphore, #tpu.memory_space<semaphore_mem>>)
      %dma_wait3A_96 = arith.constant 0 : i32
      %dma_wait3A_97 = tpu.memref_slice %arg11[%add3A_6, %dma_wait3A_96] : memref<10000x128xf32, #tpu.memory_space<vmem_shared>> -> memref<208x128xf32, #tpu.memory_space<vmem_shared>>
      %dma_wait3A_98 = arith.constant 0 : i32
      %dma_wait3A_99 = tpu.memref_slice %arg11[%add3A_6, %dma_wait3A_98] : memref<10000x128xf32, #tpu.memory_space<vmem_shared>> -> memref<208x128xf32, #tpu.memory_space<vmem_shared>>
      tpu.wait_dma2 semaphore(%run_scoped3A_91 : memref<!tpu.dma_semaphore, #tpu.memory_space<semaphore_mem>>) src(%arg10 : memref<208x128xf32, #tpu.memory_space<vmem>>) dst(%dma_wait3A_99 : memref<208x128xf32, #tpu.memory_space<vmem_shared>>)
      tpu.yield
    }) : () -> ()
    %mul3A_7 = arith.constant 624 : i32
    %mul3A_8 = arith.muli %arg1, %mul3A_7 : i32
    %add3A_9 = arith.constant 208 : i32
    %add3A_10 = arith.addi %mul3A_8, %add3A_9 : i32
    "tpu.region"() ({
      %run_scoped3A_91 = tpu.sem_alloc : memref<!tpu.dma_semaphore, #tpu.memory_space<semaphore_mem>>
      %dma_start3A_92 = arith.constant 0 : i32
      %dma_start3A_93 = tpu.memref_slice %arg11[%add3A_10, %dma_start3A_92] : memref<10000x128xf32, #tpu.memory_space<vmem_shared>> -> memref<208x128xf32, #tpu.memory_space<vmem_shared>>
      %dma_start3A_94 = arith.constant 0 : i32
      %dma_start3A_95 = tpu.memref_slice %arg11[%add3A_10, %dma_start3A_94] : memref<10000x128xf32, #tpu.memory_space<vmem_shared>> -> memref<208x128xf32, #tpu.memory_space<vmem_shared>>
      tpu.enqueue_dma source(%arg10 : memref<208x128xf32, #tpu.memory_space<vmem>>) target(%dma_start3A_95 : memref<208x128xf32, #tpu.memory_space<vmem_shared>>) target_semaphore(%run_scoped3A_91 : memref<!tpu.dma_semaphore, #tpu.memory_space<semaphore_mem>>)
      %dma_wait3A_96 = arith.constant 0 : i32
      %dma_wait3A_97 = tpu.memref_slice %arg11[%add3A_10, %dma_wait3A_96] : memref<10000x128xf32, #tpu.memory_space<vmem_shared>> -> memref<208x128xf32, #tpu.memory_space<vmem_shared>>
      %dma_wait3A_98 = arith.constant 0 : i32
      %dma_wait3A_99 = tpu.memref_slice %arg11[%add3A_10, %dma_wait3A_98] : memref<10000x128xf32, #tpu.memory_space<vmem_shared>> -> memref<208x128xf32, #tpu.memory_space<vmem_shared>>
      tpu.wait_dma2 semaphore(%run_scoped3A_91 : memref<!tpu.dma_semaphore, #tpu.memory_space<semaphore_mem>>) src(%arg10 : memref<208x128xf32, #tpu.memory_space<vmem>>) dst(%dma_wait3A_99 : memref<208x128xf32, #tpu.memory_space<vmem_shared>>)
      tpu.yield
    }) : () -> ()
    %mul3A_11 = arith.constant 624 : i32
    %mul3A_12 = arith.muli %arg1, %mul3A_11 : i32
    %add3A_13 = arith.constant 416 : i32
    %add3A_14 = arith.addi %mul3A_12, %add3A_13 : i32
    "tpu.region"() ({
      %run_scoped3A_91 = tpu.sem_alloc : memref<!tpu.dma_semaphore, #tpu.memory_space<semaphore_mem>>
      %dma_start3A_92 = arith.constant 0 : i32
      %dma_start3A_93 = tpu.memref_slice %arg11[%add3A_14, %dma_start3A_92] : memref<10000x128xf32, #tpu.memory_space<vmem_shared>> -> memref<208x128xf32, #tpu.memory_space<vmem_shared>>
      %dma_start3A_94 = arith.constant 0 : i32
      %dma_start3A_95 = tpu.memref_slice %arg11[%add3A_14, %dma_start3A_94] : memref<10000x128xf32, #tpu.memory_space<vmem_shared>> -> memref<208x128xf32, #tpu.memory_space<vmem_shared>>
      tpu.enqueue_dma source(%arg10 : memref<208x128xf32, #tpu.memory_space<vmem>>) target(%dma_start3A_95 : memref<208x128xf32, #tpu.memory_space<vmem_shared>>) target_semaphore(%run_scoped3A_91 : memref<!tpu.dma_semaphore, #tpu.memory_space<semaphore_mem>>)
      %dma_wait3A_96 = arith.constant 0 : i32
      %dma_wait3A_97 = tpu.memref_slice %arg11[%add3A_14, %dma_wait3A_96] : memref<10000x128xf32, #tpu.memory_space<vmem_shared>> -> memref<208x128xf32, #tpu.memory_space<vmem_shared>>
      %dma_wait3A_98 = arith.constant 0 : i32
      %dma_wait3A_99 = tpu.memref_slice %arg11[%add3A_14, %dma_wait3A_98] : memref<10000x128xf32, #tpu.memory_space<vmem_shared>> -> memref<208x128xf32, #tpu.memory_space<vmem_shared>>
      tpu.wait_dma2 semaphore(%run_scoped3A_91 : memref<!tpu.dma_semaphore, #tpu.memory_space<semaphore_mem>>) src(%arg10 : memref<208x128xf32, #tpu.memory_space<vmem>>) dst(%dma_wait3A_99 : memref<208x128xf32, #tpu.memory_space<vmem_shared>>)
      tpu.yield
    }) : () -> ()
    %eq3A = arith.constant 0 : i32
    %eq3A_15 = arith.cmpi eq, %arg1, %eq3A : i32
    %convert_element_type3A = arith.extui %eq3A_15 : i1 to i32
    %cond3A = arith.constant 0 : i32
    %cond3A_16 = arith.cmpi ne, %convert_element_type3A, %cond3A : i32
    scf.if %cond3A_16 {
      "tpu.region"() ({
        %run_scoped3A_91 = tpu.sem_alloc : memref<!tpu.dma_semaphore, #tpu.memory_space<semaphore_mem>>
        %dma_start3A_92 = arith.constant 0 : i32
        %dma_start3A_93 = arith.constant 0 : i32
        %dma_start3A_94 = tpu.memref_slice %arg10[%dma_start3A_92, %dma_start3A_93] : memref<208x128xf32, #tpu.memory_space<vmem>> -> memref<16x128xf32, #tpu.memory_space<vmem>>
        %dma_start3A_95 = arith.constant 9984 : i32
        %dma_start3A_96 = arith.constant 0 : i32
        %dma_start3A_97 = tpu.memref_slice %arg11[%dma_start3A_95, %dma_start3A_96] : memref<10000x128xf32, #tpu.memory_space<vmem_shared>> -> memref<16x128xf32, #tpu.memory_space<vmem_shared>>
        %dma_start3A_98 = arith.constant 9984 : i32
        %dma_start3A_99 = arith.constant 0 : i32
        %dma_start3A_100 = tpu.memref_slice %arg11[%dma_start3A_98, %dma_start3A_99] : memref<10000x128xf32, #tpu.memory_space<vmem_shared>> -> memref<16x128xf32, #tpu.memory_space<vmem_shared>>
        %dma_start3A_101 = arith.constant 0 : i32
        %dma_start3A_102 = arith.constant 0 : i32
        %dma_start3A_103 = tpu.memref_slice %arg10[%dma_start3A_101, %dma_start3A_102] : memref<208x128xf32, #tpu.memory_space<vmem>> -> memref<16x128xf32, #tpu.memory_space<vmem>>
        tpu.enqueue_dma source(%dma_start3A_103 : memref<16x128xf32, #tpu.memory_space<vmem>>) target(%dma_start3A_100 : memref<16x128xf32, #tpu.memory_space<vmem_shared>>) target_semaphore(%run_scoped3A_91 : memref<!tpu.dma_semaphore, #tpu.memory_space<semaphore_mem>>)
        %dma_wait3A_104 = arith.constant 0 : i32
        %dma_wait3A_105 = arith.constant 0 : i32
        %dma_wait3A_106 = tpu.memref_slice %arg10[%dma_wait3A_104, %dma_wait3A_105] : memref<208x128xf32, #tpu.memory_space<vmem>> -> memref<16x128xf32, #tpu.memory_space<vmem>>
        %dma_wait3A_107 = arith.constant 9984 : i32
        %dma_wait3A_108 = arith.constant 0 : i32
        %dma_wait3A_109 = tpu.memref_slice %arg11[%dma_wait3A_107, %dma_wait3A_108] : memref<10000x128xf32, #tpu.memory_space<vmem_shared>> -> memref<16x128xf32, #tpu.memory_space<vmem_shared>>
        %dma_wait3A_110 = arith.constant 9984 : i32
        %dma_wait3A_111 = arith.constant 0 : i32
        %dma_wait3A_112 = tpu.memref_slice %arg11[%dma_wait3A_110, %dma_wait3A_111] : memref<10000x128xf32, #tpu.memory_space<vmem_shared>> -> memref<16x128xf32, #tpu.memory_space<vmem_shared>>
        %dma_wait3A_113 = arith.constant 0 : i32
        %dma_wait3A_114 = arith.constant 0 : i32
        %dma_wait3A_115 = tpu.memref_slice %arg10[%dma_wait3A_113, %dma_wait3A_114] : memref<208x128xf32, #tpu.memory_space<vmem>> -> memref<16x128xf32, #tpu.memory_space<vmem>>
        tpu.wait_dma2 semaphore(%run_scoped3A_91 : memref<!tpu.dma_semaphore, #tpu.memory_space<semaphore_mem>>) src(%dma_wait3A_115 : memref<16x128xf32, #tpu.memory_space<vmem>>) dst(%dma_wait3A_112 : memref<16x128xf32, #tpu.memory_space<vmem_shared>>)
        tpu.yield
      }) : () -> ()
    } else {
    }
    %add3A_17 = arith.constant 0 : i32
    %add3A_18 = arith.addi %mul3A_2, %add3A_17 : i32
    %run_scoped3A = arith.constant 0 : i32
    "tpu.region"() ({
      %run_scoped3A_91 = tpu.sem_alloc : memref<!tpu.dma_semaphore, #tpu.memory_space<semaphore_mem>>
      %dma_start3A_92 = arith.constant 0 : i32
      %dma_start3A_93 = tpu.memref_slice %arg7[%run_scoped3A, %dma_start3A_92] : memref<4x80xi32, #tpu.memory_space<vmem>> -> memref<1x80xi32, #tpu.memory_space<vmem>>
      %dma_start3A_94 = tpu.memref_squeeze %dma_start3A_93 : memref<1x80xi32, #tpu.memory_space<vmem>> -> memref<80xi32, #tpu.memory_space<vmem>>
      %dma_start3A_95 = tpu.memref_slice %arg3[%add3A_18] : memref<320000xi32, #tpu.memory_space<hbm>> -> memref<80xi32, #tpu.memory_space<hbm>>
      %dma_start3A_96 = arith.constant 0 : i32
      %dma_start3A_97 = tpu.memref_slice %arg7[%run_scoped3A, %dma_start3A_96] : memref<4x80xi32, #tpu.memory_space<vmem>> -> memref<1x80xi32, #tpu.memory_space<vmem>>
      %dma_start3A_98 = tpu.memref_squeeze %dma_start3A_97 : memref<1x80xi32, #tpu.memory_space<vmem>> -> memref<80xi32, #tpu.memory_space<vmem>>
      %dma_start3A_99 = tpu.memref_slice %arg3[%add3A_18] : memref<320000xi32, #tpu.memory_space<hbm>> -> memref<80xi32, #tpu.memory_space<hbm>>
      tpu.enqueue_dma source(%dma_start3A_99 : memref<80xi32, #tpu.memory_space<hbm>>) target(%dma_start3A_98 : memref<80xi32, #tpu.memory_space<vmem>>) target_semaphore(%run_scoped3A_91 : memref<!tpu.dma_semaphore, #tpu.memory_space<semaphore_mem>>)
      %dma_wait3A_100 = arith.constant 0 : i32
      %dma_wait3A_101 = tpu.memref_slice %arg7[%run_scoped3A, %dma_wait3A_100] : memref<4x80xi32, #tpu.memory_space<vmem>> -> memref<1x80xi32, #tpu.memory_space<vmem>>
      %dma_wait3A_102 = tpu.memref_squeeze %dma_wait3A_101 : memref<1x80xi32, #tpu.memory_space<vmem>> -> memref<80xi32, #tpu.memory_space<vmem>>
      %dma_wait3A_103 = tpu.memref_slice %arg3[%add3A_18] : memref<320000xi32, #tpu.memory_space<hbm>> -> memref<80xi32, #tpu.memory_space<hbm>>
      %dma_wait3A_104 = arith.constant 0 : i32
      %dma_wait3A_105 = tpu.memref_slice %arg7[%run_scoped3A, %dma_wait3A_104] : memref<4x80xi32, #tpu.memory_space<vmem>> -> memref<1x80xi32, #tpu.memory_space<vmem>>
      %dma_wait3A_106 = tpu.memref_squeeze %dma_wait3A_105 : memref<1x80xi32, #tpu.memory_space<vmem>> -> memref<80xi32, #tpu.memory_space<vmem>>
      %dma_wait3A_107 = tpu.memref_slice %arg3[%add3A_18] : memref<320000xi32, #tpu.memory_space<hbm>> -> memref<80xi32, #tpu.memory_space<hbm>>
      tpu.wait_dma2 semaphore(%run_scoped3A_91 : memref<!tpu.dma_semaphore, #tpu.memory_space<semaphore_mem>>) src(%dma_wait3A_107 : memref<80xi32, #tpu.memory_space<hbm>>) dst(%dma_wait3A_106 : memref<80xi32, #tpu.memory_space<vmem>>)
      tpu.yield
    }) : () -> ()
    %add3A_19 = arith.constant 0 : i32
    %add3A_20 = arith.addi %mul3A_2, %add3A_19 : i32
    %run_scoped3A_21 = arith.constant 0 : i32
    "tpu.region"() ({
      %run_scoped3A_91 = tpu.sem_alloc : memref<!tpu.dma_semaphore, #tpu.memory_space<semaphore_mem>>
      %dma_start3A_92 = arith.constant 0 : i32
      %dma_start3A_93 = tpu.memref_slice %arg8[%run_scoped3A_21, %dma_start3A_92] : memref<4x80xi32, #tpu.memory_space<vmem>> -> memref<1x80xi32, #tpu.memory_space<vmem>>
      %dma_start3A_94 = tpu.memref_squeeze %dma_start3A_93 : memref<1x80xi32, #tpu.memory_space<vmem>> -> memref<80xi32, #tpu.memory_space<vmem>>
      %dma_start3A_95 = tpu.memref_slice %arg4[%add3A_20] : memref<320000xi32, #tpu.memory_space<hbm>> -> memref<80xi32, #tpu.memory_space<hbm>>
      %dma_start3A_96 = arith.constant 0 : i32
      %dma_start3A_97 = tpu.memref_slice %arg8[%run_scoped3A_21, %dma_start3A_96] : memref<4x80xi32, #tpu.memory_space<vmem>> -> memref<1x80xi32, #tpu.memory_space<vmem>>
      %dma_start3A_98 = tpu.memref_squeeze %dma_start3A_97 : memref<1x80xi32, #tpu.memory_space<vmem>> -> memref<80xi32, #tpu.memory_space<vmem>>
      %dma_start3A_99 = tpu.memref_slice %arg4[%add3A_20] : memref<320000xi32, #tpu.memory_space<hbm>> -> memref<80xi32, #tpu.memory_space<hbm>>
      tpu.enqueue_dma source(%dma_start3A_99 : memref<80xi32, #tpu.memory_space<hbm>>) target(%dma_start3A_98 : memref<80xi32, #tpu.memory_space<vmem>>) target_semaphore(%run_scoped3A_91 : memref<!tpu.dma_semaphore, #tpu.memory_space<semaphore_mem>>)
      %dma_wait3A_100 = arith.constant 0 : i32
      %dma_wait3A_101 = tpu.memref_slice %arg8[%run_scoped3A_21, %dma_wait3A_100] : memref<4x80xi32, #tpu.memory_space<vmem>> -> memref<1x80xi32, #tpu.memory_space<vmem>>
      %dma_wait3A_102 = tpu.memref_squeeze %dma_wait3A_101 : memref<1x80xi32, #tpu.memory_space<vmem>> -> memref<80xi32, #tpu.memory_space<vmem>>
      %dma_wait3A_103 = tpu.memref_slice %arg4[%add3A_20] : memref<320000xi32, #tpu.memory_space<hbm>> -> memref<80xi32, #tpu.memory_space<hbm>>
      %dma_wait3A_104 = arith.constant 0 : i32
      %dma_wait3A_105 = tpu.memref_slice %arg8[%run_scoped3A_21, %dma_wait3A_104] : memref<4x80xi32, #tpu.memory_space<vmem>> -> memref<1x80xi32, #tpu.memory_space<vmem>>
      %dma_wait3A_106 = tpu.memref_squeeze %dma_wait3A_105 : memref<1x80xi32, #tpu.memory_space<vmem>> -> memref<80xi32, #tpu.memory_space<vmem>>
      %dma_wait3A_107 = tpu.memref_slice %arg4[%add3A_20] : memref<320000xi32, #tpu.memory_space<hbm>> -> memref<80xi32, #tpu.memory_space<hbm>>
      tpu.wait_dma2 semaphore(%run_scoped3A_91 : memref<!tpu.dma_semaphore, #tpu.memory_space<semaphore_mem>>) src(%dma_wait3A_107 : memref<80xi32, #tpu.memory_space<hbm>>) dst(%dma_wait3A_106 : memref<80xi32, #tpu.memory_space<vmem>>)
      tpu.yield
    }) : () -> ()
    %add3A_22 = arith.constant 80 : i32
    %add3A_23 = arith.addi %mul3A_2, %add3A_22 : i32
    %dma_start3A = arith.constant 1 : i32
    %dma_start3A_24 = arith.constant 0 : i32
    %dma_start3A_25 = tpu.memref_slice %arg7[%dma_start3A, %dma_start3A_24] : memref<4x80xi32, #tpu.memory_space<vmem>> -> memref<1x80xi32, #tpu.memory_space<vmem>>
    %dma_start3A_26 = tpu.memref_squeeze %dma_start3A_25 : memref<1x80xi32, #tpu.memory_space<vmem>> -> memref<80xi32, #tpu.memory_space<vmem>>
    %dma_start3A_27 = tpu.memref_slice %arg3[%add3A_23] : memref<320000xi32, #tpu.memory_space<hbm>> -> memref<80xi32, #tpu.memory_space<hbm>>
    %dma_start3A_28 = arith.constant 0 : i32
    %dma_start3A_29 = tpu.memref_slice %arg7[%dma_start3A, %dma_start3A_28] : memref<4x80xi32, #tpu.memory_space<vmem>> -> memref<1x80xi32, #tpu.memory_space<vmem>>
    %dma_start3A_30 = tpu.memref_squeeze %dma_start3A_29 : memref<1x80xi32, #tpu.memory_space<vmem>> -> memref<80xi32, #tpu.memory_space<vmem>>
    %dma_start3A_31 = tpu.memref_slice %arg3[%add3A_23] : memref<320000xi32, #tpu.memory_space<hbm>> -> memref<80xi32, #tpu.memory_space<hbm>>
    tpu.enqueue_dma source(%dma_start3A_31 : memref<80xi32, #tpu.memory_space<hbm>>) target(%dma_start3A_30 : memref<80xi32, #tpu.memory_space<vmem>>) target_semaphore(%arg15 : memref<!tpu.dma_semaphore, #tpu.memory_space<semaphore_mem>>)
    %add3A_32 = arith.constant 80 : i32
    %add3A_33 = arith.addi %mul3A_2, %add3A_32 : i32
    %dma_start3A_34 = arith.constant 1 : i32
    %dma_start3A_35 = arith.constant 0 : i32
    %dma_start3A_36 = tpu.memref_slice %arg8[%dma_start3A_34, %dma_start3A_35] : memref<4x80xi32, #tpu.memory_space<vmem>> -> memref<1x80xi32, #tpu.memory_space<vmem>>
    %dma_start3A_37 = tpu.memref_squeeze %dma_start3A_36 : memref<1x80xi32, #tpu.memory_space<vmem>> -> memref<80xi32, #tpu.memory_space<vmem>>
    %dma_start3A_38 = tpu.memref_slice %arg4[%add3A_33] : memref<320000xi32, #tpu.memory_space<hbm>> -> memref<80xi32, #tpu.memory_space<hbm>>
    %dma_start3A_39 = arith.constant 0 : i32
    %dma_start3A_40 = tpu.memref_slice %arg8[%dma_start3A_34, %dma_start3A_39] : memref<4x80xi32, #tpu.memory_space<vmem>> -> memref<1x80xi32, #tpu.memory_space<vmem>>
    %dma_start3A_41 = tpu.memref_squeeze %dma_start3A_40 : memref<1x80xi32, #tpu.memory_space<vmem>> -> memref<80xi32, #tpu.memory_space<vmem>>
    %dma_start3A_42 = tpu.memref_slice %arg4[%add3A_33] : memref<320000xi32, #tpu.memory_space<hbm>> -> memref<80xi32, #tpu.memory_space<hbm>>
    tpu.enqueue_dma source(%dma_start3A_42 : memref<80xi32, #tpu.memory_space<hbm>>) target(%dma_start3A_41 : memref<80xi32, #tpu.memory_space<vmem>>) target_semaphore(%arg15 : memref<!tpu.dma_semaphore, #tpu.memory_space<semaphore_mem>>)
    %dma_start3A_43 = arith.constant 0 : i32
    %dma_start3A_44 = arith.constant 0 : i32
    %dma_start3A_45 = arith.constant 0 : i32
    %dma_start3A_46 = arith.constant 0 : i32
    %dma_start3A_47 = tpu.memref_slice %arg9[%dma_start3A_44, %dma_start3A_45, %dma_start3A_46] : memref<2x80x128xf32, #tpu.memory_space<vmem>> -> memref<1x80x128xf32, #tpu.memory_space<vmem>>
    %dma_start3A_48 = tpu.memref_squeeze %dma_start3A_47 : memref<1x80x128xf32, #tpu.memory_space<vmem>> -> memref<80x128xf32, #tpu.memory_space<vmem>>
    %dma_start3A_49 = arith.constant 0 : i32
    %dma_start3A_50 = tpu.memref_slice %arg7[%dma_start3A_43, %dma_start3A_49] : memref<4x80xi32, #tpu.memory_space<vmem>> -> memref<1x80xi32, #tpu.memory_space<vmem>>
    %dma_start3A_51 = tpu.memref_squeeze %dma_start3A_50 : memref<1x80xi32, #tpu.memory_space<vmem>> -> memref<80xi32, #tpu.memory_space<vmem>>
    %dma_start3A_52 = arith.constant 0 : i32
    %dma_start3A_53 = arith.constant 0 : i32
    %dma_start3A_54 = tpu.memref_slice %arg2[%dma_start3A_52, %dma_start3A_53] : memref<10000x128xf32, #tpu.memory_space<hbm>> -> memref<10000x128xf32, #tpu.memory_space<hbm>>
    tpu.enqueue_indirect_dma source(%dma_start3A_54 : memref<10000x128xf32, #tpu.memory_space<hbm>>) target(%dma_start3A_48 : memref<80x128xf32, #tpu.memory_space<vmem>>) offsets(%dma_start3A_51 : memref<80xi32, #tpu.memory_space<vmem>>) semaphore(%arg12 : memref<!tpu.dma_semaphore, #tpu.memory_space<semaphore_mem>>)
    %barrier3A = arith.constant 0 : index
    tpu.barrier barrier_id(%barrier3A)
    %scan3A = arith.constant 0 : i32
    %scan3A_55 = arith.constant 0 : i32
    %scan3A_56 = arith.constant 31 : i32
    %scan3A_57 = arith.addi %scan3A_55, %scan3A_56 : i32
    %scan3A_58 = arith.constant 1 : i32
    scf.for %scan3A_91 = %scan3A_55 to %scan3A_57 step %scan3A_58  : i32 {
      %mul3A_92 = arith.constant 4 : i32
      %mul3A_93 = arith.muli %mul3A_92, %scan3A_91 : i32
      %add3A_94 = arith.constant 0 : i32
      %add3A_95 = arith.addi %mul3A_93, %add3A_94 : i32
      %add3A_96 = arith.constant 1 : i32
      %add3A_97 = arith.addi %add3A_95, %add3A_96 : i32
      %mul3A_98 = arith.constant 80 : i32
      %mul3A_99 = arith.muli %add3A_97, %mul3A_98 : i32
      %add3A_100 = arith.addi %mul3A_2, %mul3A_99 : i32
      %dma_wait3A_101 = arith.constant 1 : i32
      %dma_wait3A_102 = arith.constant 0 : i32
      %dma_wait3A_103 = tpu.memref_slice %arg7[%dma_wait3A_101, %dma_wait3A_102] : memref<4x80xi32, #tpu.memory_space<vmem>> -> memref<1x80xi32, #tpu.memory_space<vmem>>
      %dma_wait3A_104 = tpu.memref_squeeze %dma_wait3A_103 : memref<1x80xi32, #tpu.memory_space<vmem>> -> memref<80xi32, #tpu.memory_space<vmem>>
      %dma_wait3A_105 = tpu.memref_slice %arg3[%add3A_100] : memref<320000xi32, #tpu.memory_space<hbm>> -> memref<80xi32, #tpu.memory_space<hbm>>
      %dma_wait3A_106 = arith.constant 0 : i32
      %dma_wait3A_107 = tpu.memref_slice %arg7[%dma_wait3A_101, %dma_wait3A_106] : memref<4x80xi32, #tpu.memory_space<vmem>> -> memref<1x80xi32, #tpu.memory_space<vmem>>
      %dma_wait3A_108 = tpu.memref_squeeze %dma_wait3A_107 : memref<1x80xi32, #tpu.memory_space<vmem>> -> memref<80xi32, #tpu.memory_space<vmem>>
      %dma_wait3A_109 = tpu.memref_slice %arg3[%add3A_100] : memref<320000xi32, #tpu.memory_space<hbm>> -> memref<80xi32, #tpu.memory_space<hbm>>
      tpu.wait_dma2 semaphore(%arg15 : memref<!tpu.dma_semaphore, #tpu.memory_space<semaphore_mem>>) src(%dma_wait3A_109 : memref<80xi32, #tpu.memory_space<hbm>>) dst(%dma_wait3A_108 : memref<80xi32, #tpu.memory_space<vmem>>)
      %mul3A_110 = arith.constant 80 : i32
      %mul3A_111 = arith.muli %add3A_97, %mul3A_110 : i32
      %add3A_112 = arith.addi %mul3A_2, %mul3A_111 : i32
      %dma_wait3A_113 = arith.constant 1 : i32
      %dma_wait3A_114 = arith.constant 0 : i32
      %dma_wait3A_115 = tpu.memref_slice %arg8[%dma_wait3A_113, %dma_wait3A_114] : memref<4x80xi32, #tpu.memory_space<vmem>> -> memref<1x80xi32, #tpu.memory_space<vmem>>
      %dma_wait3A_116 = tpu.memref_squeeze %dma_wait3A_115 : memref<1x80xi32, #tpu.memory_space<vmem>> -> memref<80xi32, #tpu.memory_space<vmem>>
      %dma_wait3A_117 = tpu.memref_slice %arg4[%add3A_112] : memref<320000xi32, #tpu.memory_space<hbm>> -> memref<80xi32, #tpu.memory_space<hbm>>
      %dma_wait3A_118 = arith.constant 0 : i32
      %dma_wait3A_119 = tpu.memref_slice %arg8[%dma_wait3A_113, %dma_wait3A_118] : memref<4x80xi32, #tpu.memory_space<vmem>> -> memref<1x80xi32, #tpu.memory_space<vmem>>
      %dma_wait3A_120 = tpu.memref_squeeze %dma_wait3A_119 : memref<1x80xi32, #tpu.memory_space<vmem>> -> memref<80xi32, #tpu.memory_space<vmem>>
      %dma_wait3A_121 = tpu.memref_slice %arg4[%add3A_112] : memref<320000xi32, #tpu.memory_space<hbm>> -> memref<80xi32, #tpu.memory_space<hbm>>
      tpu.wait_dma2 semaphore(%arg15 : memref<!tpu.dma_semaphore, #tpu.memory_space<semaphore_mem>>) src(%dma_wait3A_121 : memref<80xi32, #tpu.memory_space<hbm>>) dst(%dma_wait3A_120 : memref<80xi32, #tpu.memory_space<vmem>>)
      %dma_start3A_122 = arith.constant 1 : i32
      %dma_start3A_123 = arith.constant 1 : i32
      %dma_start3A_124 = arith.constant 0 : i32
      %dma_start3A_125 = arith.constant 0 : i32
      %dma_start3A_126 = tpu.memref_slice %arg9[%dma_start3A_123, %dma_start3A_124, %dma_start3A_125] : memref<2x80x128xf32, #tpu.memory_space<vmem>> -> memref<1x80x128xf32, #tpu.memory_space<vmem>>
      %dma_start3A_127 = tpu.memref_squeeze %dma_start3A_126 : memref<1x80x128xf32, #tpu.memory_space<vmem>> -> memref<80x128xf32, #tpu.memory_space<vmem>>
      %dma_start3A_128 = arith.constant 0 : i32
      %dma_start3A_129 = tpu.memref_slice %arg7[%dma_start3A_122, %dma_start3A_128] : memref<4x80xi32, #tpu.memory_space<vmem>> -> memref<1x80xi32, #tpu.memory_space<vmem>>
      %dma_start3A_130 = tpu.memref_squeeze %dma_start3A_129 : memref<1x80xi32, #tpu.memory_space<vmem>> -> memref<80xi32, #tpu.memory_space<vmem>>
      %dma_start3A_131 = arith.constant 0 : i32
      %dma_start3A_132 = arith.constant 0 : i32
      %dma_start3A_133 = tpu.memref_slice %arg2[%dma_start3A_131, %dma_start3A_132] : memref<10000x128xf32, #tpu.memory_space<hbm>> -> memref<10000x128xf32, #tpu.memory_space<hbm>>
      tpu.enqueue_indirect_dma source(%dma_start3A_133 : memref<10000x128xf32, #tpu.memory_space<hbm>>) target(%dma_start3A_127 : memref<80x128xf32, #tpu.memory_space<vmem>>) offsets(%dma_start3A_130 : memref<80xi32, #tpu.memory_space<vmem>>) semaphore(%arg13 : memref<!tpu.dma_semaphore, #tpu.memory_space<semaphore_mem>>)
      %add3A_134 = arith.constant 2 : i32
      %add3A_135 = arith.addi %add3A_95, %add3A_134 : i32
      %lt3A = arith.constant 125 : i32
      %lt3A_136 = arith.cmpi slt, %add3A_135, %lt3A : i32
      %convert_element_type3A_137 = arith.extui %lt3A_136 : i1 to i32
      %cond3A_138 = arith.constant 0 : i32
      %cond3A_139 = arith.cmpi ne, %convert_element_type3A_137, %cond3A_138 : i32
      scf.if %cond3A_139 {
        %add3A_343 = arith.constant 2 : i32
        %add3A_344 = arith.addi %add3A_95, %add3A_343 : i32
        %mul3A_345 = arith.constant 80 : i32
        %mul3A_346 = arith.muli %add3A_344, %mul3A_345 : i32
        %add3A_347 = arith.addi %mul3A_2, %mul3A_346 : i32
        %dma_start3A_348 = arith.constant 2 : i32
        %dma_start3A_349 = arith.constant 0 : i32
        %dma_start3A_350 = tpu.memref_slice %arg7[%dma_start3A_348, %dma_start3A_349] : memref<4x80xi32, #tpu.memory_space<vmem>> -> memref<1x80xi32, #tpu.memory_space<vmem>>
        %dma_start3A_351 = tpu.memref_squeeze %dma_start3A_350 : memref<1x80xi32, #tpu.memory_space<vmem>> -> memref<80xi32, #tpu.memory_space<vmem>>
        %dma_start3A_352 = tpu.memref_slice %arg3[%add3A_347] : memref<320000xi32, #tpu.memory_space<hbm>> -> memref<80xi32, #tpu.memory_space<hbm>>
        %dma_start3A_353 = arith.constant 0 : i32
        %dma_start3A_354 = tpu.memref_slice %arg7[%dma_start3A_348, %dma_start3A_353] : memref<4x80xi32, #tpu.memory_space<vmem>> -> memref<1x80xi32, #tpu.memory_space<vmem>>
        %dma_start3A_355 = tpu.memref_squeeze %dma_start3A_354 : memref<1x80xi32, #tpu.memory_space<vmem>> -> memref<80xi32, #tpu.memory_space<vmem>>
        %dma_start3A_356 = tpu.memref_slice %arg3[%add3A_347] : memref<320000xi32, #tpu.memory_space<hbm>> -> memref<80xi32, #tpu.memory_space<hbm>>
        tpu.enqueue_dma source(%dma_start3A_356 : memref<80xi32, #tpu.memory_space<hbm>>) target(%dma_start3A_355 : memref<80xi32, #tpu.memory_space<vmem>>) target_semaphore(%arg14 : memref<!tpu.dma_semaphore, #tpu.memory_space<semaphore_mem>>)
        %mul3A_357 = arith.constant 80 : i32
        %mul3A_358 = arith.muli %add3A_344, %mul3A_357 : i32
        %add3A_359 = arith.addi %mul3A_2, %mul3A_358 : i32
        %dma_start3A_360 = arith.constant 2 : i32
        %dma_start3A_361 = arith.constant 0 : i32
        %dma_start3A_362 = tpu.memref_slice %arg8[%dma_start3A_360, %dma_start3A_361] : memref<4x80xi32, #tpu.memory_space<vmem>> -> memref<1x80xi32, #tpu.memory_space<vmem>>
        %dma_start3A_363 = tpu.memref_squeeze %dma_start3A_362 : memref<1x80xi32, #tpu.memory_space<vmem>> -> memref<80xi32, #tpu.memory_space<vmem>>
        %dma_start3A_364 = tpu.memref_slice %arg4[%add3A_359] : memref<320000xi32, #tpu.memory_space<hbm>> -> memref<80xi32, #tpu.memory_space<hbm>>
        %dma_start3A_365 = arith.constant 0 : i32
        %dma_start3A_366 = tpu.memref_slice %arg8[%dma_start3A_360, %dma_start3A_365] : memref<4x80xi32, #tpu.memory_space<vmem>> -> memref<1x80xi32, #tpu.memory_space<vmem>>
        %dma_start3A_367 = tpu.memref_squeeze %dma_start3A_366 : memref<1x80xi32, #tpu.memory_space<vmem>> -> memref<80xi32, #tpu.memory_space<vmem>>
        %dma_start3A_368 = tpu.memref_slice %arg4[%add3A_359] : memref<320000xi32, #tpu.memory_space<hbm>> -> memref<80xi32, #tpu.memory_space<hbm>>
        tpu.enqueue_dma source(%dma_start3A_368 : memref<80xi32, #tpu.memory_space<hbm>>) target(%dma_start3A_367 : memref<80xi32, #tpu.memory_space<vmem>>) target_semaphore(%arg14 : memref<!tpu.dma_semaphore, #tpu.memory_space<semaphore_mem>>)
      } else {
      }
      %dma_wait3A_140 = arith.constant 0 : i32
      %dma_wait3A_141 = arith.constant 0 : i32
      %dma_wait3A_142 = arith.constant 0 : i32
      %dma_wait3A_143 = arith.constant 0 : i32
      %dma_wait3A_144 = tpu.memref_slice %arg9[%dma_wait3A_141, %dma_wait3A_142, %dma_wait3A_143] : memref<2x80x128xf32, #tpu.memory_space<vmem>> -> memref<1x80x128xf32, #tpu.memory_space<vmem>>
      %dma_wait3A_145 = tpu.memref_squeeze %dma_wait3A_144 : memref<1x80x128xf32, #tpu.memory_space<vmem>> -> memref<80x128xf32, #tpu.memory_space<vmem>>
      %dma_wait3A_146 = arith.constant 0 : i32
      %dma_wait3A_147 = tpu.memref_slice %arg7[%dma_wait3A_140, %dma_wait3A_146] : memref<4x80xi32, #tpu.memory_space<vmem>> -> memref<1x80xi32, #tpu.memory_space<vmem>>
      %dma_wait3A_148 = tpu.memref_squeeze %dma_wait3A_147 : memref<1x80xi32, #tpu.memory_space<vmem>> -> memref<80xi32, #tpu.memory_space<vmem>>
      %dma_wait3A_149 = arith.constant 0 : i32
      %dma_wait3A_150 = arith.constant 0 : i32
      %dma_wait3A_151 = tpu.memref_slice %arg2[%dma_wait3A_149, %dma_wait3A_150] : memref<10000x128xf32, #tpu.memory_space<hbm>> -> memref<10000x128xf32, #tpu.memory_space<hbm>>
      tpu.wait_indirect_dma semaphore(%arg12 : memref<!tpu.dma_semaphore, #tpu.memory_space<semaphore_mem>>) src(%dma_wait3A_151 : memref<10000x128xf32, #tpu.memory_space<hbm>>) dst(%dma_wait3A_145 : memref<80x128xf32, #tpu.memory_space<vmem>>)
      %run_scoped3A_152 = arith.constant 0 : i32
      %run_scoped3A_153 = arith.constant 0 : i32
      "tpu.region"() ({
        %run_scoped3A_343 = tpu.sem_alloc : memref<!tpu.dma_semaphore, #tpu.memory_space<semaphore_mem>>
        %dma_start3A_344 = arith.constant 0 : i32
        %dma_start3A_345 = arith.constant 0 : i32
        %dma_start3A_346 = tpu.memref_slice %arg9[%run_scoped3A_152, %dma_start3A_344, %dma_start3A_345] : memref<2x80x128xf32, #tpu.memory_space<vmem>> -> memref<1x80x128xf32, #tpu.memory_space<vmem>>
        %dma_start3A_347 = tpu.memref_squeeze %dma_start3A_346 : memref<1x80x128xf32, #tpu.memory_space<vmem>> -> memref<80x128xf32, #tpu.memory_space<vmem>>
        %dma_start3A_348 = arith.constant 0 : i32
        %dma_start3A_349 = tpu.memref_slice %arg8[%run_scoped3A_153, %dma_start3A_348] : memref<4x80xi32, #tpu.memory_space<vmem>> -> memref<1x80xi32, #tpu.memory_space<vmem>>
        %dma_start3A_350 = tpu.memref_squeeze %dma_start3A_349 : memref<1x80xi32, #tpu.memory_space<vmem>> -> memref<80xi32, #tpu.memory_space<vmem>>
        %dma_start3A_351 = arith.constant 0 : i32
        %dma_start3A_352 = arith.constant 0 : i32
        %dma_start3A_353 = tpu.memref_slice %arg11[%dma_start3A_351, %dma_start3A_352] : memref<10000x128xf32, #tpu.memory_space<vmem_shared>> -> memref<10000x128xf32, #tpu.memory_space<vmem_shared>>
        tpu.enqueue_indirect_dma source(%dma_start3A_347 : memref<80x128xf32, #tpu.memory_space<vmem>>) target(%dma_start3A_353 : memref<10000x128xf32, #tpu.memory_space<vmem_shared>>) offsets(%dma_start3A_350 : memref<80xi32, #tpu.memory_space<vmem>>) semaphore(%run_scoped3A_343 : memref<!tpu.dma_semaphore, #tpu.memory_space<semaphore_mem>>) {add = true}
        %dma_wait3A_354 = arith.constant 0 : i32
        %dma_wait3A_355 = arith.constant 0 : i32
        %dma_wait3A_356 = tpu.memref_slice %arg9[%run_scoped3A_152, %dma_wait3A_354, %dma_wait3A_355] : memref<2x80x128xf32, #tpu.memory_space<vmem>> -> memref<1x80x128xf32, #tpu.memory_space<vmem>>
        %dma_wait3A_357 = tpu.memref_squeeze %dma_wait3A_356 : memref<1x80x128xf32, #tpu.memory_space<vmem>> -> memref<80x128xf32, #tpu.memory_space<vmem>>
        %dma_wait3A_358 = arith.constant 0 : i32
        %dma_wait3A_359 = tpu.memref_slice %arg8[%run_scoped3A_153, %dma_wait3A_358] : memref<4x80xi32, #tpu.memory_space<vmem>> -> memref<1x80xi32, #tpu.memory_space<vmem>>
        %dma_wait3A_360 = tpu.memref_squeeze %dma_wait3A_359 : memref<1x80xi32, #tpu.memory_space<vmem>> -> memref<80xi32, #tpu.memory_space<vmem>>
        %dma_wait3A_361 = arith.constant 0 : i32
        %dma_wait3A_362 = arith.constant 0 : i32
        %dma_wait3A_363 = tpu.memref_slice %arg11[%dma_wait3A_361, %dma_wait3A_362] : memref<10000x128xf32, #tpu.memory_space<vmem_shared>> -> memref<10000x128xf32, #tpu.memory_space<vmem_shared>>
        tpu.wait_indirect_dma semaphore(%run_scoped3A_343 : memref<!tpu.dma_semaphore, #tpu.memory_space<semaphore_mem>>) src(%dma_wait3A_357 : memref<80x128xf32, #tpu.memory_space<vmem>>) dst(%dma_wait3A_363 : memref<10000x128xf32, #tpu.memory_space<vmem_shared>>)
        tpu.yield
      }) : () -> ()
      %mul3A_154 = arith.constant 4 : i32
      %mul3A_155 = arith.muli %mul3A_154, %scan3A_91 : i32
      %add3A_156 = arith.constant 1 : i32
      %add3A_157 = arith.addi %mul3A_155, %add3A_156 : i32
      %add3A_158 = arith.constant 1 : i32
      %add3A_159 = arith.addi %add3A_157, %add3A_158 : i32
      %mul3A_160 = arith.constant 80 : i32
      %mul3A_161 = arith.muli %add3A_159, %mul3A_160 : i32
      %add3A_162 = arith.addi %mul3A_2, %mul3A_161 : i32
      %dma_wait3A_163 = arith.constant 2 : i32
      %dma_wait3A_164 = arith.constant 0 : i32
      %dma_wait3A_165 = tpu.memref_slice %arg7[%dma_wait3A_163, %dma_wait3A_164] : memref<4x80xi32, #tpu.memory_space<vmem>> -> memref<1x80xi32, #tpu.memory_space<vmem>>
      %dma_wait3A_166 = tpu.memref_squeeze %dma_wait3A_165 : memref<1x80xi32, #tpu.memory_space<vmem>> -> memref<80xi32, #tpu.memory_space<vmem>>
      %dma_wait3A_167 = tpu.memref_slice %arg3[%add3A_162] : memref<320000xi32, #tpu.memory_space<hbm>> -> memref<80xi32, #tpu.memory_space<hbm>>
      %dma_wait3A_168 = arith.constant 0 : i32
      %dma_wait3A_169 = tpu.memref_slice %arg7[%dma_wait3A_163, %dma_wait3A_168] : memref<4x80xi32, #tpu.memory_space<vmem>> -> memref<1x80xi32, #tpu.memory_space<vmem>>
      %dma_wait3A_170 = tpu.memref_squeeze %dma_wait3A_169 : memref<1x80xi32, #tpu.memory_space<vmem>> -> memref<80xi32, #tpu.memory_space<vmem>>
      %dma_wait3A_171 = tpu.memref_slice %arg3[%add3A_162] : memref<320000xi32, #tpu.memory_space<hbm>> -> memref<80xi32, #tpu.memory_space<hbm>>
      tpu.wait_dma2 semaphore(%arg14 : memref<!tpu.dma_semaphore, #tpu.memory_space<semaphore_mem>>) src(%dma_wait3A_171 : memref<80xi32, #tpu.memory_space<hbm>>) dst(%dma_wait3A_170 : memref<80xi32, #tpu.memory_space<vmem>>)
      %mul3A_172 = arith.constant 80 : i32
      %mul3A_173 = arith.muli %add3A_159, %mul3A_172 : i32
      %add3A_174 = arith.addi %mul3A_2, %mul3A_173 : i32
      %dma_wait3A_175 = arith.constant 2 : i32
      %dma_wait3A_176 = arith.constant 0 : i32
      %dma_wait3A_177 = tpu.memref_slice %arg8[%dma_wait3A_175, %dma_wait3A_176] : memref<4x80xi32, #tpu.memory_space<vmem>> -> memref<1x80xi32, #tpu.memory_space<vmem>>
      %dma_wait3A_178 = tpu.memref_squeeze %dma_wait3A_177 : memref<1x80xi32, #tpu.memory_space<vmem>> -> memref<80xi32, #tpu.memory_space<vmem>>
      %dma_wait3A_179 = tpu.memref_slice %arg4[%add3A_174] : memref<320000xi32, #tpu.memory_space<hbm>> -> memref<80xi32, #tpu.memory_space<hbm>>
      %dma_wait3A_180 = arith.constant 0 : i32
      %dma_wait3A_181 = tpu.memref_slice %arg8[%dma_wait3A_175, %dma_wait3A_180] : memref<4x80xi32, #tpu.memory_space<vmem>> -> memref<1x80xi32, #tpu.memory_space<vmem>>
      %dma_wait3A_182 = tpu.memref_squeeze %dma_wait3A_181 : memref<1x80xi32, #tpu.memory_space<vmem>> -> memref<80xi32, #tpu.memory_space<vmem>>
      %dma_wait3A_183 = tpu.memref_slice %arg4[%add3A_174] : memref<320000xi32, #tpu.memory_space<hbm>> -> memref<80xi32, #tpu.memory_space<hbm>>
      tpu.wait_dma2 semaphore(%arg14 : memref<!tpu.dma_semaphore, #tpu.memory_space<semaphore_mem>>) src(%dma_wait3A_183 : memref<80xi32, #tpu.memory_space<hbm>>) dst(%dma_wait3A_182 : memref<80xi32, #tpu.memory_space<vmem>>)
      %dma_start3A_184 = arith.constant 2 : i32
      %dma_start3A_185 = arith.constant 0 : i32
      %dma_start3A_186 = arith.constant 0 : i32
      %dma_start3A_187 = arith.constant 0 : i32
      %dma_start3A_188 = tpu.memref_slice %arg9[%dma_start3A_185, %dma_start3A_186, %dma_start3A_187] : memref<2x80x128xf32, #tpu.memory_space<vmem>> -> memref<1x80x128xf32, #tpu.memory_space<vmem>>
      %dma_start3A_189 = tpu.memref_squeeze %dma_start3A_188 : memref<1x80x128xf32, #tpu.memory_space<vmem>> -> memref<80x128xf32, #tpu.memory_space<vmem>>
      %dma_start3A_190 = arith.constant 0 : i32
      %dma_start3A_191 = tpu.memref_slice %arg7[%dma_start3A_184, %dma_start3A_190] : memref<4x80xi32, #tpu.memory_space<vmem>> -> memref<1x80xi32, #tpu.memory_space<vmem>>
      %dma_start3A_192 = tpu.memref_squeeze %dma_start3A_191 : memref<1x80xi32, #tpu.memory_space<vmem>> -> memref<80xi32, #tpu.memory_space<vmem>>
      %dma_start3A_193 = arith.constant 0 : i32
      %dma_start3A_194 = arith.constant 0 : i32
      %dma_start3A_195 = tpu.memref_slice %arg2[%dma_start3A_193, %dma_start3A_194] : memref<10000x128xf32, #tpu.memory_space<hbm>> -> memref<10000x128xf32, #tpu.memory_space<hbm>>
      tpu.enqueue_indirect_dma source(%dma_start3A_195 : memref<10000x128xf32, #tpu.memory_space<hbm>>) target(%dma_start3A_189 : memref<80x128xf32, #tpu.memory_space<vmem>>) offsets(%dma_start3A_192 : memref<80xi32, #tpu.memory_space<vmem>>) semaphore(%arg12 : memref<!tpu.dma_semaphore, #tpu.memory_space<semaphore_mem>>)
      %add3A_196 = arith.constant 2 : i32
      %add3A_197 = arith.addi %add3A_157, %add3A_196 : i32
      %lt3A_198 = arith.constant 125 : i32
      %lt3A_199 = arith.cmpi slt, %add3A_197, %lt3A_198 : i32
      %convert_element_type3A_200 = arith.extui %lt3A_199 : i1 to i32
      %cond3A_201 = arith.constant 0 : i32
      %cond3A_202 = arith.cmpi ne, %convert_element_type3A_200, %cond3A_201 : i32
      scf.if %cond3A_202 {
        %add3A_343 = arith.constant 2 : i32
        %add3A_344 = arith.addi %add3A_157, %add3A_343 : i32
        %mul3A_345 = arith.constant 80 : i32
        %mul3A_346 = arith.muli %add3A_344, %mul3A_345 : i32
        %add3A_347 = arith.addi %mul3A_2, %mul3A_346 : i32
        %dma_start3A_348 = arith.constant 3 : i32
        %dma_start3A_349 = arith.constant 0 : i32
        %dma_start3A_350 = tpu.memref_slice %arg7[%dma_start3A_348, %dma_start3A_349] : memref<4x80xi32, #tpu.memory_space<vmem>> -> memref<1x80xi32, #tpu.memory_space<vmem>>
        %dma_start3A_351 = tpu.memref_squeeze %dma_start3A_350 : memref<1x80xi32, #tpu.memory_space<vmem>> -> memref<80xi32, #tpu.memory_space<vmem>>
        %dma_start3A_352 = tpu.memref_slice %arg3[%add3A_347] : memref<320000xi32, #tpu.memory_space<hbm>> -> memref<80xi32, #tpu.memory_space<hbm>>
        %dma_start3A_353 = arith.constant 0 : i32
        %dma_start3A_354 = tpu.memref_slice %arg7[%dma_start3A_348, %dma_start3A_353] : memref<4x80xi32, #tpu.memory_space<vmem>> -> memref<1x80xi32, #tpu.memory_space<vmem>>
        %dma_start3A_355 = tpu.memref_squeeze %dma_start3A_354 : memref<1x80xi32, #tpu.memory_space<vmem>> -> memref<80xi32, #tpu.memory_space<vmem>>
        %dma_start3A_356 = tpu.memref_slice %arg3[%add3A_347] : memref<320000xi32, #tpu.memory_space<hbm>> -> memref<80xi32, #tpu.memory_space<hbm>>
        tpu.enqueue_dma source(%dma_start3A_356 : memref<80xi32, #tpu.memory_space<hbm>>) target(%dma_start3A_355 : memref<80xi32, #tpu.memory_space<vmem>>) target_semaphore(%arg15 : memref<!tpu.dma_semaphore, #tpu.memory_space<semaphore_mem>>)
        %mul3A_357 = arith.constant 80 : i32
        %mul3A_358 = arith.muli %add3A_344, %mul3A_357 : i32
        %add3A_359 = arith.addi %mul3A_2, %mul3A_358 : i32
        %dma_start3A_360 = arith.constant 3 : i32
        %dma_start3A_361 = arith.constant 0 : i32
        %dma_start3A_362 = tpu.memref_slice %arg8[%dma_start3A_360, %dma_start3A_361] : memref<4x80xi32, #tpu.memory_space<vmem>> -> memref<1x80xi32, #tpu.memory_space<vmem>>
        %dma_start3A_363 = tpu.memref_squeeze %dma_start3A_362 : memref<1x80xi32, #tpu.memory_space<vmem>> -> memref<80xi32, #tpu.memory_space<vmem>>
        %dma_start3A_364 = tpu.memref_slice %arg4[%add3A_359] : memref<320000xi32, #tpu.memory_space<hbm>> -> memref<80xi32, #tpu.memory_space<hbm>>
        %dma_start3A_365 = arith.constant 0 : i32
        %dma_start3A_366 = tpu.memref_slice %arg8[%dma_start3A_360, %dma_start3A_365] : memref<4x80xi32, #tpu.memory_space<vmem>> -> memref<1x80xi32, #tpu.memory_space<vmem>>
        %dma_start3A_367 = tpu.memref_squeeze %dma_start3A_366 : memref<1x80xi32, #tpu.memory_space<vmem>> -> memref<80xi32, #tpu.memory_space<vmem>>
        %dma_start3A_368 = tpu.memref_slice %arg4[%add3A_359] : memref<320000xi32, #tpu.memory_space<hbm>> -> memref<80xi32, #tpu.memory_space<hbm>>
        tpu.enqueue_dma source(%dma_start3A_368 : memref<80xi32, #tpu.memory_space<hbm>>) target(%dma_start3A_367 : memref<80xi32, #tpu.memory_space<vmem>>) target_semaphore(%arg15 : memref<!tpu.dma_semaphore, #tpu.memory_space<semaphore_mem>>)
      } else {
      }
      %dma_wait3A_203 = arith.constant 1 : i32
      %dma_wait3A_204 = arith.constant 1 : i32
      %dma_wait3A_205 = arith.constant 0 : i32
      %dma_wait3A_206 = arith.constant 0 : i32
      %dma_wait3A_207 = tpu.memref_slice %arg9[%dma_wait3A_204, %dma_wait3A_205, %dma_wait3A_206] : memref<2x80x128xf32, #tpu.memory_space<vmem>> -> memref<1x80x128xf32, #tpu.memory_space<vmem>>
      %dma_wait3A_208 = tpu.memref_squeeze %dma_wait3A_207 : memref<1x80x128xf32, #tpu.memory_space<vmem>> -> memref<80x128xf32, #tpu.memory_space<vmem>>
      %dma_wait3A_209 = arith.constant 0 : i32
      %dma_wait3A_210 = tpu.memref_slice %arg7[%dma_wait3A_203, %dma_wait3A_209] : memref<4x80xi32, #tpu.memory_space<vmem>> -> memref<1x80xi32, #tpu.memory_space<vmem>>
      %dma_wait3A_211 = tpu.memref_squeeze %dma_wait3A_210 : memref<1x80xi32, #tpu.memory_space<vmem>> -> memref<80xi32, #tpu.memory_space<vmem>>
      %dma_wait3A_212 = arith.constant 0 : i32
      %dma_wait3A_213 = arith.constant 0 : i32
      %dma_wait3A_214 = tpu.memref_slice %arg2[%dma_wait3A_212, %dma_wait3A_213] : memref<10000x128xf32, #tpu.memory_space<hbm>> -> memref<10000x128xf32, #tpu.memory_space<hbm>>
      tpu.wait_indirect_dma semaphore(%arg13 : memref<!tpu.dma_semaphore, #tpu.memory_space<semaphore_mem>>) src(%dma_wait3A_214 : memref<10000x128xf32, #tpu.memory_space<hbm>>) dst(%dma_wait3A_208 : memref<80x128xf32, #tpu.memory_space<vmem>>)
      %run_scoped3A_215 = arith.constant 1 : i32
      %run_scoped3A_216 = arith.constant 1 : i32
      "tpu.region"() ({
        %run_scoped3A_343 = tpu.sem_alloc : memref<!tpu.dma_semaphore, #tpu.memory_space<semaphore_mem>>
        %dma_start3A_344 = arith.constant 0 : i32
        %dma_start3A_345 = arith.constant 0 : i32
        %dma_start3A_346 = tpu.memref_slice %arg9[%run_scoped3A_215, %dma_start3A_344, %dma_start3A_345] : memref<2x80x128xf32, #tpu.memory_space<vmem>> -> memref<1x80x128xf32, #tpu.memory_space<vmem>>
        %dma_start3A_347 = tpu.memref_squeeze %dma_start3A_346 : memref<1x80x128xf32, #tpu.memory_space<vmem>> -> memref<80x128xf32, #tpu.memory_space<vmem>>
        %dma_start3A_348 = arith.constant 0 : i32
        %dma_start3A_349 = tpu.memref_slice %arg8[%run_scoped3A_216, %dma_start3A_348] : memref<4x80xi32, #tpu.memory_space<vmem>> -> memref<1x80xi32, #tpu.memory_space<vmem>>
        %dma_start3A_350 = tpu.memref_squeeze %dma_start3A_349 : memref<1x80xi32, #tpu.memory_space<vmem>> -> memref<80xi32, #tpu.memory_space<vmem>>
        %dma_start3A_351 = arith.constant 0 : i32
        %dma_start3A_352 = arith.constant 0 : i32
        %dma_start3A_353 = tpu.memref_slice %arg11[%dma_start3A_351, %dma_start3A_352] : memref<10000x128xf32, #tpu.memory_space<vmem_shared>> -> memref<10000x128xf32, #tpu.memory_space<vmem_shared>>
        tpu.enqueue_indirect_dma source(%dma_start3A_347 : memref<80x128xf32, #tpu.memory_space<vmem>>) target(%dma_start3A_353 : memref<10000x128xf32, #tpu.memory_space<vmem_shared>>) offsets(%dma_start3A_350 : memref<80xi32, #tpu.memory_space<vmem>>) semaphore(%run_scoped3A_343 : memref<!tpu.dma_semaphore, #tpu.memory_space<semaphore_mem>>) {add = true}
        %dma_wait3A_354 = arith.constant 0 : i32
        %dma_wait3A_355 = arith.constant 0 : i32
        %dma_wait3A_356 = tpu.memref_slice %arg9[%run_scoped3A_215, %dma_wait3A_354, %dma_wait3A_355] : memref<2x80x128xf32, #tpu.memory_space<vmem>> -> memref<1x80x128xf32, #tpu.memory_space<vmem>>
        %dma_wait3A_357 = tpu.memref_squeeze %dma_wait3A_356 : memref<1x80x128xf32, #tpu.memory_space<vmem>> -> memref<80x128xf32, #tpu.memory_space<vmem>>
        %dma_wait3A_358 = arith.constant 0 : i32
        %dma_wait3A_359 = tpu.memref_slice %arg8[%run_scoped3A_216, %dma_wait3A_358] : memref<4x80xi32, #tpu.memory_space<vmem>> -> memref<1x80xi32, #tpu.memory_space<vmem>>
        %dma_wait3A_360 = tpu.memref_squeeze %dma_wait3A_359 : memref<1x80xi32, #tpu.memory_space<vmem>> -> memref<80xi32, #tpu.memory_space<vmem>>
        %dma_wait3A_361 = arith.constant 0 : i32
        %dma_wait3A_362 = arith.constant 0 : i32
        %dma_wait3A_363 = tpu.memref_slice %arg11[%dma_wait3A_361, %dma_wait3A_362] : memref<10000x128xf32, #tpu.memory_space<vmem_shared>> -> memref<10000x128xf32, #tpu.memory_space<vmem_shared>>
        tpu.wait_indirect_dma semaphore(%run_scoped3A_343 : memref<!tpu.dma_semaphore, #tpu.memory_space<semaphore_mem>>) src(%dma_wait3A_357 : memref<80x128xf32, #tpu.memory_space<vmem>>) dst(%dma_wait3A_363 : memref<10000x128xf32, #tpu.memory_space<vmem_shared>>)
        tpu.yield
      }) : () -> ()
      %mul3A_217 = arith.constant 4 : i32
      %mul3A_218 = arith.muli %mul3A_217, %scan3A_91 : i32
      %add3A_219 = arith.constant 2 : i32
      %add3A_220 = arith.addi %mul3A_218, %add3A_219 : i32
      %add3A_221 = arith.constant 1 : i32
      %add3A_222 = arith.addi %add3A_220, %add3A_221 : i32
      %mul3A_223 = arith.constant 80 : i32
      %mul3A_224 = arith.muli %add3A_222, %mul3A_223 : i32
      %add3A_225 = arith.addi %mul3A_2, %mul3A_224 : i32
      %dma_wait3A_226 = arith.constant 3 : i32
      %dma_wait3A_227 = arith.constant 0 : i32
      %dma_wait3A_228 = tpu.memref_slice %arg7[%dma_wait3A_226, %dma_wait3A_227] : memref<4x80xi32, #tpu.memory_space<vmem>> -> memref<1x80xi32, #tpu.memory_space<vmem>>
      %dma_wait3A_229 = tpu.memref_squeeze %dma_wait3A_228 : memref<1x80xi32, #tpu.memory_space<vmem>> -> memref<80xi32, #tpu.memory_space<vmem>>
      %dma_wait3A_230 = tpu.memref_slice %arg3[%add3A_225] : memref<320000xi32, #tpu.memory_space<hbm>> -> memref<80xi32, #tpu.memory_space<hbm>>
      %dma_wait3A_231 = arith.constant 0 : i32
      %dma_wait3A_232 = tpu.memref_slice %arg7[%dma_wait3A_226, %dma_wait3A_231] : memref<4x80xi32, #tpu.memory_space<vmem>> -> memref<1x80xi32, #tpu.memory_space<vmem>>
      %dma_wait3A_233 = tpu.memref_squeeze %dma_wait3A_232 : memref<1x80xi32, #tpu.memory_space<vmem>> -> memref<80xi32, #tpu.memory_space<vmem>>
      %dma_wait3A_234 = tpu.memref_slice %arg3[%add3A_225] : memref<320000xi32, #tpu.memory_space<hbm>> -> memref<80xi32, #tpu.memory_space<hbm>>
      tpu.wait_dma2 semaphore(%arg15 : memref<!tpu.dma_semaphore, #tpu.memory_space<semaphore_mem>>) src(%dma_wait3A_234 : memref<80xi32, #tpu.memory_space<hbm>>) dst(%dma_wait3A_233 : memref<80xi32, #tpu.memory_space<vmem>>)
      %mul3A_235 = arith.constant 80 : i32
      %mul3A_236 = arith.muli %add3A_222, %mul3A_235 : i32
      %add3A_237 = arith.addi %mul3A_2, %mul3A_236 : i32
      %dma_wait3A_238 = arith.constant 3 : i32
      %dma_wait3A_239 = arith.constant 0 : i32
      %dma_wait3A_240 = tpu.memref_slice %arg8[%dma_wait3A_238, %dma_wait3A_239] : memref<4x80xi32, #tpu.memory_space<vmem>> -> memref<1x80xi32, #tpu.memory_space<vmem>>
      %dma_wait3A_241 = tpu.memref_squeeze %dma_wait3A_240 : memref<1x80xi32, #tpu.memory_space<vmem>> -> memref<80xi32, #tpu.memory_space<vmem>>
      %dma_wait3A_242 = tpu.memref_slice %arg4[%add3A_237] : memref<320000xi32, #tpu.memory_space<hbm>> -> memref<80xi32, #tpu.memory_space<hbm>>
      %dma_wait3A_243 = arith.constant 0 : i32
      %dma_wait3A_244 = tpu.memref_slice %arg8[%dma_wait3A_238, %dma_wait3A_243] : memref<4x80xi32, #tpu.memory_space<vmem>> -> memref<1x80xi32, #tpu.memory_space<vmem>>
      %dma_wait3A_245 = tpu.memref_squeeze %dma_wait3A_244 : memref<1x80xi32, #tpu.memory_space<vmem>> -> memref<80xi32, #tpu.memory_space<vmem>>
      %dma_wait3A_246 = tpu.memref_slice %arg4[%add3A_237] : memref<320000xi32, #tpu.memory_space<hbm>> -> memref<80xi32, #tpu.memory_space<hbm>>
      tpu.wait_dma2 semaphore(%arg15 : memref<!tpu.dma_semaphore, #tpu.memory_space<semaphore_mem>>) src(%dma_wait3A_246 : memref<80xi32, #tpu.memory_space<hbm>>) dst(%dma_wait3A_245 : memref<80xi32, #tpu.memory_space<vmem>>)
      %dma_start3A_247 = arith.constant 3 : i32
      %dma_start3A_248 = arith.constant 1 : i32
      %dma_start3A_249 = arith.constant 0 : i32
      %dma_start3A_250 = arith.constant 0 : i32
      %dma_start3A_251 = tpu.memref_slice %arg9[%dma_start3A_248, %dma_start3A_249, %dma_start3A_250] : memref<2x80x128xf32, #tpu.memory_space<vmem>> -> memref<1x80x128xf32, #tpu.memory_space<vmem>>
      %dma_start3A_252 = tpu.memref_squeeze %dma_start3A_251 : memref<1x80x128xf32, #tpu.memory_space<vmem>> -> memref<80x128xf32, #tpu.memory_space<vmem>>
      %dma_start3A_253 = arith.constant 0 : i32
      %dma_start3A_254 = tpu.memref_slice %arg7[%dma_start3A_247, %dma_start3A_253] : memref<4x80xi32, #tpu.memory_space<vmem>> -> memref<1x80xi32, #tpu.memory_space<vmem>>
      %dma_start3A_255 = tpu.memref_squeeze %dma_start3A_254 : memref<1x80xi32, #tpu.memory_space<vmem>> -> memref<80xi32, #tpu.memory_space<vmem>>
      %dma_start3A_256 = arith.constant 0 : i32
      %dma_start3A_257 = arith.constant 0 : i32
      %dma_start3A_258 = tpu.memref_slice %arg2[%dma_start3A_256, %dma_start3A_257] : memref<10000x128xf32, #tpu.memory_space<hbm>> -> memref<10000x128xf32, #tpu.memory_space<hbm>>
      tpu.enqueue_indirect_dma source(%dma_start3A_258 : memref<10000x128xf32, #tpu.memory_space<hbm>>) target(%dma_start3A_252 : memref<80x128xf32, #tpu.memory_space<vmem>>) offsets(%dma_start3A_255 : memref<80xi32, #tpu.memory_space<vmem>>) semaphore(%arg13 : memref<!tpu.dma_semaphore, #tpu.memory_space<semaphore_mem>>)
      %add3A_259 = arith.constant 2 : i32
      %add3A_260 = arith.addi %add3A_220, %add3A_259 : i32
      %lt3A_261 = arith.constant 125 : i32
      %lt3A_262 = arith.cmpi slt, %add3A_260, %lt3A_261 : i32
      %convert_element_type3A_263 = arith.extui %lt3A_262 : i1 to i32
      %cond3A_264 = arith.constant 0 : i32
      %cond3A_265 = arith.cmpi ne, %convert_element_type3A_263, %cond3A_264 : i32
      scf.if %cond3A_265 {
        %add3A_343 = arith.constant 2 : i32
        %add3A_344 = arith.addi %add3A_220, %add3A_343 : i32
        %mul3A_345 = arith.constant 80 : i32
        %mul3A_346 = arith.muli %add3A_344, %mul3A_345 : i32
        %add3A_347 = arith.addi %mul3A_2, %mul3A_346 : i32
        %dma_start3A_348 = arith.constant 0 : i32
        %dma_start3A_349 = arith.constant 0 : i32
        %dma_start3A_350 = tpu.memref_slice %arg7[%dma_start3A_348, %dma_start3A_349] : memref<4x80xi32, #tpu.memory_space<vmem>> -> memref<1x80xi32, #tpu.memory_space<vmem>>
        %dma_start3A_351 = tpu.memref_squeeze %dma_start3A_350 : memref<1x80xi32, #tpu.memory_space<vmem>> -> memref<80xi32, #tpu.memory_space<vmem>>
        %dma_start3A_352 = tpu.memref_slice %arg3[%add3A_347] : memref<320000xi32, #tpu.memory_space<hbm>> -> memref<80xi32, #tpu.memory_space<hbm>>
        %dma_start3A_353 = arith.constant 0 : i32
        %dma_start3A_354 = tpu.memref_slice %arg7[%dma_start3A_348, %dma_start3A_353] : memref<4x80xi32, #tpu.memory_space<vmem>> -> memref<1x80xi32, #tpu.memory_space<vmem>>
        %dma_start3A_355 = tpu.memref_squeeze %dma_start3A_354 : memref<1x80xi32, #tpu.memory_space<vmem>> -> memref<80xi32, #tpu.memory_space<vmem>>
        %dma_start3A_356 = tpu.memref_slice %arg3[%add3A_347] : memref<320000xi32, #tpu.memory_space<hbm>> -> memref<80xi32, #tpu.memory_space<hbm>>
        tpu.enqueue_dma source(%dma_start3A_356 : memref<80xi32, #tpu.memory_space<hbm>>) target(%dma_start3A_355 : memref<80xi32, #tpu.memory_space<vmem>>) target_semaphore(%arg14 : memref<!tpu.dma_semaphore, #tpu.memory_space<semaphore_mem>>)
        %mul3A_357 = arith.constant 80 : i32
        %mul3A_358 = arith.muli %add3A_344, %mul3A_357 : i32
        %add3A_359 = arith.addi %mul3A_2, %mul3A_358 : i32
        %dma_start3A_360 = arith.constant 0 : i32
        %dma_start3A_361 = arith.constant 0 : i32
        %dma_start3A_362 = tpu.memref_slice %arg8[%dma_start3A_360, %dma_start3A_361] : memref<4x80xi32, #tpu.memory_space<vmem>> -> memref<1x80xi32, #tpu.memory_space<vmem>>
        %dma_start3A_363 = tpu.memref_squeeze %dma_start3A_362 : memref<1x80xi32, #tpu.memory_space<vmem>> -> memref<80xi32, #tpu.memory_space<vmem>>
        %dma_start3A_364 = tpu.memref_slice %arg4[%add3A_359] : memref<320000xi32, #tpu.memory_space<hbm>> -> memref<80xi32, #tpu.memory_space<hbm>>
        %dma_start3A_365 = arith.constant 0 : i32
        %dma_start3A_366 = tpu.memref_slice %arg8[%dma_start3A_360, %dma_start3A_365] : memref<4x80xi32, #tpu.memory_space<vmem>> -> memref<1x80xi32, #tpu.memory_space<vmem>>
        %dma_start3A_367 = tpu.memref_squeeze %dma_start3A_366 : memref<1x80xi32, #tpu.memory_space<vmem>> -> memref<80xi32, #tpu.memory_space<vmem>>
        %dma_start3A_368 = tpu.memref_slice %arg4[%add3A_359] : memref<320000xi32, #tpu.memory_space<hbm>> -> memref<80xi32, #tpu.memory_space<hbm>>
        tpu.enqueue_dma source(%dma_start3A_368 : memref<80xi32, #tpu.memory_space<hbm>>) target(%dma_start3A_367 : memref<80xi32, #tpu.memory_space<vmem>>) target_semaphore(%arg14 : memref<!tpu.dma_semaphore, #tpu.memory_space<semaphore_mem>>)
      } else {
      }
      %dma_wait3A_266 = arith.constant 2 : i32
      %dma_wait3A_267 = arith.constant 0 : i32
      %dma_wait3A_268 = arith.constant 0 : i32
      %dma_wait3A_269 = arith.constant 0 : i32
      %dma_wait3A_270 = tpu.memref_slice %arg9[%dma_wait3A_267, %dma_wait3A_268, %dma_wait3A_269] : memref<2x80x128xf32, #tpu.memory_space<vmem>> -> memref<1x80x128xf32, #tpu.memory_space<vmem>>
      %dma_wait3A_271 = tpu.memref_squeeze %dma_wait3A_270 : memref<1x80x128xf32, #tpu.memory_space<vmem>> -> memref<80x128xf32, #tpu.memory_space<vmem>>
      %dma_wait3A_272 = arith.constant 0 : i32
      %dma_wait3A_273 = tpu.memref_slice %arg7[%dma_wait3A_266, %dma_wait3A_272] : memref<4x80xi32, #tpu.memory_space<vmem>> -> memref<1x80xi32, #tpu.memory_space<vmem>>
      %dma_wait3A_274 = tpu.memref_squeeze %dma_wait3A_273 : memref<1x80xi32, #tpu.memory_space<vmem>> -> memref<80xi32, #tpu.memory_space<vmem>>
      %dma_wait3A_275 = arith.constant 0 : i32
      %dma_wait3A_276 = arith.constant 0 : i32
      %dma_wait3A_277 = tpu.memref_slice %arg2[%dma_wait3A_275, %dma_wait3A_276] : memref<10000x128xf32, #tpu.memory_space<hbm>> -> memref<10000x128xf32, #tpu.memory_space<hbm>>
      tpu.wait_indirect_dma semaphore(%arg12 : memref<!tpu.dma_semaphore, #tpu.memory_space<semaphore_mem>>) src(%dma_wait3A_277 : memref<10000x128xf32, #tpu.memory_space<hbm>>) dst(%dma_wait3A_271 : memref<80x128xf32, #tpu.memory_space<vmem>>)
      %run_scoped3A_278 = arith.constant 0 : i32
      %run_scoped3A_279 = arith.constant 2 : i32
      "tpu.region"() ({
        %run_scoped3A_343 = tpu.sem_alloc : memref<!tpu.dma_semaphore, #tpu.memory_space<semaphore_mem>>
        %dma_start3A_344 = arith.constant 0 : i32
        %dma_start3A_345 = arith.constant 0 : i32
        %dma_start3A_346 = tpu.memref_slice %arg9[%run_scoped3A_278, %dma_start3A_344, %dma_start3A_345] : memref<2x80x128xf32, #tpu.memory_space<vmem>> -> memref<1x80x128xf32, #tpu.memory_space<vmem>>
        %dma_start3A_347 = tpu.memref_squeeze %dma_start3A_346 : memref<1x80x128xf32, #tpu.memory_space<vmem>> -> memref<80x128xf32, #tpu.memory_space<vmem>>
        %dma_start3A_348 = arith.constant 0 : i32
        %dma_start3A_349 = tpu.memref_slice %arg8[%run_scoped3A_279, %dma_start3A_348] : memref<4x80xi32, #tpu.memory_space<vmem>> -> memref<1x80xi32, #tpu.memory_space<vmem>>
        %dma_start3A_350 = tpu.memref_squeeze %dma_start3A_349 : memref<1x80xi32, #tpu.memory_space<vmem>> -> memref<80xi32, #tpu.memory_space<vmem>>
        %dma_start3A_351 = arith.constant 0 : i32
        %dma_start3A_352 = arith.constant 0 : i32
        %dma_start3A_353 = tpu.memref_slice %arg11[%dma_start3A_351, %dma_start3A_352] : memref<10000x128xf32, #tpu.memory_space<vmem_shared>> -> memref<10000x128xf32, #tpu.memory_space<vmem_shared>>
        tpu.enqueue_indirect_dma source(%dma_start3A_347 : memref<80x128xf32, #tpu.memory_space<vmem>>) target(%dma_start3A_353 : memref<10000x128xf32, #tpu.memory_space<vmem_shared>>) offsets(%dma_start3A_350 : memref<80xi32, #tpu.memory_space<vmem>>) semaphore(%run_scoped3A_343 : memref<!tpu.dma_semaphore, #tpu.memory_space<semaphore_mem>>) {add = true}
        %dma_wait3A_354 = arith.constant 0 : i32
        %dma_wait3A_355 = arith.constant 0 : i32
        %dma_wait3A_356 = tpu.memref_slice %arg9[%run_scoped3A_278, %dma_wait3A_354, %dma_wait3A_355] : memref<2x80x128xf32, #tpu.memory_space<vmem>> -> memref<1x80x128xf32, #tpu.memory_space<vmem>>
        %dma_wait3A_357 = tpu.memref_squeeze %dma_wait3A_356 : memref<1x80x128xf32, #tpu.memory_space<vmem>> -> memref<80x128xf32, #tpu.memory_space<vmem>>
        %dma_wait3A_358 = arith.constant 0 : i32
        %dma_wait3A_359 = tpu.memref_slice %arg8[%run_scoped3A_279, %dma_wait3A_358] : memref<4x80xi32, #tpu.memory_space<vmem>> -> memref<1x80xi32, #tpu.memory_space<vmem>>
        %dma_wait3A_360 = tpu.memref_squeeze %dma_wait3A_359 : memref<1x80xi32, #tpu.memory_space<vmem>> -> memref<80xi32, #tpu.memory_space<vmem>>
        %dma_wait3A_361 = arith.constant 0 : i32
        %dma_wait3A_362 = arith.constant 0 : i32
        %dma_wait3A_363 = tpu.memref_slice %arg11[%dma_wait3A_361, %dma_wait3A_362] : memref<10000x128xf32, #tpu.memory_space<vmem_shared>> -> memref<10000x128xf32, #tpu.memory_space<vmem_shared>>
        tpu.wait_indirect_dma semaphore(%run_scoped3A_343 : memref<!tpu.dma_semaphore, #tpu.memory_space<semaphore_mem>>) src(%dma_wait3A_357 : memref<80x128xf32, #tpu.memory_space<vmem>>) dst(%dma_wait3A_363 : memref<10000x128xf32, #tpu.memory_space<vmem_shared>>)
        tpu.yield
      }) : () -> ()
      %mul3A_280 = arith.constant 4 : i32
      %mul3A_281 = arith.muli %mul3A_280, %scan3A_91 : i32
      %add3A_282 = arith.constant 3 : i32
      %add3A_283 = arith.addi %mul3A_281, %add3A_282 : i32
      %add3A_284 = arith.constant 1 : i32
      %add3A_285 = arith.addi %add3A_283, %add3A_284 : i32
      %mul3A_286 = arith.constant 80 : i32
      %mul3A_287 = arith.muli %add3A_285, %mul3A_286 : i32
      %add3A_288 = arith.addi %mul3A_2, %mul3A_287 : i32
      %dma_wait3A_289 = arith.constant 0 : i32
      %dma_wait3A_290 = arith.constant 0 : i32
      %dma_wait3A_291 = tpu.memref_slice %arg7[%dma_wait3A_289, %dma_wait3A_290] : memref<4x80xi32, #tpu.memory_space<vmem>> -> memref<1x80xi32, #tpu.memory_space<vmem>>
      %dma_wait3A_292 = tpu.memref_squeeze %dma_wait3A_291 : memref<1x80xi32, #tpu.memory_space<vmem>> -> memref<80xi32, #tpu.memory_space<vmem>>
      %dma_wait3A_293 = tpu.memref_slice %arg3[%add3A_288] : memref<320000xi32, #tpu.memory_space<hbm>> -> memref<80xi32, #tpu.memory_space<hbm>>
      %dma_wait3A_294 = arith.constant 0 : i32
      %dma_wait3A_295 = tpu.memref_slice %arg7[%dma_wait3A_289, %dma_wait3A_294] : memref<4x80xi32, #tpu.memory_space<vmem>> -> memref<1x80xi32, #tpu.memory_space<vmem>>
      %dma_wait3A_296 = tpu.memref_squeeze %dma_wait3A_295 : memref<1x80xi32, #tpu.memory_space<vmem>> -> memref<80xi32, #tpu.memory_space<vmem>>
      %dma_wait3A_297 = tpu.memref_slice %arg3[%add3A_288] : memref<320000xi32, #tpu.memory_space<hbm>> -> memref<80xi32, #tpu.memory_space<hbm>>
      tpu.wait_dma2 semaphore(%arg14 : memref<!tpu.dma_semaphore, #tpu.memory_space<semaphore_mem>>) src(%dma_wait3A_297 : memref<80xi32, #tpu.memory_space<hbm>>) dst(%dma_wait3A_296 : memref<80xi32, #tpu.memory_space<vmem>>)
      %mul3A_298 = arith.constant 80 : i32
      %mul3A_299 = arith.muli %add3A_285, %mul3A_298 : i32
      %add3A_300 = arith.addi %mul3A_2, %mul3A_299 : i32
      %dma_wait3A_301 = arith.constant 0 : i32
      %dma_wait3A_302 = arith.constant 0 : i32
      %dma_wait3A_303 = tpu.memref_slice %arg8[%dma_wait3A_301, %dma_wait3A_302] : memref<4x80xi32, #tpu.memory_space<vmem>> -> memref<1x80xi32, #tpu.memory_space<vmem>>
      %dma_wait3A_304 = tpu.memref_squeeze %dma_wait3A_303 : memref<1x80xi32, #tpu.memory_space<vmem>> -> memref<80xi32, #tpu.memory_space<vmem>>
      %dma_wait3A_305 = tpu.memref_slice %arg4[%add3A_300] : memref<320000xi32, #tpu.memory_space<hbm>> -> memref<80xi32, #tpu.memory_space<hbm>>
      %dma_wait3A_306 = arith.constant 0 : i32
      %dma_wait3A_307 = tpu.memref_slice %arg8[%dma_wait3A_301, %dma_wait3A_306] : memref<4x80xi32, #tpu.memory_space<vmem>> -> memref<1x80xi32, #tpu.memory_space<vmem>>
      %dma_wait3A_308 = tpu.memref_squeeze %dma_wait3A_307 : memref<1x80xi32, #tpu.memory_space<vmem>> -> memref<80xi32, #tpu.memory_space<vmem>>
      %dma_wait3A_309 = tpu.memref_slice %arg4[%add3A_300] : memref<320000xi32, #tpu.memory_space<hbm>> -> memref<80xi32, #tpu.memory_space<hbm>>
      tpu.wait_dma2 semaphore(%arg14 : memref<!tpu.dma_semaphore, #tpu.memory_space<semaphore_mem>>) src(%dma_wait3A_309 : memref<80xi32, #tpu.memory_space<hbm>>) dst(%dma_wait3A_308 : memref<80xi32, #tpu.memory_space<vmem>>)
      %dma_start3A_310 = arith.constant 0 : i32
      %dma_start3A_311 = arith.constant 0 : i32
      %dma_start3A_312 = arith.constant 0 : i32
      %dma_start3A_313 = arith.constant 0 : i32
      %dma_start3A_314 = tpu.memref_slice %arg9[%dma_start3A_311, %dma_start3A_312, %dma_start3A_313] : memref<2x80x128xf32, #tpu.memory_space<vmem>> -> memref<1x80x128xf32, #tpu.memory_space<vmem>>
      %dma_start3A_315 = tpu.memref_squeeze %dma_start3A_314 : memref<1x80x128xf32, #tpu.memory_space<vmem>> -> memref<80x128xf32, #tpu.memory_space<vmem>>
      %dma_start3A_316 = arith.constant 0 : i32
      %dma_start3A_317 = tpu.memref_slice %arg7[%dma_start3A_310, %dma_start3A_316] : memref<4x80xi32, #tpu.memory_space<vmem>> -> memref<1x80xi32, #tpu.memory_space<vmem>>
      %dma_start3A_318 = tpu.memref_squeeze %dma_start3A_317 : memref<1x80xi32, #tpu.memory_space<vmem>> -> memref<80xi32, #tpu.memory_space<vmem>>
      %dma_start3A_319 = arith.constant 0 : i32
      %dma_start3A_320 = arith.constant 0 : i32
      %dma_start3A_321 = tpu.memref_slice %arg2[%dma_start3A_319, %dma_start3A_320] : memref<10000x128xf32, #tpu.memory_space<hbm>> -> memref<10000x128xf32, #tpu.memory_space<hbm>>
      tpu.enqueue_indirect_dma source(%dma_start3A_321 : memref<10000x128xf32, #tpu.memory_space<hbm>>) target(%dma_start3A_315 : memref<80x128xf32, #tpu.memory_space<vmem>>) offsets(%dma_start3A_318 : memref<80xi32, #tpu.memory_space<vmem>>) semaphore(%arg12 : memref<!tpu.dma_semaphore, #tpu.memory_space<semaphore_mem>>)
      %add3A_322 = arith.constant 2 : i32
      %add3A_323 = arith.addi %add3A_283, %add3A_322 : i32
      %lt3A_324 = arith.constant 125 : i32
      %lt3A_325 = arith.cmpi slt, %add3A_323, %lt3A_324 : i32
      %convert_element_type3A_326 = arith.extui %lt3A_325 : i1 to i32
      %cond3A_327 = arith.constant 0 : i32
      %cond3A_328 = arith.cmpi ne, %convert_element_type3A_326, %cond3A_327 : i32
      scf.if %cond3A_328 {
        %add3A_343 = arith.constant 2 : i32
        %add3A_344 = arith.addi %add3A_283, %add3A_343 : i32
        %mul3A_345 = arith.constant 80 : i32
        %mul3A_346 = arith.muli %add3A_344, %mul3A_345 : i32
        %add3A_347 = arith.addi %mul3A_2, %mul3A_346 : i32
        %dma_start3A_348 = arith.constant 1 : i32
        %dma_start3A_349 = arith.constant 0 : i32
        %dma_start3A_350 = tpu.memref_slice %arg7[%dma_start3A_348, %dma_start3A_349] : memref<4x80xi32, #tpu.memory_space<vmem>> -> memref<1x80xi32, #tpu.memory_space<vmem>>
        %dma_start3A_351 = tpu.memref_squeeze %dma_start3A_350 : memref<1x80xi32, #tpu.memory_space<vmem>> -> memref<80xi32, #tpu.memory_space<vmem>>
        %dma_start3A_352 = tpu.memref_slice %arg3[%add3A_347] : memref<320000xi32, #tpu.memory_space<hbm>> -> memref<80xi32, #tpu.memory_space<hbm>>
        %dma_start3A_353 = arith.constant 0 : i32
        %dma_start3A_354 = tpu.memref_slice %arg7[%dma_start3A_348, %dma_start3A_353] : memref<4x80xi32, #tpu.memory_space<vmem>> -> memref<1x80xi32, #tpu.memory_space<vmem>>
        %dma_start3A_355 = tpu.memref_squeeze %dma_start3A_354 : memref<1x80xi32, #tpu.memory_space<vmem>> -> memref<80xi32, #tpu.memory_space<vmem>>
        %dma_start3A_356 = tpu.memref_slice %arg3[%add3A_347] : memref<320000xi32, #tpu.memory_space<hbm>> -> memref<80xi32, #tpu.memory_space<hbm>>
        tpu.enqueue_dma source(%dma_start3A_356 : memref<80xi32, #tpu.memory_space<hbm>>) target(%dma_start3A_355 : memref<80xi32, #tpu.memory_space<vmem>>) target_semaphore(%arg15 : memref<!tpu.dma_semaphore, #tpu.memory_space<semaphore_mem>>)
        %mul3A_357 = arith.constant 80 : i32
        %mul3A_358 = arith.muli %add3A_344, %mul3A_357 : i32
        %add3A_359 = arith.addi %mul3A_2, %mul3A_358 : i32
        %dma_start3A_360 = arith.constant 1 : i32
        %dma_start3A_361 = arith.constant 0 : i32
        %dma_start3A_362 = tpu.memref_slice %arg8[%dma_start3A_360, %dma_start3A_361] : memref<4x80xi32, #tpu.memory_space<vmem>> -> memref<1x80xi32, #tpu.memory_space<vmem>>
        %dma_start3A_363 = tpu.memref_squeeze %dma_start3A_362 : memref<1x80xi32, #tpu.memory_space<vmem>> -> memref<80xi32, #tpu.memory_space<vmem>>
        %dma_start3A_364 = tpu.memref_slice %arg4[%add3A_359] : memref<320000xi32, #tpu.memory_space<hbm>> -> memref<80xi32, #tpu.memory_space<hbm>>
        %dma_start3A_365 = arith.constant 0 : i32
        %dma_start3A_366 = tpu.memref_slice %arg8[%dma_start3A_360, %dma_start3A_365] : memref<4x80xi32, #tpu.memory_space<vmem>> -> memref<1x80xi32, #tpu.memory_space<vmem>>
        %dma_start3A_367 = tpu.memref_squeeze %dma_start3A_366 : memref<1x80xi32, #tpu.memory_space<vmem>> -> memref<80xi32, #tpu.memory_space<vmem>>
        %dma_start3A_368 = tpu.memref_slice %arg4[%add3A_359] : memref<320000xi32, #tpu.memory_space<hbm>> -> memref<80xi32, #tpu.memory_space<hbm>>
        tpu.enqueue_dma source(%dma_start3A_368 : memref<80xi32, #tpu.memory_space<hbm>>) target(%dma_start3A_367 : memref<80xi32, #tpu.memory_space<vmem>>) target_semaphore(%arg15 : memref<!tpu.dma_semaphore, #tpu.memory_space<semaphore_mem>>)
      } else {
      }
      %dma_wait3A_329 = arith.constant 3 : i32
      %dma_wait3A_330 = arith.constant 1 : i32
      %dma_wait3A_331 = arith.constant 0 : i32
      %dma_wait3A_332 = arith.constant 0 : i32
      %dma_wait3A_333 = tpu.memref_slice %arg9[%dma_wait3A_330, %dma_wait3A_331, %dma_wait3A_332] : memref<2x80x128xf32, #tpu.memory_space<vmem>> -> memref<1x80x128xf32, #tpu.memory_space<vmem>>
      %dma_wait3A_334 = tpu.memref_squeeze %dma_wait3A_333 : memref<1x80x128xf32, #tpu.memory_space<vmem>> -> memref<80x128xf32, #tpu.memory_space<vmem>>
      %dma_wait3A_335 = arith.constant 0 : i32
      %dma_wait3A_336 = tpu.memref_slice %arg7[%dma_wait3A_329, %dma_wait3A_335] : memref<4x80xi32, #tpu.memory_space<vmem>> -> memref<1x80xi32, #tpu.memory_space<vmem>>
      %dma_wait3A_337 = tpu.memref_squeeze %dma_wait3A_336 : memref<1x80xi32, #tpu.memory_space<vmem>> -> memref<80xi32, #tpu.memory_space<vmem>>
      %dma_wait3A_338 = arith.constant 0 : i32
      %dma_wait3A_339 = arith.constant 0 : i32
      %dma_wait3A_340 = tpu.memref_slice %arg2[%dma_wait3A_338, %dma_wait3A_339] : memref<10000x128xf32, #tpu.memory_space<hbm>> -> memref<10000x128xf32, #tpu.memory_space<hbm>>
      tpu.wait_indirect_dma semaphore(%arg13 : memref<!tpu.dma_semaphore, #tpu.memory_space<semaphore_mem>>) src(%dma_wait3A_340 : memref<10000x128xf32, #tpu.memory_space<hbm>>) dst(%dma_wait3A_334 : memref<80x128xf32, #tpu.memory_space<vmem>>)
      %run_scoped3A_341 = arith.constant 1 : i32
      %run_scoped3A_342 = arith.constant 3 : i32
      "tpu.region"() ({
        %run_scoped3A_343 = tpu.sem_alloc : memref<!tpu.dma_semaphore, #tpu.memory_space<semaphore_mem>>
        %dma_start3A_344 = arith.constant 0 : i32
        %dma_start3A_345 = arith.constant 0 : i32
        %dma_start3A_346 = tpu.memref_slice %arg9[%run_scoped3A_341, %dma_start3A_344, %dma_start3A_345] : memref<2x80x128xf32, #tpu.memory_space<vmem>> -> memref<1x80x128xf32, #tpu.memory_space<vmem>>
        %dma_start3A_347 = tpu.memref_squeeze %dma_start3A_346 : memref<1x80x128xf32, #tpu.memory_space<vmem>> -> memref<80x128xf32, #tpu.memory_space<vmem>>
        %dma_start3A_348 = arith.constant 0 : i32
        %dma_start3A_349 = tpu.memref_slice %arg8[%run_scoped3A_342, %dma_start3A_348] : memref<4x80xi32, #tpu.memory_space<vmem>> -> memref<1x80xi32, #tpu.memory_space<vmem>>
        %dma_start3A_350 = tpu.memref_squeeze %dma_start3A_349 : memref<1x80xi32, #tpu.memory_space<vmem>> -> memref<80xi32, #tpu.memory_space<vmem>>
        %dma_start3A_351 = arith.constant 0 : i32
        %dma_start3A_352 = arith.constant 0 : i32
        %dma_start3A_353 = tpu.memref_slice %arg11[%dma_start3A_351, %dma_start3A_352] : memref<10000x128xf32, #tpu.memory_space<vmem_shared>> -> memref<10000x128xf32, #tpu.memory_space<vmem_shared>>
        tpu.enqueue_indirect_dma source(%dma_start3A_347 : memref<80x128xf32, #tpu.memory_space<vmem>>) target(%dma_start3A_353 : memref<10000x128xf32, #tpu.memory_space<vmem_shared>>) offsets(%dma_start3A_350 : memref<80xi32, #tpu.memory_space<vmem>>) semaphore(%run_scoped3A_343 : memref<!tpu.dma_semaphore, #tpu.memory_space<semaphore_mem>>) {add = true}
        %dma_wait3A_354 = arith.constant 0 : i32
        %dma_wait3A_355 = arith.constant 0 : i32
        %dma_wait3A_356 = tpu.memref_slice %arg9[%run_scoped3A_341, %dma_wait3A_354, %dma_wait3A_355] : memref<2x80x128xf32, #tpu.memory_space<vmem>> -> memref<1x80x128xf32, #tpu.memory_space<vmem>>
        %dma_wait3A_357 = tpu.memref_squeeze %dma_wait3A_356 : memref<1x80x128xf32, #tpu.memory_space<vmem>> -> memref<80x128xf32, #tpu.memory_space<vmem>>
        %dma_wait3A_358 = arith.constant 0 : i32
        %dma_wait3A_359 = tpu.memref_slice %arg8[%run_scoped3A_342, %dma_wait3A_358] : memref<4x80xi32, #tpu.memory_space<vmem>> -> memref<1x80xi32, #tpu.memory_space<vmem>>
        %dma_wait3A_360 = tpu.memref_squeeze %dma_wait3A_359 : memref<1x80xi32, #tpu.memory_space<vmem>> -> memref<80xi32, #tpu.memory_space<vmem>>
        %dma_wait3A_361 = arith.constant 0 : i32
        %dma_wait3A_362 = arith.constant 0 : i32
        %dma_wait3A_363 = tpu.memref_slice %arg11[%dma_wait3A_361, %dma_wait3A_362] : memref<10000x128xf32, #tpu.memory_space<vmem_shared>> -> memref<10000x128xf32, #tpu.memory_space<vmem_shared>>
        tpu.wait_indirect_dma semaphore(%run_scoped3A_343 : memref<!tpu.dma_semaphore, #tpu.memory_space<semaphore_mem>>) src(%dma_wait3A_357 : memref<80x128xf32, #tpu.memory_space<vmem>>) dst(%dma_wait3A_363 : memref<10000x128xf32, #tpu.memory_space<vmem_shared>>)
        tpu.yield
      }) : () -> ()
    }
    %scan3A_59 = arith.constant 31 : i32
    %dma_wait3A = arith.constant 0 : i32
    %dma_wait3A_60 = arith.constant 0 : i32
    %dma_wait3A_61 = arith.constant 0 : i32
    %dma_wait3A_62 = arith.constant 0 : i32
    %dma_wait3A_63 = tpu.memref_slice %arg9[%dma_wait3A_60, %dma_wait3A_61, %dma_wait3A_62] : memref<2x80x128xf32, #tpu.memory_space<vmem>> -> memref<1x80x128xf32, #tpu.memory_space<vmem>>
    %dma_wait3A_64 = tpu.memref_squeeze %dma_wait3A_63 : memref<1x80x128xf32, #tpu.memory_space<vmem>> -> memref<80x128xf32, #tpu.memory_space<vmem>>
    %dma_wait3A_65 = arith.constant 0 : i32
    %dma_wait3A_66 = tpu.memref_slice %arg7[%dma_wait3A, %dma_wait3A_65] : memref<4x80xi32, #tpu.memory_space<vmem>> -> memref<1x80xi32, #tpu.memory_space<vmem>>
    %dma_wait3A_67 = tpu.memref_squeeze %dma_wait3A_66 : memref<1x80xi32, #tpu.memory_space<vmem>> -> memref<80xi32, #tpu.memory_space<vmem>>
    %dma_wait3A_68 = arith.constant 0 : i32
    %dma_wait3A_69 = arith.constant 0 : i32
    %dma_wait3A_70 = tpu.memref_slice %arg2[%dma_wait3A_68, %dma_wait3A_69] : memref<10000x128xf32, #tpu.memory_space<hbm>> -> memref<10000x128xf32, #tpu.memory_space<hbm>>
    tpu.wait_indirect_dma semaphore(%arg12 : memref<!tpu.dma_semaphore, #tpu.memory_space<semaphore_mem>>) src(%dma_wait3A_70 : memref<10000x128xf32, #tpu.memory_space<hbm>>) dst(%dma_wait3A_64 : memref<80x128xf32, #tpu.memory_space<vmem>>)
    %run_scoped3A_71 = arith.constant 0 : i32
    %run_scoped3A_72 = arith.constant 0 : i32
    "tpu.region"() ({
      %run_scoped3A_91 = tpu.sem_alloc : memref<!tpu.dma_semaphore, #tpu.memory_space<semaphore_mem>>
      %dma_start3A_92 = arith.constant 0 : i32
      %dma_start3A_93 = arith.constant 0 : i32
      %dma_start3A_94 = tpu.memref_slice %arg9[%run_scoped3A_71, %dma_start3A_92, %dma_start3A_93] : memref<2x80x128xf32, #tpu.memory_space<vmem>> -> memref<1x80x128xf32, #tpu.memory_space<vmem>>
      %dma_start3A_95 = tpu.memref_squeeze %dma_start3A_94 : memref<1x80x128xf32, #tpu.memory_space<vmem>> -> memref<80x128xf32, #tpu.memory_space<vmem>>
      %dma_start3A_96 = arith.constant 0 : i32
      %dma_start3A_97 = tpu.memref_slice %arg8[%run_scoped3A_72, %dma_start3A_96] : memref<4x80xi32, #tpu.memory_space<vmem>> -> memref<1x80xi32, #tpu.memory_space<vmem>>
      %dma_start3A_98 = tpu.memref_squeeze %dma_start3A_97 : memref<1x80xi32, #tpu.memory_space<vmem>> -> memref<80xi32, #tpu.memory_space<vmem>>
      %dma_start3A_99 = arith.constant 0 : i32
      %dma_start3A_100 = arith.constant 0 : i32
      %dma_start3A_101 = tpu.memref_slice %arg11[%dma_start3A_99, %dma_start3A_100] : memref<10000x128xf32, #tpu.memory_space<vmem_shared>> -> memref<10000x128xf32, #tpu.memory_space<vmem_shared>>
      tpu.enqueue_indirect_dma source(%dma_start3A_95 : memref<80x128xf32, #tpu.memory_space<vmem>>) target(%dma_start3A_101 : memref<10000x128xf32, #tpu.memory_space<vmem_shared>>) offsets(%dma_start3A_98 : memref<80xi32, #tpu.memory_space<vmem>>) semaphore(%run_scoped3A_91 : memref<!tpu.dma_semaphore, #tpu.memory_space<semaphore_mem>>) {add = true}
      %dma_wait3A_102 = arith.constant 0 : i32
      %dma_wait3A_103 = arith.constant 0 : i32
      %dma_wait3A_104 = tpu.memref_slice %arg9[%run_scoped3A_71, %dma_wait3A_102, %dma_wait3A_103] : memref<2x80x128xf32, #tpu.memory_space<vmem>> -> memref<1x80x128xf32, #tpu.memory_space<vmem>>
      %dma_wait3A_105 = tpu.memref_squeeze %dma_wait3A_104 : memref<1x80x128xf32, #tpu.memory_space<vmem>> -> memref<80x128xf32, #tpu.memory_space<vmem>>
      %dma_wait3A_106 = arith.constant 0 : i32
      %dma_wait3A_107 = tpu.memref_slice %arg8[%run_scoped3A_72, %dma_wait3A_106] : memref<4x80xi32, #tpu.memory_space<vmem>> -> memref<1x80xi32, #tpu.memory_space<vmem>>
      %dma_wait3A_108 = tpu.memref_squeeze %dma_wait3A_107 : memref<1x80xi32, #tpu.memory_space<vmem>> -> memref<80xi32, #tpu.memory_space<vmem>>
      %dma_wait3A_109 = arith.constant 0 : i32
      %dma_wait3A_110 = arith.constant 0 : i32
      %dma_wait3A_111 = tpu.memref_slice %arg11[%dma_wait3A_109, %dma_wait3A_110] : memref<10000x128xf32, #tpu.memory_space<vmem_shared>> -> memref<10000x128xf32, #tpu.memory_space<vmem_shared>>
      tpu.wait_indirect_dma semaphore(%run_scoped3A_91 : memref<!tpu.dma_semaphore, #tpu.memory_space<semaphore_mem>>) src(%dma_wait3A_105 : memref<80x128xf32, #tpu.memory_space<vmem>>) dst(%dma_wait3A_111 : memref<10000x128xf32, #tpu.memory_space<vmem_shared>>)
      tpu.yield
    }) : () -> ()
    %barrier3A_73 = arith.constant 0 : index
    tpu.barrier barrier_id(%barrier3A_73)
    %mul3A_74 = arith.constant 624 : i32
    %mul3A_75 = arith.muli %arg1, %mul3A_74 : i32
    %add3A_76 = arith.constant 0 : i32
    %add3A_77 = arith.addi %mul3A_75, %add3A_76 : i32
    "tpu.region"() ({
      %run_scoped3A_91 = tpu.sem_alloc : memref<!tpu.dma_semaphore, #tpu.memory_space<semaphore_mem>>
      %dma_start3A_92 = arith.constant 0 : i32
      %dma_start3A_93 = tpu.memref_slice %arg11[%add3A_77, %dma_start3A_92] : memref<10000x128xf32, #tpu.memory_space<vmem_shared>> -> memref<208x128xf32, #tpu.memory_space<vmem_shared>>
      %dma_start3A_94 = arith.constant 0 : i32
      %dma_start3A_95 = tpu.memref_slice %arg11[%add3A_77, %dma_start3A_94] : memref<10000x128xf32, #tpu.memory_space<vmem_shared>> -> memref<208x128xf32, #tpu.memory_space<vmem_shared>>
      tpu.enqueue_dma source(%dma_start3A_95 : memref<208x128xf32, #tpu.memory_space<vmem_shared>>) target(%arg10 : memref<208x128xf32, #tpu.memory_space<vmem>>) target_semaphore(%run_scoped3A_91 : memref<!tpu.dma_semaphore, #tpu.memory_space<semaphore_mem>>)
      %dma_wait3A_96 = arith.constant 0 : i32
      %dma_wait3A_97 = tpu.memref_slice %arg11[%add3A_77, %dma_wait3A_96] : memref<10000x128xf32, #tpu.memory_space<vmem_shared>> -> memref<208x128xf32, #tpu.memory_space<vmem_shared>>
      %dma_wait3A_98 = arith.constant 0 : i32
      %dma_wait3A_99 = tpu.memref_slice %arg11[%add3A_77, %dma_wait3A_98] : memref<10000x128xf32, #tpu.memory_space<vmem_shared>> -> memref<208x128xf32, #tpu.memory_space<vmem_shared>>
      tpu.wait_dma2 semaphore(%run_scoped3A_91 : memref<!tpu.dma_semaphore, #tpu.memory_space<semaphore_mem>>) src(%dma_wait3A_99 : memref<208x128xf32, #tpu.memory_space<vmem_shared>>) dst(%arg10 : memref<208x128xf32, #tpu.memory_space<vmem>>)
      tpu.yield
    }) : () -> ()
    "tpu.region"() ({
      %run_scoped3A_91 = tpu.sem_alloc : memref<!tpu.dma_semaphore, #tpu.memory_space<semaphore_mem>>
      %dma_start3A_92 = arith.constant 0 : i32
      %dma_start3A_93 = arith.constant 0 : i32
      %dma_start3A_94 = tpu.memref_slice %arg6[%arg0, %dma_start3A_92, %dma_start3A_93] : memref<2x10000x128xf32, #tpu.memory_space<hbm>> -> memref<1x10000x128xf32, #tpu.memory_space<hbm>>
      %dma_start3A_95 = tpu.memref_squeeze %dma_start3A_94 : memref<1x10000x128xf32, #tpu.memory_space<hbm>> -> memref<10000x128xf32, #tpu.memory_space<hbm>>
      %dma_start3A_96 = arith.constant 0 : i32
      %dma_start3A_97 = tpu.memref_slice %dma_start3A_95[%add3A_77, %dma_start3A_96] : memref<10000x128xf32, #tpu.memory_space<hbm>> -> memref<208x128xf32, #tpu.memory_space<hbm>>
      %dma_start3A_98 = arith.constant 0 : i32
      %dma_start3A_99 = arith.constant 0 : i32
      %dma_start3A_100 = tpu.memref_slice %arg6[%arg0, %dma_start3A_98, %dma_start3A_99] : memref<2x10000x128xf32, #tpu.memory_space<hbm>> -> memref<1x10000x128xf32, #tpu.memory_space<hbm>>
      %dma_start3A_101 = tpu.memref_squeeze %dma_start3A_100 : memref<1x10000x128xf32, #tpu.memory_space<hbm>> -> memref<10000x128xf32, #tpu.memory_space<hbm>>
      %dma_start3A_102 = arith.constant 0 : i32
      %dma_start3A_103 = tpu.memref_slice %dma_start3A_101[%add3A_77, %dma_start3A_102] : memref<10000x128xf32, #tpu.memory_space<hbm>> -> memref<208x128xf32, #tpu.memory_space<hbm>>
      tpu.enqueue_dma source(%arg10 : memref<208x128xf32, #tpu.memory_space<vmem>>) target(%dma_start3A_103 : memref<208x128xf32, #tpu.memory_space<hbm>>) target_semaphore(%run_scoped3A_91 : memref<!tpu.dma_semaphore, #tpu.memory_space<semaphore_mem>>)
      %dma_wait3A_104 = arith.constant 0 : i32
      %dma_wait3A_105 = arith.constant 0 : i32
      %dma_wait3A_106 = tpu.memref_slice %arg6[%arg0, %dma_wait3A_104, %dma_wait3A_105] : memref<2x10000x128xf32, #tpu.memory_space<hbm>> -> memref<1x10000x128xf32, #tpu.memory_space<hbm>>
      %dma_wait3A_107 = tpu.memref_squeeze %dma_wait3A_106 : memref<1x10000x128xf32, #tpu.memory_space<hbm>> -> memref<10000x128xf32, #tpu.memory_space<hbm>>
      %dma_wait3A_108 = arith.constant 0 : i32
      %dma_wait3A_109 = tpu.memref_slice %dma_wait3A_107[%add3A_77, %dma_wait3A_108] : memref<10000x128xf32, #tpu.memory_space<hbm>> -> memref<208x128xf32, #tpu.memory_space<hbm>>
      %dma_wait3A_110 = arith.constant 0 : i32
      %dma_wait3A_111 = arith.constant 0 : i32
      %dma_wait3A_112 = tpu.memref_slice %arg6[%arg0, %dma_wait3A_110, %dma_wait3A_111] : memref<2x10000x128xf32, #tpu.memory_space<hbm>> -> memref<1x10000x128xf32, #tpu.memory_space<hbm>>
      %dma_wait3A_113 = tpu.memref_squeeze %dma_wait3A_112 : memref<1x10000x128xf32, #tpu.memory_space<hbm>> -> memref<10000x128xf32, #tpu.memory_space<hbm>>
      %dma_wait3A_114 = arith.constant 0 : i32
      %dma_wait3A_115 = tpu.memref_slice %dma_wait3A_113[%add3A_77, %dma_wait3A_114] : memref<10000x128xf32, #tpu.memory_space<hbm>> -> memref<208x128xf32, #tpu.memory_space<hbm>>
      tpu.wait_dma2 semaphore(%run_scoped3A_91 : memref<!tpu.dma_semaphore, #tpu.memory_space<semaphore_mem>>) src(%arg10 : memref<208x128xf32, #tpu.memory_space<vmem>>) dst(%dma_wait3A_115 : memref<208x128xf32, #tpu.memory_space<hbm>>)
      tpu.yield
    }) : () -> ()
    %mul3A_78 = arith.constant 624 : i32
    %mul3A_79 = arith.muli %arg1, %mul3A_78 : i32
    %add3A_80 = arith.constant 208 : i32
    %add3A_81 = arith.addi %mul3A_79, %add3A_80 : i32
    "tpu.region"() ({
      %run_scoped3A_91 = tpu.sem_alloc : memref<!tpu.dma_semaphore, #tpu.memory_space<semaphore_mem>>
      %dma_start3A_92 = arith.constant 0 : i32
      %dma_start3A_93 = tpu.memref_slice %arg11[%add3A_81, %dma_start3A_92] : memref<10000x128xf32, #tpu.memory_space<vmem_shared>> -> memref<208x128xf32, #tpu.memory_space<vmem_shared>>
      %dma_start3A_94 = arith.constant 0 : i32
      %dma_start3A_95 = tpu.memref_slice %arg11[%add3A_81, %dma_start3A_94] : memref<10000x128xf32, #tpu.memory_space<vmem_shared>> -> memref<208x128xf32, #tpu.memory_space<vmem_shared>>
      tpu.enqueue_dma source(%dma_start3A_95 : memref<208x128xf32, #tpu.memory_space<vmem_shared>>) target(%arg10 : memref<208x128xf32, #tpu.memory_space<vmem>>) target_semaphore(%run_scoped3A_91 : memref<!tpu.dma_semaphore, #tpu.memory_space<semaphore_mem>>)
      %dma_wait3A_96 = arith.constant 0 : i32
      %dma_wait3A_97 = tpu.memref_slice %arg11[%add3A_81, %dma_wait3A_96] : memref<10000x128xf32, #tpu.memory_space<vmem_shared>> -> memref<208x128xf32, #tpu.memory_space<vmem_shared>>
      %dma_wait3A_98 = arith.constant 0 : i32
      %dma_wait3A_99 = tpu.memref_slice %arg11[%add3A_81, %dma_wait3A_98] : memref<10000x128xf32, #tpu.memory_space<vmem_shared>> -> memref<208x128xf32, #tpu.memory_space<vmem_shared>>
      tpu.wait_dma2 semaphore(%run_scoped3A_91 : memref<!tpu.dma_semaphore, #tpu.memory_space<semaphore_mem>>) src(%dma_wait3A_99 : memref<208x128xf32, #tpu.memory_space<vmem_shared>>) dst(%arg10 : memref<208x128xf32, #tpu.memory_space<vmem>>)
      tpu.yield
    }) : () -> ()
    "tpu.region"() ({
      %run_scoped3A_91 = tpu.sem_alloc : memref<!tpu.dma_semaphore, #tpu.memory_space<semaphore_mem>>
      %dma_start3A_92 = arith.constant 0 : i32
      %dma_start3A_93 = arith.constant 0 : i32
      %dma_start3A_94 = tpu.memref_slice %arg6[%arg0, %dma_start3A_92, %dma_start3A_93] : memref<2x10000x128xf32, #tpu.memory_space<hbm>> -> memref<1x10000x128xf32, #tpu.memory_space<hbm>>
      %dma_start3A_95 = tpu.memref_squeeze %dma_start3A_94 : memref<1x10000x128xf32, #tpu.memory_space<hbm>> -> memref<10000x128xf32, #tpu.memory_space<hbm>>
      %dma_start3A_96 = arith.constant 0 : i32
      %dma_start3A_97 = tpu.memref_slice %dma_start3A_95[%add3A_81, %dma_start3A_96] : memref<10000x128xf32, #tpu.memory_space<hbm>> -> memref<208x128xf32, #tpu.memory_space<hbm>>
      %dma_start3A_98 = arith.constant 0 : i32
      %dma_start3A_99 = arith.constant 0 : i32
      %dma_start3A_100 = tpu.memref_slice %arg6[%arg0, %dma_start3A_98, %dma_start3A_99] : memref<2x10000x128xf32, #tpu.memory_space<hbm>> -> memref<1x10000x128xf32, #tpu.memory_space<hbm>>
      %dma_start3A_101 = tpu.memref_squeeze %dma_start3A_100 : memref<1x10000x128xf32, #tpu.memory_space<hbm>> -> memref<10000x128xf32, #tpu.memory_space<hbm>>
      %dma_start3A_102 = arith.constant 0 : i32
      %dma_start3A_103 = tpu.memref_slice %dma_start3A_101[%add3A_81, %dma_start3A_102] : memref<10000x128xf32, #tpu.memory_space<hbm>> -> memref<208x128xf32, #tpu.memory_space<hbm>>
      tpu.enqueue_dma source(%arg10 : memref<208x128xf32, #tpu.memory_space<vmem>>) target(%dma_start3A_103 : memref<208x128xf32, #tpu.memory_space<hbm>>) target_semaphore(%run_scoped3A_91 : memref<!tpu.dma_semaphore, #tpu.memory_space<semaphore_mem>>)
      %dma_wait3A_104 = arith.constant 0 : i32
      %dma_wait3A_105 = arith.constant 0 : i32
      %dma_wait3A_106 = tpu.memref_slice %arg6[%arg0, %dma_wait3A_104, %dma_wait3A_105] : memref<2x10000x128xf32, #tpu.memory_space<hbm>> -> memref<1x10000x128xf32, #tpu.memory_space<hbm>>
      %dma_wait3A_107 = tpu.memref_squeeze %dma_wait3A_106 : memref<1x10000x128xf32, #tpu.memory_space<hbm>> -> memref<10000x128xf32, #tpu.memory_space<hbm>>
      %dma_wait3A_108 = arith.constant 0 : i32
      %dma_wait3A_109 = tpu.memref_slice %dma_wait3A_107[%add3A_81, %dma_wait3A_108] : memref<10000x128xf32, #tpu.memory_space<hbm>> -> memref<208x128xf32, #tpu.memory_space<hbm>>
      %dma_wait3A_110 = arith.constant 0 : i32
      %dma_wait3A_111 = arith.constant 0 : i32
      %dma_wait3A_112 = tpu.memref_slice %arg6[%arg0, %dma_wait3A_110, %dma_wait3A_111] : memref<2x10000x128xf32, #tpu.memory_space<hbm>> -> memref<1x10000x128xf32, #tpu.memory_space<hbm>>
      %dma_wait3A_113 = tpu.memref_squeeze %dma_wait3A_112 : memref<1x10000x128xf32, #tpu.memory_space<hbm>> -> memref<10000x128xf32, #tpu.memory_space<hbm>>
      %dma_wait3A_114 = arith.constant 0 : i32
      %dma_wait3A_115 = tpu.memref_slice %dma_wait3A_113[%add3A_81, %dma_wait3A_114] : memref<10000x128xf32, #tpu.memory_space<hbm>> -> memref<208x128xf32, #tpu.memory_space<hbm>>
      tpu.wait_dma2 semaphore(%run_scoped3A_91 : memref<!tpu.dma_semaphore, #tpu.memory_space<semaphore_mem>>) src(%arg10 : memref<208x128xf32, #tpu.memory_space<vmem>>) dst(%dma_wait3A_115 : memref<208x128xf32, #tpu.memory_space<hbm>>)
      tpu.yield
    }) : () -> ()
    %mul3A_82 = arith.constant 624 : i32
    %mul3A_83 = arith.muli %arg1, %mul3A_82 : i32
    %add3A_84 = arith.constant 416 : i32
    %add3A_85 = arith.addi %mul3A_83, %add3A_84 : i32
    "tpu.region"() ({
      %run_scoped3A_91 = tpu.sem_alloc : memref<!tpu.dma_semaphore, #tpu.memory_space<semaphore_mem>>
      %dma_start3A_92 = arith.constant 0 : i32
      %dma_start3A_93 = tpu.memref_slice %arg11[%add3A_85, %dma_start3A_92] : memref<10000x128xf32, #tpu.memory_space<vmem_shared>> -> memref<208x128xf32, #tpu.memory_space<vmem_shared>>
      %dma_start3A_94 = arith.constant 0 : i32
      %dma_start3A_95 = tpu.memref_slice %arg11[%add3A_85, %dma_start3A_94] : memref<10000x128xf32, #tpu.memory_space<vmem_shared>> -> memref<208x128xf32, #tpu.memory_space<vmem_shared>>
      tpu.enqueue_dma source(%dma_start3A_95 : memref<208x128xf32, #tpu.memory_space<vmem_shared>>) target(%arg10 : memref<208x128xf32, #tpu.memory_space<vmem>>) target_semaphore(%run_scoped3A_91 : memref<!tpu.dma_semaphore, #tpu.memory_space<semaphore_mem>>)
      %dma_wait3A_96 = arith.constant 0 : i32
      %dma_wait3A_97 = tpu.memref_slice %arg11[%add3A_85, %dma_wait3A_96] : memref<10000x128xf32, #tpu.memory_space<vmem_shared>> -> memref<208x128xf32, #tpu.memory_space<vmem_shared>>
      %dma_wait3A_98 = arith.constant 0 : i32
      %dma_wait3A_99 = tpu.memref_slice %arg11[%add3A_85, %dma_wait3A_98] : memref<10000x128xf32, #tpu.memory_space<vmem_shared>> -> memref<208x128xf32, #tpu.memory_space<vmem_shared>>
      tpu.wait_dma2 semaphore(%run_scoped3A_91 : memref<!tpu.dma_semaphore, #tpu.memory_space<semaphore_mem>>) src(%dma_wait3A_99 : memref<208x128xf32, #tpu.memory_space<vmem_shared>>) dst(%arg10 : memref<208x128xf32, #tpu.memory_space<vmem>>)
      tpu.yield
    }) : () -> ()
    "tpu.region"() ({
      %run_scoped3A_91 = tpu.sem_alloc : memref<!tpu.dma_semaphore, #tpu.memory_space<semaphore_mem>>
      %dma_start3A_92 = arith.constant 0 : i32
      %dma_start3A_93 = arith.constant 0 : i32
      %dma_start3A_94 = tpu.memref_slice %arg6[%arg0, %dma_start3A_92, %dma_start3A_93] : memref<2x10000x128xf32, #tpu.memory_space<hbm>> -> memref<1x10000x128xf32, #tpu.memory_space<hbm>>
      %dma_start3A_95 = tpu.memref_squeeze %dma_start3A_94 : memref<1x10000x128xf32, #tpu.memory_space<hbm>> -> memref<10000x128xf32, #tpu.memory_space<hbm>>
      %dma_start3A_96 = arith.constant 0 : i32
      %dma_start3A_97 = tpu.memref_slice %dma_start3A_95[%add3A_85, %dma_start3A_96] : memref<10000x128xf32, #tpu.memory_space<hbm>> -> memref<208x128xf32, #tpu.memory_space<hbm>>
      %dma_start3A_98 = arith.constant 0 : i32
      %dma_start3A_99 = arith.constant 0 : i32
      %dma_start3A_100 = tpu.memref_slice %arg6[%arg0, %dma_start3A_98, %dma_start3A_99] : memref<2x10000x128xf32, #tpu.memory_space<hbm>> -> memref<1x10000x128xf32, #tpu.memory_space<hbm>>
      %dma_start3A_101 = tpu.memref_squeeze %dma_start3A_100 : memref<1x10000x128xf32, #tpu.memory_space<hbm>> -> memref<10000x128xf32, #tpu.memory_space<hbm>>
      %dma_start3A_102 = arith.constant 0 : i32
      %dma_start3A_103 = tpu.memref_slice %dma_start3A_101[%add3A_85, %dma_start3A_102] : memref<10000x128xf32, #tpu.memory_space<hbm>> -> memref<208x128xf32, #tpu.memory_space<hbm>>
      tpu.enqueue_dma source(%arg10 : memref<208x128xf32, #tpu.memory_space<vmem>>) target(%dma_start3A_103 : memref<208x128xf32, #tpu.memory_space<hbm>>) target_semaphore(%run_scoped3A_91 : memref<!tpu.dma_semaphore, #tpu.memory_space<semaphore_mem>>)
      %dma_wait3A_104 = arith.constant 0 : i32
      %dma_wait3A_105 = arith.constant 0 : i32
      %dma_wait3A_106 = tpu.memref_slice %arg6[%arg0, %dma_wait3A_104, %dma_wait3A_105] : memref<2x10000x128xf32, #tpu.memory_space<hbm>> -> memref<1x10000x128xf32, #tpu.memory_space<hbm>>
      %dma_wait3A_107 = tpu.memref_squeeze %dma_wait3A_106 : memref<1x10000x128xf32, #tpu.memory_space<hbm>> -> memref<10000x128xf32, #tpu.memory_space<hbm>>
      %dma_wait3A_108 = arith.constant 0 : i32
      %dma_wait3A_109 = tpu.memref_slice %dma_wait3A_107[%add3A_85, %dma_wait3A_108] : memref<10000x128xf32, #tpu.memory_space<hbm>> -> memref<208x128xf32, #tpu.memory_space<hbm>>
      %dma_wait3A_110 = arith.constant 0 : i32
      %dma_wait3A_111 = arith.constant 0 : i32
      %dma_wait3A_112 = tpu.memref_slice %arg6[%arg0, %dma_wait3A_110, %dma_wait3A_111] : memref<2x10000x128xf32, #tpu.memory_space<hbm>> -> memref<1x10000x128xf32, #tpu.memory_space<hbm>>
      %dma_wait3A_113 = tpu.memref_squeeze %dma_wait3A_112 : memref<1x10000x128xf32, #tpu.memory_space<hbm>> -> memref<10000x128xf32, #tpu.memory_space<hbm>>
      %dma_wait3A_114 = arith.constant 0 : i32
      %dma_wait3A_115 = tpu.memref_slice %dma_wait3A_113[%add3A_85, %dma_wait3A_114] : memref<10000x128xf32, #tpu.memory_space<hbm>> -> memref<208x128xf32, #tpu.memory_space<hbm>>
      tpu.wait_dma2 semaphore(%run_scoped3A_91 : memref<!tpu.dma_semaphore, #tpu.memory_space<semaphore_mem>>) src(%arg10 : memref<208x128xf32, #tpu.memory_space<vmem>>) dst(%dma_wait3A_115 : memref<208x128xf32, #tpu.memory_space<hbm>>)
      tpu.yield
    }) : () -> ()
    %eq3A_86 = arith.constant 0 : i32
    %eq3A_87 = arith.cmpi eq, %arg1, %eq3A_86 : i32
    %convert_element_type3A_88 = arith.extui %eq3A_87 : i1 to i32
    %cond3A_89 = arith.constant 0 : i32
    %cond3A_90 = arith.cmpi ne, %convert_element_type3A_88, %cond3A_89 : i32
    scf.if %cond3A_90 {
      "tpu.region"() ({
        %run_scoped3A_91 = tpu.sem_alloc : memref<!tpu.dma_semaphore, #tpu.memory_space<semaphore_mem>>
        %dma_start3A_92 = arith.constant 0 : i32
        %dma_start3A_93 = arith.constant 0 : i32
        %dma_start3A_94 = tpu.memref_slice %arg10[%dma_start3A_92, %dma_start3A_93] : memref<208x128xf32, #tpu.memory_space<vmem>> -> memref<16x128xf32, #tpu.memory_space<vmem>>
        %dma_start3A_95 = arith.constant 9984 : i32
        %dma_start3A_96 = arith.constant 0 : i32
        %dma_start3A_97 = tpu.memref_slice %arg11[%dma_start3A_95, %dma_start3A_96] : memref<10000x128xf32, #tpu.memory_space<vmem_shared>> -> memref<16x128xf32, #tpu.memory_space<vmem_shared>>
        %dma_start3A_98 = arith.constant 0 : i32
        %dma_start3A_99 = arith.constant 0 : i32
        %dma_start3A_100 = tpu.memref_slice %arg10[%dma_start3A_98, %dma_start3A_99] : memref<208x128xf32, #tpu.memory_space<vmem>> -> memref<16x128xf32, #tpu.memory_space<vmem>>
        %dma_start3A_101 = arith.constant 9984 : i32
        %dma_start3A_102 = arith.constant 0 : i32
        %dma_start3A_103 = tpu.memref_slice %arg11[%dma_start3A_101, %dma_start3A_102] : memref<10000x128xf32, #tpu.memory_space<vmem_shared>> -> memref<16x128xf32, #tpu.memory_space<vmem_shared>>
        tpu.enqueue_dma source(%dma_start3A_103 : memref<16x128xf32, #tpu.memory_space<vmem_shared>>) target(%dma_start3A_100 : memref<16x128xf32, #tpu.memory_space<vmem>>) target_semaphore(%run_scoped3A_91 : memref<!tpu.dma_semaphore, #tpu.memory_space<semaphore_mem>>)
        %dma_wait3A_104 = arith.constant 0 : i32
        %dma_wait3A_105 = arith.constant 0 : i32
        %dma_wait3A_106 = tpu.memref_slice %arg10[%dma_wait3A_104, %dma_wait3A_105] : memref<208x128xf32, #tpu.memory_space<vmem>> -> memref<16x128xf32, #tpu.memory_space<vmem>>
        %dma_wait3A_107 = arith.constant 9984 : i32
        %dma_wait3A_108 = arith.constant 0 : i32
        %dma_wait3A_109 = tpu.memref_slice %arg11[%dma_wait3A_107, %dma_wait3A_108] : memref<10000x128xf32, #tpu.memory_space<vmem_shared>> -> memref<16x128xf32, #tpu.memory_space<vmem_shared>>
        %dma_wait3A_110 = arith.constant 0 : i32
        %dma_wait3A_111 = arith.constant 0 : i32
        %dma_wait3A_112 = tpu.memref_slice %arg10[%dma_wait3A_110, %dma_wait3A_111] : memref<208x128xf32, #tpu.memory_space<vmem>> -> memref<16x128xf32, #tpu.memory_space<vmem>>
        %dma_wait3A_113 = arith.constant 9984 : i32
        %dma_wait3A_114 = arith.constant 0 : i32
        %dma_wait3A_115 = tpu.memref_slice %arg11[%dma_wait3A_113, %dma_wait3A_114] : memref<10000x128xf32, #tpu.memory_space<vmem_shared>> -> memref<16x128xf32, #tpu.memory_space<vmem_shared>>
        tpu.wait_dma2 semaphore(%run_scoped3A_91 : memref<!tpu.dma_semaphore, #tpu.memory_space<semaphore_mem>>) src(%dma_wait3A_115 : memref<16x128xf32, #tpu.memory_space<vmem_shared>>) dst(%dma_wait3A_112 : memref<16x128xf32, #tpu.memory_space<vmem>>)
        tpu.yield
      }) : () -> ()
      "tpu.region"() ({
        %run_scoped3A_91 = tpu.sem_alloc : memref<!tpu.dma_semaphore, #tpu.memory_space<semaphore_mem>>
        %dma_start3A_92 = arith.constant 0 : i32
        %dma_start3A_93 = arith.constant 0 : i32
        %dma_start3A_94 = tpu.memref_slice %arg10[%dma_start3A_92, %dma_start3A_93] : memref<208x128xf32, #tpu.memory_space<vmem>> -> memref<16x128xf32, #tpu.memory_space<vmem>>
        %dma_start3A_95 = arith.constant 0 : i32
        %dma_start3A_96 = arith.constant 0 : i32
        %dma_start3A_97 = tpu.memref_slice %arg6[%arg0, %dma_start3A_95, %dma_start3A_96] : memref<2x10000x128xf32, #tpu.memory_space<hbm>> -> memref<1x10000x128xf32, #tpu.memory_space<hbm>>
        %dma_start3A_98 = tpu.memref_squeeze %dma_start3A_97 : memref<1x10000x128xf32, #tpu.memory_space<hbm>> -> memref<10000x128xf32, #tpu.memory_space<hbm>>
        %dma_start3A_99 = arith.constant 9984 : i32
        %dma_start3A_100 = arith.constant 0 : i32
        %dma_start3A_101 = tpu.memref_slice %dma_start3A_98[%dma_start3A_99, %dma_start3A_100] : memref<10000x128xf32, #tpu.memory_space<hbm>> -> memref<16x128xf32, #tpu.memory_space<hbm>>
        %dma_start3A_102 = arith.constant 0 : i32
        %dma_start3A_103 = arith.constant 0 : i32
        %dma_start3A_104 = tpu.memref_slice %arg6[%arg0, %dma_start3A_102, %dma_start3A_103] : memref<2x10000x128xf32, #tpu.memory_space<hbm>> -> memref<1x10000x128xf32, #tpu.memory_space<hbm>>
        %dma_start3A_105 = tpu.memref_squeeze %dma_start3A_104 : memref<1x10000x128xf32, #tpu.memory_space<hbm>> -> memref<10000x128xf32, #tpu.memory_space<hbm>>
        %dma_start3A_106 = arith.constant 9984 : i32
        %dma_start3A_107 = arith.constant 0 : i32
        %dma_start3A_108 = tpu.memref_slice %dma_start3A_105[%dma_start3A_106, %dma_start3A_107] : memref<10000x128xf32, #tpu.memory_space<hbm>> -> memref<16x128xf32, #tpu.memory_space<hbm>>
        %dma_start3A_109 = arith.constant 0 : i32
        %dma_start3A_110 = arith.constant 0 : i32
        %dma_start3A_111 = tpu.memref_slice %arg10[%dma_start3A_109, %dma_start3A_110] : memref<208x128xf32, #tpu.memory_space<vmem>> -> memref<16x128xf32, #tpu.memory_space<vmem>>
        tpu.enqueue_dma source(%dma_start3A_111 : memref<16x128xf32, #tpu.memory_space<vmem>>) target(%dma_start3A_108 : memref<16x128xf32, #tpu.memory_space<hbm>>) target_semaphore(%run_scoped3A_91 : memref<!tpu.dma_semaphore, #tpu.memory_space<semaphore_mem>>)
        %dma_wait3A_112 = arith.constant 0 : i32
        %dma_wait3A_113 = arith.constant 0 : i32
        %dma_wait3A_114 = tpu.memref_slice %arg10[%dma_wait3A_112, %dma_wait3A_113] : memref<208x128xf32, #tpu.memory_space<vmem>> -> memref<16x128xf32, #tpu.memory_space<vmem>>
        %dma_wait3A_115 = arith.constant 0 : i32
        %dma_wait3A_116 = arith.constant 0 : i32
        %dma_wait3A_117 = tpu.memref_slice %arg6[%arg0, %dma_wait3A_115, %dma_wait3A_116] : memref<2x10000x128xf32, #tpu.memory_space<hbm>> -> memref<1x10000x128xf32, #tpu.memory_space<hbm>>
        %dma_wait3A_118 = tpu.memref_squeeze %dma_wait3A_117 : memref<1x10000x128xf32, #tpu.memory_space<hbm>> -> memref<10000x128xf32, #tpu.memory_space<hbm>>
        %dma_wait3A_119 = arith.constant 9984 : i32
        %dma_wait3A_120 = arith.constant 0 : i32
        %dma_wait3A_121 = tpu.memref_slice %dma_wait3A_118[%dma_wait3A_119, %dma_wait3A_120] : memref<10000x128xf32, #tpu.memory_space<hbm>> -> memref<16x128xf32, #tpu.memory_space<hbm>>
        %dma_wait3A_122 = arith.constant 0 : i32
        %dma_wait3A_123 = arith.constant 0 : i32
        %dma_wait3A_124 = tpu.memref_slice %arg6[%arg0, %dma_wait3A_122, %dma_wait3A_123] : memref<2x10000x128xf32, #tpu.memory_space<hbm>> -> memref<1x10000x128xf32, #tpu.memory_space<hbm>>
        %dma_wait3A_125 = tpu.memref_squeeze %dma_wait3A_124 : memref<1x10000x128xf32, #tpu.memory_space<hbm>> -> memref<10000x128xf32, #tpu.memory_space<hbm>>
        %dma_wait3A_126 = arith.constant 9984 : i32
        %dma_wait3A_127 = arith.constant 0 : i32
        %dma_wait3A_128 = tpu.memref_slice %dma_wait3A_125[%dma_wait3A_126, %dma_wait3A_127] : memref<10000x128xf32, #tpu.memory_space<hbm>> -> memref<16x128xf32, #tpu.memory_space<hbm>>
        %dma_wait3A_129 = arith.constant 0 : i32
        %dma_wait3A_130 = arith.constant 0 : i32
        %dma_wait3A_131 = tpu.memref_slice %arg10[%dma_wait3A_129, %dma_wait3A_130] : memref<208x128xf32, #tpu.memory_space<vmem>> -> memref<16x128xf32, #tpu.memory_space<vmem>>
        tpu.wait_dma2 semaphore(%run_scoped3A_91 : memref<!tpu.dma_semaphore, #tpu.memory_space<semaphore_mem>>) src(%dma_wait3A_131 : memref<16x128xf32, #tpu.memory_space<vmem>>) dst(%dma_wait3A_128 : memref<16x128xf32, #tpu.memory_space<hbm>>)
        tpu.yield
      }) : () -> ()
    } else {
    }
    return
  }
}

#map = affine_map<(d0, d1) -> (0, 0)>
#map1 = affine_map<(d0, d1) -> (0)>
#map2 = affine_map<(d0, d1) -> (0, 0, 0)>
module attributes {stable_mosaic.version = 14 : i64} {
  func.func @_sc_agg_body(%arg0: i32, %arg1: i32, %arg2: memref<10000x128xf32, #tpu.memory_space<hbm>>, %arg3: memref<320000xi32, #tpu.memory_space<hbm>>, %arg4: memref<320000xi32, #tpu.memory_space<hbm>>, %arg5: memref<208x128xf32, #tpu.memory_space<hbm>>, %arg6: memref<2x10000x128xf32, #tpu.memory_space<hbm>>, %arg7: memref<4x80xi32, #tpu.memory_space<vmem>>, %arg8: memref<4x80xi32, #tpu.memory_space<vmem>>, %arg9: memref<2x80x128xf32, #tpu.memory_space<vmem>>, %arg10: memref<208x128xf32, #tpu.memory_space<vmem>>, %arg11: memref<10000x128xf32, #tpu.memory_space<vmem_shared>>, %arg12: memref<!tpu.dma_semaphore, #tpu.memory_space<semaphore_mem>>, %arg13: memref<!tpu.dma_semaphore, #tpu.memory_space<semaphore_mem>>, %arg14: memref<!tpu.dma_semaphore, #tpu.memory_space<semaphore_mem>>, %arg15: memref<!tpu.dma_semaphore, #tpu.memory_space<semaphore_mem>>) attributes {dimension_semantics = [#tpu.dimension_semantics<core_parallel>, #tpu.dimension_semantics<subcore_parallel>], iteration_bounds = array<i64: 2, 16>, scalar_prefetch = 0 : i64, scratch_operands = 9 : i64, tpu.core_type = #tpu.core_type<sc_vector_subcore>, window_params = [{transform_indices = #map}, {transform_indices = #map1}, {transform_indices = #map1}, {transform_indices = #map}, {transform_indices = #map2}]} {
    %mul3A = arith.constant 2 : i32
    %mul3A_0 = arith.muli %arg1, %mul3A : i32
    %add3A = arith.addi %mul3A_0, %arg0 : i32
    %mul3A_1 = arith.constant 10000 : i32
    %mul3A_2 = arith.muli %add3A, %mul3A_1 : i32
    "tpu.region"() ({
      %run_scoped3A_91 = tpu.sem_alloc : memref<!tpu.dma_semaphore, #tpu.memory_space<semaphore_mem>>
      tpu.enqueue_dma source(%arg5 : memref<208x128xf32, #tpu.memory_space<hbm>>) target(%arg10 : memref<208x128xf32, #tpu.memory_space<vmem>>) target_semaphore(%run_scoped3A_91 : memref<!tpu.dma_semaphore, #tpu.memory_space<semaphore_mem>>)
      tpu.wait_dma2 semaphore(%run_scoped3A_91 : memref<!tpu.dma_semaphore, #tpu.memory_space<semaphore_mem>>) src(%arg5 : memref<208x128xf32, #tpu.memory_space<hbm>>) dst(%arg10 : memref<208x128xf32, #tpu.memory_space<vmem>>)
      tpu.yield
    }) : () -> ()
    %mul3A_3 = arith.constant 624 : i32
    %mul3A_4 = arith.muli %arg1, %mul3A_3 : i32
    %add3A_5 = arith.constant 0 : i32
    %add3A_6 = arith.addi %mul3A_4, %add3A_5 : i32
    "tpu.region"() ({
      %run_scoped3A_91 = tpu.sem_alloc : memref<!tpu.dma_semaphore, #tpu.memory_space<semaphore_mem>>
      %dma_start3A_92 = arith.constant 0 : i32
      %dma_start3A_93 = tpu.memref_slice %arg11[%add3A_6, %dma_start3A_92] : memref<10000x128xf32, #tpu.memory_space<vmem_shared>> -> memref<208x128xf32, #tpu.memory_space<vmem_shared>>
      %dma_start3A_94 = arith.constant 0 : i32
      %dma_start3A_95 = tpu.memref_slice %arg11[%add3A_6, %dma_start3A_94] : memref<10000x128xf32, #tpu.memory_space<vmem_shared>> -> memref<208x128xf32, #tpu.memory_space<vmem_shared>>
      tpu.enqueue_dma source(%arg10 : memref<208x128xf32, #tpu.memory_space<vmem>>) target(%dma_start3A_95 : memref<208x128xf32, #tpu.memory_space<vmem_shared>>) target_semaphore(%run_scoped3A_91 : memref<!tpu.dma_semaphore, #tpu.memory_space<semaphore_mem>>)
      %dma_wait3A_96 = arith.constant 0 : i32
      %dma_wait3A_97 = tpu.memref_slice %arg11[%add3A_6, %dma_wait3A_96] : memref<10000x128xf32, #tpu.memory_space<vmem_shared>> -> memref<208x128xf32, #tpu.memory_space<vmem_shared>>
      %dma_wait3A_98 = arith.constant 0 : i32
      %dma_wait3A_99 = tpu.memref_slice %arg11[%add3A_6, %dma_wait3A_98] : memref<10000x128xf32, #tpu.memory_space<vmem_shared>> -> memref<208x128xf32, #tpu.memory_space<vmem_shared>>
      tpu.wait_dma2 semaphore(%run_scoped3A_91 : memref<!tpu.dma_semaphore, #tpu.memory_space<semaphore_mem>>) src(%arg10 : memref<208x128xf32, #tpu.memory_space<vmem>>) dst(%dma_wait3A_99 : memref<208x128xf32, #tpu.memory_space<vmem_shared>>)
      tpu.yield
    }) : () -> ()
    %mul3A_7 = arith.constant 624 : i32
    %mul3A_8 = arith.muli %arg1, %mul3A_7 : i32
    %add3A_9 = arith.constant 208 : i32
    %add3A_10 = arith.addi %mul3A_8, %add3A_9 : i32
    "tpu.region"() ({
      %run_scoped3A_91 = tpu.sem_alloc : memref<!tpu.dma_semaphore, #tpu.memory_space<semaphore_mem>>
      %dma_start3A_92 = arith.constant 0 : i32
      %dma_start3A_93 = tpu.memref_slice %arg11[%add3A_10, %dma_start3A_92] : memref<10000x128xf32, #tpu.memory_space<vmem_shared>> -> memref<208x128xf32, #tpu.memory_space<vmem_shared>>
      %dma_start3A_94 = arith.constant 0 : i32
      %dma_start3A_95 = tpu.memref_slice %arg11[%add3A_10, %dma_start3A_94] : memref<10000x128xf32, #tpu.memory_space<vmem_shared>> -> memref<208x128xf32, #tpu.memory_space<vmem_shared>>
      tpu.enqueue_dma source(%arg10 : memref<208x128xf32, #tpu.memory_space<vmem>>) target(%dma_start3A_95 : memref<208x128xf32, #tpu.memory_space<vmem_shared>>) target_semaphore(%run_scoped3A_91 : memref<!tpu.dma_semaphore, #tpu.memory_space<semaphore_mem>>)
      %dma_wait3A_96 = arith.constant 0 : i32
      %dma_wait3A_97 = tpu.memref_slice %arg11[%add3A_10, %dma_wait3A_96] : memref<10000x128xf32, #tpu.memory_space<vmem_shared>> -> memref<208x128xf32, #tpu.memory_space<vmem_shared>>
      %dma_wait3A_98 = arith.constant 0 : i32
      %dma_wait3A_99 = tpu.memref_slice %arg11[%add3A_10, %dma_wait3A_98] : memref<10000x128xf32, #tpu.memory_space<vmem_shared>> -> memref<208x128xf32, #tpu.memory_space<vmem_shared>>
      tpu.wait_dma2 semaphore(%run_scoped3A_91 : memref<!tpu.dma_semaphore, #tpu.memory_space<semaphore_mem>>) src(%arg10 : memref<208x128xf32, #tpu.memory_space<vmem>>) dst(%dma_wait3A_99 : memref<208x128xf32, #tpu.memory_space<vmem_shared>>)
      tpu.yield
    }) : () -> ()
    %mul3A_11 = arith.constant 624 : i32
    %mul3A_12 = arith.muli %arg1, %mul3A_11 : i32
    %add3A_13 = arith.constant 416 : i32
    %add3A_14 = arith.addi %mul3A_12, %add3A_13 : i32
    "tpu.region"() ({
      %run_scoped3A_91 = tpu.sem_alloc : memref<!tpu.dma_semaphore, #tpu.memory_space<semaphore_mem>>
      %dma_start3A_92 = arith.constant 0 : i32
      %dma_start3A_93 = tpu.memref_slice %arg11[%add3A_14, %dma_start3A_92] : memref<10000x128xf32, #tpu.memory_space<vmem_shared>> -> memref<208x128xf32, #tpu.memory_space<vmem_shared>>
      %dma_start3A_94 = arith.constant 0 : i32
      %dma_start3A_95 = tpu.memref_slice %arg11[%add3A_14, %dma_start3A_94] : memref<10000x128xf32, #tpu.memory_space<vmem_shared>> -> memref<208x128xf32, #tpu.memory_space<vmem_shared>>
      tpu.enqueue_dma source(%arg10 : memref<208x128xf32, #tpu.memory_space<vmem>>) target(%dma_start3A_95 : memref<208x128xf32, #tpu.memory_space<vmem_shared>>) target_semaphore(%run_scoped3A_91 : memref<!tpu.dma_semaphore, #tpu.memory_space<semaphore_mem>>)
      %dma_wait3A_96 = arith.constant 0 : i32
      %dma_wait3A_97 = tpu.memref_slice %arg11[%add3A_14, %dma_wait3A_96] : memref<10000x128xf32, #tpu.memory_space<vmem_shared>> -> memref<208x128xf32, #tpu.memory_space<vmem_shared>>
      %dma_wait3A_98 = arith.constant 0 : i32
      %dma_wait3A_99 = tpu.memref_slice %arg11[%add3A_14, %dma_wait3A_98] : memref<10000x128xf32, #tpu.memory_space<vmem_shared>> -> memref<208x128xf32, #tpu.memory_space<vmem_shared>>
      tpu.wait_dma2 semaphore(%run_scoped3A_91 : memref<!tpu.dma_semaphore, #tpu.memory_space<semaphore_mem>>) src(%arg10 : memref<208x128xf32, #tpu.memory_space<vmem>>) dst(%dma_wait3A_99 : memref<208x128xf32, #tpu.memory_space<vmem_shared>>)
      tpu.yield
    }) : () -> ()
    %eq3A = arith.constant 0 : i32
    %eq3A_15 = arith.cmpi eq, %arg1, %eq3A : i32
    %convert_element_type3A = arith.extui %eq3A_15 : i1 to i32
    %cond3A = arith.constant 0 : i32
    %cond3A_16 = arith.cmpi ne, %convert_element_type3A, %cond3A : i32
    scf.if %cond3A_16 {
      "tpu.region"() ({
        %run_scoped3A_91 = tpu.sem_alloc : memref<!tpu.dma_semaphore, #tpu.memory_space<semaphore_mem>>
        %dma_start3A_92 = arith.constant 0 : i32
        %dma_start3A_93 = arith.constant 0 : i32
        %dma_start3A_94 = tpu.memref_slice %arg10[%dma_start3A_92, %dma_start3A_93] : memref<208x128xf32, #tpu.memory_space<vmem>> -> memref<16x128xf32, #tpu.memory_space<vmem>>
        %dma_start3A_95 = arith.constant 9984 : i32
        %dma_start3A_96 = arith.constant 0 : i32
        %dma_start3A_97 = tpu.memref_slice %arg11[%dma_start3A_95, %dma_start3A_96] : memref<10000x128xf32, #tpu.memory_space<vmem_shared>> -> memref<16x128xf32, #tpu.memory_space<vmem_shared>>
        %dma_start3A_98 = arith.constant 9984 : i32
        %dma_start3A_99 = arith.constant 0 : i32
        %dma_start3A_100 = tpu.memref_slice %arg11[%dma_start3A_98, %dma_start3A_99] : memref<10000x128xf32, #tpu.memory_space<vmem_shared>> -> memref<16x128xf32, #tpu.memory_space<vmem_shared>>
        %dma_start3A_101 = arith.constant 0 : i32
        %dma_start3A_102 = arith.constant 0 : i32
        %dma_start3A_103 = tpu.memref_slice %arg10[%dma_start3A_101, %dma_start3A_102] : memref<208x128xf32, #tpu.memory_space<vmem>> -> memref<16x128xf32, #tpu.memory_space<vmem>>
        tpu.enqueue_dma source(%dma_start3A_103 : memref<16x128xf32, #tpu.memory_space<vmem>>) target(%dma_start3A_100 : memref<16x128xf32, #tpu.memory_space<vmem_shared>>) target_semaphore(%run_scoped3A_91 : memref<!tpu.dma_semaphore, #tpu.memory_space<semaphore_mem>>)
        %dma_wait3A_104 = arith.constant 0 : i32
        %dma_wait3A_105 = arith.constant 0 : i32
        %dma_wait3A_106 = tpu.memref_slice %arg10[%dma_wait3A_104, %dma_wait3A_105] : memref<208x128xf32, #tpu.memory_space<vmem>> -> memref<16x128xf32, #tpu.memory_space<vmem>>
        %dma_wait3A_107 = arith.constant 9984 : i32
        %dma_wait3A_108 = arith.constant 0 : i32
        %dma_wait3A_109 = tpu.memref_slice %arg11[%dma_wait3A_107, %dma_wait3A_108] : memref<10000x128xf32, #tpu.memory_space<vmem_shared>> -> memref<16x128xf32, #tpu.memory_space<vmem_shared>>
        %dma_wait3A_110 = arith.constant 9984 : i32
        %dma_wait3A_111 = arith.constant 0 : i32
        %dma_wait3A_112 = tpu.memref_slice %arg11[%dma_wait3A_110, %dma_wait3A_111] : memref<10000x128xf32, #tpu.memory_space<vmem_shared>> -> memref<16x128xf32, #tpu.memory_space<vmem_shared>>
        %dma_wait3A_113 = arith.constant 0 : i32
        %dma_wait3A_114 = arith.constant 0 : i32
        %dma_wait3A_115 = tpu.memref_slice %arg10[%dma_wait3A_113, %dma_wait3A_114] : memref<208x128xf32, #tpu.memory_space<vmem>> -> memref<16x128xf32, #tpu.memory_space<vmem>>
        tpu.wait_dma2 semaphore(%run_scoped3A_91 : memref<!tpu.dma_semaphore, #tpu.memory_space<semaphore_mem>>) src(%dma_wait3A_115 : memref<16x128xf32, #tpu.memory_space<vmem>>) dst(%dma_wait3A_112 : memref<16x128xf32, #tpu.memory_space<vmem_shared>>)
        tpu.yield
      }) : () -> ()
    } else {
    }
    %add3A_17 = arith.constant 0 : i32
    %add3A_18 = arith.addi %mul3A_2, %add3A_17 : i32
    %run_scoped3A = arith.constant 0 : i32
    "tpu.region"() ({
      %run_scoped3A_91 = tpu.sem_alloc : memref<!tpu.dma_semaphore, #tpu.memory_space<semaphore_mem>>
      %dma_start3A_92 = arith.constant 0 : i32
      %dma_start3A_93 = tpu.memref_slice %arg7[%run_scoped3A, %dma_start3A_92] : memref<4x80xi32, #tpu.memory_space<vmem>> -> memref<1x80xi32, #tpu.memory_space<vmem>>
      %dma_start3A_94 = tpu.memref_squeeze %dma_start3A_93 : memref<1x80xi32, #tpu.memory_space<vmem>> -> memref<80xi32, #tpu.memory_space<vmem>>
      %dma_start3A_95 = tpu.memref_slice %arg3[%add3A_18] : memref<320000xi32, #tpu.memory_space<hbm>> -> memref<80xi32, #tpu.memory_space<hbm>>
      %dma_start3A_96 = arith.constant 0 : i32
      %dma_start3A_97 = tpu.memref_slice %arg7[%run_scoped3A, %dma_start3A_96] : memref<4x80xi32, #tpu.memory_space<vmem>> -> memref<1x80xi32, #tpu.memory_space<vmem>>
      %dma_start3A_98 = tpu.memref_squeeze %dma_start3A_97 : memref<1x80xi32, #tpu.memory_space<vmem>> -> memref<80xi32, #tpu.memory_space<vmem>>
      %dma_start3A_99 = tpu.memref_slice %arg3[%add3A_18] : memref<320000xi32, #tpu.memory_space<hbm>> -> memref<80xi32, #tpu.memory_space<hbm>>
      tpu.enqueue_dma source(%dma_start3A_99 : memref<80xi32, #tpu.memory_space<hbm>>) target(%dma_start3A_98 : memref<80xi32, #tpu.memory_space<vmem>>) target_semaphore(%run_scoped3A_91 : memref<!tpu.dma_semaphore, #tpu.memory_space<semaphore_mem>>)
      %dma_wait3A_100 = arith.constant 0 : i32
      %dma_wait3A_101 = tpu.memref_slice %arg7[%run_scoped3A, %dma_wait3A_100] : memref<4x80xi32, #tpu.memory_space<vmem>> -> memref<1x80xi32, #tpu.memory_space<vmem>>
      %dma_wait3A_102 = tpu.memref_squeeze %dma_wait3A_101 : memref<1x80xi32, #tpu.memory_space<vmem>> -> memref<80xi32, #tpu.memory_space<vmem>>
      %dma_wait3A_103 = tpu.memref_slice %arg3[%add3A_18] : memref<320000xi32, #tpu.memory_space<hbm>> -> memref<80xi32, #tpu.memory_space<hbm>>
      %dma_wait3A_104 = arith.constant 0 : i32
      %dma_wait3A_105 = tpu.memref_slice %arg7[%run_scoped3A, %dma_wait3A_104] : memref<4x80xi32, #tpu.memory_space<vmem>> -> memref<1x80xi32, #tpu.memory_space<vmem>>
      %dma_wait3A_106 = tpu.memref_squeeze %dma_wait3A_105 : memref<1x80xi32, #tpu.memory_space<vmem>> -> memref<80xi32, #tpu.memory_space<vmem>>
      %dma_wait3A_107 = tpu.memref_slice %arg3[%add3A_18] : memref<320000xi32, #tpu.memory_space<hbm>> -> memref<80xi32, #tpu.memory_space<hbm>>
      tpu.wait_dma2 semaphore(%run_scoped3A_91 : memref<!tpu.dma_semaphore, #tpu.memory_space<semaphore_mem>>) src(%dma_wait3A_107 : memref<80xi32, #tpu.memory_space<hbm>>) dst(%dma_wait3A_106 : memref<80xi32, #tpu.memory_space<vmem>>)
      tpu.yield
    }) : () -> ()
    %add3A_19 = arith.constant 0 : i32
    %add3A_20 = arith.addi %mul3A_2, %add3A_19 : i32
    %run_scoped3A_21 = arith.constant 0 : i32
    "tpu.region"() ({
      %run_scoped3A_91 = tpu.sem_alloc : memref<!tpu.dma_semaphore, #tpu.memory_space<semaphore_mem>>
      %dma_start3A_92 = arith.constant 0 : i32
      %dma_start3A_93 = tpu.memref_slice %arg8[%run_scoped3A_21, %dma_start3A_92] : memref<4x80xi32, #tpu.memory_space<vmem>> -> memref<1x80xi32, #tpu.memory_space<vmem>>
      %dma_start3A_94 = tpu.memref_squeeze %dma_start3A_93 : memref<1x80xi32, #tpu.memory_space<vmem>> -> memref<80xi32, #tpu.memory_space<vmem>>
      %dma_start3A_95 = tpu.memref_slice %arg4[%add3A_20] : memref<320000xi32, #tpu.memory_space<hbm>> -> memref<80xi32, #tpu.memory_space<hbm>>
      %dma_start3A_96 = arith.constant 0 : i32
      %dma_start3A_97 = tpu.memref_slice %arg8[%run_scoped3A_21, %dma_start3A_96] : memref<4x80xi32, #tpu.memory_space<vmem>> -> memref<1x80xi32, #tpu.memory_space<vmem>>
      %dma_start3A_98 = tpu.memref_squeeze %dma_start3A_97 : memref<1x80xi32, #tpu.memory_space<vmem>> -> memref<80xi32, #tpu.memory_space<vmem>>
      %dma_start3A_99 = tpu.memref_slice %arg4[%add3A_20] : memref<320000xi32, #tpu.memory_space<hbm>> -> memref<80xi32, #tpu.memory_space<hbm>>
      tpu.enqueue_dma source(%dma_start3A_99 : memref<80xi32, #tpu.memory_space<hbm>>) target(%dma_start3A_98 : memref<80xi32, #tpu.memory_space<vmem>>) target_semaphore(%run_scoped3A_91 : memref<!tpu.dma_semaphore, #tpu.memory_space<semaphore_mem>>)
      %dma_wait3A_100 = arith.constant 0 : i32
      %dma_wait3A_101 = tpu.memref_slice %arg8[%run_scoped3A_21, %dma_wait3A_100] : memref<4x80xi32, #tpu.memory_space<vmem>> -> memref<1x80xi32, #tpu.memory_space<vmem>>
      %dma_wait3A_102 = tpu.memref_squeeze %dma_wait3A_101 : memref<1x80xi32, #tpu.memory_space<vmem>> -> memref<80xi32, #tpu.memory_space<vmem>>
      %dma_wait3A_103 = tpu.memref_slice %arg4[%add3A_20] : memref<320000xi32, #tpu.memory_space<hbm>> -> memref<80xi32, #tpu.memory_space<hbm>>
      %dma_wait3A_104 = arith.constant 0 : i32
      %dma_wait3A_105 = tpu.memref_slice %arg8[%run_scoped3A_21, %dma_wait3A_104] : memref<4x80xi32, #tpu.memory_space<vmem>> -> memref<1x80xi32, #tpu.memory_space<vmem>>
      %dma_wait3A_106 = tpu.memref_squeeze %dma_wait3A_105 : memref<1x80xi32, #tpu.memory_space<vmem>> -> memref<80xi32, #tpu.memory_space<vmem>>
      %dma_wait3A_107 = tpu.memref_slice %arg4[%add3A_20] : memref<320000xi32, #tpu.memory_space<hbm>> -> memref<80xi32, #tpu.memory_space<hbm>>
      tpu.wait_dma2 semaphore(%run_scoped3A_91 : memref<!tpu.dma_semaphore, #tpu.memory_space<semaphore_mem>>) src(%dma_wait3A_107 : memref<80xi32, #tpu.memory_space<hbm>>) dst(%dma_wait3A_106 : memref<80xi32, #tpu.memory_space<vmem>>)
      tpu.yield
    }) : () -> ()
    %add3A_22 = arith.constant 80 : i32
    %add3A_23 = arith.addi %mul3A_2, %add3A_22 : i32
    %dma_start3A = arith.constant 1 : i32
    %dma_start3A_24 = arith.constant 0 : i32
    %dma_start3A_25 = tpu.memref_slice %arg7[%dma_start3A, %dma_start3A_24] : memref<4x80xi32, #tpu.memory_space<vmem>> -> memref<1x80xi32, #tpu.memory_space<vmem>>
    %dma_start3A_26 = tpu.memref_squeeze %dma_start3A_25 : memref<1x80xi32, #tpu.memory_space<vmem>> -> memref<80xi32, #tpu.memory_space<vmem>>
    %dma_start3A_27 = tpu.memref_slice %arg3[%add3A_23] : memref<320000xi32, #tpu.memory_space<hbm>> -> memref<80xi32, #tpu.memory_space<hbm>>
    %dma_start3A_28 = arith.constant 0 : i32
    %dma_start3A_29 = tpu.memref_slice %arg7[%dma_start3A, %dma_start3A_28] : memref<4x80xi32, #tpu.memory_space<vmem>> -> memref<1x80xi32, #tpu.memory_space<vmem>>
    %dma_start3A_30 = tpu.memref_squeeze %dma_start3A_29 : memref<1x80xi32, #tpu.memory_space<vmem>> -> memref<80xi32, #tpu.memory_space<vmem>>
    %dma_start3A_31 = tpu.memref_slice %arg3[%add3A_23] : memref<320000xi32, #tpu.memory_space<hbm>> -> memref<80xi32, #tpu.memory_space<hbm>>
    tpu.enqueue_dma source(%dma_start3A_31 : memref<80xi32, #tpu.memory_space<hbm>>) target(%dma_start3A_30 : memref<80xi32, #tpu.memory_space<vmem>>) target_semaphore(%arg15 : memref<!tpu.dma_semaphore, #tpu.memory_space<semaphore_mem>>)
    %add3A_32 = arith.constant 80 : i32
    %add3A_33 = arith.addi %mul3A_2, %add3A_32 : i32
    %dma_start3A_34 = arith.constant 1 : i32
    %dma_start3A_35 = arith.constant 0 : i32
    %dma_start3A_36 = tpu.memref_slice %arg8[%dma_start3A_34, %dma_start3A_35] : memref<4x80xi32, #tpu.memory_space<vmem>> -> memref<1x80xi32, #tpu.memory_space<vmem>>
    %dma_start3A_37 = tpu.memref_squeeze %dma_start3A_36 : memref<1x80xi32, #tpu.memory_space<vmem>> -> memref<80xi32, #tpu.memory_space<vmem>>
    %dma_start3A_38 = tpu.memref_slice %arg4[%add3A_33] : memref<320000xi32, #tpu.memory_space<hbm>> -> memref<80xi32, #tpu.memory_space<hbm>>
    %dma_start3A_39 = arith.constant 0 : i32
    %dma_start3A_40 = tpu.memref_slice %arg8[%dma_start3A_34, %dma_start3A_39] : memref<4x80xi32, #tpu.memory_space<vmem>> -> memref<1x80xi32, #tpu.memory_space<vmem>>
    %dma_start3A_41 = tpu.memref_squeeze %dma_start3A_40 : memref<1x80xi32, #tpu.memory_space<vmem>> -> memref<80xi32, #tpu.memory_space<vmem>>
    %dma_start3A_42 = tpu.memref_slice %arg4[%add3A_33] : memref<320000xi32, #tpu.memory_space<hbm>> -> memref<80xi32, #tpu.memory_space<hbm>>
    tpu.enqueue_dma source(%dma_start3A_42 : memref<80xi32, #tpu.memory_space<hbm>>) target(%dma_start3A_41 : memref<80xi32, #tpu.memory_space<vmem>>) target_semaphore(%arg15 : memref<!tpu.dma_semaphore, #tpu.memory_space<semaphore_mem>>)
    %dma_start3A_43 = arith.constant 0 : i32
    %dma_start3A_44 = arith.constant 0 : i32
    %dma_start3A_45 = arith.constant 0 : i32
    %dma_start3A_46 = arith.constant 0 : i32
    %dma_start3A_47 = tpu.memref_slice %arg9[%dma_start3A_44, %dma_start3A_45, %dma_start3A_46] : memref<2x80x128xf32, #tpu.memory_space<vmem>> -> memref<1x80x128xf32, #tpu.memory_space<vmem>>
    %dma_start3A_48 = tpu.memref_squeeze %dma_start3A_47 : memref<1x80x128xf32, #tpu.memory_space<vmem>> -> memref<80x128xf32, #tpu.memory_space<vmem>>
    %dma_start3A_49 = arith.constant 0 : i32
    %dma_start3A_50 = tpu.memref_slice %arg7[%dma_start3A_43, %dma_start3A_49] : memref<4x80xi32, #tpu.memory_space<vmem>> -> memref<1x80xi32, #tpu.memory_space<vmem>>
    %dma_start3A_51 = tpu.memref_squeeze %dma_start3A_50 : memref<1x80xi32, #tpu.memory_space<vmem>> -> memref<80xi32, #tpu.memory_space<vmem>>
    %dma_start3A_52 = arith.constant 0 : i32
    %dma_start3A_53 = arith.constant 0 : i32
    %dma_start3A_54 = tpu.memref_slice %arg2[%dma_start3A_52, %dma_start3A_53] : memref<10000x128xf32, #tpu.memory_space<hbm>> -> memref<10000x128xf32, #tpu.memory_space<hbm>>
    tpu.enqueue_indirect_dma source(%dma_start3A_54 : memref<10000x128xf32, #tpu.memory_space<hbm>>) target(%dma_start3A_48 : memref<80x128xf32, #tpu.memory_space<vmem>>) offsets(%dma_start3A_51 : memref<80xi32, #tpu.memory_space<vmem>>) semaphore(%arg12 : memref<!tpu.dma_semaphore, #tpu.memory_space<semaphore_mem>>)
    %barrier3A = arith.constant 0 : index
    tpu.barrier barrier_id(%barrier3A)
    %scan3A = arith.constant 0 : i32
    %scan3A_55 = arith.constant 0 : i32
    %scan3A_56 = arith.constant 31 : i32
    %scan3A_57 = arith.addi %scan3A_55, %scan3A_56 : i32
    %scan3A_58 = arith.constant 1 : i32
    scf.for %scan3A_91 = %scan3A_55 to %scan3A_57 step %scan3A_58  : i32 {
      %mul3A_92 = arith.constant 4 : i32
      %mul3A_93 = arith.muli %mul3A_92, %scan3A_91 : i32
      %add3A_94 = arith.constant 0 : i32
      %add3A_95 = arith.addi %mul3A_93, %add3A_94 : i32
      %add3A_96 = arith.constant 1 : i32
      %add3A_97 = arith.addi %add3A_95, %add3A_96 : i32
      %mul3A_98 = arith.constant 80 : i32
      %mul3A_99 = arith.muli %add3A_97, %mul3A_98 : i32
      %add3A_100 = arith.addi %mul3A_2, %mul3A_99 : i32
      %dma_wait3A_101 = arith.constant 1 : i32
      %dma_wait3A_102 = arith.constant 0 : i32
      %dma_wait3A_103 = tpu.memref_slice %arg7[%dma_wait3A_101, %dma_wait3A_102] : memref<4x80xi32, #tpu.memory_space<vmem>> -> memref<1x80xi32, #tpu.memory_space<vmem>>
      %dma_wait3A_104 = tpu.memref_squeeze %dma_wait3A_103 : memref<1x80xi32, #tpu.memory_space<vmem>> -> memref<80xi32, #tpu.memory_space<vmem>>
      %dma_wait3A_105 = tpu.memref_slice %arg3[%add3A_100] : memref<320000xi32, #tpu.memory_space<hbm>> -> memref<80xi32, #tpu.memory_space<hbm>>
      %dma_wait3A_106 = arith.constant 0 : i32
      %dma_wait3A_107 = tpu.memref_slice %arg7[%dma_wait3A_101, %dma_wait3A_106] : memref<4x80xi32, #tpu.memory_space<vmem>> -> memref<1x80xi32, #tpu.memory_space<vmem>>
      %dma_wait3A_108 = tpu.memref_squeeze %dma_wait3A_107 : memref<1x80xi32, #tpu.memory_space<vmem>> -> memref<80xi32, #tpu.memory_space<vmem>>
      %dma_wait3A_109 = tpu.memref_slice %arg3[%add3A_100] : memref<320000xi32, #tpu.memory_space<hbm>> -> memref<80xi32, #tpu.memory_space<hbm>>
      tpu.wait_dma2 semaphore(%arg15 : memref<!tpu.dma_semaphore, #tpu.memory_space<semaphore_mem>>) src(%dma_wait3A_109 : memref<80xi32, #tpu.memory_space<hbm>>) dst(%dma_wait3A_108 : memref<80xi32, #tpu.memory_space<vmem>>)
      %mul3A_110 = arith.constant 80 : i32
      %mul3A_111 = arith.muli %add3A_97, %mul3A_110 : i32
      %add3A_112 = arith.addi %mul3A_2, %mul3A_111 : i32
      %dma_wait3A_113 = arith.constant 1 : i32
      %dma_wait3A_114 = arith.constant 0 : i32
      %dma_wait3A_115 = tpu.memref_slice %arg8[%dma_wait3A_113, %dma_wait3A_114] : memref<4x80xi32, #tpu.memory_space<vmem>> -> memref<1x80xi32, #tpu.memory_space<vmem>>
      %dma_wait3A_116 = tpu.memref_squeeze %dma_wait3A_115 : memref<1x80xi32, #tpu.memory_space<vmem>> -> memref<80xi32, #tpu.memory_space<vmem>>
      %dma_wait3A_117 = tpu.memref_slice %arg4[%add3A_112] : memref<320000xi32, #tpu.memory_space<hbm>> -> memref<80xi32, #tpu.memory_space<hbm>>
      %dma_wait3A_118 = arith.constant 0 : i32
      %dma_wait3A_119 = tpu.memref_slice %arg8[%dma_wait3A_113, %dma_wait3A_118] : memref<4x80xi32, #tpu.memory_space<vmem>> -> memref<1x80xi32, #tpu.memory_space<vmem>>
      %dma_wait3A_120 = tpu.memref_squeeze %dma_wait3A_119 : memref<1x80xi32, #tpu.memory_space<vmem>> -> memref<80xi32, #tpu.memory_space<vmem>>
      %dma_wait3A_121 = tpu.memref_slice %arg4[%add3A_112] : memref<320000xi32, #tpu.memory_space<hbm>> -> memref<80xi32, #tpu.memory_space<hbm>>
      tpu.wait_dma2 semaphore(%arg15 : memref<!tpu.dma_semaphore, #tpu.memory_space<semaphore_mem>>) src(%dma_wait3A_121 : memref<80xi32, #tpu.memory_space<hbm>>) dst(%dma_wait3A_120 : memref<80xi32, #tpu.memory_space<vmem>>)
      %dma_start3A_122 = arith.constant 1 : i32
      %dma_start3A_123 = arith.constant 1 : i32
      %dma_start3A_124 = arith.constant 0 : i32
      %dma_start3A_125 = arith.constant 0 : i32
      %dma_start3A_126 = tpu.memref_slice %arg9[%dma_start3A_123, %dma_start3A_124, %dma_start3A_125] : memref<2x80x128xf32, #tpu.memory_space<vmem>> -> memref<1x80x128xf32, #tpu.memory_space<vmem>>
      %dma_start3A_127 = tpu.memref_squeeze %dma_start3A_126 : memref<1x80x128xf32, #tpu.memory_space<vmem>> -> memref<80x128xf32, #tpu.memory_space<vmem>>
      %dma_start3A_128 = arith.constant 0 : i32
      %dma_start3A_129 = tpu.memref_slice %arg7[%dma_start3A_122, %dma_start3A_128] : memref<4x80xi32, #tpu.memory_space<vmem>> -> memref<1x80xi32, #tpu.memory_space<vmem>>
      %dma_start3A_130 = tpu.memref_squeeze %dma_start3A_129 : memref<1x80xi32, #tpu.memory_space<vmem>> -> memref<80xi32, #tpu.memory_space<vmem>>
      %dma_start3A_131 = arith.constant 0 : i32
      %dma_start3A_132 = arith.constant 0 : i32
      %dma_start3A_133 = tpu.memref_slice %arg2[%dma_start3A_131, %dma_start3A_132] : memref<10000x128xf32, #tpu.memory_space<hbm>> -> memref<10000x128xf32, #tpu.memory_space<hbm>>
      tpu.enqueue_indirect_dma source(%dma_start3A_133 : memref<10000x128xf32, #tpu.memory_space<hbm>>) target(%dma_start3A_127 : memref<80x128xf32, #tpu.memory_space<vmem>>) offsets(%dma_start3A_130 : memref<80xi32, #tpu.memory_space<vmem>>) semaphore(%arg13 : memref<!tpu.dma_semaphore, #tpu.memory_space<semaphore_mem>>)
      %add3A_134 = arith.constant 2 : i32
      %add3A_135 = arith.addi %add3A_95, %add3A_134 : i32
      %lt3A = arith.constant 125 : i32
      %lt3A_136 = arith.cmpi slt, %add3A_135, %lt3A : i32
      %convert_element_type3A_137 = arith.extui %lt3A_136 : i1 to i32
      %cond3A_138 = arith.constant 0 : i32
      %cond3A_139 = arith.cmpi ne, %convert_element_type3A_137, %cond3A_138 : i32
      scf.if %cond3A_139 {
        %add3A_343 = arith.constant 2 : i32
        %add3A_344 = arith.addi %add3A_95, %add3A_343 : i32
        %mul3A_345 = arith.constant 80 : i32
        %mul3A_346 = arith.muli %add3A_344, %mul3A_345 : i32
        %add3A_347 = arith.addi %mul3A_2, %mul3A_346 : i32
        %dma_start3A_348 = arith.constant 2 : i32
        %dma_start3A_349 = arith.constant 0 : i32
        %dma_start3A_350 = tpu.memref_slice %arg7[%dma_start3A_348, %dma_start3A_349] : memref<4x80xi32, #tpu.memory_space<vmem>> -> memref<1x80xi32, #tpu.memory_space<vmem>>
        %dma_start3A_351 = tpu.memref_squeeze %dma_start3A_350 : memref<1x80xi32, #tpu.memory_space<vmem>> -> memref<80xi32, #tpu.memory_space<vmem>>
        %dma_start3A_352 = tpu.memref_slice %arg3[%add3A_347] : memref<320000xi32, #tpu.memory_space<hbm>> -> memref<80xi32, #tpu.memory_space<hbm>>
        %dma_start3A_353 = arith.constant 0 : i32
        %dma_start3A_354 = tpu.memref_slice %arg7[%dma_start3A_348, %dma_start3A_353] : memref<4x80xi32, #tpu.memory_space<vmem>> -> memref<1x80xi32, #tpu.memory_space<vmem>>
        %dma_start3A_355 = tpu.memref_squeeze %dma_start3A_354 : memref<1x80xi32, #tpu.memory_space<vmem>> -> memref<80xi32, #tpu.memory_space<vmem>>
        %dma_start3A_356 = tpu.memref_slice %arg3[%add3A_347] : memref<320000xi32, #tpu.memory_space<hbm>> -> memref<80xi32, #tpu.memory_space<hbm>>
        tpu.enqueue_dma source(%dma_start3A_356 : memref<80xi32, #tpu.memory_space<hbm>>) target(%dma_start3A_355 : memref<80xi32, #tpu.memory_space<vmem>>) target_semaphore(%arg14 : memref<!tpu.dma_semaphore, #tpu.memory_space<semaphore_mem>>)
        %mul3A_357 = arith.constant 80 : i32
        %mul3A_358 = arith.muli %add3A_344, %mul3A_357 : i32
        %add3A_359 = arith.addi %mul3A_2, %mul3A_358 : i32
        %dma_start3A_360 = arith.constant 2 : i32
        %dma_start3A_361 = arith.constant 0 : i32
        %dma_start3A_362 = tpu.memref_slice %arg8[%dma_start3A_360, %dma_start3A_361] : memref<4x80xi32, #tpu.memory_space<vmem>> -> memref<1x80xi32, #tpu.memory_space<vmem>>
        %dma_start3A_363 = tpu.memref_squeeze %dma_start3A_362 : memref<1x80xi32, #tpu.memory_space<vmem>> -> memref<80xi32, #tpu.memory_space<vmem>>
        %dma_start3A_364 = tpu.memref_slice %arg4[%add3A_359] : memref<320000xi32, #tpu.memory_space<hbm>> -> memref<80xi32, #tpu.memory_space<hbm>>
        %dma_start3A_365 = arith.constant 0 : i32
        %dma_start3A_366 = tpu.memref_slice %arg8[%dma_start3A_360, %dma_start3A_365] : memref<4x80xi32, #tpu.memory_space<vmem>> -> memref<1x80xi32, #tpu.memory_space<vmem>>
        %dma_start3A_367 = tpu.memref_squeeze %dma_start3A_366 : memref<1x80xi32, #tpu.memory_space<vmem>> -> memref<80xi32, #tpu.memory_space<vmem>>
        %dma_start3A_368 = tpu.memref_slice %arg4[%add3A_359] : memref<320000xi32, #tpu.memory_space<hbm>> -> memref<80xi32, #tpu.memory_space<hbm>>
        tpu.enqueue_dma source(%dma_start3A_368 : memref<80xi32, #tpu.memory_space<hbm>>) target(%dma_start3A_367 : memref<80xi32, #tpu.memory_space<vmem>>) target_semaphore(%arg14 : memref<!tpu.dma_semaphore, #tpu.memory_space<semaphore_mem>>)
      } else {
      }
      %dma_wait3A_140 = arith.constant 0 : i32
      %dma_wait3A_141 = arith.constant 0 : i32
      %dma_wait3A_142 = arith.constant 0 : i32
      %dma_wait3A_143 = arith.constant 0 : i32
      %dma_wait3A_144 = tpu.memref_slice %arg9[%dma_wait3A_141, %dma_wait3A_142, %dma_wait3A_143] : memref<2x80x128xf32, #tpu.memory_space<vmem>> -> memref<1x80x128xf32, #tpu.memory_space<vmem>>
      %dma_wait3A_145 = tpu.memref_squeeze %dma_wait3A_144 : memref<1x80x128xf32, #tpu.memory_space<vmem>> -> memref<80x128xf32, #tpu.memory_space<vmem>>
      %dma_wait3A_146 = arith.constant 0 : i32
      %dma_wait3A_147 = tpu.memref_slice %arg7[%dma_wait3A_140, %dma_wait3A_146] : memref<4x80xi32, #tpu.memory_space<vmem>> -> memref<1x80xi32, #tpu.memory_space<vmem>>
      %dma_wait3A_148 = tpu.memref_squeeze %dma_wait3A_147 : memref<1x80xi32, #tpu.memory_space<vmem>> -> memref<80xi32, #tpu.memory_space<vmem>>
      %dma_wait3A_149 = arith.constant 0 : i32
      %dma_wait3A_150 = arith.constant 0 : i32
      %dma_wait3A_151 = tpu.memref_slice %arg2[%dma_wait3A_149, %dma_wait3A_150] : memref<10000x128xf32, #tpu.memory_space<hbm>> -> memref<10000x128xf32, #tpu.memory_space<hbm>>
      tpu.wait_indirect_dma semaphore(%arg12 : memref<!tpu.dma_semaphore, #tpu.memory_space<semaphore_mem>>) src(%dma_wait3A_151 : memref<10000x128xf32, #tpu.memory_space<hbm>>) dst(%dma_wait3A_145 : memref<80x128xf32, #tpu.memory_space<vmem>>)
      %run_scoped3A_152 = arith.constant 0 : i32
      %run_scoped3A_153 = arith.constant 0 : i32
      "tpu.region"() ({
        %run_scoped3A_343 = tpu.sem_alloc : memref<!tpu.dma_semaphore, #tpu.memory_space<semaphore_mem>>
        %dma_start3A_344 = arith.constant 0 : i32
        %dma_start3A_345 = arith.constant 0 : i32
        %dma_start3A_346 = tpu.memref_slice %arg9[%run_scoped3A_152, %dma_start3A_344, %dma_start3A_345] : memref<2x80x128xf32, #tpu.memory_space<vmem>> -> memref<1x80x128xf32, #tpu.memory_space<vmem>>
        %dma_start3A_347 = tpu.memref_squeeze %dma_start3A_346 : memref<1x80x128xf32, #tpu.memory_space<vmem>> -> memref<80x128xf32, #tpu.memory_space<vmem>>
        %dma_start3A_348 = arith.constant 0 : i32
        %dma_start3A_349 = tpu.memref_slice %arg8[%run_scoped3A_153, %dma_start3A_348] : memref<4x80xi32, #tpu.memory_space<vmem>> -> memref<1x80xi32, #tpu.memory_space<vmem>>
        %dma_start3A_350 = tpu.memref_squeeze %dma_start3A_349 : memref<1x80xi32, #tpu.memory_space<vmem>> -> memref<80xi32, #tpu.memory_space<vmem>>
        %dma_start3A_351 = arith.constant 0 : i32
        %dma_start3A_352 = arith.constant 0 : i32
        %dma_start3A_353 = tpu.memref_slice %arg11[%dma_start3A_351, %dma_start3A_352] : memref<10000x128xf32, #tpu.memory_space<vmem_shared>> -> memref<10000x128xf32, #tpu.memory_space<vmem_shared>>
        tpu.enqueue_indirect_dma source(%dma_start3A_347 : memref<80x128xf32, #tpu.memory_space<vmem>>) target(%dma_start3A_353 : memref<10000x128xf32, #tpu.memory_space<vmem_shared>>) offsets(%dma_start3A_350 : memref<80xi32, #tpu.memory_space<vmem>>) semaphore(%run_scoped3A_343 : memref<!tpu.dma_semaphore, #tpu.memory_space<semaphore_mem>>) {add = true}
        %dma_wait3A_354 = arith.constant 0 : i32
        %dma_wait3A_355 = arith.constant 0 : i32
        %dma_wait3A_356 = tpu.memref_slice %arg9[%run_scoped3A_152, %dma_wait3A_354, %dma_wait3A_355] : memref<2x80x128xf32, #tpu.memory_space<vmem>> -> memref<1x80x128xf32, #tpu.memory_space<vmem>>
        %dma_wait3A_357 = tpu.memref_squeeze %dma_wait3A_356 : memref<1x80x128xf32, #tpu.memory_space<vmem>> -> memref<80x128xf32, #tpu.memory_space<vmem>>
        %dma_wait3A_358 = arith.constant 0 : i32
        %dma_wait3A_359 = tpu.memref_slice %arg8[%run_scoped3A_153, %dma_wait3A_358] : memref<4x80xi32, #tpu.memory_space<vmem>> -> memref<1x80xi32, #tpu.memory_space<vmem>>
        %dma_wait3A_360 = tpu.memref_squeeze %dma_wait3A_359 : memref<1x80xi32, #tpu.memory_space<vmem>> -> memref<80xi32, #tpu.memory_space<vmem>>
        %dma_wait3A_361 = arith.constant 0 : i32
        %dma_wait3A_362 = arith.constant 0 : i32
        %dma_wait3A_363 = tpu.memref_slice %arg11[%dma_wait3A_361, %dma_wait3A_362] : memref<10000x128xf32, #tpu.memory_space<vmem_shared>> -> memref<10000x128xf32, #tpu.memory_space<vmem_shared>>
        tpu.wait_indirect_dma semaphore(%run_scoped3A_343 : memref<!tpu.dma_semaphore, #tpu.memory_space<semaphore_mem>>) src(%dma_wait3A_357 : memref<80x128xf32, #tpu.memory_space<vmem>>) dst(%dma_wait3A_363 : memref<10000x128xf32, #tpu.memory_space<vmem_shared>>)
        tpu.yield
      }) : () -> ()
      %mul3A_154 = arith.constant 4 : i32
      %mul3A_155 = arith.muli %mul3A_154, %scan3A_91 : i32
      %add3A_156 = arith.constant 1 : i32
      %add3A_157 = arith.addi %mul3A_155, %add3A_156 : i32
      %add3A_158 = arith.constant 1 : i32
      %add3A_159 = arith.addi %add3A_157, %add3A_158 : i32
      %mul3A_160 = arith.constant 80 : i32
      %mul3A_161 = arith.muli %add3A_159, %mul3A_160 : i32
      %add3A_162 = arith.addi %mul3A_2, %mul3A_161 : i32
      %dma_wait3A_163 = arith.constant 2 : i32
      %dma_wait3A_164 = arith.constant 0 : i32
      %dma_wait3A_165 = tpu.memref_slice %arg7[%dma_wait3A_163, %dma_wait3A_164] : memref<4x80xi32, #tpu.memory_space<vmem>> -> memref<1x80xi32, #tpu.memory_space<vmem>>
      %dma_wait3A_166 = tpu.memref_squeeze %dma_wait3A_165 : memref<1x80xi32, #tpu.memory_space<vmem>> -> memref<80xi32, #tpu.memory_space<vmem>>
      %dma_wait3A_167 = tpu.memref_slice %arg3[%add3A_162] : memref<320000xi32, #tpu.memory_space<hbm>> -> memref<80xi32, #tpu.memory_space<hbm>>
      %dma_wait3A_168 = arith.constant 0 : i32
      %dma_wait3A_169 = tpu.memref_slice %arg7[%dma_wait3A_163, %dma_wait3A_168] : memref<4x80xi32, #tpu.memory_space<vmem>> -> memref<1x80xi32, #tpu.memory_space<vmem>>
      %dma_wait3A_170 = tpu.memref_squeeze %dma_wait3A_169 : memref<1x80xi32, #tpu.memory_space<vmem>> -> memref<80xi32, #tpu.memory_space<vmem>>
      %dma_wait3A_171 = tpu.memref_slice %arg3[%add3A_162] : memref<320000xi32, #tpu.memory_space<hbm>> -> memref<80xi32, #tpu.memory_space<hbm>>
      tpu.wait_dma2 semaphore(%arg14 : memref<!tpu.dma_semaphore, #tpu.memory_space<semaphore_mem>>) src(%dma_wait3A_171 : memref<80xi32, #tpu.memory_space<hbm>>) dst(%dma_wait3A_170 : memref<80xi32, #tpu.memory_space<vmem>>)
      %mul3A_172 = arith.constant 80 : i32
      %mul3A_173 = arith.muli %add3A_159, %mul3A_172 : i32
      %add3A_174 = arith.addi %mul3A_2, %mul3A_173 : i32
      %dma_wait3A_175 = arith.constant 2 : i32
      %dma_wait3A_176 = arith.constant 0 : i32
      %dma_wait3A_177 = tpu.memref_slice %arg8[%dma_wait3A_175, %dma_wait3A_176] : memref<4x80xi32, #tpu.memory_space<vmem>> -> memref<1x80xi32, #tpu.memory_space<vmem>>
      %dma_wait3A_178 = tpu.memref_squeeze %dma_wait3A_177 : memref<1x80xi32, #tpu.memory_space<vmem>> -> memref<80xi32, #tpu.memory_space<vmem>>
      %dma_wait3A_179 = tpu.memref_slice %arg4[%add3A_174] : memref<320000xi32, #tpu.memory_space<hbm>> -> memref<80xi32, #tpu.memory_space<hbm>>
      %dma_wait3A_180 = arith.constant 0 : i32
      %dma_wait3A_181 = tpu.memref_slice %arg8[%dma_wait3A_175, %dma_wait3A_180] : memref<4x80xi32, #tpu.memory_space<vmem>> -> memref<1x80xi32, #tpu.memory_space<vmem>>
      %dma_wait3A_182 = tpu.memref_squeeze %dma_wait3A_181 : memref<1x80xi32, #tpu.memory_space<vmem>> -> memref<80xi32, #tpu.memory_space<vmem>>
      %dma_wait3A_183 = tpu.memref_slice %arg4[%add3A_174] : memref<320000xi32, #tpu.memory_space<hbm>> -> memref<80xi32, #tpu.memory_space<hbm>>
      tpu.wait_dma2 semaphore(%arg14 : memref<!tpu.dma_semaphore, #tpu.memory_space<semaphore_mem>>) src(%dma_wait3A_183 : memref<80xi32, #tpu.memory_space<hbm>>) dst(%dma_wait3A_182 : memref<80xi32, #tpu.memory_space<vmem>>)
      %dma_start3A_184 = arith.constant 2 : i32
      %dma_start3A_185 = arith.constant 0 : i32
      %dma_start3A_186 = arith.constant 0 : i32
      %dma_start3A_187 = arith.constant 0 : i32
      %dma_start3A_188 = tpu.memref_slice %arg9[%dma_start3A_185, %dma_start3A_186, %dma_start3A_187] : memref<2x80x128xf32, #tpu.memory_space<vmem>> -> memref<1x80x128xf32, #tpu.memory_space<vmem>>
      %dma_start3A_189 = tpu.memref_squeeze %dma_start3A_188 : memref<1x80x128xf32, #tpu.memory_space<vmem>> -> memref<80x128xf32, #tpu.memory_space<vmem>>
      %dma_start3A_190 = arith.constant 0 : i32
      %dma_start3A_191 = tpu.memref_slice %arg7[%dma_start3A_184, %dma_start3A_190] : memref<4x80xi32, #tpu.memory_space<vmem>> -> memref<1x80xi32, #tpu.memory_space<vmem>>
      %dma_start3A_192 = tpu.memref_squeeze %dma_start3A_191 : memref<1x80xi32, #tpu.memory_space<vmem>> -> memref<80xi32, #tpu.memory_space<vmem>>
      %dma_start3A_193 = arith.constant 0 : i32
      %dma_start3A_194 = arith.constant 0 : i32
      %dma_start3A_195 = tpu.memref_slice %arg2[%dma_start3A_193, %dma_start3A_194] : memref<10000x128xf32, #tpu.memory_space<hbm>> -> memref<10000x128xf32, #tpu.memory_space<hbm>>
      tpu.enqueue_indirect_dma source(%dma_start3A_195 : memref<10000x128xf32, #tpu.memory_space<hbm>>) target(%dma_start3A_189 : memref<80x128xf32, #tpu.memory_space<vmem>>) offsets(%dma_start3A_192 : memref<80xi32, #tpu.memory_space<vmem>>) semaphore(%arg12 : memref<!tpu.dma_semaphore, #tpu.memory_space<semaphore_mem>>)
      %add3A_196 = arith.constant 2 : i32
      %add3A_197 = arith.addi %add3A_157, %add3A_196 : i32
      %lt3A_198 = arith.constant 125 : i32
      %lt3A_199 = arith.cmpi slt, %add3A_197, %lt3A_198 : i32
      %convert_element_type3A_200 = arith.extui %lt3A_199 : i1 to i32
      %cond3A_201 = arith.constant 0 : i32
      %cond3A_202 = arith.cmpi ne, %convert_element_type3A_200, %cond3A_201 : i32
      scf.if %cond3A_202 {
        %add3A_343 = arith.constant 2 : i32
        %add3A_344 = arith.addi %add3A_157, %add3A_343 : i32
        %mul3A_345 = arith.constant 80 : i32
        %mul3A_346 = arith.muli %add3A_344, %mul3A_345 : i32
        %add3A_347 = arith.addi %mul3A_2, %mul3A_346 : i32
        %dma_start3A_348 = arith.constant 3 : i32
        %dma_start3A_349 = arith.constant 0 : i32
        %dma_start3A_350 = tpu.memref_slice %arg7[%dma_start3A_348, %dma_start3A_349] : memref<4x80xi32, #tpu.memory_space<vmem>> -> memref<1x80xi32, #tpu.memory_space<vmem>>
        %dma_start3A_351 = tpu.memref_squeeze %dma_start3A_350 : memref<1x80xi32, #tpu.memory_space<vmem>> -> memref<80xi32, #tpu.memory_space<vmem>>
        %dma_start3A_352 = tpu.memref_slice %arg3[%add3A_347] : memref<320000xi32, #tpu.memory_space<hbm>> -> memref<80xi32, #tpu.memory_space<hbm>>
        %dma_start3A_353 = arith.constant 0 : i32
        %dma_start3A_354 = tpu.memref_slice %arg7[%dma_start3A_348, %dma_start3A_353] : memref<4x80xi32, #tpu.memory_space<vmem>> -> memref<1x80xi32, #tpu.memory_space<vmem>>
        %dma_start3A_355 = tpu.memref_squeeze %dma_start3A_354 : memref<1x80xi32, #tpu.memory_space<vmem>> -> memref<80xi32, #tpu.memory_space<vmem>>
        %dma_start3A_356 = tpu.memref_slice %arg3[%add3A_347] : memref<320000xi32, #tpu.memory_space<hbm>> -> memref<80xi32, #tpu.memory_space<hbm>>
        tpu.enqueue_dma source(%dma_start3A_356 : memref<80xi32, #tpu.memory_space<hbm>>) target(%dma_start3A_355 : memref<80xi32, #tpu.memory_space<vmem>>) target_semaphore(%arg15 : memref<!tpu.dma_semaphore, #tpu.memory_space<semaphore_mem>>)
        %mul3A_357 = arith.constant 80 : i32
        %mul3A_358 = arith.muli %add3A_344, %mul3A_357 : i32
        %add3A_359 = arith.addi %mul3A_2, %mul3A_358 : i32
        %dma_start3A_360 = arith.constant 3 : i32
        %dma_start3A_361 = arith.constant 0 : i32
        %dma_start3A_362 = tpu.memref_slice %arg8[%dma_start3A_360, %dma_start3A_361] : memref<4x80xi32, #tpu.memory_space<vmem>> -> memref<1x80xi32, #tpu.memory_space<vmem>>
        %dma_start3A_363 = tpu.memref_squeeze %dma_start3A_362 : memref<1x80xi32, #tpu.memory_space<vmem>> -> memref<80xi32, #tpu.memory_space<vmem>>
        %dma_start3A_364 = tpu.memref_slice %arg4[%add3A_359] : memref<320000xi32, #tpu.memory_space<hbm>> -> memref<80xi32, #tpu.memory_space<hbm>>
        %dma_start3A_365 = arith.constant 0 : i32
        %dma_start3A_366 = tpu.memref_slice %arg8[%dma_start3A_360, %dma_start3A_365] : memref<4x80xi32, #tpu.memory_space<vmem>> -> memref<1x80xi32, #tpu.memory_space<vmem>>
        %dma_start3A_367 = tpu.memref_squeeze %dma_start3A_366 : memref<1x80xi32, #tpu.memory_space<vmem>> -> memref<80xi32, #tpu.memory_space<vmem>>
        %dma_start3A_368 = tpu.memref_slice %arg4[%add3A_359] : memref<320000xi32, #tpu.memory_space<hbm>> -> memref<80xi32, #tpu.memory_space<hbm>>
        tpu.enqueue_dma source(%dma_start3A_368 : memref<80xi32, #tpu.memory_space<hbm>>) target(%dma_start3A_367 : memref<80xi32, #tpu.memory_space<vmem>>) target_semaphore(%arg15 : memref<!tpu.dma_semaphore, #tpu.memory_space<semaphore_mem>>)
      } else {
      }
      %dma_wait3A_203 = arith.constant 1 : i32
      %dma_wait3A_204 = arith.constant 1 : i32
      %dma_wait3A_205 = arith.constant 0 : i32
      %dma_wait3A_206 = arith.constant 0 : i32
      %dma_wait3A_207 = tpu.memref_slice %arg9[%dma_wait3A_204, %dma_wait3A_205, %dma_wait3A_206] : memref<2x80x128xf32, #tpu.memory_space<vmem>> -> memref<1x80x128xf32, #tpu.memory_space<vmem>>
      %dma_wait3A_208 = tpu.memref_squeeze %dma_wait3A_207 : memref<1x80x128xf32, #tpu.memory_space<vmem>> -> memref<80x128xf32, #tpu.memory_space<vmem>>
      %dma_wait3A_209 = arith.constant 0 : i32
      %dma_wait3A_210 = tpu.memref_slice %arg7[%dma_wait3A_203, %dma_wait3A_209] : memref<4x80xi32, #tpu.memory_space<vmem>> -> memref<1x80xi32, #tpu.memory_space<vmem>>
      %dma_wait3A_211 = tpu.memref_squeeze %dma_wait3A_210 : memref<1x80xi32, #tpu.memory_space<vmem>> -> memref<80xi32, #tpu.memory_space<vmem>>
      %dma_wait3A_212 = arith.constant 0 : i32
      %dma_wait3A_213 = arith.constant 0 : i32
      %dma_wait3A_214 = tpu.memref_slice %arg2[%dma_wait3A_212, %dma_wait3A_213] : memref<10000x128xf32, #tpu.memory_space<hbm>> -> memref<10000x128xf32, #tpu.memory_space<hbm>>
      tpu.wait_indirect_dma semaphore(%arg13 : memref<!tpu.dma_semaphore, #tpu.memory_space<semaphore_mem>>) src(%dma_wait3A_214 : memref<10000x128xf32, #tpu.memory_space<hbm>>) dst(%dma_wait3A_208 : memref<80x128xf32, #tpu.memory_space<vmem>>)
      %run_scoped3A_215 = arith.constant 1 : i32
      %run_scoped3A_216 = arith.constant 1 : i32
      "tpu.region"() ({
        %run_scoped3A_343 = tpu.sem_alloc : memref<!tpu.dma_semaphore, #tpu.memory_space<semaphore_mem>>
        %dma_start3A_344 = arith.constant 0 : i32
        %dma_start3A_345 = arith.constant 0 : i32
        %dma_start3A_346 = tpu.memref_slice %arg9[%run_scoped3A_215, %dma_start3A_344, %dma_start3A_345] : memref<2x80x128xf32, #tpu.memory_space<vmem>> -> memref<1x80x128xf32, #tpu.memory_space<vmem>>
        %dma_start3A_347 = tpu.memref_squeeze %dma_start3A_346 : memref<1x80x128xf32, #tpu.memory_space<vmem>> -> memref<80x128xf32, #tpu.memory_space<vmem>>
        %dma_start3A_348 = arith.constant 0 : i32
        %dma_start3A_349 = tpu.memref_slice %arg8[%run_scoped3A_216, %dma_start3A_348] : memref<4x80xi32, #tpu.memory_space<vmem>> -> memref<1x80xi32, #tpu.memory_space<vmem>>
        %dma_start3A_350 = tpu.memref_squeeze %dma_start3A_349 : memref<1x80xi32, #tpu.memory_space<vmem>> -> memref<80xi32, #tpu.memory_space<vmem>>
        %dma_start3A_351 = arith.constant 0 : i32
        %dma_start3A_352 = arith.constant 0 : i32
        %dma_start3A_353 = tpu.memref_slice %arg11[%dma_start3A_351, %dma_start3A_352] : memref<10000x128xf32, #tpu.memory_space<vmem_shared>> -> memref<10000x128xf32, #tpu.memory_space<vmem_shared>>
        tpu.enqueue_indirect_dma source(%dma_start3A_347 : memref<80x128xf32, #tpu.memory_space<vmem>>) target(%dma_start3A_353 : memref<10000x128xf32, #tpu.memory_space<vmem_shared>>) offsets(%dma_start3A_350 : memref<80xi32, #tpu.memory_space<vmem>>) semaphore(%run_scoped3A_343 : memref<!tpu.dma_semaphore, #tpu.memory_space<semaphore_mem>>) {add = true}
        %dma_wait3A_354 = arith.constant 0 : i32
        %dma_wait3A_355 = arith.constant 0 : i32
        %dma_wait3A_356 = tpu.memref_slice %arg9[%run_scoped3A_215, %dma_wait3A_354, %dma_wait3A_355] : memref<2x80x128xf32, #tpu.memory_space<vmem>> -> memref<1x80x128xf32, #tpu.memory_space<vmem>>
        %dma_wait3A_357 = tpu.memref_squeeze %dma_wait3A_356 : memref<1x80x128xf32, #tpu.memory_space<vmem>> -> memref<80x128xf32, #tpu.memory_space<vmem>>
        %dma_wait3A_358 = arith.constant 0 : i32
        %dma_wait3A_359 = tpu.memref_slice %arg8[%run_scoped3A_216, %dma_wait3A_358] : memref<4x80xi32, #tpu.memory_space<vmem>> -> memref<1x80xi32, #tpu.memory_space<vmem>>
        %dma_wait3A_360 = tpu.memref_squeeze %dma_wait3A_359 : memref<1x80xi32, #tpu.memory_space<vmem>> -> memref<80xi32, #tpu.memory_space<vmem>>
        %dma_wait3A_361 = arith.constant 0 : i32
        %dma_wait3A_362 = arith.constant 0 : i32
        %dma_wait3A_363 = tpu.memref_slice %arg11[%dma_wait3A_361, %dma_wait3A_362] : memref<10000x128xf32, #tpu.memory_space<vmem_shared>> -> memref<10000x128xf32, #tpu.memory_space<vmem_shared>>
        tpu.wait_indirect_dma semaphore(%run_scoped3A_343 : memref<!tpu.dma_semaphore, #tpu.memory_space<semaphore_mem>>) src(%dma_wait3A_357 : memref<80x128xf32, #tpu.memory_space<vmem>>) dst(%dma_wait3A_363 : memref<10000x128xf32, #tpu.memory_space<vmem_shared>>)
        tpu.yield
      }) : () -> ()
      %mul3A_217 = arith.constant 4 : i32
      %mul3A_218 = arith.muli %mul3A_217, %scan3A_91 : i32
      %add3A_219 = arith.constant 2 : i32
      %add3A_220 = arith.addi %mul3A_218, %add3A_219 : i32
      %add3A_221 = arith.constant 1 : i32
      %add3A_222 = arith.addi %add3A_220, %add3A_221 : i32
      %mul3A_223 = arith.constant 80 : i32
      %mul3A_224 = arith.muli %add3A_222, %mul3A_223 : i32
      %add3A_225 = arith.addi %mul3A_2, %mul3A_224 : i32
      %dma_wait3A_226 = arith.constant 3 : i32
      %dma_wait3A_227 = arith.constant 0 : i32
      %dma_wait3A_228 = tpu.memref_slice %arg7[%dma_wait3A_226, %dma_wait3A_227] : memref<4x80xi32, #tpu.memory_space<vmem>> -> memref<1x80xi32, #tpu.memory_space<vmem>>
      %dma_wait3A_229 = tpu.memref_squeeze %dma_wait3A_228 : memref<1x80xi32, #tpu.memory_space<vmem>> -> memref<80xi32, #tpu.memory_space<vmem>>
      %dma_wait3A_230 = tpu.memref_slice %arg3[%add3A_225] : memref<320000xi32, #tpu.memory_space<hbm>> -> memref<80xi32, #tpu.memory_space<hbm>>
      %dma_wait3A_231 = arith.constant 0 : i32
      %dma_wait3A_232 = tpu.memref_slice %arg7[%dma_wait3A_226, %dma_wait3A_231] : memref<4x80xi32, #tpu.memory_space<vmem>> -> memref<1x80xi32, #tpu.memory_space<vmem>>
      %dma_wait3A_233 = tpu.memref_squeeze %dma_wait3A_232 : memref<1x80xi32, #tpu.memory_space<vmem>> -> memref<80xi32, #tpu.memory_space<vmem>>
      %dma_wait3A_234 = tpu.memref_slice %arg3[%add3A_225] : memref<320000xi32, #tpu.memory_space<hbm>> -> memref<80xi32, #tpu.memory_space<hbm>>
      tpu.wait_dma2 semaphore(%arg15 : memref<!tpu.dma_semaphore, #tpu.memory_space<semaphore_mem>>) src(%dma_wait3A_234 : memref<80xi32, #tpu.memory_space<hbm>>) dst(%dma_wait3A_233 : memref<80xi32, #tpu.memory_space<vmem>>)
      %mul3A_235 = arith.constant 80 : i32
      %mul3A_236 = arith.muli %add3A_222, %mul3A_235 : i32
      %add3A_237 = arith.addi %mul3A_2, %mul3A_236 : i32
      %dma_wait3A_238 = arith.constant 3 : i32
      %dma_wait3A_239 = arith.constant 0 : i32
      %dma_wait3A_240 = tpu.memref_slice %arg8[%dma_wait3A_238, %dma_wait3A_239] : memref<4x80xi32, #tpu.memory_space<vmem>> -> memref<1x80xi32, #tpu.memory_space<vmem>>
      %dma_wait3A_241 = tpu.memref_squeeze %dma_wait3A_240 : memref<1x80xi32, #tpu.memory_space<vmem>> -> memref<80xi32, #tpu.memory_space<vmem>>
      %dma_wait3A_242 = tpu.memref_slice %arg4[%add3A_237] : memref<320000xi32, #tpu.memory_space<hbm>> -> memref<80xi32, #tpu.memory_space<hbm>>
      %dma_wait3A_243 = arith.constant 0 : i32
      %dma_wait3A_244 = tpu.memref_slice %arg8[%dma_wait3A_238, %dma_wait3A_243] : memref<4x80xi32, #tpu.memory_space<vmem>> -> memref<1x80xi32, #tpu.memory_space<vmem>>
      %dma_wait3A_245 = tpu.memref_squeeze %dma_wait3A_244 : memref<1x80xi32, #tpu.memory_space<vmem>> -> memref<80xi32, #tpu.memory_space<vmem>>
      %dma_wait3A_246 = tpu.memref_slice %arg4[%add3A_237] : memref<320000xi32, #tpu.memory_space<hbm>> -> memref<80xi32, #tpu.memory_space<hbm>>
      tpu.wait_dma2 semaphore(%arg15 : memref<!tpu.dma_semaphore, #tpu.memory_space<semaphore_mem>>) src(%dma_wait3A_246 : memref<80xi32, #tpu.memory_space<hbm>>) dst(%dma_wait3A_245 : memref<80xi32, #tpu.memory_space<vmem>>)
      %dma_start3A_247 = arith.constant 3 : i32
      %dma_start3A_248 = arith.constant 1 : i32
      %dma_start3A_249 = arith.constant 0 : i32
      %dma_start3A_250 = arith.constant 0 : i32
      %dma_start3A_251 = tpu.memref_slice %arg9[%dma_start3A_248, %dma_start3A_249, %dma_start3A_250] : memref<2x80x128xf32, #tpu.memory_space<vmem>> -> memref<1x80x128xf32, #tpu.memory_space<vmem>>
      %dma_start3A_252 = tpu.memref_squeeze %dma_start3A_251 : memref<1x80x128xf32, #tpu.memory_space<vmem>> -> memref<80x128xf32, #tpu.memory_space<vmem>>
      %dma_start3A_253 = arith.constant 0 : i32
      %dma_start3A_254 = tpu.memref_slice %arg7[%dma_start3A_247, %dma_start3A_253] : memref<4x80xi32, #tpu.memory_space<vmem>> -> memref<1x80xi32, #tpu.memory_space<vmem>>
      %dma_start3A_255 = tpu.memref_squeeze %dma_start3A_254 : memref<1x80xi32, #tpu.memory_space<vmem>> -> memref<80xi32, #tpu.memory_space<vmem>>
      %dma_start3A_256 = arith.constant 0 : i32
      %dma_start3A_257 = arith.constant 0 : i32
      %dma_start3A_258 = tpu.memref_slice %arg2[%dma_start3A_256, %dma_start3A_257] : memref<10000x128xf32, #tpu.memory_space<hbm>> -> memref<10000x128xf32, #tpu.memory_space<hbm>>
      tpu.enqueue_indirect_dma source(%dma_start3A_258 : memref<10000x128xf32, #tpu.memory_space<hbm>>) target(%dma_start3A_252 : memref<80x128xf32, #tpu.memory_space<vmem>>) offsets(%dma_start3A_255 : memref<80xi32, #tpu.memory_space<vmem>>) semaphore(%arg13 : memref<!tpu.dma_semaphore, #tpu.memory_space<semaphore_mem>>)
      %add3A_259 = arith.constant 2 : i32
      %add3A_260 = arith.addi %add3A_220, %add3A_259 : i32
      %lt3A_261 = arith.constant 125 : i32
      %lt3A_262 = arith.cmpi slt, %add3A_260, %lt3A_261 : i32
      %convert_element_type3A_263 = arith.extui %lt3A_262 : i1 to i32
      %cond3A_264 = arith.constant 0 : i32
      %cond3A_265 = arith.cmpi ne, %convert_element_type3A_263, %cond3A_264 : i32
      scf.if %cond3A_265 {
        %add3A_343 = arith.constant 2 : i32
        %add3A_344 = arith.addi %add3A_220, %add3A_343 : i32
        %mul3A_345 = arith.constant 80 : i32
        %mul3A_346 = arith.muli %add3A_344, %mul3A_345 : i32
        %add3A_347 = arith.addi %mul3A_2, %mul3A_346 : i32
        %dma_start3A_348 = arith.constant 0 : i32
        %dma_start3A_349 = arith.constant 0 : i32
        %dma_start3A_350 = tpu.memref_slice %arg7[%dma_start3A_348, %dma_start3A_349] : memref<4x80xi32, #tpu.memory_space<vmem>> -> memref<1x80xi32, #tpu.memory_space<vmem>>
        %dma_start3A_351 = tpu.memref_squeeze %dma_start3A_350 : memref<1x80xi32, #tpu.memory_space<vmem>> -> memref<80xi32, #tpu.memory_space<vmem>>
        %dma_start3A_352 = tpu.memref_slice %arg3[%add3A_347] : memref<320000xi32, #tpu.memory_space<hbm>> -> memref<80xi32, #tpu.memory_space<hbm>>
        %dma_start3A_353 = arith.constant 0 : i32
        %dma_start3A_354 = tpu.memref_slice %arg7[%dma_start3A_348, %dma_start3A_353] : memref<4x80xi32, #tpu.memory_space<vmem>> -> memref<1x80xi32, #tpu.memory_space<vmem>>
        %dma_start3A_355 = tpu.memref_squeeze %dma_start3A_354 : memref<1x80xi32, #tpu.memory_space<vmem>> -> memref<80xi32, #tpu.memory_space<vmem>>
        %dma_start3A_356 = tpu.memref_slice %arg3[%add3A_347] : memref<320000xi32, #tpu.memory_space<hbm>> -> memref<80xi32, #tpu.memory_space<hbm>>
        tpu.enqueue_dma source(%dma_start3A_356 : memref<80xi32, #tpu.memory_space<hbm>>) target(%dma_start3A_355 : memref<80xi32, #tpu.memory_space<vmem>>) target_semaphore(%arg14 : memref<!tpu.dma_semaphore, #tpu.memory_space<semaphore_mem>>)
        %mul3A_357 = arith.constant 80 : i32
        %mul3A_358 = arith.muli %add3A_344, %mul3A_357 : i32
        %add3A_359 = arith.addi %mul3A_2, %mul3A_358 : i32
        %dma_start3A_360 = arith.constant 0 : i32
        %dma_start3A_361 = arith.constant 0 : i32
        %dma_start3A_362 = tpu.memref_slice %arg8[%dma_start3A_360, %dma_start3A_361] : memref<4x80xi32, #tpu.memory_space<vmem>> -> memref<1x80xi32, #tpu.memory_space<vmem>>
        %dma_start3A_363 = tpu.memref_squeeze %dma_start3A_362 : memref<1x80xi32, #tpu.memory_space<vmem>> -> memref<80xi32, #tpu.memory_space<vmem>>
        %dma_start3A_364 = tpu.memref_slice %arg4[%add3A_359] : memref<320000xi32, #tpu.memory_space<hbm>> -> memref<80xi32, #tpu.memory_space<hbm>>
        %dma_start3A_365 = arith.constant 0 : i32
        %dma_start3A_366 = tpu.memref_slice %arg8[%dma_start3A_360, %dma_start3A_365] : memref<4x80xi32, #tpu.memory_space<vmem>> -> memref<1x80xi32, #tpu.memory_space<vmem>>
        %dma_start3A_367 = tpu.memref_squeeze %dma_start3A_366 : memref<1x80xi32, #tpu.memory_space<vmem>> -> memref<80xi32, #tpu.memory_space<vmem>>
        %dma_start3A_368 = tpu.memref_slice %arg4[%add3A_359] : memref<320000xi32, #tpu.memory_space<hbm>> -> memref<80xi32, #tpu.memory_space<hbm>>
        tpu.enqueue_dma source(%dma_start3A_368 : memref<80xi32, #tpu.memory_space<hbm>>) target(%dma_start3A_367 : memref<80xi32, #tpu.memory_space<vmem>>) target_semaphore(%arg14 : memref<!tpu.dma_semaphore, #tpu.memory_space<semaphore_mem>>)
      } else {
      }
      %dma_wait3A_266 = arith.constant 2 : i32
      %dma_wait3A_267 = arith.constant 0 : i32
      %dma_wait3A_268 = arith.constant 0 : i32
      %dma_wait3A_269 = arith.constant 0 : i32
      %dma_wait3A_270 = tpu.memref_slice %arg9[%dma_wait3A_267, %dma_wait3A_268, %dma_wait3A_269] : memref<2x80x128xf32, #tpu.memory_space<vmem>> -> memref<1x80x128xf32, #tpu.memory_space<vmem>>
      %dma_wait3A_271 = tpu.memref_squeeze %dma_wait3A_270 : memref<1x80x128xf32, #tpu.memory_space<vmem>> -> memref<80x128xf32, #tpu.memory_space<vmem>>
      %dma_wait3A_272 = arith.constant 0 : i32
      %dma_wait3A_273 = tpu.memref_slice %arg7[%dma_wait3A_266, %dma_wait3A_272] : memref<4x80xi32, #tpu.memory_space<vmem>> -> memref<1x80xi32, #tpu.memory_space<vmem>>
      %dma_wait3A_274 = tpu.memref_squeeze %dma_wait3A_273 : memref<1x80xi32, #tpu.memory_space<vmem>> -> memref<80xi32, #tpu.memory_space<vmem>>
      %dma_wait3A_275 = arith.constant 0 : i32
      %dma_wait3A_276 = arith.constant 0 : i32
      %dma_wait3A_277 = tpu.memref_slice %arg2[%dma_wait3A_275, %dma_wait3A_276] : memref<10000x128xf32, #tpu.memory_space<hbm>> -> memref<10000x128xf32, #tpu.memory_space<hbm>>
      tpu.wait_indirect_dma semaphore(%arg12 : memref<!tpu.dma_semaphore, #tpu.memory_space<semaphore_mem>>) src(%dma_wait3A_277 : memref<10000x128xf32, #tpu.memory_space<hbm>>) dst(%dma_wait3A_271 : memref<80x128xf32, #tpu.memory_space<vmem>>)
      %run_scoped3A_278 = arith.constant 0 : i32
      %run_scoped3A_279 = arith.constant 2 : i32
      "tpu.region"() ({
        %run_scoped3A_343 = tpu.sem_alloc : memref<!tpu.dma_semaphore, #tpu.memory_space<semaphore_mem>>
        %dma_start3A_344 = arith.constant 0 : i32
        %dma_start3A_345 = arith.constant 0 : i32
        %dma_start3A_346 = tpu.memref_slice %arg9[%run_scoped3A_278, %dma_start3A_344, %dma_start3A_345] : memref<2x80x128xf32, #tpu.memory_space<vmem>> -> memref<1x80x128xf32, #tpu.memory_space<vmem>>
        %dma_start3A_347 = tpu.memref_squeeze %dma_start3A_346 : memref<1x80x128xf32, #tpu.memory_space<vmem>> -> memref<80x128xf32, #tpu.memory_space<vmem>>
        %dma_start3A_348 = arith.constant 0 : i32
        %dma_start3A_349 = tpu.memref_slice %arg8[%run_scoped3A_279, %dma_start3A_348] : memref<4x80xi32, #tpu.memory_space<vmem>> -> memref<1x80xi32, #tpu.memory_space<vmem>>
        %dma_start3A_350 = tpu.memref_squeeze %dma_start3A_349 : memref<1x80xi32, #tpu.memory_space<vmem>> -> memref<80xi32, #tpu.memory_space<vmem>>
        %dma_start3A_351 = arith.constant 0 : i32
        %dma_start3A_352 = arith.constant 0 : i32
        %dma_start3A_353 = tpu.memref_slice %arg11[%dma_start3A_351, %dma_start3A_352] : memref<10000x128xf32, #tpu.memory_space<vmem_shared>> -> memref<10000x128xf32, #tpu.memory_space<vmem_shared>>
        tpu.enqueue_indirect_dma source(%dma_start3A_347 : memref<80x128xf32, #tpu.memory_space<vmem>>) target(%dma_start3A_353 : memref<10000x128xf32, #tpu.memory_space<vmem_shared>>) offsets(%dma_start3A_350 : memref<80xi32, #tpu.memory_space<vmem>>) semaphore(%run_scoped3A_343 : memref<!tpu.dma_semaphore, #tpu.memory_space<semaphore_mem>>) {add = true}
        %dma_wait3A_354 = arith.constant 0 : i32
        %dma_wait3A_355 = arith.constant 0 : i32
        %dma_wait3A_356 = tpu.memref_slice %arg9[%run_scoped3A_278, %dma_wait3A_354, %dma_wait3A_355] : memref<2x80x128xf32, #tpu.memory_space<vmem>> -> memref<1x80x128xf32, #tpu.memory_space<vmem>>
        %dma_wait3A_357 = tpu.memref_squeeze %dma_wait3A_356 : memref<1x80x128xf32, #tpu.memory_space<vmem>> -> memref<80x128xf32, #tpu.memory_space<vmem>>
        %dma_wait3A_358 = arith.constant 0 : i32
        %dma_wait3A_359 = tpu.memref_slice %arg8[%run_scoped3A_279, %dma_wait3A_358] : memref<4x80xi32, #tpu.memory_space<vmem>> -> memref<1x80xi32, #tpu.memory_space<vmem>>
        %dma_wait3A_360 = tpu.memref_squeeze %dma_wait3A_359 : memref<1x80xi32, #tpu.memory_space<vmem>> -> memref<80xi32, #tpu.memory_space<vmem>>
        %dma_wait3A_361 = arith.constant 0 : i32
        %dma_wait3A_362 = arith.constant 0 : i32
        %dma_wait3A_363 = tpu.memref_slice %arg11[%dma_wait3A_361, %dma_wait3A_362] : memref<10000x128xf32, #tpu.memory_space<vmem_shared>> -> memref<10000x128xf32, #tpu.memory_space<vmem_shared>>
        tpu.wait_indirect_dma semaphore(%run_scoped3A_343 : memref<!tpu.dma_semaphore, #tpu.memory_space<semaphore_mem>>) src(%dma_wait3A_357 : memref<80x128xf32, #tpu.memory_space<vmem>>) dst(%dma_wait3A_363 : memref<10000x128xf32, #tpu.memory_space<vmem_shared>>)
        tpu.yield
      }) : () -> ()
      %mul3A_280 = arith.constant 4 : i32
      %mul3A_281 = arith.muli %mul3A_280, %scan3A_91 : i32
      %add3A_282 = arith.constant 3 : i32
      %add3A_283 = arith.addi %mul3A_281, %add3A_282 : i32
      %add3A_284 = arith.constant 1 : i32
      %add3A_285 = arith.addi %add3A_283, %add3A_284 : i32
      %mul3A_286 = arith.constant 80 : i32
      %mul3A_287 = arith.muli %add3A_285, %mul3A_286 : i32
      %add3A_288 = arith.addi %mul3A_2, %mul3A_287 : i32
      %dma_wait3A_289 = arith.constant 0 : i32
      %dma_wait3A_290 = arith.constant 0 : i32
      %dma_wait3A_291 = tpu.memref_slice %arg7[%dma_wait3A_289, %dma_wait3A_290] : memref<4x80xi32, #tpu.memory_space<vmem>> -> memref<1x80xi32, #tpu.memory_space<vmem>>
      %dma_wait3A_292 = tpu.memref_squeeze %dma_wait3A_291 : memref<1x80xi32, #tpu.memory_space<vmem>> -> memref<80xi32, #tpu.memory_space<vmem>>
      %dma_wait3A_293 = tpu.memref_slice %arg3[%add3A_288] : memref<320000xi32, #tpu.memory_space<hbm>> -> memref<80xi32, #tpu.memory_space<hbm>>
      %dma_wait3A_294 = arith.constant 0 : i32
      %dma_wait3A_295 = tpu.memref_slice %arg7[%dma_wait3A_289, %dma_wait3A_294] : memref<4x80xi32, #tpu.memory_space<vmem>> -> memref<1x80xi32, #tpu.memory_space<vmem>>
      %dma_wait3A_296 = tpu.memref_squeeze %dma_wait3A_295 : memref<1x80xi32, #tpu.memory_space<vmem>> -> memref<80xi32, #tpu.memory_space<vmem>>
      %dma_wait3A_297 = tpu.memref_slice %arg3[%add3A_288] : memref<320000xi32, #tpu.memory_space<hbm>> -> memref<80xi32, #tpu.memory_space<hbm>>
      tpu.wait_dma2 semaphore(%arg14 : memref<!tpu.dma_semaphore, #tpu.memory_space<semaphore_mem>>) src(%dma_wait3A_297 : memref<80xi32, #tpu.memory_space<hbm>>) dst(%dma_wait3A_296 : memref<80xi32, #tpu.memory_space<vmem>>)
      %mul3A_298 = arith.constant 80 : i32
      %mul3A_299 = arith.muli %add3A_285, %mul3A_298 : i32
      %add3A_300 = arith.addi %mul3A_2, %mul3A_299 : i32
      %dma_wait3A_301 = arith.constant 0 : i32
      %dma_wait3A_302 = arith.constant 0 : i32
      %dma_wait3A_303 = tpu.memref_slice %arg8[%dma_wait3A_301, %dma_wait3A_302] : memref<4x80xi32, #tpu.memory_space<vmem>> -> memref<1x80xi32, #tpu.memory_space<vmem>>
      %dma_wait3A_304 = tpu.memref_squeeze %dma_wait3A_303 : memref<1x80xi32, #tpu.memory_space<vmem>> -> memref<80xi32, #tpu.memory_space<vmem>>
      %dma_wait3A_305 = tpu.memref_slice %arg4[%add3A_300] : memref<320000xi32, #tpu.memory_space<hbm>> -> memref<80xi32, #tpu.memory_space<hbm>>
      %dma_wait3A_306 = arith.constant 0 : i32
      %dma_wait3A_307 = tpu.memref_slice %arg8[%dma_wait3A_301, %dma_wait3A_306] : memref<4x80xi32, #tpu.memory_space<vmem>> -> memref<1x80xi32, #tpu.memory_space<vmem>>
      %dma_wait3A_308 = tpu.memref_squeeze %dma_wait3A_307 : memref<1x80xi32, #tpu.memory_space<vmem>> -> memref<80xi32, #tpu.memory_space<vmem>>
      %dma_wait3A_309 = tpu.memref_slice %arg4[%add3A_300] : memref<320000xi32, #tpu.memory_space<hbm>> -> memref<80xi32, #tpu.memory_space<hbm>>
      tpu.wait_dma2 semaphore(%arg14 : memref<!tpu.dma_semaphore, #tpu.memory_space<semaphore_mem>>) src(%dma_wait3A_309 : memref<80xi32, #tpu.memory_space<hbm>>) dst(%dma_wait3A_308 : memref<80xi32, #tpu.memory_space<vmem>>)
      %dma_start3A_310 = arith.constant 0 : i32
      %dma_start3A_311 = arith.constant 0 : i32
      %dma_start3A_312 = arith.constant 0 : i32
      %dma_start3A_313 = arith.constant 0 : i32
      %dma_start3A_314 = tpu.memref_slice %arg9[%dma_start3A_311, %dma_start3A_312, %dma_start3A_313] : memref<2x80x128xf32, #tpu.memory_space<vmem>> -> memref<1x80x128xf32, #tpu.memory_space<vmem>>
      %dma_start3A_315 = tpu.memref_squeeze %dma_start3A_314 : memref<1x80x128xf32, #tpu.memory_space<vmem>> -> memref<80x128xf32, #tpu.memory_space<vmem>>
      %dma_start3A_316 = arith.constant 0 : i32
      %dma_start3A_317 = tpu.memref_slice %arg7[%dma_start3A_310, %dma_start3A_316] : memref<4x80xi32, #tpu.memory_space<vmem>> -> memref<1x80xi32, #tpu.memory_space<vmem>>
      %dma_start3A_318 = tpu.memref_squeeze %dma_start3A_317 : memref<1x80xi32, #tpu.memory_space<vmem>> -> memref<80xi32, #tpu.memory_space<vmem>>
      %dma_start3A_319 = arith.constant 0 : i32
      %dma_start3A_320 = arith.constant 0 : i32
      %dma_start3A_321 = tpu.memref_slice %arg2[%dma_start3A_319, %dma_start3A_320] : memref<10000x128xf32, #tpu.memory_space<hbm>> -> memref<10000x128xf32, #tpu.memory_space<hbm>>
      tpu.enqueue_indirect_dma source(%dma_start3A_321 : memref<10000x128xf32, #tpu.memory_space<hbm>>) target(%dma_start3A_315 : memref<80x128xf32, #tpu.memory_space<vmem>>) offsets(%dma_start3A_318 : memref<80xi32, #tpu.memory_space<vmem>>) semaphore(%arg12 : memref<!tpu.dma_semaphore, #tpu.memory_space<semaphore_mem>>)
      %add3A_322 = arith.constant 2 : i32
      %add3A_323 = arith.addi %add3A_283, %add3A_322 : i32
      %lt3A_324 = arith.constant 125 : i32
      %lt3A_325 = arith.cmpi slt, %add3A_323, %lt3A_324 : i32
      %convert_element_type3A_326 = arith.extui %lt3A_325 : i1 to i32
      %cond3A_327 = arith.constant 0 : i32
      %cond3A_328 = arith.cmpi ne, %convert_element_type3A_326, %cond3A_327 : i32
      scf.if %cond3A_328 {
        %add3A_343 = arith.constant 2 : i32
        %add3A_344 = arith.addi %add3A_283, %add3A_343 : i32
        %mul3A_345 = arith.constant 80 : i32
        %mul3A_346 = arith.muli %add3A_344, %mul3A_345 : i32
        %add3A_347 = arith.addi %mul3A_2, %mul3A_346 : i32
        %dma_start3A_348 = arith.constant 1 : i32
        %dma_start3A_349 = arith.constant 0 : i32
        %dma_start3A_350 = tpu.memref_slice %arg7[%dma_start3A_348, %dma_start3A_349] : memref<4x80xi32, #tpu.memory_space<vmem>> -> memref<1x80xi32, #tpu.memory_space<vmem>>
        %dma_start3A_351 = tpu.memref_squeeze %dma_start3A_350 : memref<1x80xi32, #tpu.memory_space<vmem>> -> memref<80xi32, #tpu.memory_space<vmem>>
        %dma_start3A_352 = tpu.memref_slice %arg3[%add3A_347] : memref<320000xi32, #tpu.memory_space<hbm>> -> memref<80xi32, #tpu.memory_space<hbm>>
        %dma_start3A_353 = arith.constant 0 : i32
        %dma_start3A_354 = tpu.memref_slice %arg7[%dma_start3A_348, %dma_start3A_353] : memref<4x80xi32, #tpu.memory_space<vmem>> -> memref<1x80xi32, #tpu.memory_space<vmem>>
        %dma_start3A_355 = tpu.memref_squeeze %dma_start3A_354 : memref<1x80xi32, #tpu.memory_space<vmem>> -> memref<80xi32, #tpu.memory_space<vmem>>
        %dma_start3A_356 = tpu.memref_slice %arg3[%add3A_347] : memref<320000xi32, #tpu.memory_space<hbm>> -> memref<80xi32, #tpu.memory_space<hbm>>
        tpu.enqueue_dma source(%dma_start3A_356 : memref<80xi32, #tpu.memory_space<hbm>>) target(%dma_start3A_355 : memref<80xi32, #tpu.memory_space<vmem>>) target_semaphore(%arg15 : memref<!tpu.dma_semaphore, #tpu.memory_space<semaphore_mem>>)
        %mul3A_357 = arith.constant 80 : i32
        %mul3A_358 = arith.muli %add3A_344, %mul3A_357 : i32
        %add3A_359 = arith.addi %mul3A_2, %mul3A_358 : i32
        %dma_start3A_360 = arith.constant 1 : i32
        %dma_start3A_361 = arith.constant 0 : i32
        %dma_start3A_362 = tpu.memref_slice %arg8[%dma_start3A_360, %dma_start3A_361] : memref<4x80xi32, #tpu.memory_space<vmem>> -> memref<1x80xi32, #tpu.memory_space<vmem>>
        %dma_start3A_363 = tpu.memref_squeeze %dma_start3A_362 : memref<1x80xi32, #tpu.memory_space<vmem>> -> memref<80xi32, #tpu.memory_space<vmem>>
        %dma_start3A_364 = tpu.memref_slice %arg4[%add3A_359] : memref<320000xi32, #tpu.memory_space<hbm>> -> memref<80xi32, #tpu.memory_space<hbm>>
        %dma_start3A_365 = arith.constant 0 : i32
        %dma_start3A_366 = tpu.memref_slice %arg8[%dma_start3A_360, %dma_start3A_365] : memref<4x80xi32, #tpu.memory_space<vmem>> -> memref<1x80xi32, #tpu.memory_space<vmem>>
        %dma_start3A_367 = tpu.memref_squeeze %dma_start3A_366 : memref<1x80xi32, #tpu.memory_space<vmem>> -> memref<80xi32, #tpu.memory_space<vmem>>
        %dma_start3A_368 = tpu.memref_slice %arg4[%add3A_359] : memref<320000xi32, #tpu.memory_space<hbm>> -> memref<80xi32, #tpu.memory_space<hbm>>
        tpu.enqueue_dma source(%dma_start3A_368 : memref<80xi32, #tpu.memory_space<hbm>>) target(%dma_start3A_367 : memref<80xi32, #tpu.memory_space<vmem>>) target_semaphore(%arg15 : memref<!tpu.dma_semaphore, #tpu.memory_space<semaphore_mem>>)
      } else {
      }
      %dma_wait3A_329 = arith.constant 3 : i32
      %dma_wait3A_330 = arith.constant 1 : i32
      %dma_wait3A_331 = arith.constant 0 : i32
      %dma_wait3A_332 = arith.constant 0 : i32
      %dma_wait3A_333 = tpu.memref_slice %arg9[%dma_wait3A_330, %dma_wait3A_331, %dma_wait3A_332] : memref<2x80x128xf32, #tpu.memory_space<vmem>> -> memref<1x80x128xf32, #tpu.memory_space<vmem>>
      %dma_wait3A_334 = tpu.memref_squeeze %dma_wait3A_333 : memref<1x80x128xf32, #tpu.memory_space<vmem>> -> memref<80x128xf32, #tpu.memory_space<vmem>>
      %dma_wait3A_335 = arith.constant 0 : i32
      %dma_wait3A_336 = tpu.memref_slice %arg7[%dma_wait3A_329, %dma_wait3A_335] : memref<4x80xi32, #tpu.memory_space<vmem>> -> memref<1x80xi32, #tpu.memory_space<vmem>>
      %dma_wait3A_337 = tpu.memref_squeeze %dma_wait3A_336 : memref<1x80xi32, #tpu.memory_space<vmem>> -> memref<80xi32, #tpu.memory_space<vmem>>
      %dma_wait3A_338 = arith.constant 0 : i32
      %dma_wait3A_339 = arith.constant 0 : i32
      %dma_wait3A_340 = tpu.memref_slice %arg2[%dma_wait3A_338, %dma_wait3A_339] : memref<10000x128xf32, #tpu.memory_space<hbm>> -> memref<10000x128xf32, #tpu.memory_space<hbm>>
      tpu.wait_indirect_dma semaphore(%arg13 : memref<!tpu.dma_semaphore, #tpu.memory_space<semaphore_mem>>) src(%dma_wait3A_340 : memref<10000x128xf32, #tpu.memory_space<hbm>>) dst(%dma_wait3A_334 : memref<80x128xf32, #tpu.memory_space<vmem>>)
      %run_scoped3A_341 = arith.constant 1 : i32
      %run_scoped3A_342 = arith.constant 3 : i32
      "tpu.region"() ({
        %run_scoped3A_343 = tpu.sem_alloc : memref<!tpu.dma_semaphore, #tpu.memory_space<semaphore_mem>>
        %dma_start3A_344 = arith.constant 0 : i32
        %dma_start3A_345 = arith.constant 0 : i32
        %dma_start3A_346 = tpu.memref_slice %arg9[%run_scoped3A_341, %dma_start3A_344, %dma_start3A_345] : memref<2x80x128xf32, #tpu.memory_space<vmem>> -> memref<1x80x128xf32, #tpu.memory_space<vmem>>
        %dma_start3A_347 = tpu.memref_squeeze %dma_start3A_346 : memref<1x80x128xf32, #tpu.memory_space<vmem>> -> memref<80x128xf32, #tpu.memory_space<vmem>>
        %dma_start3A_348 = arith.constant 0 : i32
        %dma_start3A_349 = tpu.memref_slice %arg8[%run_scoped3A_342, %dma_start3A_348] : memref<4x80xi32, #tpu.memory_space<vmem>> -> memref<1x80xi32, #tpu.memory_space<vmem>>
        %dma_start3A_350 = tpu.memref_squeeze %dma_start3A_349 : memref<1x80xi32, #tpu.memory_space<vmem>> -> memref<80xi32, #tpu.memory_space<vmem>>
        %dma_start3A_351 = arith.constant 0 : i32
        %dma_start3A_352 = arith.constant 0 : i32
        %dma_start3A_353 = tpu.memref_slice %arg11[%dma_start3A_351, %dma_start3A_352] : memref<10000x128xf32, #tpu.memory_space<vmem_shared>> -> memref<10000x128xf32, #tpu.memory_space<vmem_shared>>
        tpu.enqueue_indirect_dma source(%dma_start3A_347 : memref<80x128xf32, #tpu.memory_space<vmem>>) target(%dma_start3A_353 : memref<10000x128xf32, #tpu.memory_space<vmem_shared>>) offsets(%dma_start3A_350 : memref<80xi32, #tpu.memory_space<vmem>>) semaphore(%run_scoped3A_343 : memref<!tpu.dma_semaphore, #tpu.memory_space<semaphore_mem>>) {add = true}
        %dma_wait3A_354 = arith.constant 0 : i32
        %dma_wait3A_355 = arith.constant 0 : i32
        %dma_wait3A_356 = tpu.memref_slice %arg9[%run_scoped3A_341, %dma_wait3A_354, %dma_wait3A_355] : memref<2x80x128xf32, #tpu.memory_space<vmem>> -> memref<1x80x128xf32, #tpu.memory_space<vmem>>
        %dma_wait3A_357 = tpu.memref_squeeze %dma_wait3A_356 : memref<1x80x128xf32, #tpu.memory_space<vmem>> -> memref<80x128xf32, #tpu.memory_space<vmem>>
        %dma_wait3A_358 = arith.constant 0 : i32
        %dma_wait3A_359 = tpu.memref_slice %arg8[%run_scoped3A_342, %dma_wait3A_358] : memref<4x80xi32, #tpu.memory_space<vmem>> -> memref<1x80xi32, #tpu.memory_space<vmem>>
        %dma_wait3A_360 = tpu.memref_squeeze %dma_wait3A_359 : memref<1x80xi32, #tpu.memory_space<vmem>> -> memref<80xi32, #tpu.memory_space<vmem>>
        %dma_wait3A_361 = arith.constant 0 : i32
        %dma_wait3A_362 = arith.constant 0 : i32
        %dma_wait3A_363 = tpu.memref_slice %arg11[%dma_wait3A_361, %dma_wait3A_362] : memref<10000x128xf32, #tpu.memory_space<vmem_shared>> -> memref<10000x128xf32, #tpu.memory_space<vmem_shared>>
        tpu.wait_indirect_dma semaphore(%run_scoped3A_343 : memref<!tpu.dma_semaphore, #tpu.memory_space<semaphore_mem>>) src(%dma_wait3A_357 : memref<80x128xf32, #tpu.memory_space<vmem>>) dst(%dma_wait3A_363 : memref<10000x128xf32, #tpu.memory_space<vmem_shared>>)
        tpu.yield
      }) : () -> ()
    }
    %scan3A_59 = arith.constant 31 : i32
    %dma_wait3A = arith.constant 0 : i32
    %dma_wait3A_60 = arith.constant 0 : i32
    %dma_wait3A_61 = arith.constant 0 : i32
    %dma_wait3A_62 = arith.constant 0 : i32
    %dma_wait3A_63 = tpu.memref_slice %arg9[%dma_wait3A_60, %dma_wait3A_61, %dma_wait3A_62] : memref<2x80x128xf32, #tpu.memory_space<vmem>> -> memref<1x80x128xf32, #tpu.memory_space<vmem>>
    %dma_wait3A_64 = tpu.memref_squeeze %dma_wait3A_63 : memref<1x80x128xf32, #tpu.memory_space<vmem>> -> memref<80x128xf32, #tpu.memory_space<vmem>>
    %dma_wait3A_65 = arith.constant 0 : i32
    %dma_wait3A_66 = tpu.memref_slice %arg7[%dma_wait3A, %dma_wait3A_65] : memref<4x80xi32, #tpu.memory_space<vmem>> -> memref<1x80xi32, #tpu.memory_space<vmem>>
    %dma_wait3A_67 = tpu.memref_squeeze %dma_wait3A_66 : memref<1x80xi32, #tpu.memory_space<vmem>> -> memref<80xi32, #tpu.memory_space<vmem>>
    %dma_wait3A_68 = arith.constant 0 : i32
    %dma_wait3A_69 = arith.constant 0 : i32
    %dma_wait3A_70 = tpu.memref_slice %arg2[%dma_wait3A_68, %dma_wait3A_69] : memref<10000x128xf32, #tpu.memory_space<hbm>> -> memref<10000x128xf32, #tpu.memory_space<hbm>>
    tpu.wait_indirect_dma semaphore(%arg12 : memref<!tpu.dma_semaphore, #tpu.memory_space<semaphore_mem>>) src(%dma_wait3A_70 : memref<10000x128xf32, #tpu.memory_space<hbm>>) dst(%dma_wait3A_64 : memref<80x128xf32, #tpu.memory_space<vmem>>)
    %run_scoped3A_71 = arith.constant 0 : i32
    %run_scoped3A_72 = arith.constant 0 : i32
    "tpu.region"() ({
      %run_scoped3A_91 = tpu.sem_alloc : memref<!tpu.dma_semaphore, #tpu.memory_space<semaphore_mem>>
      %dma_start3A_92 = arith.constant 0 : i32
      %dma_start3A_93 = arith.constant 0 : i32
      %dma_start3A_94 = tpu.memref_slice %arg9[%run_scoped3A_71, %dma_start3A_92, %dma_start3A_93] : memref<2x80x128xf32, #tpu.memory_space<vmem>> -> memref<1x80x128xf32, #tpu.memory_space<vmem>>
      %dma_start3A_95 = tpu.memref_squeeze %dma_start3A_94 : memref<1x80x128xf32, #tpu.memory_space<vmem>> -> memref<80x128xf32, #tpu.memory_space<vmem>>
      %dma_start3A_96 = arith.constant 0 : i32
      %dma_start3A_97 = tpu.memref_slice %arg8[%run_scoped3A_72, %dma_start3A_96] : memref<4x80xi32, #tpu.memory_space<vmem>> -> memref<1x80xi32, #tpu.memory_space<vmem>>
      %dma_start3A_98 = tpu.memref_squeeze %dma_start3A_97 : memref<1x80xi32, #tpu.memory_space<vmem>> -> memref<80xi32, #tpu.memory_space<vmem>>
      %dma_start3A_99 = arith.constant 0 : i32
      %dma_start3A_100 = arith.constant 0 : i32
      %dma_start3A_101 = tpu.memref_slice %arg11[%dma_start3A_99, %dma_start3A_100] : memref<10000x128xf32, #tpu.memory_space<vmem_shared>> -> memref<10000x128xf32, #tpu.memory_space<vmem_shared>>
      tpu.enqueue_indirect_dma source(%dma_start3A_95 : memref<80x128xf32, #tpu.memory_space<vmem>>) target(%dma_start3A_101 : memref<10000x128xf32, #tpu.memory_space<vmem_shared>>) offsets(%dma_start3A_98 : memref<80xi32, #tpu.memory_space<vmem>>) semaphore(%run_scoped3A_91 : memref<!tpu.dma_semaphore, #tpu.memory_space<semaphore_mem>>) {add = true}
      %dma_wait3A_102 = arith.constant 0 : i32
      %dma_wait3A_103 = arith.constant 0 : i32
      %dma_wait3A_104 = tpu.memref_slice %arg9[%run_scoped3A_71, %dma_wait3A_102, %dma_wait3A_103] : memref<2x80x128xf32, #tpu.memory_space<vmem>> -> memref<1x80x128xf32, #tpu.memory_space<vmem>>
      %dma_wait3A_105 = tpu.memref_squeeze %dma_wait3A_104 : memref<1x80x128xf32, #tpu.memory_space<vmem>> -> memref<80x128xf32, #tpu.memory_space<vmem>>
      %dma_wait3A_106 = arith.constant 0 : i32
      %dma_wait3A_107 = tpu.memref_slice %arg8[%run_scoped3A_72, %dma_wait3A_106] : memref<4x80xi32, #tpu.memory_space<vmem>> -> memref<1x80xi32, #tpu.memory_space<vmem>>
      %dma_wait3A_108 = tpu.memref_squeeze %dma_wait3A_107 : memref<1x80xi32, #tpu.memory_space<vmem>> -> memref<80xi32, #tpu.memory_space<vmem>>
      %dma_wait3A_109 = arith.constant 0 : i32
      %dma_wait3A_110 = arith.constant 0 : i32
      %dma_wait3A_111 = tpu.memref_slice %arg11[%dma_wait3A_109, %dma_wait3A_110] : memref<10000x128xf32, #tpu.memory_space<vmem_shared>> -> memref<10000x128xf32, #tpu.memory_space<vmem_shared>>
      tpu.wait_indirect_dma semaphore(%run_scoped3A_91 : memref<!tpu.dma_semaphore, #tpu.memory_space<semaphore_mem>>) src(%dma_wait3A_105 : memref<80x128xf32, #tpu.memory_space<vmem>>) dst(%dma_wait3A_111 : memref<10000x128xf32, #tpu.memory_space<vmem_shared>>)
      tpu.yield
    }) : () -> ()
    %barrier3A_73 = arith.constant 0 : index
    tpu.barrier barrier_id(%barrier3A_73)
    %mul3A_74 = arith.constant 624 : i32
    %mul3A_75 = arith.muli %arg1, %mul3A_74 : i32
    %add3A_76 = arith.constant 0 : i32
    %add3A_77 = arith.addi %mul3A_75, %add3A_76 : i32
    "tpu.region"() ({
      %run_scoped3A_91 = tpu.sem_alloc : memref<!tpu.dma_semaphore, #tpu.memory_space<semaphore_mem>>
      %dma_start3A_92 = arith.constant 0 : i32
      %dma_start3A_93 = tpu.memref_slice %arg11[%add3A_77, %dma_start3A_92] : memref<10000x128xf32, #tpu.memory_space<vmem_shared>> -> memref<208x128xf32, #tpu.memory_space<vmem_shared>>
      %dma_start3A_94 = arith.constant 0 : i32
      %dma_start3A_95 = tpu.memref_slice %arg11[%add3A_77, %dma_start3A_94] : memref<10000x128xf32, #tpu.memory_space<vmem_shared>> -> memref<208x128xf32, #tpu.memory_space<vmem_shared>>
      tpu.enqueue_dma source(%dma_start3A_95 : memref<208x128xf32, #tpu.memory_space<vmem_shared>>) target(%arg10 : memref<208x128xf32, #tpu.memory_space<vmem>>) target_semaphore(%run_scoped3A_91 : memref<!tpu.dma_semaphore, #tpu.memory_space<semaphore_mem>>)
      %dma_wait3A_96 = arith.constant 0 : i32
      %dma_wait3A_97 = tpu.memref_slice %arg11[%add3A_77, %dma_wait3A_96] : memref<10000x128xf32, #tpu.memory_space<vmem_shared>> -> memref<208x128xf32, #tpu.memory_space<vmem_shared>>
      %dma_wait3A_98 = arith.constant 0 : i32
      %dma_wait3A_99 = tpu.memref_slice %arg11[%add3A_77, %dma_wait3A_98] : memref<10000x128xf32, #tpu.memory_space<vmem_shared>> -> memref<208x128xf32, #tpu.memory_space<vmem_shared>>
      tpu.wait_dma2 semaphore(%run_scoped3A_91 : memref<!tpu.dma_semaphore, #tpu.memory_space<semaphore_mem>>) src(%dma_wait3A_99 : memref<208x128xf32, #tpu.memory_space<vmem_shared>>) dst(%arg10 : memref<208x128xf32, #tpu.memory_space<vmem>>)
      tpu.yield
    }) : () -> ()
    "tpu.region"() ({
      %run_scoped3A_91 = tpu.sem_alloc : memref<!tpu.dma_semaphore, #tpu.memory_space<semaphore_mem>>
      %dma_start3A_92 = arith.constant 0 : i32
      %dma_start3A_93 = arith.constant 0 : i32
      %dma_start3A_94 = tpu.memref_slice %arg6[%arg0, %dma_start3A_92, %dma_start3A_93] : memref<2x10000x128xf32, #tpu.memory_space<hbm>> -> memref<1x10000x128xf32, #tpu.memory_space<hbm>>
      %dma_start3A_95 = tpu.memref_squeeze %dma_start3A_94 : memref<1x10000x128xf32, #tpu.memory_space<hbm>> -> memref<10000x128xf32, #tpu.memory_space<hbm>>
      %dma_start3A_96 = arith.constant 0 : i32
      %dma_start3A_97 = tpu.memref_slice %dma_start3A_95[%add3A_77, %dma_start3A_96] : memref<10000x128xf32, #tpu.memory_space<hbm>> -> memref<208x128xf32, #tpu.memory_space<hbm>>
      %dma_start3A_98 = arith.constant 0 : i32
      %dma_start3A_99 = arith.constant 0 : i32
      %dma_start3A_100 = tpu.memref_slice %arg6[%arg0, %dma_start3A_98, %dma_start3A_99] : memref<2x10000x128xf32, #tpu.memory_space<hbm>> -> memref<1x10000x128xf32, #tpu.memory_space<hbm>>
      %dma_start3A_101 = tpu.memref_squeeze %dma_start3A_100 : memref<1x10000x128xf32, #tpu.memory_space<hbm>> -> memref<10000x128xf32, #tpu.memory_space<hbm>>
      %dma_start3A_102 = arith.constant 0 : i32
      %dma_start3A_103 = tpu.memref_slice %dma_start3A_101[%add3A_77, %dma_start3A_102] : memref<10000x128xf32, #tpu.memory_space<hbm>> -> memref<208x128xf32, #tpu.memory_space<hbm>>
      tpu.enqueue_dma source(%arg10 : memref<208x128xf32, #tpu.memory_space<vmem>>) target(%dma_start3A_103 : memref<208x128xf32, #tpu.memory_space<hbm>>) target_semaphore(%run_scoped3A_91 : memref<!tpu.dma_semaphore, #tpu.memory_space<semaphore_mem>>)
      %dma_wait3A_104 = arith.constant 0 : i32
      %dma_wait3A_105 = arith.constant 0 : i32
      %dma_wait3A_106 = tpu.memref_slice %arg6[%arg0, %dma_wait3A_104, %dma_wait3A_105] : memref<2x10000x128xf32, #tpu.memory_space<hbm>> -> memref<1x10000x128xf32, #tpu.memory_space<hbm>>
      %dma_wait3A_107 = tpu.memref_squeeze %dma_wait3A_106 : memref<1x10000x128xf32, #tpu.memory_space<hbm>> -> memref<10000x128xf32, #tpu.memory_space<hbm>>
      %dma_wait3A_108 = arith.constant 0 : i32
      %dma_wait3A_109 = tpu.memref_slice %dma_wait3A_107[%add3A_77, %dma_wait3A_108] : memref<10000x128xf32, #tpu.memory_space<hbm>> -> memref<208x128xf32, #tpu.memory_space<hbm>>
      %dma_wait3A_110 = arith.constant 0 : i32
      %dma_wait3A_111 = arith.constant 0 : i32
      %dma_wait3A_112 = tpu.memref_slice %arg6[%arg0, %dma_wait3A_110, %dma_wait3A_111] : memref<2x10000x128xf32, #tpu.memory_space<hbm>> -> memref<1x10000x128xf32, #tpu.memory_space<hbm>>
      %dma_wait3A_113 = tpu.memref_squeeze %dma_wait3A_112 : memref<1x10000x128xf32, #tpu.memory_space<hbm>> -> memref<10000x128xf32, #tpu.memory_space<hbm>>
      %dma_wait3A_114 = arith.constant 0 : i32
      %dma_wait3A_115 = tpu.memref_slice %dma_wait3A_113[%add3A_77, %dma_wait3A_114] : memref<10000x128xf32, #tpu.memory_space<hbm>> -> memref<208x128xf32, #tpu.memory_space<hbm>>
      tpu.wait_dma2 semaphore(%run_scoped3A_91 : memref<!tpu.dma_semaphore, #tpu.memory_space<semaphore_mem>>) src(%arg10 : memref<208x128xf32, #tpu.memory_space<vmem>>) dst(%dma_wait3A_115 : memref<208x128xf32, #tpu.memory_space<hbm>>)
      tpu.yield
    }) : () -> ()
    %mul3A_78 = arith.constant 624 : i32
    %mul3A_79 = arith.muli %arg1, %mul3A_78 : i32
    %add3A_80 = arith.constant 208 : i32
    %add3A_81 = arith.addi %mul3A_79, %add3A_80 : i32
    "tpu.region"() ({
      %run_scoped3A_91 = tpu.sem_alloc : memref<!tpu.dma_semaphore, #tpu.memory_space<semaphore_mem>>
      %dma_start3A_92 = arith.constant 0 : i32
      %dma_start3A_93 = tpu.memref_slice %arg11[%add3A_81, %dma_start3A_92] : memref<10000x128xf32, #tpu.memory_space<vmem_shared>> -> memref<208x128xf32, #tpu.memory_space<vmem_shared>>
      %dma_start3A_94 = arith.constant 0 : i32
      %dma_start3A_95 = tpu.memref_slice %arg11[%add3A_81, %dma_start3A_94] : memref<10000x128xf32, #tpu.memory_space<vmem_shared>> -> memref<208x128xf32, #tpu.memory_space<vmem_shared>>
      tpu.enqueue_dma source(%dma_start3A_95 : memref<208x128xf32, #tpu.memory_space<vmem_shared>>) target(%arg10 : memref<208x128xf32, #tpu.memory_space<vmem>>) target_semaphore(%run_scoped3A_91 : memref<!tpu.dma_semaphore, #tpu.memory_space<semaphore_mem>>)
      %dma_wait3A_96 = arith.constant 0 : i32
      %dma_wait3A_97 = tpu.memref_slice %arg11[%add3A_81, %dma_wait3A_96] : memref<10000x128xf32, #tpu.memory_space<vmem_shared>> -> memref<208x128xf32, #tpu.memory_space<vmem_shared>>
      %dma_wait3A_98 = arith.constant 0 : i32
      %dma_wait3A_99 = tpu.memref_slice %arg11[%add3A_81, %dma_wait3A_98] : memref<10000x128xf32, #tpu.memory_space<vmem_shared>> -> memref<208x128xf32, #tpu.memory_space<vmem_shared>>
      tpu.wait_dma2 semaphore(%run_scoped3A_91 : memref<!tpu.dma_semaphore, #tpu.memory_space<semaphore_mem>>) src(%dma_wait3A_99 : memref<208x128xf32, #tpu.memory_space<vmem_shared>>) dst(%arg10 : memref<208x128xf32, #tpu.memory_space<vmem>>)
      tpu.yield
    }) : () -> ()
    "tpu.region"() ({
      %run_scoped3A_91 = tpu.sem_alloc : memref<!tpu.dma_semaphore, #tpu.memory_space<semaphore_mem>>
      %dma_start3A_92 = arith.constant 0 : i32
      %dma_start3A_93 = arith.constant 0 : i32
      %dma_start3A_94 = tpu.memref_slice %arg6[%arg0, %dma_start3A_92, %dma_start3A_93] : memref<2x10000x128xf32, #tpu.memory_space<hbm>> -> memref<1x10000x128xf32, #tpu.memory_space<hbm>>
      %dma_start3A_95 = tpu.memref_squeeze %dma_start3A_94 : memref<1x10000x128xf32, #tpu.memory_space<hbm>> -> memref<10000x128xf32, #tpu.memory_space<hbm>>
      %dma_start3A_96 = arith.constant 0 : i32
      %dma_start3A_97 = tpu.memref_slice %dma_start3A_95[%add3A_81, %dma_start3A_96] : memref<10000x128xf32, #tpu.memory_space<hbm>> -> memref<208x128xf32, #tpu.memory_space<hbm>>
      %dma_start3A_98 = arith.constant 0 : i32
      %dma_start3A_99 = arith.constant 0 : i32
      %dma_start3A_100 = tpu.memref_slice %arg6[%arg0, %dma_start3A_98, %dma_start3A_99] : memref<2x10000x128xf32, #tpu.memory_space<hbm>> -> memref<1x10000x128xf32, #tpu.memory_space<hbm>>
      %dma_start3A_101 = tpu.memref_squeeze %dma_start3A_100 : memref<1x10000x128xf32, #tpu.memory_space<hbm>> -> memref<10000x128xf32, #tpu.memory_space<hbm>>
      %dma_start3A_102 = arith.constant 0 : i32
      %dma_start3A_103 = tpu.memref_slice %dma_start3A_101[%add3A_81, %dma_start3A_102] : memref<10000x128xf32, #tpu.memory_space<hbm>> -> memref<208x128xf32, #tpu.memory_space<hbm>>
      tpu.enqueue_dma source(%arg10 : memref<208x128xf32, #tpu.memory_space<vmem>>) target(%dma_start3A_103 : memref<208x128xf32, #tpu.memory_space<hbm>>) target_semaphore(%run_scoped3A_91 : memref<!tpu.dma_semaphore, #tpu.memory_space<semaphore_mem>>)
      %dma_wait3A_104 = arith.constant 0 : i32
      %dma_wait3A_105 = arith.constant 0 : i32
      %dma_wait3A_106 = tpu.memref_slice %arg6[%arg0, %dma_wait3A_104, %dma_wait3A_105] : memref<2x10000x128xf32, #tpu.memory_space<hbm>> -> memref<1x10000x128xf32, #tpu.memory_space<hbm>>
      %dma_wait3A_107 = tpu.memref_squeeze %dma_wait3A_106 : memref<1x10000x128xf32, #tpu.memory_space<hbm>> -> memref<10000x128xf32, #tpu.memory_space<hbm>>
      %dma_wait3A_108 = arith.constant 0 : i32
      %dma_wait3A_109 = tpu.memref_slice %dma_wait3A_107[%add3A_81, %dma_wait3A_108] : memref<10000x128xf32, #tpu.memory_space<hbm>> -> memref<208x128xf32, #tpu.memory_space<hbm>>
      %dma_wait3A_110 = arith.constant 0 : i32
      %dma_wait3A_111 = arith.constant 0 : i32
      %dma_wait3A_112 = tpu.memref_slice %arg6[%arg0, %dma_wait3A_110, %dma_wait3A_111] : memref<2x10000x128xf32, #tpu.memory_space<hbm>> -> memref<1x10000x128xf32, #tpu.memory_space<hbm>>
      %dma_wait3A_113 = tpu.memref_squeeze %dma_wait3A_112 : memref<1x10000x128xf32, #tpu.memory_space<hbm>> -> memref<10000x128xf32, #tpu.memory_space<hbm>>
      %dma_wait3A_114 = arith.constant 0 : i32
      %dma_wait3A_115 = tpu.memref_slice %dma_wait3A_113[%add3A_81, %dma_wait3A_114] : memref<10000x128xf32, #tpu.memory_space<hbm>> -> memref<208x128xf32, #tpu.memory_space<hbm>>
      tpu.wait_dma2 semaphore(%run_scoped3A_91 : memref<!tpu.dma_semaphore, #tpu.memory_space<semaphore_mem>>) src(%arg10 : memref<208x128xf32, #tpu.memory_space<vmem>>) dst(%dma_wait3A_115 : memref<208x128xf32, #tpu.memory_space<hbm>>)
      tpu.yield
    }) : () -> ()
    %mul3A_82 = arith.constant 624 : i32
    %mul3A_83 = arith.muli %arg1, %mul3A_82 : i32
    %add3A_84 = arith.constant 416 : i32
    %add3A_85 = arith.addi %mul3A_83, %add3A_84 : i32
    "tpu.region"() ({
      %run_scoped3A_91 = tpu.sem_alloc : memref<!tpu.dma_semaphore, #tpu.memory_space<semaphore_mem>>
      %dma_start3A_92 = arith.constant 0 : i32
      %dma_start3A_93 = tpu.memref_slice %arg11[%add3A_85, %dma_start3A_92] : memref<10000x128xf32, #tpu.memory_space<vmem_shared>> -> memref<208x128xf32, #tpu.memory_space<vmem_shared>>
      %dma_start3A_94 = arith.constant 0 : i32
      %dma_start3A_95 = tpu.memref_slice %arg11[%add3A_85, %dma_start3A_94] : memref<10000x128xf32, #tpu.memory_space<vmem_shared>> -> memref<208x128xf32, #tpu.memory_space<vmem_shared>>
      tpu.enqueue_dma source(%dma_start3A_95 : memref<208x128xf32, #tpu.memory_space<vmem_shared>>) target(%arg10 : memref<208x128xf32, #tpu.memory_space<vmem>>) target_semaphore(%run_scoped3A_91 : memref<!tpu.dma_semaphore, #tpu.memory_space<semaphore_mem>>)
      %dma_wait3A_96 = arith.constant 0 : i32
      %dma_wait3A_97 = tpu.memref_slice %arg11[%add3A_85, %dma_wait3A_96] : memref<10000x128xf32, #tpu.memory_space<vmem_shared>> -> memref<208x128xf32, #tpu.memory_space<vmem_shared>>
      %dma_wait3A_98 = arith.constant 0 : i32
      %dma_wait3A_99 = tpu.memref_slice %arg11[%add3A_85, %dma_wait3A_98] : memref<10000x128xf32, #tpu.memory_space<vmem_shared>> -> memref<208x128xf32, #tpu.memory_space<vmem_shared>>
      tpu.wait_dma2 semaphore(%run_scoped3A_91 : memref<!tpu.dma_semaphore, #tpu.memory_space<semaphore_mem>>) src(%dma_wait3A_99 : memref<208x128xf32, #tpu.memory_space<vmem_shared>>) dst(%arg10 : memref<208x128xf32, #tpu.memory_space<vmem>>)
      tpu.yield
    }) : () -> ()
    "tpu.region"() ({
      %run_scoped3A_91 = tpu.sem_alloc : memref<!tpu.dma_semaphore, #tpu.memory_space<semaphore_mem>>
      %dma_start3A_92 = arith.constant 0 : i32
      %dma_start3A_93 = arith.constant 0 : i32
      %dma_start3A_94 = tpu.memref_slice %arg6[%arg0, %dma_start3A_92, %dma_start3A_93] : memref<2x10000x128xf32, #tpu.memory_space<hbm>> -> memref<1x10000x128xf32, #tpu.memory_space<hbm>>
      %dma_start3A_95 = tpu.memref_squeeze %dma_start3A_94 : memref<1x10000x128xf32, #tpu.memory_space<hbm>> -> memref<10000x128xf32, #tpu.memory_space<hbm>>
      %dma_start3A_96 = arith.constant 0 : i32
      %dma_start3A_97 = tpu.memref_slice %dma_start3A_95[%add3A_85, %dma_start3A_96] : memref<10000x128xf32, #tpu.memory_space<hbm>> -> memref<208x128xf32, #tpu.memory_space<hbm>>
      %dma_start3A_98 = arith.constant 0 : i32
      %dma_start3A_99 = arith.constant 0 : i32
      %dma_start3A_100 = tpu.memref_slice %arg6[%arg0, %dma_start3A_98, %dma_start3A_99] : memref<2x10000x128xf32, #tpu.memory_space<hbm>> -> memref<1x10000x128xf32, #tpu.memory_space<hbm>>
      %dma_start3A_101 = tpu.memref_squeeze %dma_start3A_100 : memref<1x10000x128xf32, #tpu.memory_space<hbm>> -> memref<10000x128xf32, #tpu.memory_space<hbm>>
      %dma_start3A_102 = arith.constant 0 : i32
      %dma_start3A_103 = tpu.memref_slice %dma_start3A_101[%add3A_85, %dma_start3A_102] : memref<10000x128xf32, #tpu.memory_space<hbm>> -> memref<208x128xf32, #tpu.memory_space<hbm>>
      tpu.enqueue_dma source(%arg10 : memref<208x128xf32, #tpu.memory_space<vmem>>) target(%dma_start3A_103 : memref<208x128xf32, #tpu.memory_space<hbm>>) target_semaphore(%run_scoped3A_91 : memref<!tpu.dma_semaphore, #tpu.memory_space<semaphore_mem>>)
      %dma_wait3A_104 = arith.constant 0 : i32
      %dma_wait3A_105 = arith.constant 0 : i32
      %dma_wait3A_106 = tpu.memref_slice %arg6[%arg0, %dma_wait3A_104, %dma_wait3A_105] : memref<2x10000x128xf32, #tpu.memory_space<hbm>> -> memref<1x10000x128xf32, #tpu.memory_space<hbm>>
      %dma_wait3A_107 = tpu.memref_squeeze %dma_wait3A_106 : memref<1x10000x128xf32, #tpu.memory_space<hbm>> -> memref<10000x128xf32, #tpu.memory_space<hbm>>
      %dma_wait3A_108 = arith.constant 0 : i32
      %dma_wait3A_109 = tpu.memref_slice %dma_wait3A_107[%add3A_85, %dma_wait3A_108] : memref<10000x128xf32, #tpu.memory_space<hbm>> -> memref<208x128xf32, #tpu.memory_space<hbm>>
      %dma_wait3A_110 = arith.constant 0 : i32
      %dma_wait3A_111 = arith.constant 0 : i32
      %dma_wait3A_112 = tpu.memref_slice %arg6[%arg0, %dma_wait3A_110, %dma_wait3A_111] : memref<2x10000x128xf32, #tpu.memory_space<hbm>> -> memref<1x10000x128xf32, #tpu.memory_space<hbm>>
      %dma_wait3A_113 = tpu.memref_squeeze %dma_wait3A_112 : memref<1x10000x128xf32, #tpu.memory_space<hbm>> -> memref<10000x128xf32, #tpu.memory_space<hbm>>
      %dma_wait3A_114 = arith.constant 0 : i32
      %dma_wait3A_115 = tpu.memref_slice %dma_wait3A_113[%add3A_85, %dma_wait3A_114] : memref<10000x128xf32, #tpu.memory_space<hbm>> -> memref<208x128xf32, #tpu.memory_space<hbm>>
      tpu.wait_dma2 semaphore(%run_scoped3A_91 : memref<!tpu.dma_semaphore, #tpu.memory_space<semaphore_mem>>) src(%arg10 : memref<208x128xf32, #tpu.memory_space<vmem>>) dst(%dma_wait3A_115 : memref<208x128xf32, #tpu.memory_space<hbm>>)
      tpu.yield
    }) : () -> ()
    %eq3A_86 = arith.constant 0 : i32
    %eq3A_87 = arith.cmpi eq, %arg1, %eq3A_86 : i32
    %convert_element_type3A_88 = arith.extui %eq3A_87 : i1 to i32
    %cond3A_89 = arith.constant 0 : i32
    %cond3A_90 = arith.cmpi ne, %convert_element_type3A_88, %cond3A_89 : i32
    scf.if %cond3A_90 {
      "tpu.region"() ({
        %run_scoped3A_91 = tpu.sem_alloc : memref<!tpu.dma_semaphore, #tpu.memory_space<semaphore_mem>>
        %dma_start3A_92 = arith.constant 0 : i32
        %dma_start3A_93 = arith.constant 0 : i32
        %dma_start3A_94 = tpu.memref_slice %arg10[%dma_start3A_92, %dma_start3A_93] : memref<208x128xf32, #tpu.memory_space<vmem>> -> memref<16x128xf32, #tpu.memory_space<vmem>>
        %dma_start3A_95 = arith.constant 9984 : i32
        %dma_start3A_96 = arith.constant 0 : i32
        %dma_start3A_97 = tpu.memref_slice %arg11[%dma_start3A_95, %dma_start3A_96] : memref<10000x128xf32, #tpu.memory_space<vmem_shared>> -> memref<16x128xf32, #tpu.memory_space<vmem_shared>>
        %dma_start3A_98 = arith.constant 0 : i32
        %dma_start3A_99 = arith.constant 0 : i32
        %dma_start3A_100 = tpu.memref_slice %arg10[%dma_start3A_98, %dma_start3A_99] : memref<208x128xf32, #tpu.memory_space<vmem>> -> memref<16x128xf32, #tpu.memory_space<vmem>>
        %dma_start3A_101 = arith.constant 9984 : i32
        %dma_start3A_102 = arith.constant 0 : i32
        %dma_start3A_103 = tpu.memref_slice %arg11[%dma_start3A_101, %dma_start3A_102] : memref<10000x128xf32, #tpu.memory_space<vmem_shared>> -> memref<16x128xf32, #tpu.memory_space<vmem_shared>>
        tpu.enqueue_dma source(%dma_start3A_103 : memref<16x128xf32, #tpu.memory_space<vmem_shared>>) target(%dma_start3A_100 : memref<16x128xf32, #tpu.memory_space<vmem>>) target_semaphore(%run_scoped3A_91 : memref<!tpu.dma_semaphore, #tpu.memory_space<semaphore_mem>>)
        %dma_wait3A_104 = arith.constant 0 : i32
        %dma_wait3A_105 = arith.constant 0 : i32
        %dma_wait3A_106 = tpu.memref_slice %arg10[%dma_wait3A_104, %dma_wait3A_105] : memref<208x128xf32, #tpu.memory_space<vmem>> -> memref<16x128xf32, #tpu.memory_space<vmem>>
        %dma_wait3A_107 = arith.constant 9984 : i32
        %dma_wait3A_108 = arith.constant 0 : i32
        %dma_wait3A_109 = tpu.memref_slice %arg11[%dma_wait3A_107, %dma_wait3A_108] : memref<10000x128xf32, #tpu.memory_space<vmem_shared>> -> memref<16x128xf32, #tpu.memory_space<vmem_shared>>
        %dma_wait3A_110 = arith.constant 0 : i32
        %dma_wait3A_111 = arith.constant 0 : i32
        %dma_wait3A_112 = tpu.memref_slice %arg10[%dma_wait3A_110, %dma_wait3A_111] : memref<208x128xf32, #tpu.memory_space<vmem>> -> memref<16x128xf32, #tpu.memory_space<vmem>>
        %dma_wait3A_113 = arith.constant 9984 : i32
        %dma_wait3A_114 = arith.constant 0 : i32
        %dma_wait3A_115 = tpu.memref_slice %arg11[%dma_wait3A_113, %dma_wait3A_114] : memref<10000x128xf32, #tpu.memory_space<vmem_shared>> -> memref<16x128xf32, #tpu.memory_space<vmem_shared>>
        tpu.wait_dma2 semaphore(%run_scoped3A_91 : memref<!tpu.dma_semaphore, #tpu.memory_space<semaphore_mem>>) src(%dma_wait3A_115 : memref<16x128xf32, #tpu.memory_space<vmem_shared>>) dst(%dma_wait3A_112 : memref<16x128xf32, #tpu.memory_space<vmem>>)
        tpu.yield
      }) : () -> ()
      "tpu.region"() ({
        %run_scoped3A_91 = tpu.sem_alloc : memref<!tpu.dma_semaphore, #tpu.memory_space<semaphore_mem>>
        %dma_start3A_92 = arith.constant 0 : i32
        %dma_start3A_93 = arith.constant 0 : i32
        %dma_start3A_94 = tpu.memref_slice %arg10[%dma_start3A_92, %dma_start3A_93] : memref<208x128xf32, #tpu.memory_space<vmem>> -> memref<16x128xf32, #tpu.memory_space<vmem>>
        %dma_start3A_95 = arith.constant 0 : i32
        %dma_start3A_96 = arith.constant 0 : i32
        %dma_start3A_97 = tpu.memref_slice %arg6[%arg0, %dma_start3A_95, %dma_start3A_96] : memref<2x10000x128xf32, #tpu.memory_space<hbm>> -> memref<1x10000x128xf32, #tpu.memory_space<hbm>>
        %dma_start3A_98 = tpu.memref_squeeze %dma_start3A_97 : memref<1x10000x128xf32, #tpu.memory_space<hbm>> -> memref<10000x128xf32, #tpu.memory_space<hbm>>
        %dma_start3A_99 = arith.constant 9984 : i32
        %dma_start3A_100 = arith.constant 0 : i32
        %dma_start3A_101 = tpu.memref_slice %dma_start3A_98[%dma_start3A_99, %dma_start3A_100] : memref<10000x128xf32, #tpu.memory_space<hbm>> -> memref<16x128xf32, #tpu.memory_space<hbm>>
        %dma_start3A_102 = arith.constant 0 : i32
        %dma_start3A_103 = arith.constant 0 : i32
        %dma_start3A_104 = tpu.memref_slice %arg6[%arg0, %dma_start3A_102, %dma_start3A_103] : memref<2x10000x128xf32, #tpu.memory_space<hbm>> -> memref<1x10000x128xf32, #tpu.memory_space<hbm>>
        %dma_start3A_105 = tpu.memref_squeeze %dma_start3A_104 : memref<1x10000x128xf32, #tpu.memory_space<hbm>> -> memref<10000x128xf32, #tpu.memory_space<hbm>>
        %dma_start3A_106 = arith.constant 9984 : i32
        %dma_start3A_107 = arith.constant 0 : i32
        %dma_start3A_108 = tpu.memref_slice %dma_start3A_105[%dma_start3A_106, %dma_start3A_107] : memref<10000x128xf32, #tpu.memory_space<hbm>> -> memref<16x128xf32, #tpu.memory_space<hbm>>
        %dma_start3A_109 = arith.constant 0 : i32
        %dma_start3A_110 = arith.constant 0 : i32
        %dma_start3A_111 = tpu.memref_slice %arg10[%dma_start3A_109, %dma_start3A_110] : memref<208x128xf32, #tpu.memory_space<vmem>> -> memref<16x128xf32, #tpu.memory_space<vmem>>
        tpu.enqueue_dma source(%dma_start3A_111 : memref<16x128xf32, #tpu.memory_space<vmem>>) target(%dma_start3A_108 : memref<16x128xf32, #tpu.memory_space<hbm>>) target_semaphore(%run_scoped3A_91 : memref<!tpu.dma_semaphore, #tpu.memory_space<semaphore_mem>>)
        %dma_wait3A_112 = arith.constant 0 : i32
        %dma_wait3A_113 = arith.constant 0 : i32
        %dma_wait3A_114 = tpu.memref_slice %arg10[%dma_wait3A_112, %dma_wait3A_113] : memref<208x128xf32, #tpu.memory_space<vmem>> -> memref<16x128xf32, #tpu.memory_space<vmem>>
        %dma_wait3A_115 = arith.constant 0 : i32
        %dma_wait3A_116 = arith.constant 0 : i32
        %dma_wait3A_117 = tpu.memref_slice %arg6[%arg0, %dma_wait3A_115, %dma_wait3A_116] : memref<2x10000x128xf32, #tpu.memory_space<hbm>> -> memref<1x10000x128xf32, #tpu.memory_space<hbm>>
        %dma_wait3A_118 = tpu.memref_squeeze %dma_wait3A_117 : memref<1x10000x128xf32, #tpu.memory_space<hbm>> -> memref<10000x128xf32, #tpu.memory_space<hbm>>
        %dma_wait3A_119 = arith.constant 9984 : i32
        %dma_wait3A_120 = arith.constant 0 : i32
        %dma_wait3A_121 = tpu.memref_slice %dma_wait3A_118[%dma_wait3A_119, %dma_wait3A_120] : memref<10000x128xf32, #tpu.memory_space<hbm>> -> memref<16x128xf32, #tpu.memory_space<hbm>>
        %dma_wait3A_122 = arith.constant 0 : i32
        %dma_wait3A_123 = arith.constant 0 : i32
        %dma_wait3A_124 = tpu.memref_slice %arg6[%arg0, %dma_wait3A_122, %dma_wait3A_123] : memref<2x10000x128xf32, #tpu.memory_space<hbm>> -> memref<1x10000x128xf32, #tpu.memory_space<hbm>>
        %dma_wait3A_125 = tpu.memref_squeeze %dma_wait3A_124 : memref<1x10000x128xf32, #tpu.memory_space<hbm>> -> memref<10000x128xf32, #tpu.memory_space<hbm>>
        %dma_wait3A_126 = arith.constant 9984 : i32
        %dma_wait3A_127 = arith.constant 0 : i32
        %dma_wait3A_128 = tpu.memref_slice %dma_wait3A_125[%dma_wait3A_126, %dma_wait3A_127] : memref<10000x128xf32, #tpu.memory_space<hbm>> -> memref<16x128xf32, #tpu.memory_space<hbm>>
        %dma_wait3A_129 = arith.constant 0 : i32
        %dma_wait3A_130 = arith.constant 0 : i32
        %dma_wait3A_131 = tpu.memref_slice %arg10[%dma_wait3A_129, %dma_wait3A_130] : memref<208x128xf32, #tpu.memory_space<vmem>> -> memref<16x128xf32, #tpu.memory_space<vmem>>
        tpu.wait_dma2 semaphore(%run_scoped3A_91 : memref<!tpu.dma_semaphore, #tpu.memory_space<semaphore_mem>>) src(%dma_wait3A_131 : memref<16x128xf32, #tpu.memory_space<vmem>>) dst(%dma_wait3A_128 : memref<16x128xf32, #tpu.memory_space<hbm>>)
        tpu.yield
      }) : () -> ()
    } else {
    }
    return
  }
}

#map = affine_map<(d0, d1) -> (0)>
#map1 = affine_map<(d0, d1) -> (0, 0)>
#map2 = affine_map<(d0, d1) -> (0, 0, 0)>
module attributes {stable_mosaic.version = 14 : i64} {
  func.func @_sc_deg_body(%arg0: i32, %arg1: i32, %arg2: memref<320000xi32, #tpu.memory_space<hbm>>, %arg3: memref<208x128xf32, #tpu.memory_space<hbm>>, %arg4: memref<80x128xf32, #tpu.memory_space<hbm>>, %arg5: memref<2x10000x128xf32, #tpu.memory_space<hbm>>, %arg6: memref<4x80xi32, #tpu.memory_space<vmem>>, %arg7: memref<80x128xf32, #tpu.memory_space<vmem>>, %arg8: memref<208x128xf32, #tpu.memory_space<vmem>>, %arg9: memref<10000x128xf32, #tpu.memory_space<vmem_shared>>, %arg10: memref<!tpu.dma_semaphore, #tpu.memory_space<semaphore_mem>>, %arg11: memref<!tpu.dma_semaphore, #tpu.memory_space<semaphore_mem>>, %arg12: memref<!tpu.dma_semaphore, #tpu.memory_space<semaphore_mem>>, %arg13: memref<!tpu.dma_semaphore, #tpu.memory_space<semaphore_mem>>) attributes {dimension_semantics = [#tpu.dimension_semantics<core_parallel>, #tpu.dimension_semantics<subcore_parallel>], iteration_bounds = array<i64: 2, 16>, scalar_prefetch = 0 : i64, scratch_operands = 8 : i64, tpu.core_type = #tpu.core_type<sc_vector_subcore>, window_params = [{transform_indices = #map}, {transform_indices = #map1}, {transform_indices = #map1}, {transform_indices = #map2}]} {
    %mul3A = arith.constant 2 : i32
    %mul3A_0 = arith.muli %arg1, %mul3A : i32
    %add3A = arith.addi %mul3A_0, %arg0 : i32
    %mul3A_1 = arith.constant 10000 : i32
    %mul3A_2 = arith.muli %add3A, %mul3A_1 : i32
    "tpu.region"() ({
      %run_scoped3A_65 = tpu.sem_alloc : memref<!tpu.dma_semaphore, #tpu.memory_space<semaphore_mem>>
      tpu.enqueue_dma source(%arg3 : memref<208x128xf32, #tpu.memory_space<hbm>>) target(%arg8 : memref<208x128xf32, #tpu.memory_space<vmem>>) target_semaphore(%run_scoped3A_65 : memref<!tpu.dma_semaphore, #tpu.memory_space<semaphore_mem>>)
      tpu.wait_dma2 semaphore(%run_scoped3A_65 : memref<!tpu.dma_semaphore, #tpu.memory_space<semaphore_mem>>) src(%arg3 : memref<208x128xf32, #tpu.memory_space<hbm>>) dst(%arg8 : memref<208x128xf32, #tpu.memory_space<vmem>>)
      tpu.yield
    }) : () -> ()
    %mul3A_3 = arith.constant 624 : i32
    %mul3A_4 = arith.muli %arg1, %mul3A_3 : i32
    %add3A_5 = arith.constant 0 : i32
    %add3A_6 = arith.addi %mul3A_4, %add3A_5 : i32
    "tpu.region"() ({
      %run_scoped3A_65 = tpu.sem_alloc : memref<!tpu.dma_semaphore, #tpu.memory_space<semaphore_mem>>
      %dma_start3A_66 = arith.constant 0 : i32
      %dma_start3A_67 = tpu.memref_slice %arg9[%add3A_6, %dma_start3A_66] : memref<10000x128xf32, #tpu.memory_space<vmem_shared>> -> memref<208x128xf32, #tpu.memory_space<vmem_shared>>
      %dma_start3A_68 = arith.constant 0 : i32
      %dma_start3A_69 = tpu.memref_slice %arg9[%add3A_6, %dma_start3A_68] : memref<10000x128xf32, #tpu.memory_space<vmem_shared>> -> memref<208x128xf32, #tpu.memory_space<vmem_shared>>
      tpu.enqueue_dma source(%arg8 : memref<208x128xf32, #tpu.memory_space<vmem>>) target(%dma_start3A_69 : memref<208x128xf32, #tpu.memory_space<vmem_shared>>) target_semaphore(%run_scoped3A_65 : memref<!tpu.dma_semaphore, #tpu.memory_space<semaphore_mem>>)
      %dma_wait3A_70 = arith.constant 0 : i32
      %dma_wait3A_71 = tpu.memref_slice %arg9[%add3A_6, %dma_wait3A_70] : memref<10000x128xf32, #tpu.memory_space<vmem_shared>> -> memref<208x128xf32, #tpu.memory_space<vmem_shared>>
      %dma_wait3A_72 = arith.constant 0 : i32
      %dma_wait3A_73 = tpu.memref_slice %arg9[%add3A_6, %dma_wait3A_72] : memref<10000x128xf32, #tpu.memory_space<vmem_shared>> -> memref<208x128xf32, #tpu.memory_space<vmem_shared>>
      tpu.wait_dma2 semaphore(%run_scoped3A_65 : memref<!tpu.dma_semaphore, #tpu.memory_space<semaphore_mem>>) src(%arg8 : memref<208x128xf32, #tpu.memory_space<vmem>>) dst(%dma_wait3A_73 : memref<208x128xf32, #tpu.memory_space<vmem_shared>>)
      tpu.yield
    }) : () -> ()
    %mul3A_7 = arith.constant 624 : i32
    %mul3A_8 = arith.muli %arg1, %mul3A_7 : i32
    %add3A_9 = arith.constant 208 : i32
    %add3A_10 = arith.addi %mul3A_8, %add3A_9 : i32
    "tpu.region"() ({
      %run_scoped3A_65 = tpu.sem_alloc : memref<!tpu.dma_semaphore, #tpu.memory_space<semaphore_mem>>
      %dma_start3A_66 = arith.constant 0 : i32
      %dma_start3A_67 = tpu.memref_slice %arg9[%add3A_10, %dma_start3A_66] : memref<10000x128xf32, #tpu.memory_space<vmem_shared>> -> memref<208x128xf32, #tpu.memory_space<vmem_shared>>
      %dma_start3A_68 = arith.constant 0 : i32
      %dma_start3A_69 = tpu.memref_slice %arg9[%add3A_10, %dma_start3A_68] : memref<10000x128xf32, #tpu.memory_space<vmem_shared>> -> memref<208x128xf32, #tpu.memory_space<vmem_shared>>
      tpu.enqueue_dma source(%arg8 : memref<208x128xf32, #tpu.memory_space<vmem>>) target(%dma_start3A_69 : memref<208x128xf32, #tpu.memory_space<vmem_shared>>) target_semaphore(%run_scoped3A_65 : memref<!tpu.dma_semaphore, #tpu.memory_space<semaphore_mem>>)
      %dma_wait3A_70 = arith.constant 0 : i32
      %dma_wait3A_71 = tpu.memref_slice %arg9[%add3A_10, %dma_wait3A_70] : memref<10000x128xf32, #tpu.memory_space<vmem_shared>> -> memref<208x128xf32, #tpu.memory_space<vmem_shared>>
      %dma_wait3A_72 = arith.constant 0 : i32
      %dma_wait3A_73 = tpu.memref_slice %arg9[%add3A_10, %dma_wait3A_72] : memref<10000x128xf32, #tpu.memory_space<vmem_shared>> -> memref<208x128xf32, #tpu.memory_space<vmem_shared>>
      tpu.wait_dma2 semaphore(%run_scoped3A_65 : memref<!tpu.dma_semaphore, #tpu.memory_space<semaphore_mem>>) src(%arg8 : memref<208x128xf32, #tpu.memory_space<vmem>>) dst(%dma_wait3A_73 : memref<208x128xf32, #tpu.memory_space<vmem_shared>>)
      tpu.yield
    }) : () -> ()
    %mul3A_11 = arith.constant 624 : i32
    %mul3A_12 = arith.muli %arg1, %mul3A_11 : i32
    %add3A_13 = arith.constant 416 : i32
    %add3A_14 = arith.addi %mul3A_12, %add3A_13 : i32
    "tpu.region"() ({
      %run_scoped3A_65 = tpu.sem_alloc : memref<!tpu.dma_semaphore, #tpu.memory_space<semaphore_mem>>
      %dma_start3A_66 = arith.constant 0 : i32
      %dma_start3A_67 = tpu.memref_slice %arg9[%add3A_14, %dma_start3A_66] : memref<10000x128xf32, #tpu.memory_space<vmem_shared>> -> memref<208x128xf32, #tpu.memory_space<vmem_shared>>
      %dma_start3A_68 = arith.constant 0 : i32
      %dma_start3A_69 = tpu.memref_slice %arg9[%add3A_14, %dma_start3A_68] : memref<10000x128xf32, #tpu.memory_space<vmem_shared>> -> memref<208x128xf32, #tpu.memory_space<vmem_shared>>
      tpu.enqueue_dma source(%arg8 : memref<208x128xf32, #tpu.memory_space<vmem>>) target(%dma_start3A_69 : memref<208x128xf32, #tpu.memory_space<vmem_shared>>) target_semaphore(%run_scoped3A_65 : memref<!tpu.dma_semaphore, #tpu.memory_space<semaphore_mem>>)
      %dma_wait3A_70 = arith.constant 0 : i32
      %dma_wait3A_71 = tpu.memref_slice %arg9[%add3A_14, %dma_wait3A_70] : memref<10000x128xf32, #tpu.memory_space<vmem_shared>> -> memref<208x128xf32, #tpu.memory_space<vmem_shared>>
      %dma_wait3A_72 = arith.constant 0 : i32
      %dma_wait3A_73 = tpu.memref_slice %arg9[%add3A_14, %dma_wait3A_72] : memref<10000x128xf32, #tpu.memory_space<vmem_shared>> -> memref<208x128xf32, #tpu.memory_space<vmem_shared>>
      tpu.wait_dma2 semaphore(%run_scoped3A_65 : memref<!tpu.dma_semaphore, #tpu.memory_space<semaphore_mem>>) src(%arg8 : memref<208x128xf32, #tpu.memory_space<vmem>>) dst(%dma_wait3A_73 : memref<208x128xf32, #tpu.memory_space<vmem_shared>>)
      tpu.yield
    }) : () -> ()
    "tpu.region"() ({
      %run_scoped3A_65 = tpu.sem_alloc : memref<!tpu.dma_semaphore, #tpu.memory_space<semaphore_mem>>
      tpu.enqueue_dma source(%arg4 : memref<80x128xf32, #tpu.memory_space<hbm>>) target(%arg7 : memref<80x128xf32, #tpu.memory_space<vmem>>) target_semaphore(%run_scoped3A_65 : memref<!tpu.dma_semaphore, #tpu.memory_space<semaphore_mem>>)
      tpu.wait_dma2 semaphore(%run_scoped3A_65 : memref<!tpu.dma_semaphore, #tpu.memory_space<semaphore_mem>>) src(%arg4 : memref<80x128xf32, #tpu.memory_space<hbm>>) dst(%arg7 : memref<80x128xf32, #tpu.memory_space<vmem>>)
      tpu.yield
    }) : () -> ()
    %eq3A = arith.constant 0 : i32
    %eq3A_15 = arith.cmpi eq, %arg1, %eq3A : i32
    %convert_element_type3A = arith.extui %eq3A_15 : i1 to i32
    %cond3A = arith.constant 0 : i32
    %cond3A_16 = arith.cmpi ne, %convert_element_type3A, %cond3A : i32
    scf.if %cond3A_16 {
      "tpu.region"() ({
        %run_scoped3A_65 = tpu.sem_alloc : memref<!tpu.dma_semaphore, #tpu.memory_space<semaphore_mem>>
        %dma_start3A_66 = arith.constant 0 : i32
        %dma_start3A_67 = arith.constant 0 : i32
        %dma_start3A_68 = tpu.memref_slice %arg8[%dma_start3A_66, %dma_start3A_67] : memref<208x128xf32, #tpu.memory_space<vmem>> -> memref<16x128xf32, #tpu.memory_space<vmem>>
        %dma_start3A_69 = arith.constant 9984 : i32
        %dma_start3A_70 = arith.constant 0 : i32
        %dma_start3A_71 = tpu.memref_slice %arg9[%dma_start3A_69, %dma_start3A_70] : memref<10000x128xf32, #tpu.memory_space<vmem_shared>> -> memref<16x128xf32, #tpu.memory_space<vmem_shared>>
        %dma_start3A_72 = arith.constant 9984 : i32
        %dma_start3A_73 = arith.constant 0 : i32
        %dma_start3A_74 = tpu.memref_slice %arg9[%dma_start3A_72, %dma_start3A_73] : memref<10000x128xf32, #tpu.memory_space<vmem_shared>> -> memref<16x128xf32, #tpu.memory_space<vmem_shared>>
        %dma_start3A_75 = arith.constant 0 : i32
        %dma_start3A_76 = arith.constant 0 : i32
        %dma_start3A_77 = tpu.memref_slice %arg8[%dma_start3A_75, %dma_start3A_76] : memref<208x128xf32, #tpu.memory_space<vmem>> -> memref<16x128xf32, #tpu.memory_space<vmem>>
        tpu.enqueue_dma source(%dma_start3A_77 : memref<16x128xf32, #tpu.memory_space<vmem>>) target(%dma_start3A_74 : memref<16x128xf32, #tpu.memory_space<vmem_shared>>) target_semaphore(%run_scoped3A_65 : memref<!tpu.dma_semaphore, #tpu.memory_space<semaphore_mem>>)
        %dma_wait3A_78 = arith.constant 0 : i32
        %dma_wait3A_79 = arith.constant 0 : i32
        %dma_wait3A_80 = tpu.memref_slice %arg8[%dma_wait3A_78, %dma_wait3A_79] : memref<208x128xf32, #tpu.memory_space<vmem>> -> memref<16x128xf32, #tpu.memory_space<vmem>>
        %dma_wait3A_81 = arith.constant 9984 : i32
        %dma_wait3A_82 = arith.constant 0 : i32
        %dma_wait3A_83 = tpu.memref_slice %arg9[%dma_wait3A_81, %dma_wait3A_82] : memref<10000x128xf32, #tpu.memory_space<vmem_shared>> -> memref<16x128xf32, #tpu.memory_space<vmem_shared>>
        %dma_wait3A_84 = arith.constant 9984 : i32
        %dma_wait3A_85 = arith.constant 0 : i32
        %dma_wait3A_86 = tpu.memref_slice %arg9[%dma_wait3A_84, %dma_wait3A_85] : memref<10000x128xf32, #tpu.memory_space<vmem_shared>> -> memref<16x128xf32, #tpu.memory_space<vmem_shared>>
        %dma_wait3A_87 = arith.constant 0 : i32
        %dma_wait3A_88 = arith.constant 0 : i32
        %dma_wait3A_89 = tpu.memref_slice %arg8[%dma_wait3A_87, %dma_wait3A_88] : memref<208x128xf32, #tpu.memory_space<vmem>> -> memref<16x128xf32, #tpu.memory_space<vmem>>
        tpu.wait_dma2 semaphore(%run_scoped3A_65 : memref<!tpu.dma_semaphore, #tpu.memory_space<semaphore_mem>>) src(%dma_wait3A_89 : memref<16x128xf32, #tpu.memory_space<vmem>>) dst(%dma_wait3A_86 : memref<16x128xf32, #tpu.memory_space<vmem_shared>>)
        tpu.yield
      }) : () -> ()
    } else {
    }
    %add3A_17 = arith.constant 0 : i32
    %add3A_18 = arith.addi %mul3A_2, %add3A_17 : i32
    %run_scoped3A = arith.constant 0 : i32
    "tpu.region"() ({
      %run_scoped3A_65 = tpu.sem_alloc : memref<!tpu.dma_semaphore, #tpu.memory_space<semaphore_mem>>
      %dma_start3A_66 = arith.constant 0 : i32
      %dma_start3A_67 = tpu.memref_slice %arg6[%run_scoped3A, %dma_start3A_66] : memref<4x80xi32, #tpu.memory_space<vmem>> -> memref<1x80xi32, #tpu.memory_space<vmem>>
      %dma_start3A_68 = tpu.memref_squeeze %dma_start3A_67 : memref<1x80xi32, #tpu.memory_space<vmem>> -> memref<80xi32, #tpu.memory_space<vmem>>
      %dma_start3A_69 = tpu.memref_slice %arg2[%add3A_18] : memref<320000xi32, #tpu.memory_space<hbm>> -> memref<80xi32, #tpu.memory_space<hbm>>
      %dma_start3A_70 = arith.constant 0 : i32
      %dma_start3A_71 = tpu.memref_slice %arg6[%run_scoped3A, %dma_start3A_70] : memref<4x80xi32, #tpu.memory_space<vmem>> -> memref<1x80xi32, #tpu.memory_space<vmem>>
      %dma_start3A_72 = tpu.memref_squeeze %dma_start3A_71 : memref<1x80xi32, #tpu.memory_space<vmem>> -> memref<80xi32, #tpu.memory_space<vmem>>
      %dma_start3A_73 = tpu.memref_slice %arg2[%add3A_18] : memref<320000xi32, #tpu.memory_space<hbm>> -> memref<80xi32, #tpu.memory_space<hbm>>
      tpu.enqueue_dma source(%dma_start3A_73 : memref<80xi32, #tpu.memory_space<hbm>>) target(%dma_start3A_72 : memref<80xi32, #tpu.memory_space<vmem>>) target_semaphore(%run_scoped3A_65 : memref<!tpu.dma_semaphore, #tpu.memory_space<semaphore_mem>>)
      %dma_wait3A_74 = arith.constant 0 : i32
      %dma_wait3A_75 = tpu.memref_slice %arg6[%run_scoped3A, %dma_wait3A_74] : memref<4x80xi32, #tpu.memory_space<vmem>> -> memref<1x80xi32, #tpu.memory_space<vmem>>
      %dma_wait3A_76 = tpu.memref_squeeze %dma_wait3A_75 : memref<1x80xi32, #tpu.memory_space<vmem>> -> memref<80xi32, #tpu.memory_space<vmem>>
      %dma_wait3A_77 = tpu.memref_slice %arg2[%add3A_18] : memref<320000xi32, #tpu.memory_space<hbm>> -> memref<80xi32, #tpu.memory_space<hbm>>
      %dma_wait3A_78 = arith.constant 0 : i32
      %dma_wait3A_79 = tpu.memref_slice %arg6[%run_scoped3A, %dma_wait3A_78] : memref<4x80xi32, #tpu.memory_space<vmem>> -> memref<1x80xi32, #tpu.memory_space<vmem>>
      %dma_wait3A_80 = tpu.memref_squeeze %dma_wait3A_79 : memref<1x80xi32, #tpu.memory_space<vmem>> -> memref<80xi32, #tpu.memory_space<vmem>>
      %dma_wait3A_81 = tpu.memref_slice %arg2[%add3A_18] : memref<320000xi32, #tpu.memory_space<hbm>> -> memref<80xi32, #tpu.memory_space<hbm>>
      tpu.wait_dma2 semaphore(%run_scoped3A_65 : memref<!tpu.dma_semaphore, #tpu.memory_space<semaphore_mem>>) src(%dma_wait3A_81 : memref<80xi32, #tpu.memory_space<hbm>>) dst(%dma_wait3A_80 : memref<80xi32, #tpu.memory_space<vmem>>)
      tpu.yield
    }) : () -> ()
    %add3A_19 = arith.constant 80 : i32
    %add3A_20 = arith.addi %mul3A_2, %add3A_19 : i32
    %dma_start3A = arith.constant 1 : i32
    %dma_start3A_21 = arith.constant 0 : i32
    %dma_start3A_22 = tpu.memref_slice %arg6[%dma_start3A, %dma_start3A_21] : memref<4x80xi32, #tpu.memory_space<vmem>> -> memref<1x80xi32, #tpu.memory_space<vmem>>
    %dma_start3A_23 = tpu.memref_squeeze %dma_start3A_22 : memref<1x80xi32, #tpu.memory_space<vmem>> -> memref<80xi32, #tpu.memory_space<vmem>>
    %dma_start3A_24 = tpu.memref_slice %arg2[%add3A_20] : memref<320000xi32, #tpu.memory_space<hbm>> -> memref<80xi32, #tpu.memory_space<hbm>>
    %dma_start3A_25 = arith.constant 0 : i32
    %dma_start3A_26 = tpu.memref_slice %arg6[%dma_start3A, %dma_start3A_25] : memref<4x80xi32, #tpu.memory_space<vmem>> -> memref<1x80xi32, #tpu.memory_space<vmem>>
    %dma_start3A_27 = tpu.memref_squeeze %dma_start3A_26 : memref<1x80xi32, #tpu.memory_space<vmem>> -> memref<80xi32, #tpu.memory_space<vmem>>
    %dma_start3A_28 = tpu.memref_slice %arg2[%add3A_20] : memref<320000xi32, #tpu.memory_space<hbm>> -> memref<80xi32, #tpu.memory_space<hbm>>
    tpu.enqueue_dma source(%dma_start3A_28 : memref<80xi32, #tpu.memory_space<hbm>>) target(%dma_start3A_27 : memref<80xi32, #tpu.memory_space<vmem>>) target_semaphore(%arg13 : memref<!tpu.dma_semaphore, #tpu.memory_space<semaphore_mem>>)
    %barrier3A = arith.constant 0 : index
    tpu.barrier barrier_id(%barrier3A)
    %dma_start3A_29 = arith.constant 0 : i32
    %dma_start3A_30 = arith.constant 0 : i32
    %dma_start3A_31 = tpu.memref_slice %arg6[%dma_start3A_29, %dma_start3A_30] : memref<4x80xi32, #tpu.memory_space<vmem>> -> memref<1x80xi32, #tpu.memory_space<vmem>>
    %dma_start3A_32 = tpu.memref_squeeze %dma_start3A_31 : memref<1x80xi32, #tpu.memory_space<vmem>> -> memref<80xi32, #tpu.memory_space<vmem>>
    %dma_start3A_33 = arith.constant 0 : i32
    %dma_start3A_34 = arith.constant 0 : i32
    %dma_start3A_35 = tpu.memref_slice %arg9[%dma_start3A_33, %dma_start3A_34] : memref<10000x128xf32, #tpu.memory_space<vmem_shared>> -> memref<10000x128xf32, #tpu.memory_space<vmem_shared>>
    tpu.enqueue_indirect_dma source(%arg7 : memref<80x128xf32, #tpu.memory_space<vmem>>) target(%dma_start3A_35 : memref<10000x128xf32, #tpu.memory_space<vmem_shared>>) offsets(%dma_start3A_32 : memref<80xi32, #tpu.memory_space<vmem>>) semaphore(%arg10 : memref<!tpu.dma_semaphore, #tpu.memory_space<semaphore_mem>>) {add = true}
    %scan3A = arith.constant 0 : i32
    %scan3A_36 = arith.constant 0 : i32
    %scan3A_37 = arith.constant 31 : i32
    %scan3A_38 = arith.addi %scan3A_36, %scan3A_37 : i32
    %scan3A_39 = arith.constant 1 : i32
    scf.for %scan3A_65 = %scan3A_36 to %scan3A_38 step %scan3A_39  : i32 {
      %mul3A_66 = arith.constant 4 : i32
      %mul3A_67 = arith.muli %mul3A_66, %scan3A_65 : i32
      %add3A_68 = arith.constant 0 : i32
      %add3A_69 = arith.addi %mul3A_67, %add3A_68 : i32
      %add3A_70 = arith.constant 1 : i32
      %add3A_71 = arith.addi %add3A_69, %add3A_70 : i32
      %mul3A_72 = arith.constant 80 : i32
      %mul3A_73 = arith.muli %add3A_71, %mul3A_72 : i32
      %add3A_74 = arith.addi %mul3A_2, %mul3A_73 : i32
      %dma_wait3A_75 = arith.constant 1 : i32
      %dma_wait3A_76 = arith.constant 0 : i32
      %dma_wait3A_77 = tpu.memref_slice %arg6[%dma_wait3A_75, %dma_wait3A_76] : memref<4x80xi32, #tpu.memory_space<vmem>> -> memref<1x80xi32, #tpu.memory_space<vmem>>
      %dma_wait3A_78 = tpu.memref_squeeze %dma_wait3A_77 : memref<1x80xi32, #tpu.memory_space<vmem>> -> memref<80xi32, #tpu.memory_space<vmem>>
      %dma_wait3A_79 = tpu.memref_slice %arg2[%add3A_74] : memref<320000xi32, #tpu.memory_space<hbm>> -> memref<80xi32, #tpu.memory_space<hbm>>
      %dma_wait3A_80 = arith.constant 0 : i32
      %dma_wait3A_81 = tpu.memref_slice %arg6[%dma_wait3A_75, %dma_wait3A_80] : memref<4x80xi32, #tpu.memory_space<vmem>> -> memref<1x80xi32, #tpu.memory_space<vmem>>
      %dma_wait3A_82 = tpu.memref_squeeze %dma_wait3A_81 : memref<1x80xi32, #tpu.memory_space<vmem>> -> memref<80xi32, #tpu.memory_space<vmem>>
      %dma_wait3A_83 = tpu.memref_slice %arg2[%add3A_74] : memref<320000xi32, #tpu.memory_space<hbm>> -> memref<80xi32, #tpu.memory_space<hbm>>
      tpu.wait_dma2 semaphore(%arg13 : memref<!tpu.dma_semaphore, #tpu.memory_space<semaphore_mem>>) src(%dma_wait3A_83 : memref<80xi32, #tpu.memory_space<hbm>>) dst(%dma_wait3A_82 : memref<80xi32, #tpu.memory_space<vmem>>)
      %dma_start3A_84 = arith.constant 1 : i32
      %dma_start3A_85 = arith.constant 0 : i32
      %dma_start3A_86 = tpu.memref_slice %arg6[%dma_start3A_84, %dma_start3A_85] : memref<4x80xi32, #tpu.memory_space<vmem>> -> memref<1x80xi32, #tpu.memory_space<vmem>>
      %dma_start3A_87 = tpu.memref_squeeze %dma_start3A_86 : memref<1x80xi32, #tpu.memory_space<vmem>> -> memref<80xi32, #tpu.memory_space<vmem>>
      %dma_start3A_88 = arith.constant 0 : i32
      %dma_start3A_89 = arith.constant 0 : i32
      %dma_start3A_90 = tpu.memref_slice %arg9[%dma_start3A_88, %dma_start3A_89] : memref<10000x128xf32, #tpu.memory_space<vmem_shared>> -> memref<10000x128xf32, #tpu.memory_space<vmem_shared>>
      tpu.enqueue_indirect_dma source(%arg7 : memref<80x128xf32, #tpu.memory_space<vmem>>) target(%dma_start3A_90 : memref<10000x128xf32, #tpu.memory_space<vmem_shared>>) offsets(%dma_start3A_87 : memref<80xi32, #tpu.memory_space<vmem>>) semaphore(%arg11 : memref<!tpu.dma_semaphore, #tpu.memory_space<semaphore_mem>>) {add = true}
      %dma_wait3A_91 = arith.constant 0 : i32
      %dma_wait3A_92 = arith.constant 0 : i32
      %dma_wait3A_93 = tpu.memref_slice %arg6[%dma_wait3A_91, %dma_wait3A_92] : memref<4x80xi32, #tpu.memory_space<vmem>> -> memref<1x80xi32, #tpu.memory_space<vmem>>
      %dma_wait3A_94 = tpu.memref_squeeze %dma_wait3A_93 : memref<1x80xi32, #tpu.memory_space<vmem>> -> memref<80xi32, #tpu.memory_space<vmem>>
      %dma_wait3A_95 = arith.constant 0 : i32
      %dma_wait3A_96 = arith.constant 0 : i32
      %dma_wait3A_97 = tpu.memref_slice %arg9[%dma_wait3A_95, %dma_wait3A_96] : memref<10000x128xf32, #tpu.memory_space<vmem_shared>> -> memref<10000x128xf32, #tpu.memory_space<vmem_shared>>
      tpu.wait_indirect_dma semaphore(%arg10 : memref<!tpu.dma_semaphore, #tpu.memory_space<semaphore_mem>>) src(%arg7 : memref<80x128xf32, #tpu.memory_space<vmem>>) dst(%dma_wait3A_97 : memref<10000x128xf32, #tpu.memory_space<vmem_shared>>)
      %add3A_98 = arith.constant 2 : i32
      %add3A_99 = arith.addi %add3A_69, %add3A_98 : i32
      %lt3A = arith.constant 125 : i32
      %lt3A_100 = arith.cmpi slt, %add3A_99, %lt3A : i32
      %convert_element_type3A_101 = arith.extui %lt3A_100 : i1 to i32
      %cond3A_102 = arith.constant 0 : i32
      %cond3A_103 = arith.cmpi ne, %convert_element_type3A_101, %cond3A_102 : i32
      scf.if %cond3A_103 {
        %add3A_221 = arith.constant 2 : i32
        %add3A_222 = arith.addi %add3A_69, %add3A_221 : i32
        %mul3A_223 = arith.constant 80 : i32
        %mul3A_224 = arith.muli %add3A_222, %mul3A_223 : i32
        %add3A_225 = arith.addi %mul3A_2, %mul3A_224 : i32
        %dma_start3A_226 = arith.constant 2 : i32
        %dma_start3A_227 = arith.constant 0 : i32
        %dma_start3A_228 = tpu.memref_slice %arg6[%dma_start3A_226, %dma_start3A_227] : memref<4x80xi32, #tpu.memory_space<vmem>> -> memref<1x80xi32, #tpu.memory_space<vmem>>
        %dma_start3A_229 = tpu.memref_squeeze %dma_start3A_228 : memref<1x80xi32, #tpu.memory_space<vmem>> -> memref<80xi32, #tpu.memory_space<vmem>>
        %dma_start3A_230 = tpu.memref_slice %arg2[%add3A_225] : memref<320000xi32, #tpu.memory_space<hbm>> -> memref<80xi32, #tpu.memory_space<hbm>>
        %dma_start3A_231 = arith.constant 0 : i32
        %dma_start3A_232 = tpu.memref_slice %arg6[%dma_start3A_226, %dma_start3A_231] : memref<4x80xi32, #tpu.memory_space<vmem>> -> memref<1x80xi32, #tpu.memory_space<vmem>>
        %dma_start3A_233 = tpu.memref_squeeze %dma_start3A_232 : memref<1x80xi32, #tpu.memory_space<vmem>> -> memref<80xi32, #tpu.memory_space<vmem>>
        %dma_start3A_234 = tpu.memref_slice %arg2[%add3A_225] : memref<320000xi32, #tpu.memory_space<hbm>> -> memref<80xi32, #tpu.memory_space<hbm>>
        tpu.enqueue_dma source(%dma_start3A_234 : memref<80xi32, #tpu.memory_space<hbm>>) target(%dma_start3A_233 : memref<80xi32, #tpu.memory_space<vmem>>) target_semaphore(%arg12 : memref<!tpu.dma_semaphore, #tpu.memory_space<semaphore_mem>>)
      } else {
      }
      %mul3A_104 = arith.constant 4 : i32
      %mul3A_105 = arith.muli %mul3A_104, %scan3A_65 : i32
      %add3A_106 = arith.constant 1 : i32
      %add3A_107 = arith.addi %mul3A_105, %add3A_106 : i32
      %add3A_108 = arith.constant 1 : i32
      %add3A_109 = arith.addi %add3A_107, %add3A_108 : i32
      %mul3A_110 = arith.constant 80 : i32
      %mul3A_111 = arith.muli %add3A_109, %mul3A_110 : i32
      %add3A_112 = arith.addi %mul3A_2, %mul3A_111 : i32
      %dma_wait3A_113 = arith.constant 2 : i32
      %dma_wait3A_114 = arith.constant 0 : i32
      %dma_wait3A_115 = tpu.memref_slice %arg6[%dma_wait3A_113, %dma_wait3A_114] : memref<4x80xi32, #tpu.memory_space<vmem>> -> memref<1x80xi32, #tpu.memory_space<vmem>>
      %dma_wait3A_116 = tpu.memref_squeeze %dma_wait3A_115 : memref<1x80xi32, #tpu.memory_space<vmem>> -> memref<80xi32, #tpu.memory_space<vmem>>
      %dma_wait3A_117 = tpu.memref_slice %arg2[%add3A_112] : memref<320000xi32, #tpu.memory_space<hbm>> -> memref<80xi32, #tpu.memory_space<hbm>>
      %dma_wait3A_118 = arith.constant 0 : i32
      %dma_wait3A_119 = tpu.memref_slice %arg6[%dma_wait3A_113, %dma_wait3A_118] : memref<4x80xi32, #tpu.memory_space<vmem>> -> memref<1x80xi32, #tpu.memory_space<vmem>>
      %dma_wait3A_120 = tpu.memref_squeeze %dma_wait3A_119 : memref<1x80xi32, #tpu.memory_space<vmem>> -> memref<80xi32, #tpu.memory_space<vmem>>
      %dma_wait3A_121 = tpu.memref_slice %arg2[%add3A_112] : memref<320000xi32, #tpu.memory_space<hbm>> -> memref<80xi32, #tpu.memory_space<hbm>>
      tpu.wait_dma2 semaphore(%arg12 : memref<!tpu.dma_semaphore, #tpu.memory_space<semaphore_mem>>) src(%dma_wait3A_121 : memref<80xi32, #tpu.memory_space<hbm>>) dst(%dma_wait3A_120 : memref<80xi32, #tpu.memory_space<vmem>>)
      %dma_start3A_122 = arith.constant 2 : i32
      %dma_start3A_123 = arith.constant 0 : i32
      %dma_start3A_124 = tpu.memref_slice %arg6[%dma_start3A_122, %dma_start3A_123] : memref<4x80xi32, #tpu.memory_space<vmem>> -> memref<1x80xi32, #tpu.memory_space<vmem>>
      %dma_start3A_125 = tpu.memref_squeeze %dma_start3A_124 : memref<1x80xi32, #tpu.memory_space<vmem>> -> memref<80xi32, #tpu.memory_space<vmem>>
      %dma_start3A_126 = arith.constant 0 : i32
      %dma_start3A_127 = arith.constant 0 : i32
      %dma_start3A_128 = tpu.memref_slice %arg9[%dma_start3A_126, %dma_start3A_127] : memref<10000x128xf32, #tpu.memory_space<vmem_shared>> -> memref<10000x128xf32, #tpu.memory_space<vmem_shared>>
      tpu.enqueue_indirect_dma source(%arg7 : memref<80x128xf32, #tpu.memory_space<vmem>>) target(%dma_start3A_128 : memref<10000x128xf32, #tpu.memory_space<vmem_shared>>) offsets(%dma_start3A_125 : memref<80xi32, #tpu.memory_space<vmem>>) semaphore(%arg10 : memref<!tpu.dma_semaphore, #tpu.memory_space<semaphore_mem>>) {add = true}
      %dma_wait3A_129 = arith.constant 1 : i32
      %dma_wait3A_130 = arith.constant 0 : i32
      %dma_wait3A_131 = tpu.memref_slice %arg6[%dma_wait3A_129, %dma_wait3A_130] : memref<4x80xi32, #tpu.memory_space<vmem>> -> memref<1x80xi32, #tpu.memory_space<vmem>>
      %dma_wait3A_132 = tpu.memref_squeeze %dma_wait3A_131 : memref<1x80xi32, #tpu.memory_space<vmem>> -> memref<80xi32, #tpu.memory_space<vmem>>
      %dma_wait3A_133 = arith.constant 0 : i32
      %dma_wait3A_134 = arith.constant 0 : i32
      %dma_wait3A_135 = tpu.memref_slice %arg9[%dma_wait3A_133, %dma_wait3A_134] : memref<10000x128xf32, #tpu.memory_space<vmem_shared>> -> memref<10000x128xf32, #tpu.memory_space<vmem_shared>>
      tpu.wait_indirect_dma semaphore(%arg11 : memref<!tpu.dma_semaphore, #tpu.memory_space<semaphore_mem>>) src(%arg7 : memref<80x128xf32, #tpu.memory_space<vmem>>) dst(%dma_wait3A_135 : memref<10000x128xf32, #tpu.memory_space<vmem_shared>>)
      %add3A_136 = arith.constant 2 : i32
      %add3A_137 = arith.addi %add3A_107, %add3A_136 : i32
      %lt3A_138 = arith.constant 125 : i32
      %lt3A_139 = arith.cmpi slt, %add3A_137, %lt3A_138 : i32
      %convert_element_type3A_140 = arith.extui %lt3A_139 : i1 to i32
      %cond3A_141 = arith.constant 0 : i32
      %cond3A_142 = arith.cmpi ne, %convert_element_type3A_140, %cond3A_141 : i32
      scf.if %cond3A_142 {
        %add3A_221 = arith.constant 2 : i32
        %add3A_222 = arith.addi %add3A_107, %add3A_221 : i32
        %mul3A_223 = arith.constant 80 : i32
        %mul3A_224 = arith.muli %add3A_222, %mul3A_223 : i32
        %add3A_225 = arith.addi %mul3A_2, %mul3A_224 : i32
        %dma_start3A_226 = arith.constant 3 : i32
        %dma_start3A_227 = arith.constant 0 : i32
        %dma_start3A_228 = tpu.memref_slice %arg6[%dma_start3A_226, %dma_start3A_227] : memref<4x80xi32, #tpu.memory_space<vmem>> -> memref<1x80xi32, #tpu.memory_space<vmem>>
        %dma_start3A_229 = tpu.memref_squeeze %dma_start3A_228 : memref<1x80xi32, #tpu.memory_space<vmem>> -> memref<80xi32, #tpu.memory_space<vmem>>
        %dma_start3A_230 = tpu.memref_slice %arg2[%add3A_225] : memref<320000xi32, #tpu.memory_space<hbm>> -> memref<80xi32, #tpu.memory_space<hbm>>
        %dma_start3A_231 = arith.constant 0 : i32
        %dma_start3A_232 = tpu.memref_slice %arg6[%dma_start3A_226, %dma_start3A_231] : memref<4x80xi32, #tpu.memory_space<vmem>> -> memref<1x80xi32, #tpu.memory_space<vmem>>
        %dma_start3A_233 = tpu.memref_squeeze %dma_start3A_232 : memref<1x80xi32, #tpu.memory_space<vmem>> -> memref<80xi32, #tpu.memory_space<vmem>>
        %dma_start3A_234 = tpu.memref_slice %arg2[%add3A_225] : memref<320000xi32, #tpu.memory_space<hbm>> -> memref<80xi32, #tpu.memory_space<hbm>>
        tpu.enqueue_dma source(%dma_start3A_234 : memref<80xi32, #tpu.memory_space<hbm>>) target(%dma_start3A_233 : memref<80xi32, #tpu.memory_space<vmem>>) target_semaphore(%arg13 : memref<!tpu.dma_semaphore, #tpu.memory_space<semaphore_mem>>)
      } else {
      }
      %mul3A_143 = arith.constant 4 : i32
      %mul3A_144 = arith.muli %mul3A_143, %scan3A_65 : i32
      %add3A_145 = arith.constant 2 : i32
      %add3A_146 = arith.addi %mul3A_144, %add3A_145 : i32
      %add3A_147 = arith.constant 1 : i32
      %add3A_148 = arith.addi %add3A_146, %add3A_147 : i32
      %mul3A_149 = arith.constant 80 : i32
      %mul3A_150 = arith.muli %add3A_148, %mul3A_149 : i32
      %add3A_151 = arith.addi %mul3A_2, %mul3A_150 : i32
      %dma_wait3A_152 = arith.constant 3 : i32
      %dma_wait3A_153 = arith.constant 0 : i32
      %dma_wait3A_154 = tpu.memref_slice %arg6[%dma_wait3A_152, %dma_wait3A_153] : memref<4x80xi32, #tpu.memory_space<vmem>> -> memref<1x80xi32, #tpu.memory_space<vmem>>
      %dma_wait3A_155 = tpu.memref_squeeze %dma_wait3A_154 : memref<1x80xi32, #tpu.memory_space<vmem>> -> memref<80xi32, #tpu.memory_space<vmem>>
      %dma_wait3A_156 = tpu.memref_slice %arg2[%add3A_151] : memref<320000xi32, #tpu.memory_space<hbm>> -> memref<80xi32, #tpu.memory_space<hbm>>
      %dma_wait3A_157 = arith.constant 0 : i32
      %dma_wait3A_158 = tpu.memref_slice %arg6[%dma_wait3A_152, %dma_wait3A_157] : memref<4x80xi32, #tpu.memory_space<vmem>> -> memref<1x80xi32, #tpu.memory_space<vmem>>
      %dma_wait3A_159 = tpu.memref_squeeze %dma_wait3A_158 : memref<1x80xi32, #tpu.memory_space<vmem>> -> memref<80xi32, #tpu.memory_space<vmem>>
      %dma_wait3A_160 = tpu.memref_slice %arg2[%add3A_151] : memref<320000xi32, #tpu.memory_space<hbm>> -> memref<80xi32, #tpu.memory_space<hbm>>
      tpu.wait_dma2 semaphore(%arg13 : memref<!tpu.dma_semaphore, #tpu.memory_space<semaphore_mem>>) src(%dma_wait3A_160 : memref<80xi32, #tpu.memory_space<hbm>>) dst(%dma_wait3A_159 : memref<80xi32, #tpu.memory_space<vmem>>)
      %dma_start3A_161 = arith.constant 3 : i32
      %dma_start3A_162 = arith.constant 0 : i32
      %dma_start3A_163 = tpu.memref_slice %arg6[%dma_start3A_161, %dma_start3A_162] : memref<4x80xi32, #tpu.memory_space<vmem>> -> memref<1x80xi32, #tpu.memory_space<vmem>>
      %dma_start3A_164 = tpu.memref_squeeze %dma_start3A_163 : memref<1x80xi32, #tpu.memory_space<vmem>> -> memref<80xi32, #tpu.memory_space<vmem>>
      %dma_start3A_165 = arith.constant 0 : i32
      %dma_start3A_166 = arith.constant 0 : i32
      %dma_start3A_167 = tpu.memref_slice %arg9[%dma_start3A_165, %dma_start3A_166] : memref<10000x128xf32, #tpu.memory_space<vmem_shared>> -> memref<10000x128xf32, #tpu.memory_space<vmem_shared>>
      tpu.enqueue_indirect_dma source(%arg7 : memref<80x128xf32, #tpu.memory_space<vmem>>) target(%dma_start3A_167 : memref<10000x128xf32, #tpu.memory_space<vmem_shared>>) offsets(%dma_start3A_164 : memref<80xi32, #tpu.memory_space<vmem>>) semaphore(%arg11 : memref<!tpu.dma_semaphore, #tpu.memory_space<semaphore_mem>>) {add = true}
      %dma_wait3A_168 = arith.constant 2 : i32
      %dma_wait3A_169 = arith.constant 0 : i32
      %dma_wait3A_170 = tpu.memref_slice %arg6[%dma_wait3A_168, %dma_wait3A_169] : memref<4x80xi32, #tpu.memory_space<vmem>> -> memref<1x80xi32, #tpu.memory_space<vmem>>
      %dma_wait3A_171 = tpu.memref_squeeze %dma_wait3A_170 : memref<1x80xi32, #tpu.memory_space<vmem>> -> memref<80xi32, #tpu.memory_space<vmem>>
      %dma_wait3A_172 = arith.constant 0 : i32
      %dma_wait3A_173 = arith.constant 0 : i32
      %dma_wait3A_174 = tpu.memref_slice %arg9[%dma_wait3A_172, %dma_wait3A_173] : memref<10000x128xf32, #tpu.memory_space<vmem_shared>> -> memref<10000x128xf32, #tpu.memory_space<vmem_shared>>
      tpu.wait_indirect_dma semaphore(%arg10 : memref<!tpu.dma_semaphore, #tpu.memory_space<semaphore_mem>>) src(%arg7 : memref<80x128xf32, #tpu.memory_space<vmem>>) dst(%dma_wait3A_174 : memref<10000x128xf32, #tpu.memory_space<vmem_shared>>)
      %add3A_175 = arith.constant 2 : i32
      %add3A_176 = arith.addi %add3A_146, %add3A_175 : i32
      %lt3A_177 = arith.constant 125 : i32
      %lt3A_178 = arith.cmpi slt, %add3A_176, %lt3A_177 : i32
      %convert_element_type3A_179 = arith.extui %lt3A_178 : i1 to i32
      %cond3A_180 = arith.constant 0 : i32
      %cond3A_181 = arith.cmpi ne, %convert_element_type3A_179, %cond3A_180 : i32
      scf.if %cond3A_181 {
        %add3A_221 = arith.constant 2 : i32
        %add3A_222 = arith.addi %add3A_146, %add3A_221 : i32
        %mul3A_223 = arith.constant 80 : i32
        %mul3A_224 = arith.muli %add3A_222, %mul3A_223 : i32
        %add3A_225 = arith.addi %mul3A_2, %mul3A_224 : i32
        %dma_start3A_226 = arith.constant 0 : i32
        %dma_start3A_227 = arith.constant 0 : i32
        %dma_start3A_228 = tpu.memref_slice %arg6[%dma_start3A_226, %dma_start3A_227] : memref<4x80xi32, #tpu.memory_space<vmem>> -> memref<1x80xi32, #tpu.memory_space<vmem>>
        %dma_start3A_229 = tpu.memref_squeeze %dma_start3A_228 : memref<1x80xi32, #tpu.memory_space<vmem>> -> memref<80xi32, #tpu.memory_space<vmem>>
        %dma_start3A_230 = tpu.memref_slice %arg2[%add3A_225] : memref<320000xi32, #tpu.memory_space<hbm>> -> memref<80xi32, #tpu.memory_space<hbm>>
        %dma_start3A_231 = arith.constant 0 : i32
        %dma_start3A_232 = tpu.memref_slice %arg6[%dma_start3A_226, %dma_start3A_231] : memref<4x80xi32, #tpu.memory_space<vmem>> -> memref<1x80xi32, #tpu.memory_space<vmem>>
        %dma_start3A_233 = tpu.memref_squeeze %dma_start3A_232 : memref<1x80xi32, #tpu.memory_space<vmem>> -> memref<80xi32, #tpu.memory_space<vmem>>
        %dma_start3A_234 = tpu.memref_slice %arg2[%add3A_225] : memref<320000xi32, #tpu.memory_space<hbm>> -> memref<80xi32, #tpu.memory_space<hbm>>
        tpu.enqueue_dma source(%dma_start3A_234 : memref<80xi32, #tpu.memory_space<hbm>>) target(%dma_start3A_233 : memref<80xi32, #tpu.memory_space<vmem>>) target_semaphore(%arg12 : memref<!tpu.dma_semaphore, #tpu.memory_space<semaphore_mem>>)
      } else {
      }
      %mul3A_182 = arith.constant 4 : i32
      %mul3A_183 = arith.muli %mul3A_182, %scan3A_65 : i32
      %add3A_184 = arith.constant 3 : i32
      %add3A_185 = arith.addi %mul3A_183, %add3A_184 : i32
      %add3A_186 = arith.constant 1 : i32
      %add3A_187 = arith.addi %add3A_185, %add3A_186 : i32
      %mul3A_188 = arith.constant 80 : i32
      %mul3A_189 = arith.muli %add3A_187, %mul3A_188 : i32
      %add3A_190 = arith.addi %mul3A_2, %mul3A_189 : i32
      %dma_wait3A_191 = arith.constant 0 : i32
      %dma_wait3A_192 = arith.constant 0 : i32
      %dma_wait3A_193 = tpu.memref_slice %arg6[%dma_wait3A_191, %dma_wait3A_192] : memref<4x80xi32, #tpu.memory_space<vmem>> -> memref<1x80xi32, #tpu.memory_space<vmem>>
      %dma_wait3A_194 = tpu.memref_squeeze %dma_wait3A_193 : memref<1x80xi32, #tpu.memory_space<vmem>> -> memref<80xi32, #tpu.memory_space<vmem>>
      %dma_wait3A_195 = tpu.memref_slice %arg2[%add3A_190] : memref<320000xi32, #tpu.memory_space<hbm>> -> memref<80xi32, #tpu.memory_space<hbm>>
      %dma_wait3A_196 = arith.constant 0 : i32
      %dma_wait3A_197 = tpu.memref_slice %arg6[%dma_wait3A_191, %dma_wait3A_196] : memref<4x80xi32, #tpu.memory_space<vmem>> -> memref<1x80xi32, #tpu.memory_space<vmem>>
      %dma_wait3A_198 = tpu.memref_squeeze %dma_wait3A_197 : memref<1x80xi32, #tpu.memory_space<vmem>> -> memref<80xi32, #tpu.memory_space<vmem>>
      %dma_wait3A_199 = tpu.memref_slice %arg2[%add3A_190] : memref<320000xi32, #tpu.memory_space<hbm>> -> memref<80xi32, #tpu.memory_space<hbm>>
      tpu.wait_dma2 semaphore(%arg12 : memref<!tpu.dma_semaphore, #tpu.memory_space<semaphore_mem>>) src(%dma_wait3A_199 : memref<80xi32, #tpu.memory_space<hbm>>) dst(%dma_wait3A_198 : memref<80xi32, #tpu.memory_space<vmem>>)
      %dma_start3A_200 = arith.constant 0 : i32
      %dma_start3A_201 = arith.constant 0 : i32
      %dma_start3A_202 = tpu.memref_slice %arg6[%dma_start3A_200, %dma_start3A_201] : memref<4x80xi32, #tpu.memory_space<vmem>> -> memref<1x80xi32, #tpu.memory_space<vmem>>
      %dma_start3A_203 = tpu.memref_squeeze %dma_start3A_202 : memref<1x80xi32, #tpu.memory_space<vmem>> -> memref<80xi32, #tpu.memory_space<vmem>>
      %dma_start3A_204 = arith.constant 0 : i32
      %dma_start3A_205 = arith.constant 0 : i32
      %dma_start3A_206 = tpu.memref_slice %arg9[%dma_start3A_204, %dma_start3A_205] : memref<10000x128xf32, #tpu.memory_space<vmem_shared>> -> memref<10000x128xf32, #tpu.memory_space<vmem_shared>>
      tpu.enqueue_indirect_dma source(%arg7 : memref<80x128xf32, #tpu.memory_space<vmem>>) target(%dma_start3A_206 : memref<10000x128xf32, #tpu.memory_space<vmem_shared>>) offsets(%dma_start3A_203 : memref<80xi32, #tpu.memory_space<vmem>>) semaphore(%arg10 : memref<!tpu.dma_semaphore, #tpu.memory_space<semaphore_mem>>) {add = true}
      %dma_wait3A_207 = arith.constant 3 : i32
      %dma_wait3A_208 = arith.constant 0 : i32
      %dma_wait3A_209 = tpu.memref_slice %arg6[%dma_wait3A_207, %dma_wait3A_208] : memref<4x80xi32, #tpu.memory_space<vmem>> -> memref<1x80xi32, #tpu.memory_space<vmem>>
      %dma_wait3A_210 = tpu.memref_squeeze %dma_wait3A_209 : memref<1x80xi32, #tpu.memory_space<vmem>> -> memref<80xi32, #tpu.memory_space<vmem>>
      %dma_wait3A_211 = arith.constant 0 : i32
      %dma_wait3A_212 = arith.constant 0 : i32
      %dma_wait3A_213 = tpu.memref_slice %arg9[%dma_wait3A_211, %dma_wait3A_212] : memref<10000x128xf32, #tpu.memory_space<vmem_shared>> -> memref<10000x128xf32, #tpu.memory_space<vmem_shared>>
      tpu.wait_indirect_dma semaphore(%arg11 : memref<!tpu.dma_semaphore, #tpu.memory_space<semaphore_mem>>) src(%arg7 : memref<80x128xf32, #tpu.memory_space<vmem>>) dst(%dma_wait3A_213 : memref<10000x128xf32, #tpu.memory_space<vmem_shared>>)
      %add3A_214 = arith.constant 2 : i32
      %add3A_215 = arith.addi %add3A_185, %add3A_214 : i32
      %lt3A_216 = arith.constant 125 : i32
      %lt3A_217 = arith.cmpi slt, %add3A_215, %lt3A_216 : i32
      %convert_element_type3A_218 = arith.extui %lt3A_217 : i1 to i32
      %cond3A_219 = arith.constant 0 : i32
      %cond3A_220 = arith.cmpi ne, %convert_element_type3A_218, %cond3A_219 : i32
      scf.if %cond3A_220 {
        %add3A_221 = arith.constant 2 : i32
        %add3A_222 = arith.addi %add3A_185, %add3A_221 : i32
        %mul3A_223 = arith.constant 80 : i32
        %mul3A_224 = arith.muli %add3A_222, %mul3A_223 : i32
        %add3A_225 = arith.addi %mul3A_2, %mul3A_224 : i32
        %dma_start3A_226 = arith.constant 1 : i32
        %dma_start3A_227 = arith.constant 0 : i32
        %dma_start3A_228 = tpu.memref_slice %arg6[%dma_start3A_226, %dma_start3A_227] : memref<4x80xi32, #tpu.memory_space<vmem>> -> memref<1x80xi32, #tpu.memory_space<vmem>>
        %dma_start3A_229 = tpu.memref_squeeze %dma_start3A_228 : memref<1x80xi32, #tpu.memory_space<vmem>> -> memref<80xi32, #tpu.memory_space<vmem>>
        %dma_start3A_230 = tpu.memref_slice %arg2[%add3A_225] : memref<320000xi32, #tpu.memory_space<hbm>> -> memref<80xi32, #tpu.memory_space<hbm>>
        %dma_start3A_231 = arith.constant 0 : i32
        %dma_start3A_232 = tpu.memref_slice %arg6[%dma_start3A_226, %dma_start3A_231] : memref<4x80xi32, #tpu.memory_space<vmem>> -> memref<1x80xi32, #tpu.memory_space<vmem>>
        %dma_start3A_233 = tpu.memref_squeeze %dma_start3A_232 : memref<1x80xi32, #tpu.memory_space<vmem>> -> memref<80xi32, #tpu.memory_space<vmem>>
        %dma_start3A_234 = tpu.memref_slice %arg2[%add3A_225] : memref<320000xi32, #tpu.memory_space<hbm>> -> memref<80xi32, #tpu.memory_space<hbm>>
        tpu.enqueue_dma source(%dma_start3A_234 : memref<80xi32, #tpu.memory_space<hbm>>) target(%dma_start3A_233 : memref<80xi32, #tpu.memory_space<vmem>>) target_semaphore(%arg13 : memref<!tpu.dma_semaphore, #tpu.memory_space<semaphore_mem>>)
      } else {
      }
    }
    %scan3A_40 = arith.constant 31 : i32
    %dma_wait3A = arith.constant 0 : i32
    %dma_wait3A_41 = arith.constant 0 : i32
    %dma_wait3A_42 = tpu.memref_slice %arg6[%dma_wait3A, %dma_wait3A_41] : memref<4x80xi32, #tpu.memory_space<vmem>> -> memref<1x80xi32, #tpu.memory_space<vmem>>
    %dma_wait3A_43 = tpu.memref_squeeze %dma_wait3A_42 : memref<1x80xi32, #tpu.memory_space<vmem>> -> memref<80xi32, #tpu.memory_space<vmem>>
    %dma_wait3A_44 = arith.constant 0 : i32
    %dma_wait3A_45 = arith.constant 0 : i32
    %dma_wait3A_46 = tpu.memref_slice %arg9[%dma_wait3A_44, %dma_wait3A_45] : memref<10000x128xf32, #tpu.memory_space<vmem_shared>> -> memref<10000x128xf32, #tpu.memory_space<vmem_shared>>
    tpu.wait_indirect_dma semaphore(%arg10 : memref<!tpu.dma_semaphore, #tpu.memory_space<semaphore_mem>>) src(%arg7 : memref<80x128xf32, #tpu.memory_space<vmem>>) dst(%dma_wait3A_46 : memref<10000x128xf32, #tpu.memory_space<vmem_shared>>)
    %barrier3A_47 = arith.constant 0 : index
    tpu.barrier barrier_id(%barrier3A_47)
    %mul3A_48 = arith.constant 624 : i32
    %mul3A_49 = arith.muli %arg1, %mul3A_48 : i32
    %add3A_50 = arith.constant 0 : i32
    %add3A_51 = arith.addi %mul3A_49, %add3A_50 : i32
    "tpu.region"() ({
      %run_scoped3A_65 = tpu.sem_alloc : memref<!tpu.dma_semaphore, #tpu.memory_space<semaphore_mem>>
      %dma_start3A_66 = arith.constant 0 : i32
      %dma_start3A_67 = tpu.memref_slice %arg9[%add3A_51, %dma_start3A_66] : memref<10000x128xf32, #tpu.memory_space<vmem_shared>> -> memref<208x128xf32, #tpu.memory_space<vmem_shared>>
      %dma_start3A_68 = arith.constant 0 : i32
      %dma_start3A_69 = tpu.memref_slice %arg9[%add3A_51, %dma_start3A_68] : memref<10000x128xf32, #tpu.memory_space<vmem_shared>> -> memref<208x128xf32, #tpu.memory_space<vmem_shared>>
      tpu.enqueue_dma source(%dma_start3A_69 : memref<208x128xf32, #tpu.memory_space<vmem_shared>>) target(%arg8 : memref<208x128xf32, #tpu.memory_space<vmem>>) target_semaphore(%run_scoped3A_65 : memref<!tpu.dma_semaphore, #tpu.memory_space<semaphore_mem>>)
      %dma_wait3A_70 = arith.constant 0 : i32
      %dma_wait3A_71 = tpu.memref_slice %arg9[%add3A_51, %dma_wait3A_70] : memref<10000x128xf32, #tpu.memory_space<vmem_shared>> -> memref<208x128xf32, #tpu.memory_space<vmem_shared>>
      %dma_wait3A_72 = arith.constant 0 : i32
      %dma_wait3A_73 = tpu.memref_slice %arg9[%add3A_51, %dma_wait3A_72] : memref<10000x128xf32, #tpu.memory_space<vmem_shared>> -> memref<208x128xf32, #tpu.memory_space<vmem_shared>>
      tpu.wait_dma2 semaphore(%run_scoped3A_65 : memref<!tpu.dma_semaphore, #tpu.memory_space<semaphore_mem>>) src(%dma_wait3A_73 : memref<208x128xf32, #tpu.memory_space<vmem_shared>>) dst(%arg8 : memref<208x128xf32, #tpu.memory_space<vmem>>)
      tpu.yield
    }) : () -> ()
    "tpu.region"() ({
      %run_scoped3A_65 = tpu.sem_alloc : memref<!tpu.dma_semaphore, #tpu.memory_space<semaphore_mem>>
      %dma_start3A_66 = arith.constant 0 : i32
      %dma_start3A_67 = arith.constant 0 : i32
      %dma_start3A_68 = tpu.memref_slice %arg5[%arg0, %dma_start3A_66, %dma_start3A_67] : memref<2x10000x128xf32, #tpu.memory_space<hbm>> -> memref<1x10000x128xf32, #tpu.memory_space<hbm>>
      %dma_start3A_69 = tpu.memref_squeeze %dma_start3A_68 : memref<1x10000x128xf32, #tpu.memory_space<hbm>> -> memref<10000x128xf32, #tpu.memory_space<hbm>>
      %dma_start3A_70 = arith.constant 0 : i32
      %dma_start3A_71 = tpu.memref_slice %dma_start3A_69[%add3A_51, %dma_start3A_70] : memref<10000x128xf32, #tpu.memory_space<hbm>> -> memref<208x128xf32, #tpu.memory_space<hbm>>
      %dma_start3A_72 = arith.constant 0 : i32
      %dma_start3A_73 = arith.constant 0 : i32
      %dma_start3A_74 = tpu.memref_slice %arg5[%arg0, %dma_start3A_72, %dma_start3A_73] : memref<2x10000x128xf32, #tpu.memory_space<hbm>> -> memref<1x10000x128xf32, #tpu.memory_space<hbm>>
      %dma_start3A_75 = tpu.memref_squeeze %dma_start3A_74 : memref<1x10000x128xf32, #tpu.memory_space<hbm>> -> memref<10000x128xf32, #tpu.memory_space<hbm>>
      %dma_start3A_76 = arith.constant 0 : i32
      %dma_start3A_77 = tpu.memref_slice %dma_start3A_75[%add3A_51, %dma_start3A_76] : memref<10000x128xf32, #tpu.memory_space<hbm>> -> memref<208x128xf32, #tpu.memory_space<hbm>>
      tpu.enqueue_dma source(%arg8 : memref<208x128xf32, #tpu.memory_space<vmem>>) target(%dma_start3A_77 : memref<208x128xf32, #tpu.memory_space<hbm>>) target_semaphore(%run_scoped3A_65 : memref<!tpu.dma_semaphore, #tpu.memory_space<semaphore_mem>>)
      %dma_wait3A_78 = arith.constant 0 : i32
      %dma_wait3A_79 = arith.constant 0 : i32
      %dma_wait3A_80 = tpu.memref_slice %arg5[%arg0, %dma_wait3A_78, %dma_wait3A_79] : memref<2x10000x128xf32, #tpu.memory_space<hbm>> -> memref<1x10000x128xf32, #tpu.memory_space<hbm>>
      %dma_wait3A_81 = tpu.memref_squeeze %dma_wait3A_80 : memref<1x10000x128xf32, #tpu.memory_space<hbm>> -> memref<10000x128xf32, #tpu.memory_space<hbm>>
      %dma_wait3A_82 = arith.constant 0 : i32
      %dma_wait3A_83 = tpu.memref_slice %dma_wait3A_81[%add3A_51, %dma_wait3A_82] : memref<10000x128xf32, #tpu.memory_space<hbm>> -> memref<208x128xf32, #tpu.memory_space<hbm>>
      %dma_wait3A_84 = arith.constant 0 : i32
      %dma_wait3A_85 = arith.constant 0 : i32
      %dma_wait3A_86 = tpu.memref_slice %arg5[%arg0, %dma_wait3A_84, %dma_wait3A_85] : memref<2x10000x128xf32, #tpu.memory_space<hbm>> -> memref<1x10000x128xf32, #tpu.memory_space<hbm>>
      %dma_wait3A_87 = tpu.memref_squeeze %dma_wait3A_86 : memref<1x10000x128xf32, #tpu.memory_space<hbm>> -> memref<10000x128xf32, #tpu.memory_space<hbm>>
      %dma_wait3A_88 = arith.constant 0 : i32
      %dma_wait3A_89 = tpu.memref_slice %dma_wait3A_87[%add3A_51, %dma_wait3A_88] : memref<10000x128xf32, #tpu.memory_space<hbm>> -> memref<208x128xf32, #tpu.memory_space<hbm>>
      tpu.wait_dma2 semaphore(%run_scoped3A_65 : memref<!tpu.dma_semaphore, #tpu.memory_space<semaphore_mem>>) src(%arg8 : memref<208x128xf32, #tpu.memory_space<vmem>>) dst(%dma_wait3A_89 : memref<208x128xf32, #tpu.memory_space<hbm>>)
      tpu.yield
    }) : () -> ()
    %mul3A_52 = arith.constant 624 : i32
    %mul3A_53 = arith.muli %arg1, %mul3A_52 : i32
    %add3A_54 = arith.constant 208 : i32
    %add3A_55 = arith.addi %mul3A_53, %add3A_54 : i32
    "tpu.region"() ({
      %run_scoped3A_65 = tpu.sem_alloc : memref<!tpu.dma_semaphore, #tpu.memory_space<semaphore_mem>>
      %dma_start3A_66 = arith.constant 0 : i32
      %dma_start3A_67 = tpu.memref_slice %arg9[%add3A_55, %dma_start3A_66] : memref<10000x128xf32, #tpu.memory_space<vmem_shared>> -> memref<208x128xf32, #tpu.memory_space<vmem_shared>>
      %dma_start3A_68 = arith.constant 0 : i32
      %dma_start3A_69 = tpu.memref_slice %arg9[%add3A_55, %dma_start3A_68] : memref<10000x128xf32, #tpu.memory_space<vmem_shared>> -> memref<208x128xf32, #tpu.memory_space<vmem_shared>>
      tpu.enqueue_dma source(%dma_start3A_69 : memref<208x128xf32, #tpu.memory_space<vmem_shared>>) target(%arg8 : memref<208x128xf32, #tpu.memory_space<vmem>>) target_semaphore(%run_scoped3A_65 : memref<!tpu.dma_semaphore, #tpu.memory_space<semaphore_mem>>)
      %dma_wait3A_70 = arith.constant 0 : i32
      %dma_wait3A_71 = tpu.memref_slice %arg9[%add3A_55, %dma_wait3A_70] : memref<10000x128xf32, #tpu.memory_space<vmem_shared>> -> memref<208x128xf32, #tpu.memory_space<vmem_shared>>
      %dma_wait3A_72 = arith.constant 0 : i32
      %dma_wait3A_73 = tpu.memref_slice %arg9[%add3A_55, %dma_wait3A_72] : memref<10000x128xf32, #tpu.memory_space<vmem_shared>> -> memref<208x128xf32, #tpu.memory_space<vmem_shared>>
      tpu.wait_dma2 semaphore(%run_scoped3A_65 : memref<!tpu.dma_semaphore, #tpu.memory_space<semaphore_mem>>) src(%dma_wait3A_73 : memref<208x128xf32, #tpu.memory_space<vmem_shared>>) dst(%arg8 : memref<208x128xf32, #tpu.memory_space<vmem>>)
      tpu.yield
    }) : () -> ()
    "tpu.region"() ({
      %run_scoped3A_65 = tpu.sem_alloc : memref<!tpu.dma_semaphore, #tpu.memory_space<semaphore_mem>>
      %dma_start3A_66 = arith.constant 0 : i32
      %dma_start3A_67 = arith.constant 0 : i32
      %dma_start3A_68 = tpu.memref_slice %arg5[%arg0, %dma_start3A_66, %dma_start3A_67] : memref<2x10000x128xf32, #tpu.memory_space<hbm>> -> memref<1x10000x128xf32, #tpu.memory_space<hbm>>
      %dma_start3A_69 = tpu.memref_squeeze %dma_start3A_68 : memref<1x10000x128xf32, #tpu.memory_space<hbm>> -> memref<10000x128xf32, #tpu.memory_space<hbm>>
      %dma_start3A_70 = arith.constant 0 : i32
      %dma_start3A_71 = tpu.memref_slice %dma_start3A_69[%add3A_55, %dma_start3A_70] : memref<10000x128xf32, #tpu.memory_space<hbm>> -> memref<208x128xf32, #tpu.memory_space<hbm>>
      %dma_start3A_72 = arith.constant 0 : i32
      %dma_start3A_73 = arith.constant 0 : i32
      %dma_start3A_74 = tpu.memref_slice %arg5[%arg0, %dma_start3A_72, %dma_start3A_73] : memref<2x10000x128xf32, #tpu.memory_space<hbm>> -> memref<1x10000x128xf32, #tpu.memory_space<hbm>>
      %dma_start3A_75 = tpu.memref_squeeze %dma_start3A_74 : memref<1x10000x128xf32, #tpu.memory_space<hbm>> -> memref<10000x128xf32, #tpu.memory_space<hbm>>
      %dma_start3A_76 = arith.constant 0 : i32
      %dma_start3A_77 = tpu.memref_slice %dma_start3A_75[%add3A_55, %dma_start3A_76] : memref<10000x128xf32, #tpu.memory_space<hbm>> -> memref<208x128xf32, #tpu.memory_space<hbm>>
      tpu.enqueue_dma source(%arg8 : memref<208x128xf32, #tpu.memory_space<vmem>>) target(%dma_start3A_77 : memref<208x128xf32, #tpu.memory_space<hbm>>) target_semaphore(%run_scoped3A_65 : memref<!tpu.dma_semaphore, #tpu.memory_space<semaphore_mem>>)
      %dma_wait3A_78 = arith.constant 0 : i32
      %dma_wait3A_79 = arith.constant 0 : i32
      %dma_wait3A_80 = tpu.memref_slice %arg5[%arg0, %dma_wait3A_78, %dma_wait3A_79] : memref<2x10000x128xf32, #tpu.memory_space<hbm>> -> memref<1x10000x128xf32, #tpu.memory_space<hbm>>
      %dma_wait3A_81 = tpu.memref_squeeze %dma_wait3A_80 : memref<1x10000x128xf32, #tpu.memory_space<hbm>> -> memref<10000x128xf32, #tpu.memory_space<hbm>>
      %dma_wait3A_82 = arith.constant 0 : i32
      %dma_wait3A_83 = tpu.memref_slice %dma_wait3A_81[%add3A_55, %dma_wait3A_82] : memref<10000x128xf32, #tpu.memory_space<hbm>> -> memref<208x128xf32, #tpu.memory_space<hbm>>
      %dma_wait3A_84 = arith.constant 0 : i32
      %dma_wait3A_85 = arith.constant 0 : i32
      %dma_wait3A_86 = tpu.memref_slice %arg5[%arg0, %dma_wait3A_84, %dma_wait3A_85] : memref<2x10000x128xf32, #tpu.memory_space<hbm>> -> memref<1x10000x128xf32, #tpu.memory_space<hbm>>
      %dma_wait3A_87 = tpu.memref_squeeze %dma_wait3A_86 : memref<1x10000x128xf32, #tpu.memory_space<hbm>> -> memref<10000x128xf32, #tpu.memory_space<hbm>>
      %dma_wait3A_88 = arith.constant 0 : i32
      %dma_wait3A_89 = tpu.memref_slice %dma_wait3A_87[%add3A_55, %dma_wait3A_88] : memref<10000x128xf32, #tpu.memory_space<hbm>> -> memref<208x128xf32, #tpu.memory_space<hbm>>
      tpu.wait_dma2 semaphore(%run_scoped3A_65 : memref<!tpu.dma_semaphore, #tpu.memory_space<semaphore_mem>>) src(%arg8 : memref<208x128xf32, #tpu.memory_space<vmem>>) dst(%dma_wait3A_89 : memref<208x128xf32, #tpu.memory_space<hbm>>)
      tpu.yield
    }) : () -> ()
    %mul3A_56 = arith.constant 624 : i32
    %mul3A_57 = arith.muli %arg1, %mul3A_56 : i32
    %add3A_58 = arith.constant 416 : i32
    %add3A_59 = arith.addi %mul3A_57, %add3A_58 : i32
    "tpu.region"() ({
      %run_scoped3A_65 = tpu.sem_alloc : memref<!tpu.dma_semaphore, #tpu.memory_space<semaphore_mem>>
      %dma_start3A_66 = arith.constant 0 : i32
      %dma_start3A_67 = tpu.memref_slice %arg9[%add3A_59, %dma_start3A_66] : memref<10000x128xf32, #tpu.memory_space<vmem_shared>> -> memref<208x128xf32, #tpu.memory_space<vmem_shared>>
      %dma_start3A_68 = arith.constant 0 : i32
      %dma_start3A_69 = tpu.memref_slice %arg9[%add3A_59, %dma_start3A_68] : memref<10000x128xf32, #tpu.memory_space<vmem_shared>> -> memref<208x128xf32, #tpu.memory_space<vmem_shared>>
      tpu.enqueue_dma source(%dma_start3A_69 : memref<208x128xf32, #tpu.memory_space<vmem_shared>>) target(%arg8 : memref<208x128xf32, #tpu.memory_space<vmem>>) target_semaphore(%run_scoped3A_65 : memref<!tpu.dma_semaphore, #tpu.memory_space<semaphore_mem>>)
      %dma_wait3A_70 = arith.constant 0 : i32
      %dma_wait3A_71 = tpu.memref_slice %arg9[%add3A_59, %dma_wait3A_70] : memref<10000x128xf32, #tpu.memory_space<vmem_shared>> -> memref<208x128xf32, #tpu.memory_space<vmem_shared>>
      %dma_wait3A_72 = arith.constant 0 : i32
      %dma_wait3A_73 = tpu.memref_slice %arg9[%add3A_59, %dma_wait3A_72] : memref<10000x128xf32, #tpu.memory_space<vmem_shared>> -> memref<208x128xf32, #tpu.memory_space<vmem_shared>>
      tpu.wait_dma2 semaphore(%run_scoped3A_65 : memref<!tpu.dma_semaphore, #tpu.memory_space<semaphore_mem>>) src(%dma_wait3A_73 : memref<208x128xf32, #tpu.memory_space<vmem_shared>>) dst(%arg8 : memref<208x128xf32, #tpu.memory_space<vmem>>)
      tpu.yield
    }) : () -> ()
    "tpu.region"() ({
      %run_scoped3A_65 = tpu.sem_alloc : memref<!tpu.dma_semaphore, #tpu.memory_space<semaphore_mem>>
      %dma_start3A_66 = arith.constant 0 : i32
      %dma_start3A_67 = arith.constant 0 : i32
      %dma_start3A_68 = tpu.memref_slice %arg5[%arg0, %dma_start3A_66, %dma_start3A_67] : memref<2x10000x128xf32, #tpu.memory_space<hbm>> -> memref<1x10000x128xf32, #tpu.memory_space<hbm>>
      %dma_start3A_69 = tpu.memref_squeeze %dma_start3A_68 : memref<1x10000x128xf32, #tpu.memory_space<hbm>> -> memref<10000x128xf32, #tpu.memory_space<hbm>>
      %dma_start3A_70 = arith.constant 0 : i32
      %dma_start3A_71 = tpu.memref_slice %dma_start3A_69[%add3A_59, %dma_start3A_70] : memref<10000x128xf32, #tpu.memory_space<hbm>> -> memref<208x128xf32, #tpu.memory_space<hbm>>
      %dma_start3A_72 = arith.constant 0 : i32
      %dma_start3A_73 = arith.constant 0 : i32
      %dma_start3A_74 = tpu.memref_slice %arg5[%arg0, %dma_start3A_72, %dma_start3A_73] : memref<2x10000x128xf32, #tpu.memory_space<hbm>> -> memref<1x10000x128xf32, #tpu.memory_space<hbm>>
      %dma_start3A_75 = tpu.memref_squeeze %dma_start3A_74 : memref<1x10000x128xf32, #tpu.memory_space<hbm>> -> memref<10000x128xf32, #tpu.memory_space<hbm>>
      %dma_start3A_76 = arith.constant 0 : i32
      %dma_start3A_77 = tpu.memref_slice %dma_start3A_75[%add3A_59, %dma_start3A_76] : memref<10000x128xf32, #tpu.memory_space<hbm>> -> memref<208x128xf32, #tpu.memory_space<hbm>>
      tpu.enqueue_dma source(%arg8 : memref<208x128xf32, #tpu.memory_space<vmem>>) target(%dma_start3A_77 : memref<208x128xf32, #tpu.memory_space<hbm>>) target_semaphore(%run_scoped3A_65 : memref<!tpu.dma_semaphore, #tpu.memory_space<semaphore_mem>>)
      %dma_wait3A_78 = arith.constant 0 : i32
      %dma_wait3A_79 = arith.constant 0 : i32
      %dma_wait3A_80 = tpu.memref_slice %arg5[%arg0, %dma_wait3A_78, %dma_wait3A_79] : memref<2x10000x128xf32, #tpu.memory_space<hbm>> -> memref<1x10000x128xf32, #tpu.memory_space<hbm>>
      %dma_wait3A_81 = tpu.memref_squeeze %dma_wait3A_80 : memref<1x10000x128xf32, #tpu.memory_space<hbm>> -> memref<10000x128xf32, #tpu.memory_space<hbm>>
      %dma_wait3A_82 = arith.constant 0 : i32
      %dma_wait3A_83 = tpu.memref_slice %dma_wait3A_81[%add3A_59, %dma_wait3A_82] : memref<10000x128xf32, #tpu.memory_space<hbm>> -> memref<208x128xf32, #tpu.memory_space<hbm>>
      %dma_wait3A_84 = arith.constant 0 : i32
      %dma_wait3A_85 = arith.constant 0 : i32
      %dma_wait3A_86 = tpu.memref_slice %arg5[%arg0, %dma_wait3A_84, %dma_wait3A_85] : memref<2x10000x128xf32, #tpu.memory_space<hbm>> -> memref<1x10000x128xf32, #tpu.memory_space<hbm>>
      %dma_wait3A_87 = tpu.memref_squeeze %dma_wait3A_86 : memref<1x10000x128xf32, #tpu.memory_space<hbm>> -> memref<10000x128xf32, #tpu.memory_space<hbm>>
      %dma_wait3A_88 = arith.constant 0 : i32
      %dma_wait3A_89 = tpu.memref_slice %dma_wait3A_87[%add3A_59, %dma_wait3A_88] : memref<10000x128xf32, #tpu.memory_space<hbm>> -> memref<208x128xf32, #tpu.memory_space<hbm>>
      tpu.wait_dma2 semaphore(%run_scoped3A_65 : memref<!tpu.dma_semaphore, #tpu.memory_space<semaphore_mem>>) src(%arg8 : memref<208x128xf32, #tpu.memory_space<vmem>>) dst(%dma_wait3A_89 : memref<208x128xf32, #tpu.memory_space<hbm>>)
      tpu.yield
    }) : () -> ()
    %eq3A_60 = arith.constant 0 : i32
    %eq3A_61 = arith.cmpi eq, %arg1, %eq3A_60 : i32
    %convert_element_type3A_62 = arith.extui %eq3A_61 : i1 to i32
    %cond3A_63 = arith.constant 0 : i32
    %cond3A_64 = arith.cmpi ne, %convert_element_type3A_62, %cond3A_63 : i32
    scf.if %cond3A_64 {
      "tpu.region"() ({
        %run_scoped3A_65 = tpu.sem_alloc : memref<!tpu.dma_semaphore, #tpu.memory_space<semaphore_mem>>
        %dma_start3A_66 = arith.constant 0 : i32
        %dma_start3A_67 = arith.constant 0 : i32
        %dma_start3A_68 = tpu.memref_slice %arg8[%dma_start3A_66, %dma_start3A_67] : memref<208x128xf32, #tpu.memory_space<vmem>> -> memref<16x128xf32, #tpu.memory_space<vmem>>
        %dma_start3A_69 = arith.constant 9984 : i32
        %dma_start3A_70 = arith.constant 0 : i32
        %dma_start3A_71 = tpu.memref_slice %arg9[%dma_start3A_69, %dma_start3A_70] : memref<10000x128xf32, #tpu.memory_space<vmem_shared>> -> memref<16x128xf32, #tpu.memory_space<vmem_shared>>
        %dma_start3A_72 = arith.constant 0 : i32
        %dma_start3A_73 = arith.constant 0 : i32
        %dma_start3A_74 = tpu.memref_slice %arg8[%dma_start3A_72, %dma_start3A_73] : memref<208x128xf32, #tpu.memory_space<vmem>> -> memref<16x128xf32, #tpu.memory_space<vmem>>
        %dma_start3A_75 = arith.constant 9984 : i32
        %dma_start3A_76 = arith.constant 0 : i32
        %dma_start3A_77 = tpu.memref_slice %arg9[%dma_start3A_75, %dma_start3A_76] : memref<10000x128xf32, #tpu.memory_space<vmem_shared>> -> memref<16x128xf32, #tpu.memory_space<vmem_shared>>
        tpu.enqueue_dma source(%dma_start3A_77 : memref<16x128xf32, #tpu.memory_space<vmem_shared>>) target(%dma_start3A_74 : memref<16x128xf32, #tpu.memory_space<vmem>>) target_semaphore(%run_scoped3A_65 : memref<!tpu.dma_semaphore, #tpu.memory_space<semaphore_mem>>)
        %dma_wait3A_78 = arith.constant 0 : i32
        %dma_wait3A_79 = arith.constant 0 : i32
        %dma_wait3A_80 = tpu.memref_slice %arg8[%dma_wait3A_78, %dma_wait3A_79] : memref<208x128xf32, #tpu.memory_space<vmem>> -> memref<16x128xf32, #tpu.memory_space<vmem>>
        %dma_wait3A_81 = arith.constant 9984 : i32
        %dma_wait3A_82 = arith.constant 0 : i32
        %dma_wait3A_83 = tpu.memref_slice %arg9[%dma_wait3A_81, %dma_wait3A_82] : memref<10000x128xf32, #tpu.memory_space<vmem_shared>> -> memref<16x128xf32, #tpu.memory_space<vmem_shared>>
        %dma_wait3A_84 = arith.constant 0 : i32
        %dma_wait3A_85 = arith.constant 0 : i32
        %dma_wait3A_86 = tpu.memref_slice %arg8[%dma_wait3A_84, %dma_wait3A_85] : memref<208x128xf32, #tpu.memory_space<vmem>> -> memref<16x128xf32, #tpu.memory_space<vmem>>
        %dma_wait3A_87 = arith.constant 9984 : i32
        %dma_wait3A_88 = arith.constant 0 : i32
        %dma_wait3A_89 = tpu.memref_slice %arg9[%dma_wait3A_87, %dma_wait3A_88] : memref<10000x128xf32, #tpu.memory_space<vmem_shared>> -> memref<16x128xf32, #tpu.memory_space<vmem_shared>>
        tpu.wait_dma2 semaphore(%run_scoped3A_65 : memref<!tpu.dma_semaphore, #tpu.memory_space<semaphore_mem>>) src(%dma_wait3A_89 : memref<16x128xf32, #tpu.memory_space<vmem_shared>>) dst(%dma_wait3A_86 : memref<16x128xf32, #tpu.memory_space<vmem>>)
        tpu.yield
      }) : () -> ()
      "tpu.region"() ({
        %run_scoped3A_65 = tpu.sem_alloc : memref<!tpu.dma_semaphore, #tpu.memory_space<semaphore_mem>>
        %dma_start3A_66 = arith.constant 0 : i32
        %dma_start3A_67 = arith.constant 0 : i32
        %dma_start3A_68 = tpu.memref_slice %arg8[%dma_start3A_66, %dma_start3A_67] : memref<208x128xf32, #tpu.memory_space<vmem>> -> memref<16x128xf32, #tpu.memory_space<vmem>>
        %dma_start3A_69 = arith.constant 0 : i32
        %dma_start3A_70 = arith.constant 0 : i32
        %dma_start3A_71 = tpu.memref_slice %arg5[%arg0, %dma_start3A_69, %dma_start3A_70] : memref<2x10000x128xf32, #tpu.memory_space<hbm>> -> memref<1x10000x128xf32, #tpu.memory_space<hbm>>
        %dma_start3A_72 = tpu.memref_squeeze %dma_start3A_71 : memref<1x10000x128xf32, #tpu.memory_space<hbm>> -> memref<10000x128xf32, #tpu.memory_space<hbm>>
        %dma_start3A_73 = arith.constant 9984 : i32
        %dma_start3A_74 = arith.constant 0 : i32
        %dma_start3A_75 = tpu.memref_slice %dma_start3A_72[%dma_start3A_73, %dma_start3A_74] : memref<10000x128xf32, #tpu.memory_space<hbm>> -> memref<16x128xf32, #tpu.memory_space<hbm>>
        %dma_start3A_76 = arith.constant 0 : i32
        %dma_start3A_77 = arith.constant 0 : i32
        %dma_start3A_78 = tpu.memref_slice %arg5[%arg0, %dma_start3A_76, %dma_start3A_77] : memref<2x10000x128xf32, #tpu.memory_space<hbm>> -> memref<1x10000x128xf32, #tpu.memory_space<hbm>>
        %dma_start3A_79 = tpu.memref_squeeze %dma_start3A_78 : memref<1x10000x128xf32, #tpu.memory_space<hbm>> -> memref<10000x128xf32, #tpu.memory_space<hbm>>
        %dma_start3A_80 = arith.constant 9984 : i32
        %dma_start3A_81 = arith.constant 0 : i32
        %dma_start3A_82 = tpu.memref_slice %dma_start3A_79[%dma_start3A_80, %dma_start3A_81] : memref<10000x128xf32, #tpu.memory_space<hbm>> -> memref<16x128xf32, #tpu.memory_space<hbm>>
        %dma_start3A_83 = arith.constant 0 : i32
        %dma_start3A_84 = arith.constant 0 : i32
        %dma_start3A_85 = tpu.memref_slice %arg8[%dma_start3A_83, %dma_start3A_84] : memref<208x128xf32, #tpu.memory_space<vmem>> -> memref<16x128xf32, #tpu.memory_space<vmem>>
        tpu.enqueue_dma source(%dma_start3A_85 : memref<16x128xf32, #tpu.memory_space<vmem>>) target(%dma_start3A_82 : memref<16x128xf32, #tpu.memory_space<hbm>>) target_semaphore(%run_scoped3A_65 : memref<!tpu.dma_semaphore, #tpu.memory_space<semaphore_mem>>)
        %dma_wait3A_86 = arith.constant 0 : i32
        %dma_wait3A_87 = arith.constant 0 : i32
        %dma_wait3A_88 = tpu.memref_slice %arg8[%dma_wait3A_86, %dma_wait3A_87] : memref<208x128xf32, #tpu.memory_space<vmem>> -> memref<16x128xf32, #tpu.memory_space<vmem>>
        %dma_wait3A_89 = arith.constant 0 : i32
        %dma_wait3A_90 = arith.constant 0 : i32
        %dma_wait3A_91 = tpu.memref_slice %arg5[%arg0, %dma_wait3A_89, %dma_wait3A_90] : memref<2x10000x128xf32, #tpu.memory_space<hbm>> -> memref<1x10000x128xf32, #tpu.memory_space<hbm>>
        %dma_wait3A_92 = tpu.memref_squeeze %dma_wait3A_91 : memref<1x10000x128xf32, #tpu.memory_space<hbm>> -> memref<10000x128xf32, #tpu.memory_space<hbm>>
        %dma_wait3A_93 = arith.constant 9984 : i32
        %dma_wait3A_94 = arith.constant 0 : i32
        %dma_wait3A_95 = tpu.memref_slice %dma_wait3A_92[%dma_wait3A_93, %dma_wait3A_94] : memref<10000x128xf32, #tpu.memory_space<hbm>> -> memref<16x128xf32, #tpu.memory_space<hbm>>
        %dma_wait3A_96 = arith.constant 0 : i32
        %dma_wait3A_97 = arith.constant 0 : i32
        %dma_wait3A_98 = tpu.memref_slice %arg5[%arg0, %dma_wait3A_96, %dma_wait3A_97] : memref<2x10000x128xf32, #tpu.memory_space<hbm>> -> memref<1x10000x128xf32, #tpu.memory_space<hbm>>
        %dma_wait3A_99 = tpu.memref_squeeze %dma_wait3A_98 : memref<1x10000x128xf32, #tpu.memory_space<hbm>> -> memref<10000x128xf32, #tpu.memory_space<hbm>>
        %dma_wait3A_100 = arith.constant 9984 : i32
        %dma_wait3A_101 = arith.constant 0 : i32
        %dma_wait3A_102 = tpu.memref_slice %dma_wait3A_99[%dma_wait3A_100, %dma_wait3A_101] : memref<10000x128xf32, #tpu.memory_space<hbm>> -> memref<16x128xf32, #tpu.memory_space<hbm>>
        %dma_wait3A_103 = arith.constant 0 : i32
        %dma_wait3A_104 = arith.constant 0 : i32
        %dma_wait3A_105 = tpu.memref_slice %arg8[%dma_wait3A_103, %dma_wait3A_104] : memref<208x128xf32, #tpu.memory_space<vmem>> -> memref<16x128xf32, #tpu.memory_space<vmem>>
        tpu.wait_dma2 semaphore(%run_scoped3A_65 : memref<!tpu.dma_semaphore, #tpu.memory_space<semaphore_mem>>) src(%dma_wait3A_105 : memref<16x128xf32, #tpu.memory_space<vmem>>) dst(%dma_wait3A_102 : memref<16x128xf32, #tpu.memory_space<hbm>>)
        tpu.yield
      }) : () -> ()
    } else {
    }
    return
  }
}

module attributes {stable_mosaic.version = 14 : i64} {
  func.func @_tc_final_body(%arg0: memref<2x10000x128xf32, #tpu.memory_space<vmem>>, %arg1: memref<2x10000x128xf32, #tpu.memory_space<vmem>>, %arg2: memref<10000x128xf32, #tpu.memory_space<vmem>>, %arg3: memref<128x128xf32, #tpu.memory_space<vmem>>, %arg4: memref<128x128xf32, #tpu.memory_space<vmem>>, %arg5: memref<1x128xf32, #tpu.memory_space<vmem>>, %arg6: memref<10000x128xf32, #tpu.memory_space<vmem>>) attributes {dimension_semantics = [], scalar_prefetch = 0 : i64, scratch_operands = 0 : i64, tpu.core_type = #tpu.core_type<tc>} {
    %get3A = arith.constant 0 : index
    %get3A_0 = arith.constant 0 : index
    %get3A_1 = arith.constant 0 : index
    %get3A_2 = vector.load %arg1[%get3A, %get3A_0, %get3A_1] : memref<2x10000x128xf32, #tpu.memory_space<vmem>>, vector<1x10000x128xf32>
    %get3A_3 = vector.shape_cast %get3A_2 : vector<1x10000x128xf32> to vector<10000x128xf32>
    %get3A_4 = arith.constant 1 : index
    %get3A_5 = arith.constant 0 : index
    %get3A_6 = arith.constant 0 : index
    %get3A_7 = vector.load %arg1[%get3A_4, %get3A_5, %get3A_6] : memref<2x10000x128xf32, #tpu.memory_space<vmem>>, vector<1x10000x128xf32>
    %get3A_8 = vector.shape_cast %get3A_7 : vector<1x10000x128xf32> to vector<10000x128xf32>
    %add3A = arith.addf %get3A_3, %get3A_8 : vector<10000x128xf32>
    %slice3A = vector.extract_strided_slice %add3A {offsets = [0, 0], sizes = [10000, 1], strides = [1, 1]} : vector<10000x128xf32> to vector<10000x1xf32>
    %max3A = arith.constant 1.000000e+00 : f32
    %max3A_9 = vector.broadcast %max3A : f32 to vector<10000x1xf32>
    %max3A_10 = arith.maximumf %slice3A, %max3A_9 : vector<10000x1xf32>
    %div3A = arith.constant 1.000000e+00 : f32
    %div3A_11 = vector.broadcast %div3A : f32 to vector<10000x1xf32>
    %div3A_12 = arith.divf %div3A_11, %max3A_10 : vector<10000x1xf32>
    %get3A_13 = arith.constant 0 : index
    %get3A_14 = arith.constant 0 : index
    %get3A_15 = arith.constant 0 : index
    %get3A_16 = vector.load %arg0[%get3A_13, %get3A_14, %get3A_15] : memref<2x10000x128xf32, #tpu.memory_space<vmem>>, vector<1x10000x128xf32>
    %get3A_17 = vector.shape_cast %get3A_16 : vector<1x10000x128xf32> to vector<10000x128xf32>
    %get3A_18 = arith.constant 1 : index
    %get3A_19 = arith.constant 0 : index
    %get3A_20 = arith.constant 0 : index
    %get3A_21 = vector.load %arg0[%get3A_18, %get3A_19, %get3A_20] : memref<2x10000x128xf32, #tpu.memory_space<vmem>>, vector<1x10000x128xf32>
    %get3A_22 = vector.shape_cast %get3A_21 : vector<1x10000x128xf32> to vector<10000x128xf32>
    %add3A_23 = arith.addf %get3A_17, %get3A_22 : vector<10000x128xf32>
    %mul3A = vector.broadcast %div3A_12 : vector<10000x1xf32> to vector<10000x128xf32>
    %mul3A_24 = arith.mulf %add3A_23, %mul3A : vector<10000x128xf32>
    %get3A_25 = arith.constant 0 : index
    %get3A_26 = arith.constant 0 : index
    %get3A_27 = vector.load %arg3[%get3A_25, %get3A_26] : memref<128x128xf32, #tpu.memory_space<vmem>>, vector<128x128xf32>
    %dot_general3A = arith.constant dense<0.000000e+00> : vector<10000x128xf32>
    %dot_general3A_28 = tpu.matmul %mul3A_24, %get3A_27, %dot_general3A {dimension_numbers = #tpu.dot_dimension_numbers<[1], [1], [0], [0], [0, 0, 1, 0], [], []>, transpose_lhs_hint = false} : vector<10000x128xf32>, vector<128x128xf32>, vector<10000x128xf32> -> vector<10000x128xf32>
    %get3A_29 = arith.constant 0 : index
    %get3A_30 = arith.constant 0 : index
    %get3A_31 = vector.load %arg2[%get3A_29, %get3A_30] : memref<10000x128xf32, #tpu.memory_space<vmem>>, vector<10000x128xf32>
    %get3A_32 = arith.constant 0 : index
    %get3A_33 = arith.constant 0 : index
    %get3A_34 = vector.load %arg4[%get3A_32, %get3A_33] : memref<128x128xf32, #tpu.memory_space<vmem>>, vector<128x128xf32>
    %dot_general3A_35 = arith.constant dense<0.000000e+00> : vector<10000x128xf32>
    %dot_general3A_36 = tpu.matmul %get3A_31, %get3A_34, %dot_general3A_35 {dimension_numbers = #tpu.dot_dimension_numbers<[1], [1], [0], [0], [0, 0, 1, 0], [], []>, transpose_lhs_hint = false} : vector<10000x128xf32>, vector<128x128xf32>, vector<10000x128xf32> -> vector<10000x128xf32>
    %add3A_37 = arith.addf %dot_general3A_28, %dot_general3A_36 : vector<10000x128xf32>
    %get3A_38 = arith.constant 0 : index
    %get3A_39 = arith.constant 0 : index
    %get3A_40 = vector.load %arg5[%get3A_38, %get3A_39] : memref<1x128xf32, #tpu.memory_space<vmem>>, vector<1x128xf32>
    %add3A_41 = vector.broadcast %get3A_40 : vector<1x128xf32> to vector<10000x128xf32>
    %add3A_42 = arith.addf %add3A_37, %add3A_41 : vector<10000x128xf32>
    %swap3A = arith.constant 0 : index
    %swap3A_43 = arith.constant 0 : index
    %swap3A_44 = vector.load %arg6[%swap3A, %swap3A_43] : memref<10000x128xf32, #tpu.memory_space<vmem>>, vector<10000x128xf32>
    tpu.vector_store %arg6[%swap3A, %swap3A_43], %add3A_42 {strides = array<i32>} : memref<10000x128xf32, #tpu.memory_space<vmem>>, vector<10000x128xf32>,
    return
  }
}

module attributes {stable_mosaic.version = 14 : i64} {
  func.func @_tc_bn_body(%arg0: memref<2x10000x128xf32, #tpu.memory_space<vmem>>, %arg1: memref<2x10000x128xf32, #tpu.memory_space<vmem>>, %arg2: memref<10000x128xf32, #tpu.memory_space<vmem>>, %arg3: memref<128x128xf32, #tpu.memory_space<vmem>>, %arg4: memref<128x128xf32, #tpu.memory_space<vmem>>, %arg5: memref<1x128xf32, #tpu.memory_space<vmem>>, %arg6: memref<1x128xf32, #tpu.memory_space<vmem>>, %arg7: memref<1x128xf32, #tpu.memory_space<vmem>>, %arg8: memref<10000x128xf32, #tpu.memory_space<vmem>>) attributes {dimension_semantics = [], scalar_prefetch = 0 : i64, scratch_operands = 0 : i64, tpu.core_type = #tpu.core_type<tc>} {
    %get3A = arith.constant 0 : index
    %get3A_0 = arith.constant 0 : index
    %get3A_1 = arith.constant 0 : index
    %get3A_2 = vector.load %arg1[%get3A, %get3A_0, %get3A_1] : memref<2x10000x128xf32, #tpu.memory_space<vmem>>, vector<1x10000x128xf32>
    %get3A_3 = vector.shape_cast %get3A_2 : vector<1x10000x128xf32> to vector<10000x128xf32>
    %get3A_4 = arith.constant 1 : index
    %get3A_5 = arith.constant 0 : index
    %get3A_6 = arith.constant 0 : index
    %get3A_7 = vector.load %arg1[%get3A_4, %get3A_5, %get3A_6] : memref<2x10000x128xf32, #tpu.memory_space<vmem>>, vector<1x10000x128xf32>
    %get3A_8 = vector.shape_cast %get3A_7 : vector<1x10000x128xf32> to vector<10000x128xf32>
    %add3A = arith.addf %get3A_3, %get3A_8 : vector<10000x128xf32>
    %slice3A = vector.extract_strided_slice %add3A {offsets = [0, 0], sizes = [10000, 1], strides = [1, 1]} : vector<10000x128xf32> to vector<10000x1xf32>
    %max3A = arith.constant 1.000000e+00 : f32
    %max3A_9 = vector.broadcast %max3A : f32 to vector<10000x1xf32>
    %max3A_10 = arith.maximumf %slice3A, %max3A_9 : vector<10000x1xf32>
    %div3A = arith.constant 1.000000e+00 : f32
    %div3A_11 = vector.broadcast %div3A : f32 to vector<10000x1xf32>
    %div3A_12 = arith.divf %div3A_11, %max3A_10 : vector<10000x1xf32>
    %get3A_13 = arith.constant 0 : index
    %get3A_14 = arith.constant 0 : index
    %get3A_15 = arith.constant 0 : index
    %get3A_16 = vector.load %arg0[%get3A_13, %get3A_14, %get3A_15] : memref<2x10000x128xf32, #tpu.memory_space<vmem>>, vector<1x10000x128xf32>
    %get3A_17 = vector.shape_cast %get3A_16 : vector<1x10000x128xf32> to vector<10000x128xf32>
    %get3A_18 = arith.constant 1 : index
    %get3A_19 = arith.constant 0 : index
    %get3A_20 = arith.constant 0 : index
    %get3A_21 = vector.load %arg0[%get3A_18, %get3A_19, %get3A_20] : memref<2x10000x128xf32, #tpu.memory_space<vmem>>, vector<1x10000x128xf32>
    %get3A_22 = vector.shape_cast %get3A_21 : vector<1x10000x128xf32> to vector<10000x128xf32>
    %add3A_23 = arith.addf %get3A_17, %get3A_22 : vector<10000x128xf32>
    %mul3A = vector.broadcast %div3A_12 : vector<10000x1xf32> to vector<10000x128xf32>
    %mul3A_24 = arith.mulf %add3A_23, %mul3A : vector<10000x128xf32>
    %get3A_25 = arith.constant 0 : index
    %get3A_26 = arith.constant 0 : index
    %get3A_27 = vector.load %arg3[%get3A_25, %get3A_26] : memref<128x128xf32, #tpu.memory_space<vmem>>, vector<128x128xf32>
    %dot_general3A = arith.constant dense<0.000000e+00> : vector<10000x128xf32>
    %dot_general3A_28 = tpu.matmul %mul3A_24, %get3A_27, %dot_general3A {dimension_numbers = #tpu.dot_dimension_numbers<[1], [1], [0], [0], [0, 0, 1, 0], [], []>, transpose_lhs_hint = false} : vector<10000x128xf32>, vector<128x128xf32>, vector<10000x128xf32> -> vector<10000x128xf32>
    %get3A_29 = arith.constant 0 : index
    %get3A_30 = arith.constant 0 : index
    %get3A_31 = vector.load %arg2[%get3A_29, %get3A_30] : memref<10000x128xf32, #tpu.memory_space<vmem>>, vector<10000x128xf32>
    %get3A_32 = arith.constant 0 : index
    %get3A_33 = arith.constant 0 : index
    %get3A_34 = vector.load %arg4[%get3A_32, %get3A_33] : memref<128x128xf32, #tpu.memory_space<vmem>>, vector<128x128xf32>
    %dot_general3A_35 = arith.constant dense<0.000000e+00> : vector<10000x128xf32>
    %dot_general3A_36 = tpu.matmul %get3A_31, %get3A_34, %dot_general3A_35 {dimension_numbers = #tpu.dot_dimension_numbers<[1], [1], [0], [0], [0, 0, 1, 0], [], []>, transpose_lhs_hint = false} : vector<10000x128xf32>, vector<128x128xf32>, vector<10000x128xf32> -> vector<10000x128xf32>
    %add3A_37 = arith.addf %dot_general3A_28, %dot_general3A_36 : vector<10000x128xf32>
    %get3A_38 = arith.constant 0 : index
    %get3A_39 = arith.constant 0 : index
    %get3A_40 = vector.load %arg5[%get3A_38, %get3A_39] : memref<1x128xf32, #tpu.memory_space<vmem>>, vector<1x128xf32>
    %add3A_41 = vector.broadcast %get3A_40 : vector<1x128xf32> to vector<10000x128xf32>
    %add3A_42 = arith.addf %add3A_37, %add3A_41 : vector<10000x128xf32>
    %reduce_sum3A = arith.constant dense<0.000000e+00> : vector<128xf32>
    %reduce_sum3A_43 = vector.multi_reduction <add>, %add3A_42, %reduce_sum3A [0] : vector<10000x128xf32> to vector<128xf32>
    %broadcast_in_dim3A = vector.shape_cast %reduce_sum3A_43 : vector<128xf32> to vector<1x128xf32>
    %div3A_44 = arith.constant 1.000000e+04 : f32
    %div3A_45 = vector.broadcast %div3A_44 : f32 to vector<1x128xf32>
    %div3A_46 = arith.divf %broadcast_in_dim3A, %div3A_45 : vector<1x128xf32>
    %sub3A = vector.broadcast %div3A_46 : vector<1x128xf32> to vector<10000x128xf32>
    %sub3A_47 = arith.subf %add3A_42, %sub3A : vector<10000x128xf32>
    %integer_pow3A = arith.mulf %sub3A_47, %sub3A_47 : vector<10000x128xf32>
    %reduce_sum3A_48 = arith.constant dense<0.000000e+00> : vector<128xf32>
    %reduce_sum3A_49 = vector.multi_reduction <add>, %integer_pow3A, %reduce_sum3A_48 [0] : vector<10000x128xf32> to vector<128xf32>
    %broadcast_in_dim3A_50 = vector.shape_cast %reduce_sum3A_49 : vector<128xf32> to vector<1x128xf32>
    %div3A_51 = arith.constant 1.000000e+04 : f32
    %div3A_52 = vector.broadcast %div3A_51 : f32 to vector<1x128xf32>
    %div3A_53 = arith.divf %broadcast_in_dim3A_50, %div3A_52 : vector<1x128xf32>
    %sub3A_54 = vector.broadcast %div3A_46 : vector<1x128xf32> to vector<10000x128xf32>
    %sub3A_55 = arith.subf %add3A_42, %sub3A_54 : vector<10000x128xf32>
    %add3A_56 = arith.constant 9.99999974E-6 : f32
    %add3A_57 = vector.broadcast %add3A_56 : f32 to vector<1x128xf32>
    %add3A_58 = arith.addf %div3A_53, %add3A_57 : vector<1x128xf32>
    %rsqrt3A = math.rsqrt %add3A_58 : vector<1x128xf32>
    %mul3A_59 = vector.broadcast %rsqrt3A : vector<1x128xf32> to vector<10000x128xf32>
    %mul3A_60 = arith.mulf %sub3A_55, %mul3A_59 : vector<10000x128xf32>
    %get3A_61 = arith.constant 0 : index
    %get3A_62 = arith.constant 0 : index
    %get3A_63 = vector.load %arg6[%get3A_61, %get3A_62] : memref<1x128xf32, #tpu.memory_space<vmem>>, vector<1x128xf32>
    %mul3A_64 = vector.broadcast %get3A_63 : vector<1x128xf32> to vector<10000x128xf32>
    %mul3A_65 = arith.mulf %mul3A_60, %mul3A_64 : vector<10000x128xf32>
    %get3A_66 = arith.constant 0 : index
    %get3A_67 = arith.constant 0 : index
    %get3A_68 = vector.load %arg7[%get3A_66, %get3A_67] : memref<1x128xf32, #tpu.memory_space<vmem>>, vector<1x128xf32>
    %add3A_69 = vector.broadcast %get3A_68 : vector<1x128xf32> to vector<10000x128xf32>
    %add3A_70 = arith.addf %mul3A_65, %add3A_69 : vector<10000x128xf32>
    %ge3A = arith.constant 0.000000e+00 : f32
    %ge3A_71 = vector.broadcast %ge3A : f32 to vector<10000x128xf32>
    %ge3A_72 = arith.cmpf oge, %add3A_70, %ge3A_71 : vector<10000x128xf32>
    %mul3A_73 = arith.constant 1.000000e-01 : f32
    %mul3A_74 = vector.broadcast %mul3A_73 : f32 to vector<10000x128xf32>
    %mul3A_75 = arith.mulf %mul3A_74, %add3A_70 : vector<10000x128xf32>
    %select_n3A = arith.select %ge3A_72, %add3A_70, %mul3A_75 : vector<10000x128xi1>, vector<10000x128xf32>
    %swap3A = arith.constant 0 : index
    %swap3A_76 = arith.constant 0 : index
    %swap3A_77 = vector.load %arg8[%swap3A, %swap3A_76] : memref<10000x128xf32, #tpu.memory_space<vmem>>, vector<10000x128xf32>
    tpu.vector_store %arg8[%swap3A, %swap3A_76], %select_n3A {strides = array<i32>} : memref<10000x128xf32, #tpu.memory_space<vmem>>, vector<10000x128xf32>,
    return
  }
}

</mosaic_0001>

<sc_bundles>
// kernel: kernel.12.cloned.1.call-start
scs
__scs_entry_jumppad:
0x0: {  	(pc) =	sbr.rel $0x88, $3  }
0x1: {  	(tag) =	ssettag $0x0;
	lr =	simm.s32 $0x1  }
0x2: {  	[smem:$0x3F92] =	sst lr;
	_ =	strace $0xD0000000  }
0x3: {  	_ = 	snop  }
0x4: {  	_ = 	snop  }
0x5: {  	_ = 	snop  }
0x6: {  	_ = 	snop  }
0x7: {  	_ = 	snop  }
__scs_overlays_trampoline_lowered:
0x8: {  	[smem:$0x3FA1] =	sst s0  }
0x9: {  	[smem:$0x3FA2] =	sst s1  }
0xa: {  	[smem:$0x3FA3] =	sst s2  }
0xb: {  	[smem:$0x3FA4] =	sst s3  }
0xc: {  	[smem:$0x3FA5] =	sst s4  }
0xd: {  	[smem:$0x3FA6] =	sst s5  }
0xe: {  	[smem:$0x3FA7] =	sst s6  }
0xf: {  	[smem:$0x3FA8] =	sst s7  }
0x10: {  	[smem:$0x3FA9] =	sst s8  }
0x11: {  	[smem:$0x3FAA] =	sst s9;
	s0 =	simm.s32 @!p0 $0x0  }
0x12: {  	s1 =	sld [smem:$0x3F90];
	s0 =	simm.s32 @p0 $0x1  }
0x13: {  	[smem:$0x3FAB] =	sst s0;
	s0 =	simm.s32 @!p1 $0x0  }
0x14: {  	s2 =	sld [smem:$0x3F8F];
	s0 =	simm.s32 @p1 $0x1  }
0x15: {  	[smem:$0x3FAC] =	sst s0;
	s0 =	simm.s32 @!p2 $0x0  }
0x16: {  	s3 =	sld [smem:$0x3FDB];
	s0 =	simm.s32 @p2 $0x1  }
0x17: {  	s4 =	simm.s32 $0x1BF5;
	[smem:$0x3FAE] =	sst s0  }
0x18: {  	s0 =	sld [smem:$0x3F91];
	_ =	swait.ge [sflag:s4], $0x0  }
0x19: {  	s7 =	sld [smem:$0x3F92]  }
0x1a: {  	s8 =	sadd.s32 $0xFFFFE003, lr  }
0x1b: {  	s9 =	sadd.s32 $0xFFFFFEF7, lr;
	s5 =	simm.s32 $0xFFFFFFFF;
	p2 =	slt.u32 s8, $0xFFFFF086  }
0x1c: {  	p1 =	slt.u32 s9, $0xF7A;
	s5 =	simm.s32 @!p2 $0x0  }
0x1d: {  	s5 =	simm.s32 @p1 $0x1;
	p0 =	seq.s32 s7, s2  }
0x1e: {  	s7 =	smul.u32 @!p0 $0xF7A, s2;
	p2 =	seq.s32 @!p0 s5, $0x0  }
0x1f: {  	s9 =	smul.u32 $0xF7A, s1;
	s8 =	simm.s32 @!p0 $0x1BF5;
	p2 =	por !p2, p0  }
0x20: {  	[sflag:s8] =	ssyncset.s32 @!p0 $0xFFFFF086;
	s6 =	sadd.s32 @!p0 s3, s7;
	s7 =	simm.s32 @!p0 $0x108  }
0x21: {  	s3 =	sadd.s32 s3, s9;
	s6 =	sadd.s32 @!p0 $0x88, s6;
	s7 =	simm.s32 @p2 $0x1082  }
0x22: {  	[simem:s7], [sflag:s8] =	dma.local @!p0 [hbm:s6], $0xF7A  }
0x23: {  	s9 =	sor.u32 $0xD0000000, s2;
	s6 =	simm.s32 $0x108;
	_ =	swait.ge @!p0 [sflag:s8], $0x0  }
0x24: {  	s3 =	sadd.s32 $0x88, s3;
	s6 =	simm.s32 @!p1 $0x1082;
	[sflag:s4] =	ssyncset.s32 $0xFFFFF086  }
0x25: {  	[simem:s6], [sflag:s4] =	dma.local [hbm:s3], $0xF7A  }
0x26: {  	[smem:$0x3F92] =	sst s1;
	(tag) =	ssettag s2;
	_ =	strace s9  }
0x27: {  	s1 =	sld [smem:$0x3FA2]  }
0x28: {  	s2 =	sld [smem:$0x3FA3]  }
0x29: {  	s4 =	sld [smem:$0x3FA5]  }
0x2a: {  	p0 =	seq.s32 s5, $0x0;
	s5 =	sld [smem:$0x3FA6]  }
0x2b: {  	s6 =	sld [smem:$0x3FA7]  }
0x2c: {  	s7 =	sld [smem:$0x3FA8]  }
0x2d: {  	s3 =	simm.s32 $0x108;
	s8 =	sld [smem:$0x3FA9]  }
0x2e: {  	s3 =	simm.s32 @!p0 $0x1082;
	s9 =	sld [smem:$0x3FAA]  }
0x2f: {  	lr =	sadd.s32 s0, s3;
	s0 =	sld [smem:$0x3FA1]  }
0x30: {  	s3 =	sld [smem:$0x3FA4]  }
0x31: {  	[smem:$0x3FAD] =	sst s10  }
0x32: {  	s10 =	sld [smem:$0x3FAB];
	_ =	sdelay $0x3  }
0x33: {  	p0 =	seq.s32 s10, $0x1;
	s10 =	sld [smem:$0x3FAD];
	_ =	sdelay $0x3  }
0x34: {  	[smem:$0x3FAD] =	sst s10  }
0x35: {  	s10 =	sld [smem:$0x3FAC];
	_ =	sdelay $0x3  }
0x36: {  	p1 =	seq.s32 s10, $0x1;
	s10 =	sld [smem:$0x3FAD];
	_ =	sdelay $0x3  }
0x37: {  	[smem:$0x3FAD] =	sst s10  }
0x38: {  	s10 =	sld [smem:$0x3FAE]  }
0x39: {  	_ = 	snop;
	(pc) =	sbr.ind lr, $3  }
0x3a: {  	_ = 	snop  }
0x3b: {  	_ = 	snop  }
0x3c: {  	p2 =	seq.s32 s10, $0x1;
	s10 =	sld [smem:$0x3FAD]  }
0x3d: {  	_ =	shalt  }
0x3e: {  	_ =	shalt  }
0x3f: {  	_ =	shalt  }
0x40: {  	_ =	shalt  }
0x41: {  	_ =	shalt  }
0x42: {  	_ =	shalt  }
0x43: {  	_ =	shalt  }
0x44: {  	_ =	shalt  }
0x45: {  	_ =	shalt  }
0x46: {  	_ =	shalt  }
0x47: {  	_ =	shalt  }
0x48: {  	_ =	shalt  }
0x49: {  	_ =	shalt  }
0x4a: {  	_ =	shalt  }
0x4b: {  	_ =	shalt  }
0x4c: {  	_ =	shalt  }
0x4d: {  	_ =	shalt  }
0x4e: {  	_ =	shalt  }
0x4f: {  	_ =	shalt  }
0x50: {  	_ =	shalt  }
0x51: {  	_ =	shalt  }
0x52: {  	_ =	shalt  }
0x53: {  	_ =	shalt  }
0x54: {  	_ =	shalt  }
0x55: {  	_ =	shalt  }
0x56: {  	_ =	shalt  }
0x57: {  	_ =	shalt  }
0x58: {  	_ =	shalt  }
0x59: {  	_ =	shalt  }
0x5a: {  	_ =	shalt  }
0x5b: {  	_ =	shalt  }
0x5c: {  	_ =	shalt  }
0x5d: {  	_ =	shalt  }
0x5e: {  	_ =	shalt  }
0x5f: {  	_ =	shalt  }
0x60: {  	_ =	shalt  }
0x61: {  	_ =	shalt  }
0x62: {  	_ =	shalt  }
0x63: {  	_ =	shalt  }
0x64: {  	_ =	shalt  }
0x65: {  	_ =	shalt  }
0x66: {  	_ =	shalt  }
0x67: {  	_ =	shalt  }
0x68: {  	_ =	shalt  }
0x69: {  	_ =	shalt  }
0x6a: {  	_ =	shalt  }
0x6b: {  	_ =	shalt  }
0x6c: {  	_ =	shalt  }
0x6d: {  	_ =	shalt  }
0x6e: {  	_ =	shalt  }
0x6f: {  	_ =	shalt  }
0x70: {  	_ =	shalt  }
0x71: {  	_ =	shalt  }
0x72: {  	_ =	shalt  }
0x73: {  	_ =	shalt  }
0x74: {  	_ =	shalt  }
0x75: {  	_ =	shalt  }
0x76: {  	_ =	shalt  }
0x77: {  	_ =	shalt  }
0x78: {  	_ =	shalt  }
0x79: {  	_ =	shalt  }
0x7a: {  	_ =	shalt  }
0x7b: {  	_ =	shalt  }
0x7c: {  	_ =	shalt  }
0x7d: {  	_ =	shalt  }
0x7e: {  	_ =	shalt  }
0x7f: {  	_ =	shalt  }
0x80: {  	_ =	shalt  }
0x81: {  	_ =	shalt  }
0x82: {  	_ =	shalt  }
0x83: {  	_ =	shalt  }
0x84: {  	_ =	shalt  }
0x85: {  	_ =	shalt  }
0x86: {  	_ =	shalt  }
0x87: {  	_ =	shalt  }
.Lfunc_end0:
.L_simem_size_0:
called_computation.1_lowered:
.L_overlay_start_0:
0x88: {  	s2 =	sld [smem:$0x3FD9]  }
0x89: {  	s3 =	sld [smem:$0x3FFE];
	_ =	sdelay $0x1  }
0x8a: {  	s1 =	srdreg.scid  }
0x8b: {  	s0 =	sand.u32 $0x1, s1  }
0x8c: {  	s17 =	sshll.u32 s0, $0xA;
	s2 =	sadd.s32 s3, s2  }
0x8d: {  	s2 =	sadd.s32 s2, s17  }
0x8e: {  	[smem:$0x3FB9] =	sst s2  }
0x8f: {  	_ = 	snop  }
0x90: {  	s2 =	sld [smem:$0x3FC9];
	(tm) =	ssettm $0x1  }
0x91: {  	s18 =	sld [smem:$0x3FFB];
	_ =	sdelay $0x3  }
0x92: {  	_ =	strace s18  }
0x93: {  	s3 =	sld [smem:$0x3FFC];
	_ =	sdelay $0x3  }
0x94: {  	_ =	strace s3  }
0x95: {  	s3 =	sld [smem:$0x3FFD];
	_ =	sdelay $0x3  }
0x96: {  	_ =	strace s3  }
0x97: {  	_ =	strace $0x8FFFFFFF  }
0x98: {  	s19 =	sld [smem:$0x3FDB];
	_ =	sdelay $0x1  }
0x99: {  	s4 =	simm.s32 $_scs_section_size  }
0x9a: {  	s5 =	simm.s32 $_size__tile_overlayer_lowered;
	s6 =	simm.s32 $_tile_overlayer_lowered  }
0x9b: {  	s22 =	simm.s32 $0x1BFF;
	s21 =	sshll.u32 s6, $0x1;
	s3 =	sadd.s32 s4, s19  }
0x9c: {  	s7 =	simm.s32 $0x0;
	s20 =	sshll.u32 s5, $0x1;
	s5 =	sadd.s32 s21, s3  }
0x9d: {  	[timem:s7], [sflag:s22] =	dma.local [hbm:s5], s20  }
0x9e: {  	_ =	swait.ge [sflag:s22], s20  }
0x9f: {  	s4 =	ssub.s32 $0x0, s20;
	[sflag:s22] =	ssyncset.done $0x0  }
0xa0: {  	[sflag:s22] =	ssyncadd.s32 s4;
	_ =	sdelay $0x1  }
0xa1: {  	s23 =	simm.s32 $0x1B8B  }
0xa2: {  	_ =	swait.ge [sflag:s23], $0x1  }
0xa3: {  	[sflag:s23] =	ssyncset.done $0x0  }
0xa4: {  	s25 =	simm.s32 $0x1B8E;
	s24 =	sld [smem:$0x3FFE];
	[sflag:s23] =	ssyncadd.s32 $0xFFFFFFFF  }
0xa5: {  	s26 =	simm.s32 $execute0_lowered;
	[smem:$0x3FD2] =	sst s25  }
0xa6: {  	s5 =	sshll.u32 s26, $0x1;
	_ =	strace $0x80000046;
	[dreg:$0x1] =	wrdreg $0xFFFFFFFF  }
0xa7: {  	s28 =	simm.s32 $_size_execute0_lowered;
	s3 =	sadd.s32 s3, s5;
	[dreg:$0x0] =	wrdreg $0x0  }
0xa8: {  	s5 =	sshll.u32 s28, $0x1;
	[dreg:$0x2] =	wrdreg s3  }
0xa9: {  	[dreg:$0x3] =	wrdreg s5  }
0xaa: {  	[dreg:$0x4] =	wrdreg $0xC0  }
0xab: {  	_ =	task [dreg:s7], $0x5FFFF  }
0xac: {  	[dreg:$0x1] =	wrdreg $0xFFFFFFFF  }
0xad: {  	[dreg:$0x0] =	wrdreg $0x60  }
0xae: {  	[dreg:$0x2] =	wrdreg s2  }
0xaf: {  	[dreg:$0x3] =	wrdreg s24  }
0xb0: {  	[dreg:$0x4] =	wrdreg $0xBC000  }
0xb1: {  	[dreg:$0x5] =	wrdreg $0xA  }
0xb2: {  	_ =	task.clear_ibuf [dreg:s7], $0x6FFFF;
	_ =	strace $0x90000046  }
0xb3: {  	s29 =	simm.s32 $0xA;
	_ =	strace $0x80000048  }
0xb4: {  	_ =	swait.ge [sflag:s29], $0x1  }
0xb5: {  	[sflag:s29] =	ssyncadd.s32 $0xFFFFFFFF  }
0xb6: {  	_ =	strace $0x90000048  }
0xb7: {  	_ =	sfence  }
0xb8: {  	s30 =	sld [smem:$0x0];
	_ =	sdelay $0x2  }
0xb9: {  	s31 =	sshll.u32 s1, $0xD;
	s1 =	sshrl.u32 s1, $0x2  }
0xba: {  	s3 =	sand.u32 $0x4000, s31;
	s1 =	sadd.s32 s1, s30  }
0xbb: {  	s0 =	sor.u32 s3, s0;
	s1 =	sshll.u32 s1, $0x11  }
0xbc: {  	s0 =	sor.u32 s1, s0  }
0xbd: {  	s0 =	sadd.s32 $0x8F2B, s0  }
0xbe: {  	[sflag:s0] =	ssyncadd.remote.s32 $0x1  }
0xbf: {  	_ =	sfence.sel $0xFFFF  }
0xc0: {  	[dreg:$0x0] =	wrdreg $0xFFFFFFFF;
	(pc) =	sbr.abs _section_cstart, $3  }
0xc1: {  	[dreg:$0x1] =	wrdreg $0xFFFFFFFF  }
0xc2: {  	_ =	task.clear_ibuf [dreg:s7], $0x2FFFF;
	_ =	strace $0x9FFFFFFF  }
0xc3: {  	(tm) =	ssettm $0x7FFFFFFF  }
tec
execute0_lowered:
.L_overlay_start_1:
0x0: {  	(tag) =	ssettag $0x1  }
0x1: {  	s1 =	rddreg [dreg:$0x0]  }
0x2: {  	s0 =	rddreg [dreg:$0x1]  }
0x3: {  	s2 =	rddreg [dreg:$0x2]  }
0x4: {  	s3 =	simm.s32 $0x0;
	s4 =	srdreg.scid;
	s11 =	stileid.u32  }
0x5: {  	s28 =	simm.s32 $0x400;
	s29 =	simm.s32 $0x4;
	s30 =	simm.s32 $0x2C00  }
0x6: {  	s31 =	simm.s32 $0x100;
	[smem:$0x7FF] =	sst s3;
	s6 =	sand.u32 $0x1, s4  }
0x7: {  	s4 =	sadd.s32 $0xD600, s0;
	s5 =	sadd.s32 $0x3800, s0;
	s16 =	smul.u32 $0x4E000, s11  }
0x8: {  	s8 =	sadd.s32 $0x17400, s0;
	s10 =	sshll.u32 s11, $0x1;
	s12 =	smul.u32 $0x270, s11  }
0x9: {  	p0 =	sne.s32 s11, $0x0;
	_ =	strace $0x80000047;
	s7 =	smul.u32 $0x27100, s6  }
0xa: {  	[dreg:$0xa] =	wrdreg s8;
	s15 =	ssub.s32 $0x2, s6;
	s17 =	sor.u32 s6, s10  }
0xb: {  	s6 =	smul.u32 $0x2710, s6;
	s9 =	sshrl.u32 s15, $0x1;
	s8 =	sshrl.u32 s16, $0x2  }
0xc: {  	s14 =	smul.u32 $0x2710, s17;
	s16 =	sadd.s32 $0xD0, s12;
	s12 =	sadd.s32 $0x1A0, s12  }
0xd: {  	s0 =	sadd.s32 s7, s0;
	s13 =	ssub.s32 s15, s9;
	s23 =	sadd.s32 s8, s2  }
0xe: {  	s18 =	sshll.u32 s16, $0x7;
	s15 =	smul.u32 $0x4E20, s11;
	s19 =	sshll.u32 s12, $0x7  }
0xf: {  	s8 =	sadd.s32 $0x138000, s2;
	s16 =	sshll.u32 s16, $0x4;
	s12 =	sshll.u32 s12, $0x4  }
0x10: {  	s25 =	sadd.s32 s18, s2;
	s7 =	sadd.s32 s19, s2;
	s14 =	sshrl.u32 s14, $0x3  }
0x11: {  	s9 =	sadd.s32 $0x18200, s0;
	s13 =	smax.u32 s13, $0x1;
	[dreg:$0xc] =	wrdreg s8  }
0x12: {  	s20 =	sadd.s32 s4, s14;
	s17 =	sadd.s32 $0xA, s14;
	[dreg:$0x12] =	wrdreg s13  }
0x13: {  	s6 =	sadd.s32 s6, s15;
	s21 =	sadd.s32 s5, s14;
	[dreg:$0x11] =	wrdreg s9  }
0x14: {  	s14 =	smul.u32 $0x2700, s11;
	s11 =	simm.s32 $0x3;
	[dreg:$0xd] =	wrdreg s20  }
0x15: {  	s13 =	simm.s32 $0x380;
	[dreg:$0xe] =	wrdreg s21;
	s22 =	sadd.s32 s4, s17  }
0x16: {  	s24 =	sadd.s32 $0x190, s6;
	s26 =	sadd.s32 s5, s17;
	s18 =	sadd.s32 $0xF0, s6  }
0x17: {  	s21 =	sadd.s32 $0xA0, s6;
	s17 =	smov.u32 s7;
	[dreg:$0xf] =	wrdreg s22  }
0x18: {  	s6 =	sadd.s32 $0x140, s6;
	[dreg:$0x10] =	wrdreg s26;
	s10 =	sshrl.u32 s24, $0x3  }
0x19: {  	s19 =	sshrl.u32 s18, $0x3;
	s24 =	sshrl.u32 s21, $0x3;
	[dreg:$0x13] =	wrdreg s6  }
0x1a: {  	s18 =	simm.s32 $0x5400;
	[dreg:$0xb] =	wrdreg s17;
	s15 =	sadd.s32 s10, s5  }
0x1b: {  	s21 =	simm.s32 $0x80;
	s0 =	sadd.s32 s10, s4;
	[dreg:$0x4] =	wrdreg s15  }
0x1c: {  	s6 =	simm.s32 $0x1;
	s20 =	sadd.s32 s19, s5;
	[dreg:$0x5] =	wrdreg s0  }
0x1d: {  	s22 =	sadd.s32 s19, s4;
	s26 =	sadd.s32 s24, s5;
	[dreg:$0x6] =	wrdreg s20  }
0x1e: {  	s10 =	sadd.s32 s24, s4;
	s19 =	simm.s32 $0x5;
	[dreg:$0x7] =	wrdreg s22  }
0x1f: {  	s24 =	sadd.s32 s16, s9;
	s16 =	simm.s32 $0x0;
	[dreg:$0x8] =	wrdreg s26  }
0x20: {  	[dreg:$0x9] =	wrdreg s10;
	s20 =	simm.s32 $0x200;
	s22 =	simm.s32 $0x280  }
0x21: {  	s15 =	sadd.s32 s14, s9;
	[dreg:$0x15] =	wrdreg s24;
	s26 =	sadd.s32 s12, s9  }
0x22: {  	s0 =	simm.s32 $0x300;
	s12 =	simm.s32 $0x180;
	[dreg:$0x14] =	wrdreg s15  }
0x23: {  	s14 =	simm.s32 $0x2;
	[dreg:$0x16] =	wrdreg s26;
	s26 =	simm.s32 $0x50  }
.LBB2_1:
0x24: {  	s7 =	rddreg [dreg:$0xa]  }
0x25: {  	[tilespmem:s18], [sflag:$0x5] =	stream.linear.gather [hbm4b:s7+s3], $0x6800, $0x38;
	[tilespmem:$0x1F480] =	vst v63  }
0x26: {  	_ =	swait.ge [sflag:s19], $0x6800  }
0x27: {  	[sflag:s19] =	ssyncset.done $0x0  }
0x28: {  	[sflag:s19] =	ssyncadd.s32 $0xFFFF9800  }
0x29: {  	[spmem:s23] =	stream.linear.scatter [tilespmem:s18], [sflag:$0x5], $0x6800, $0x38;
	[tilespmem:$0x1F480] =	vst v63  }
0x2a: {  	_ =	swait.ge [sflag:s19], $0x6800  }
0x2b: {  	[sflag:s19] =	ssyncset.done $0x0  }
0x2c: {  	[sflag:s19] =	ssyncadd.s32 $0xFFFF9800  }
0x2d: {  	[spmem:s25] =	stream.linear.scatter [tilespmem:s18], [sflag:$0x5], $0x6800, $0x38;
	[tilespmem:$0x1F480] =	vst v63  }
0x2e: {  	_ =	swait.ge [sflag:s19], $0x6800  }
0x2f: {  	[sflag:s19] =	ssyncset.done $0x0  }
0x30: {  	[sflag:s19] =	ssyncadd.s32 $0xFFFF9800  }
0x31: {  	[spmem:s17] =	stream.linear.scatter [tilespmem:s18], [sflag:$0x5], $0x6800, $0x38;
	[tilespmem:$0x1F480] =	vst v63  }
0x32: {  	_ =	swait.ge [sflag:s19], $0x6800  }
0x33: {  	[sflag:s19] =	ssyncset.done $0x0  }
0x34: {  	s17 =	simm.s32 @!p0 $0x5400;
	[sflag:s19] =	ssyncadd.s32 $0xFFFF9800  }
0x35: {  	[spmem:s8] =	stream.linear.scatter @!p0 [tilespmem:s17], [sflag:$0x5], $0x800, $0x38;
	[tilespmem:$0x1F480] =	vst v63  }
0x36: {  	s17 =	simm.s32 @!p0 $0x5  }
0x37: {  	_ =	swait.ge @!p0 [sflag:s17], $0x800  }
0x38: {  	[sflag:s17] =	ssyncset.done @!p0 $0x0  }
0x39: {  	[sflag:s17] =	ssyncadd.s32 @!p0 $0xFFFFF800;
	s17 =	rddreg [dreg:$0xd]  }
0x3a: {  	[tilespmem:s3], [sflag:$0x5] =	stream.linear.gather [hbm4b:s17+s3], $0x50, $0x38;
	[tilespmem:$0x1F480] =	vst v63  }
0x3b: {  	_ =	swait.ge [sflag:s19], $0x50  }
0x3c: {  	[sflag:s19] =	ssyncset.done $0x0  }
0x3d: {  	s10 =	smov.u32 s23;
	s23 =	rddreg [dreg:$0xe];
	[sflag:s19] =	ssyncadd.s32 $0xFFFFFFB0  }
0x3e: {  	[tilespmem:s20], [sflag:$0x5] =	stream.linear.gather [hbm4b:s23+s3], $0x50, $0x38;
	[tilespmem:$0x1F480] =	vst v63  }
0x3f: {  	_ =	swait.ge [sflag:s19], $0x50  }
0x40: {  	[sflag:s19] =	ssyncset.done $0x0  }
0x41: {  	s24 =	smov.u32 s25;
	s25 =	rddreg [dreg:$0xf];
	[sflag:s19] =	ssyncadd.s32 $0xFFFFFFB0  }
0x42: {  	[tilespmem:s21], [sflag:$0x4] =	stream.linear.gather [hbm4b:s25+s3], $0x50, $0x38;
	[tilespmem:$0x1F480] =	vst v63  }
0x43: {  	s8 =	rddreg [dreg:$0x10]  }
0x44: {  	[tilespmem:s22], [sflag:$0x4] =	stream.linear.gather [hbm4b:s8+s3], $0x50, $0x38;
	[tilespmem:$0x1F480] =	vst v63  }
0x45: {  	_ = 	snop  }
0x46: {  	[tilespmem:s28], [sflag:$0x1] =	stream.indirect.gather [hbm4b:s1+s26], $0x80, s3, s26, $0xb8;
	[tilespmem:$0x1F480] =	vst v63  }
0x47: {  	[bflag:$0x0] =	sbarrier.arrive $0xFFFF  }
0x48: {  	_ =	swait.ge [sflag:s29], $0x50  }
0x49: {  	[sflag:s29] =	ssyncset.done $0x0  }
0x4a: {  	[sflag:s29] =	ssyncadd.s32 $0xFFFFFFB0  }
0x4b: {  	_ =	swait.ge [sflag:s29], $0x50  }
0x4c: {  	[sflag:s29] =	ssyncset.done $0x0  }
0x4d: {  	s9 =	rddreg [dreg:$0x9];
	[sflag:s29] =	ssyncadd.s32 $0xFFFFFFB0  }
0x4e: {  	[tilespmem:s30], [sflag:$0x2] =	stream.indirect.gather [hbm4b:s1+s26], $0x80, s21, s26, $0xb8;
	[tilespmem:$0x1F480] =	vst v63  }
0x4f: {  	s15 =	rddreg [dreg:$0x8];
	s17 =	sadd.s32 $0x0, s9  }
0x50: {  	[tilespmem:s31], [sflag:$0x3] =	stream.linear.gather [hbm4b:s17+s3], $0x50, $0x38;
	[tilespmem:$0x1F480] =	vst v63  }
0x51: {  	s23 =	sadd.s32 $0x0, s15  }
0x52: {  	[tilespmem:s0], [sflag:$0x3] =	stream.linear.gather [hbm4b:s23+s3], $0x50, $0x38;
	[tilespmem:$0x1F480] =	vst v63  }
0x53: {  	_ =	swait.ge [sflag:s6], $0x2800  }
0x54: {  	[sflag:s6] =	ssyncset.done $0x0  }
0x55: {  	[sflag:s6] =	ssyncadd.s32 $0xFFFFD800  }
0x56: {  	[spmem:s2] =	stream.indirect.scatter.add.f32 [tilespmem:s28], [sflag:$0x5], $0x80, s20, s26, $0xb8;
	[tilespmem:$0x1F480] =	vst v63  }
0x57: {  	_ =	swait.ge [sflag:s19], $0x2800  }
0x58: {  	[sflag:s19] =	ssyncset.done $0x0  }
0x59: {  	[sflag:s19] =	ssyncadd.s32 $0xFFFFD800  }
0x5a: {  	_ =	swait.ge [sflag:s11], $0x50  }
0x5b: {  	[sflag:s11] =	ssyncset.done $0x0  }
0x5c: {  	[sflag:s11] =	ssyncadd.s32 $0xFFFFFFB0  }
0x5d: {  	_ =	swait.ge [sflag:s11], $0x50  }
0x5e: {  	[sflag:s11] =	ssyncset.done $0x0  }
0x5f: {  	s25 =	rddreg [dreg:$0x7];
	[sflag:s11] =	ssyncadd.s32 $0xFFFFFFB0  }
0x60: {  	[tilespmem:s28], [sflag:$0x1] =	stream.indirect.gather [hbm4b:s1+s26], $0x80, s31, s26, $0xb8;
	[tilespmem:$0x1F480] =	vst v63  }
0x61: {  	s7 =	rddreg [dreg:$0x6];
	s17 =	sadd.s32 $0x0, s25  }
0x62: {  	[tilespmem:s12], [sflag:$0x4] =	stream.linear.gather [hbm4b:s17+s3], $0x50, $0x38;
	[tilespmem:$0x1F480] =	vst v63  }
0x63: {  	s8 =	sadd.s32 $0x0, s7  }
0x64: {  	[tilespmem:s13], [sflag:$0x4] =	stream.linear.gather [hbm4b:s8+s3], $0x50, $0x38;
	[tilespmem:$0x1F480] =	vst v63  }
0x65: {  	_ =	swait.ge [sflag:s14], $0x2800  }
0x66: {  	[sflag:s14] =	ssyncset.done $0x0  }
0x67: {  	[sflag:s14] =	ssyncadd.s32 $0xFFFFD800  }
0x68: {  	[spmem:s2] =	stream.indirect.scatter.add.f32 [tilespmem:s30], [sflag:$0x5], $0x80, s22, s26, $0xb8;
	[tilespmem:$0x1F480] =	vst v63  }
0x69: {  	_ =	swait.ge [sflag:s19], $0x2800  }
0x6a: {  	[sflag:s19] =	ssyncset.done $0x0  }
0x6b: {  	[sflag:s19] =	ssyncadd.s32 $0xFFFFD800  }
0x6c: {  	_ =	swait.ge [sflag:s29], $0x50  }
0x6d: {  	[sflag:s29] =	ssyncset.done $0x0  }
0x6e: {  	[sflag:s29] =	ssyncadd.s32 $0xFFFFFFB0  }
0x6f: {  	_ =	swait.ge [sflag:s29], $0x50  }
0x70: {  	[sflag:s29] =	ssyncset.done $0x0;
	s9 =	rddreg [dreg:$0x13]  }
0x71: {  	[sflag:s29] =	ssyncadd.s32 $0xFFFFFFB0;
	s15 =	sshrl.u32 s9, $0x3  }
0x72: {  	[tilespmem:s30], [sflag:$0x2] =	stream.indirect.gather [hbm4b:s1+s26], $0x80, s12, s26, $0xb8;
	[tilespmem:$0x1F480] =	vst v63  }
0x73: {  	s25 =	sadd.s32 s4, s15  }
0x74: {  	[tilespmem:s3], [sflag:$0x3] =	stream.linear.gather [hbm4b:s25+s3], $0x50, $0x38;
	[tilespmem:$0x1F480] =	vst v63  }
0x75: {  	s17 =	sadd.s32 s5, s15  }
0x76: {  	[tilespmem:s20], [sflag:$0x3] =	stream.linear.gather [hbm4b:s17+s3], $0x50, $0x38;
	[tilespmem:$0x1F480] =	vst v63  }
0x77: {  	_ =	swait.ge [sflag:s6], $0x2800  }
0x78: {  	[sflag:s6] =	ssyncset.done $0x0  }
0x79: {  	[sflag:s6] =	ssyncadd.s32 $0xFFFFD800  }
0x7a: {  	[spmem:s2] =	stream.indirect.scatter.add.f32 [tilespmem:s28], [sflag:$0x5], $0x80, s0, s26, $0xb8;
	[tilespmem:$0x1F480] =	vst v63  }
0x7b: {  	_ =	swait.ge [sflag:s19], $0x2800  }
0x7c: {  	[sflag:s19] =	ssyncset.done $0x0  }
0x7d: {  	[sflag:s19] =	ssyncadd.s32 $0xFFFFD800  }
0x7e: {  	_ =	swait.ge [sflag:s11], $0x50  }
0x7f: {  	[sflag:s11] =	ssyncset.done $0x0  }
0x80: {  	[sflag:s11] =	ssyncadd.s32 $0xFFFFFFB0  }
0x81: {  	_ =	swait.ge [sflag:s11], $0x50  }
0x82: {  	p1 =	por $0x0, $0x0;
	[sflag:s11] =	ssyncset.done $0x0  }
0x83: {  	s15 =	simm.s32 @!p1 $0x80;
	s17 =	rddreg [dreg:$0x5];
	[sflag:s11] =	ssyncadd.s32 $0xFFFFFFB0  }
0x84: {  	[tilespmem:s28], [sflag:$0x1] =	stream.indirect.gather [hbm4b:s1+s26], $0x80, s3, s26, $0xb8;
	[tilespmem:$0x1F480] =	vst v63  }
0x85: {  	s25 =	simm.s32 @!p1 $0x0;
	s23 =	rddreg [dreg:$0x4];
	s17 =	sadd.s32 @!p1 $0x0, s17  }
0x86: {  	[tilespmem:s15], [sflag:$0x4] =	stream.linear.gather @!p1 [hbm4b:s17+s25], $0x50, $0x38;
	[tilespmem:$0x1F480] =	vst v63  }
0x87: {  	s15 =	sadd.s32 @!p1 $0x0, s23;
	s17 =	simm.s32 @!p1 $0x280  }
0x88: {  	[tilespmem:s17], [sflag:$0x4] =	stream.linear.gather @!p1 [hbm4b:s15+s25], $0x50, $0x38;
	[tilespmem:$0x1F480] =	vst v63  }
0x89: {  	_ =	swait.ge [sflag:s14], $0x2800  }
0x8a: {  	[sflag:s14] =	ssyncset.done $0x0  }
0x8b: {  	[sflag:s14] =	ssyncadd.s32 $0xFFFFD800  }
0x8c: {  	[spmem:s2] =	stream.indirect.scatter.add.f32 [tilespmem:s30], [sflag:$0x5], $0x80, s13, s26, $0xb8;
	[tilespmem:$0x1F480] =	vst v63  }
0x8d: {  	_ =	swait.ge [sflag:s19], $0x2800  }
0x8e: {  	s23 =	simm.s32 $0x28;
	s17 =	smov.u32 s9;
	[sflag:s19] =	ssyncset.done $0x0  }
.LBB2_2:
0x8f: {  	[sflag:s19] =	ssyncadd.s32 $0xFFFFD800  }
0x90: {  	_ =	swait.ge [sflag:s29], $0x50  }
0x91: {  	[sflag:s29] =	ssyncset.done $0x0  }
0x92: {  	[sflag:s29] =	ssyncadd.s32 $0xFFFFFFB0  }
0x93: {  	_ =	swait.ge [sflag:s29], $0x50  }
0x94: {  	[sflag:s29] =	ssyncset.done $0x0  }
0x95: {  	s25 =	smov.u32 s23;
	s15 =	rddreg [dreg:$0x9];
	[sflag:s29] =	ssyncadd.s32 $0xFFFFFFB0  }
0x96: {  	[tilespmem:s30], [sflag:$0x2] =	stream.indirect.gather [hbm4b:s1+s26], $0x80, s21, s26, $0xb8;
	[tilespmem:$0x1F480] =	vst v63  }
0x97: {  	s7 =	rddreg [dreg:$0x8];
	s15 =	sadd.s32 s25, s15  }
0x98: {  	[tilespmem:s31], [sflag:$0x3] =	stream.linear.gather [hbm4b:s15+s3], $0x50, $0x38;
	[tilespmem:$0x1F480] =	vst v63  }
0x99: {  	s7 =	sadd.s32 s25, s7  }
0x9a: {  	[tilespmem:s0], [sflag:$0x3] =	stream.linear.gather [hbm4b:s7+s3], $0x50, $0x38;
	[tilespmem:$0x1F480] =	vst v63  }
0x9b: {  	_ =	swait.ge [sflag:s6], $0x2800  }
0x9c: {  	[sflag:s6] =	ssyncset.done $0x0  }
0x9d: {  	[sflag:s6] =	ssyncadd.s32 $0xFFFFD800  }
0x9e: {  	[spmem:s2] =	stream.indirect.scatter.add.f32 [tilespmem:s28], [sflag:$0x5], $0x80, s20, s26, $0xb8;
	[tilespmem:$0x1F480] =	vst v63  }
0x9f: {  	_ =	swait.ge [sflag:s19], $0x2800  }
0xa0: {  	[sflag:s19] =	ssyncset.done $0x0  }
0xa1: {  	[sflag:s19] =	ssyncadd.s32 $0xFFFFD800  }
0xa2: {  	_ =	swait.ge [sflag:s11], $0x50  }
0xa3: {  	[sflag:s11] =	ssyncset.done $0x0  }
0xa4: {  	[sflag:s11] =	ssyncadd.s32 $0xFFFFFFB0  }
0xa5: {  	_ =	swait.ge [sflag:s11], $0x50  }
0xa6: {  	[sflag:s11] =	ssyncset.done $0x0  }
0xa7: {  	s8 =	rddreg [dreg:$0x7];
	[sflag:s11] =	ssyncadd.s32 $0xFFFFFFB0  }
0xa8: {  	[tilespmem:s28], [sflag:$0x1] =	stream.indirect.gather [hbm4b:s1+s26], $0x80, s31, s26, $0xb8;
	[tilespmem:$0x1F480] =	vst v63  }
0xa9: {  	s9 =	rddreg [dreg:$0x6];
	s7 =	sadd.s32 s25, s8  }
0xaa: {  	[tilespmem:s12], [sflag:$0x4] =	stream.linear.gather [hbm4b:s7+s3], $0x50, $0x38;
	[tilespmem:$0x1F480] =	vst v63  }
0xab: {  	s15 =	sadd.s32 s25, s9  }
0xac: {  	[tilespmem:s13], [sflag:$0x4] =	stream.linear.gather [hbm4b:s15+s3], $0x50, $0x38;
	[tilespmem:$0x1F480] =	vst v63  }
0xad: {  	_ =	swait.ge [sflag:s14], $0x2800  }
0xae: {  	[sflag:s14] =	ssyncset.done $0x0  }
0xaf: {  	[sflag:s14] =	ssyncadd.s32 $0xFFFFD800  }
0xb0: {  	[spmem:s2] =	stream.indirect.scatter.add.f32 [tilespmem:s30], [sflag:$0x5], $0x80, s22, s26, $0xb8;
	[tilespmem:$0x1F480] =	vst v63  }
0xb1: {  	_ =	swait.ge [sflag:s19], $0x2800  }
0xb2: {  	[sflag:s19] =	ssyncset.done $0x0  }
0xb3: {  	[sflag:s19] =	ssyncadd.s32 $0xFFFFD800  }
0xb4: {  	_ =	swait.ge [sflag:s29], $0x50  }
0xb5: {  	[sflag:s29] =	ssyncset.done $0x0  }
0xb6: {  	[sflag:s29] =	ssyncadd.s32 $0xFFFFFFB0  }
0xb7: {  	_ =	swait.ge [sflag:s29], $0x50  }
0xb8: {  	s17 =	sadd.s32 $0x140, s17;
	[sflag:s29] =	ssyncset.done $0x0  }
0xb9: {  	s8 =	sshrl.u32 s17, $0x3;
	[sflag:s29] =	ssyncadd.s32 $0xFFFFFFB0  }
0xba: {  	[tilespmem:s30], [sflag:$0x2] =	stream.indirect.gather [hbm4b:s1+s26], $0x80, s12, s26, $0xb8;
	[tilespmem:$0x1F480] =	vst v63  }
0xbb: {  	s9 =	sadd.s32 s4, s8  }
0xbc: {  	[tilespmem:s3], [sflag:$0x3] =	stream.linear.gather [hbm4b:s9+s3], $0x50, $0x38;
	[tilespmem:$0x1F480] =	vst v63  }
0xbd: {  	s7 =	sadd.s32 s5, s8  }
0xbe: {  	[tilespmem:s20], [sflag:$0x3] =	stream.linear.gather [hbm4b:s7+s3], $0x50, $0x38;
	[tilespmem:$0x1F480] =	vst v63  }
0xbf: {  	_ =	swait.ge [sflag:s6], $0x2800  }
0xc0: {  	[sflag:s6] =	ssyncset.done $0x0  }
0xc1: {  	[sflag:s6] =	ssyncadd.s32 $0xFFFFD800  }
0xc2: {  	[spmem:s2] =	stream.indirect.scatter.add.f32 [tilespmem:s28], [sflag:$0x5], $0x80, s0, s26, $0xb8;
	[tilespmem:$0x1F480] =	vst v63  }
0xc3: {  	_ =	swait.ge [sflag:s19], $0x2800  }
0xc4: {  	[sflag:s19] =	ssyncset.done $0x0  }
0xc5: {  	[sflag:s19] =	ssyncadd.s32 $0xFFFFD800  }
0xc6: {  	_ =	swait.ge [sflag:s11], $0x50  }
0xc7: {  	[sflag:s11] =	ssyncset.done $0x0  }
0xc8: {  	[sflag:s11] =	ssyncadd.s32 $0xFFFFFFB0  }
0xc9: {  	_ =	swait.ge [sflag:s11], $0x50  }
0xca: {  	p2 =	seq.s32 s25, $0x4B0;
	[sflag:s11] =	ssyncset.done $0x0  }
0xcb: {  	s8 =	simm.s32 @!p2 $0x0;
	s7 =	rddreg [dreg:$0x5];
	[sflag:s11] =	ssyncadd.s32 $0xFFFFFFB0  }
0xcc: {  	[tilespmem:s28], [sflag:$0x1] =	stream.indirect.gather [hbm4b:s1+s26], $0x80, s3, s26, $0xb8;
	[tilespmem:$0x1F480] =	vst v63  }
0xcd: {  	s9 =	simm.s32 @!p2 $0x80;
	s15 =	rddreg [dreg:$0x4];
	s7 =	sadd.s32 @!p2 s25, s7  }
0xce: {  	[tilespmem:s9], [sflag:$0x4] =	stream.linear.gather @!p2 [hbm4b:s7+s8], $0x50, $0x38;
	[tilespmem:$0x1F480] =	vst v63  }
0xcf: {  	s23 =	sadd.s32 $0x28, s23;
	s7 =	sadd.s32 @!p2 s25, s15;
	s9 =	simm.s32 @!p2 $0x280  }
0xd0: {  	[tilespmem:s9], [sflag:$0x4] =	stream.linear.gather @!p2 [hbm4b:s7+s8], $0x50, $0x38;
	[tilespmem:$0x1F480] =	vst v63  }
0xd1: {  	p1 =	sne.s32 s23, $0x4D8;
	_ =	swait.ge [sflag:s14], $0x2800  }
.Ltmp0:
0xd2: {  	[sflag:s14] =	ssyncset.done $0x0;
	(pc) =	sbr.rel @p1 .LBB2_2-.Ltmp0, $4  }
0xd3: {  	[sflag:s14] =	ssyncadd.s32 $0xFFFFD800  }
0xd4: {  	[spmem:s2] =	stream.indirect.scatter.add.f32 [tilespmem:s30], [sflag:$0x5], $0x80, s13, s26, $0xb8;
	[tilespmem:$0x1F480] =	vst v63  }
0xd5: {  	_ =	swait.ge [sflag:s19], $0x2800  }
0xd6: {  	[sflag:s19] =	ssyncset.done $0x0  }
0xd7: {  	[sflag:s19] =	ssyncadd.s32 $0xFFFFD800  }
0xd8: {  	_ =	swait.ge [sflag:s6], $0x2800  }
0xd9: {  	[sflag:s6] =	ssyncset.done $0x0  }
0xda: {  	[sflag:s6] =	ssyncadd.s32 $0xFFFFD800  }
0xdb: {  	[spmem:s2] =	stream.indirect.scatter.add.f32 [tilespmem:s28], [sflag:$0x5], $0x80, s20, s26, $0xb8;
	[tilespmem:$0x1F480] =	vst v63  }
0xdc: {  	_ =	swait.ge [sflag:s19], $0x2800  }
0xdd: {  	[sflag:s19] =	ssyncset.done $0x0  }
0xde: {  	[sflag:s19] =	ssyncadd.s32 $0xFFFFD800  }
0xdf: {  	[bflag:$0x0] =	sbarrier.arrive $0xFFFF  }
0xe0: {  	[tilespmem:s18], [sflag:$0x5] =	stream.linear.gather [spmem:s10], $0x6800, $0x38;
	[tilespmem:$0x1F480] =	vst v63  }
0xe1: {  	_ =	swait.ge [sflag:s19], $0x6800  }
0xe2: {  	[sflag:s19] =	ssyncset.done $0x0  }
0xe3: {  	s7 =	rddreg [dreg:$0x14];
	[sflag:s19] =	ssyncadd.s32 $0xFFFF9800  }
0xe4: {  	[hbm4b:s7+s3] =	stream.linear.scatter [tilespmem:s18], [sflag:$0x5], $0x6800, $0x38;
	[tilespmem:$0x1F480] =	vst v63  }
0xe5: {  	_ =	swait.ge [sflag:s19], $0x6800  }
0xe6: {  	[sflag:s19] =	ssyncset.done $0x0  }
0xe7: {  	[sflag:s19] =	ssyncadd.s32 $0xFFFF9800  }
0xe8: {  	[tilespmem:s18], [sflag:$0x5] =	stream.linear.gather [spmem:s24], $0x6800, $0x38;
	[tilespmem:$0x1F480] =	vst v63  }
0xe9: {  	_ =	swait.ge [sflag:s19], $0x6800  }
0xea: {  	[sflag:s19] =	ssyncset.done $0x0  }
0xeb: {  	s23 =	smov.u32 s10;
	s10 =	rddreg [dreg:$0x15];
	[sflag:s19] =	ssyncadd.s32 $0xFFFF9800  }
0xec: {  	[hbm4b:s10+s3] =	stream.linear.scatter [tilespmem:s18], [sflag:$0x5], $0x6800, $0x38;
	[tilespmem:$0x1F480] =	vst v63  }
0xed: {  	_ =	swait.ge [sflag:s19], $0x6800  }
0xee: {  	[sflag:s19] =	ssyncset.done $0x0  }
0xef: {  	s17 =	rddreg [dreg:$0xb];
	[sflag:s19] =	ssyncadd.s32 $0xFFFF9800  }
0xf0: {  	[tilespmem:s18], [sflag:$0x5] =	stream.linear.gather [spmem:s17], $0x6800, $0x38;
	[tilespmem:$0x1F480] =	vst v63  }
0xf1: {  	_ =	swait.ge [sflag:s19], $0x6800  }
0xf2: {  	[sflag:s19] =	ssyncset.done $0x0  }
0xf3: {  	s15 =	rddreg [dreg:$0x16];
	[sflag:s19] =	ssyncadd.s32 $0xFFFF9800  }
0xf4: {  	[hbm4b:s15+s3] =	stream.linear.scatter [tilespmem:s18], [sflag:$0x5], $0x6800, $0x38;
	[tilespmem:$0x1F480] =	vst v63  }
0xf5: {  	_ =	swait.ge [sflag:s19], $0x6800  }
0xf6: {  	s8 =	simm.s32 @!p0 $0x5;
	[sflag:s19] =	ssyncset.done $0x0  }
0xf7: {  	s7 =	simm.s32 @!p0 $0x5400;
	s10 =	rddreg [dreg:$0xc];
	[sflag:s19] =	ssyncadd.s32 $0xFFFF9800  }
0xf8: {  	[tilespmem:s7], [sflag:$0x5] =	stream.linear.gather @!p0 [spmem:s10], $0x800, $0x38;
	[tilespmem:$0x1F480] =	vst v63  }
0xf9: {  	_ =	swait.ge @!p0 [sflag:s8], $0x800  }
0xfa: {  	[sflag:s8] =	ssyncset.done @!p0 $0x0;
	s9 =	rddreg [dreg:$0x11]  }
0xfb: {  	s15 =	simm.s32 @!p0 $0x0;
	[sflag:s8] =	ssyncadd.s32 @!p0 $0xFFFFF800;
	s9 =	sadd.s32 @!p0 $0x27000, s9  }
0xfc: {  	[hbm4b:s9+s15] =	stream.linear.scatter @!p0 [tilespmem:s7], [sflag:$0x5], $0x800, $0x38;
	[tilespmem:$0x1F480] =	vst v63  }
0xfd: {  	_ =	swait.ge @!p0 [sflag:s8], $0x800  }
0xfe: {  	s25 =	smov.u32 s24;
	s16 =	sadd.s32 $0x1, s16;
	s24 =	rddreg [dreg:$0x12]  }
0xff: {  	p1 =	sne.s32 s16, s24  }
.Ltmp1:
0x100: {  	_ = 	snop;
	(pc) =	sbr.rel @p1 .LBB2_1-.Ltmp1, $3  }
0x101: {  	_ =	sdelay $0x1  }
0x102: {  	[sflag:s8] =	ssyncset.done @!p0 $0x0  }
0x103: {  	[sflag:s8] =	ssyncadd.s32 @!p0 $0xFFFFF800;
	s8 =	smov.u32 s10  }
0x104: {  	_ =	sfence.sel $0x180000  }
0x105: {  	[bflag:$0x0] =	sbarrier.arrive $0xFFFF  }
0x106: {  	_ =	strace $0x90000047  }
0x107: {  	[bflag:$0x2] =	sbarrier.arrive $0xFFFF  }
0x108: {  	s0 =	rddreg [dreg:$0x3]  }
0x109: {  	s0 =	sadd.s32 @!p0 $0x100000, s0  }
0x10a: {  	[sflag:s0] =	ssyncadd.tile.s32 @!p0 $0x1;
	_ =	shalt  }
.Lfunc_end2:
_tile_overlayer_lowered:
.L_overlay_start_2:
0x10b: {  	(tag) =	ssettag $0x2  }
0x10c: {  	s0 =	rddreg [dreg:$0x0];
	s2 =	stileid.u32  }
0x10d: {  	s1 =	rddreg [dreg:$0x1];
	p0 =	sne.s32 s2, $0x0  }
0x10e: {  	s3 =	rddreg [dreg:$0x2];
	[bflag:$0x3] =	sbarrier.arrive $0xFFFF;
	s2 =	simm.s32 @!p0 $0x1C05  }
0x10f: {  	[timem:s3], [sflag:s2] =	dma.local @!p0 [hbm:s0], s1  }
0x110: {  	s0 =	simm.s32 @!p0 $0x5  }
0x111: {  	_ =	swait.ge @!p0 [sflag:s0], s1  }
0x112: {  	s1 =	ssub.s32 @!p0 $0x0, s1;
	[sflag:s0] =	ssyncset.done @!p0 $0x0  }
0x113: {  	[sflag:s0] =	ssyncadd.s32 @!p0 s1  }
0x114: {  	[bflag:$0x3] =	sbarrier.arrive $0xFFFF  }
0x115: {  	_ =	shalt  }

// kernel: kernel.15.cloned.1.call-start
scs
__scs_entry_jumppad:
0x0: {  	(pc) =	sbr.rel $0x88, $3  }
0x1: {  	(tag) =	ssettag $0x0;
	lr =	simm.s32 $0x1  }
0x2: {  	[smem:$0x3F92] =	sst lr;
	_ =	strace $0xD0000000  }
0x3: {  	_ = 	snop  }
0x4: {  	_ = 	snop  }
0x5: {  	_ = 	snop  }
0x6: {  	_ = 	snop  }
0x7: {  	_ = 	snop  }
__scs_overlays_trampoline_lowered:
0x8: {  	[smem:$0x3FA1] =	sst s0  }
0x9: {  	[smem:$0x3FA2] =	sst s1  }
0xa: {  	[smem:$0x3FA3] =	sst s2  }
0xb: {  	[smem:$0x3FA4] =	sst s3  }
0xc: {  	[smem:$0x3FA5] =	sst s4  }
0xd: {  	[smem:$0x3FA6] =	sst s5  }
0xe: {  	[smem:$0x3FA7] =	sst s6  }
0xf: {  	[smem:$0x3FA8] =	sst s7  }
0x10: {  	[smem:$0x3FA9] =	sst s8  }
0x11: {  	[smem:$0x3FAA] =	sst s9;
	s0 =	simm.s32 @!p0 $0x0  }
0x12: {  	s1 =	sld [smem:$0x3F90];
	s0 =	simm.s32 @p0 $0x1  }
0x13: {  	[smem:$0x3FAB] =	sst s0;
	s0 =	simm.s32 @!p1 $0x0  }
0x14: {  	s2 =	sld [smem:$0x3F8F];
	s0 =	simm.s32 @p1 $0x1  }
0x15: {  	[smem:$0x3FAC] =	sst s0;
	s0 =	simm.s32 @!p2 $0x0  }
0x16: {  	s3 =	sld [smem:$0x3FDB];
	s0 =	simm.s32 @p2 $0x1  }
0x17: {  	s4 =	simm.s32 $0x1BF5;
	[smem:$0x3FAE] =	sst s0  }
0x18: {  	s0 =	sld [smem:$0x3F91];
	_ =	swait.ge [sflag:s4], $0x0  }
0x19: {  	s7 =	sld [smem:$0x3F92]  }
0x1a: {  	s8 =	sadd.s32 $0xFFFFE003, lr  }
0x1b: {  	s9 =	sadd.s32 $0xFFFFFEF7, lr;
	s5 =	simm.s32 $0xFFFFFFFF;
	p2 =	slt.u32 s8, $0xFFFFF086  }
0x1c: {  	p1 =	slt.u32 s9, $0xF7A;
	s5 =	simm.s32 @!p2 $0x0  }
0x1d: {  	s5 =	simm.s32 @p1 $0x1;
	p0 =	seq.s32 s7, s2  }
0x1e: {  	s7 =	smul.u32 @!p0 $0xF7A, s2;
	p2 =	seq.s32 @!p0 s5, $0x0  }
0x1f: {  	s9 =	smul.u32 $0xF7A, s1;
	s8 =	simm.s32 @!p0 $0x1BF5;
	p2 =	por !p2, p0  }
0x20: {  	[sflag:s8] =	ssyncset.s32 @!p0 $0xFFFFF086;
	s6 =	sadd.s32 @!p0 s3, s7;
	s7 =	simm.s32 @!p0 $0x108  }
0x21: {  	s3 =	sadd.s32 s3, s9;
	s6 =	sadd.s32 @!p0 $0x88, s6;
	s7 =	simm.s32 @p2 $0x1082  }
0x22: {  	[simem:s7], [sflag:s8] =	dma.local @!p0 [hbm:s6], $0xF7A  }
0x23: {  	s9 =	sor.u32 $0xD0000000, s2;
	s6 =	simm.s32 $0x108;
	_ =	swait.ge @!p0 [sflag:s8], $0x0  }
0x24: {  	s3 =	sadd.s32 $0x88, s3;
	s6 =	simm.s32 @!p1 $0x1082;
	[sflag:s4] =	ssyncset.s32 $0xFFFFF086  }
0x25: {  	[simem:s6], [sflag:s4] =	dma.local [hbm:s3], $0xF7A  }
0x26: {  	[smem:$0x3F92] =	sst s1;
	(tag) =	ssettag s2;
	_ =	strace s9  }
0x27: {  	s1 =	sld [smem:$0x3FA2]  }
0x28: {  	s2 =	sld [smem:$0x3FA3]  }
0x29: {  	s4 =	sld [smem:$0x3FA5]  }
0x2a: {  	p0 =	seq.s32 s5, $0x0;
	s5 =	sld [smem:$0x3FA6]  }
0x2b: {  	s6 =	sld [smem:$0x3FA7]  }
0x2c: {  	s7 =	sld [smem:$0x3FA8]  }
0x2d: {  	s3 =	simm.s32 $0x108;
	s8 =	sld [smem:$0x3FA9]  }
0x2e: {  	s3 =	simm.s32 @!p0 $0x1082;
	s9 =	sld [smem:$0x3FAA]  }
0x2f: {  	lr =	sadd.s32 s0, s3;
	s0 =	sld [smem:$0x3FA1]  }
0x30: {  	s3 =	sld [smem:$0x3FA4]  }
0x31: {  	[smem:$0x3FAD] =	sst s10  }
0x32: {  	s10 =	sld [smem:$0x3FAB];
	_ =	sdelay $0x3  }
0x33: {  	p0 =	seq.s32 s10, $0x1;
	s10 =	sld [smem:$0x3FAD];
	_ =	sdelay $0x3  }
0x34: {  	[smem:$0x3FAD] =	sst s10  }
0x35: {  	s10 =	sld [smem:$0x3FAC];
	_ =	sdelay $0x3  }
0x36: {  	p1 =	seq.s32 s10, $0x1;
	s10 =	sld [smem:$0x3FAD];
	_ =	sdelay $0x3  }
0x37: {  	[smem:$0x3FAD] =	sst s10  }
0x38: {  	s10 =	sld [smem:$0x3FAE]  }
0x39: {  	_ = 	snop;
	(pc) =	sbr.ind lr, $3  }
0x3a: {  	_ = 	snop  }
0x3b: {  	_ = 	snop  }
0x3c: {  	p2 =	seq.s32 s10, $0x1;
	s10 =	sld [smem:$0x3FAD]  }
0x3d: {  	_ =	shalt  }
0x3e: {  	_ =	shalt  }
0x3f: {  	_ =	shalt  }
0x40: {  	_ =	shalt  }
0x41: {  	_ =	shalt  }
0x42: {  	_ =	shalt  }
0x43: {  	_ =	shalt  }
0x44: {  	_ =	shalt  }
0x45: {  	_ =	shalt  }
0x46: {  	_ =	shalt  }
0x47: {  	_ =	shalt  }
0x48: {  	_ =	shalt  }
0x49: {  	_ =	shalt  }
0x4a: {  	_ =	shalt  }
0x4b: {  	_ =	shalt  }
0x4c: {  	_ =	shalt  }
0x4d: {  	_ =	shalt  }
0x4e: {  	_ =	shalt  }
0x4f: {  	_ =	shalt  }
0x50: {  	_ =	shalt  }
0x51: {  	_ =	shalt  }
0x52: {  	_ =	shalt  }
0x53: {  	_ =	shalt  }
0x54: {  	_ =	shalt  }
0x55: {  	_ =	shalt  }
0x56: {  	_ =	shalt  }
0x57: {  	_ =	shalt  }
0x58: {  	_ =	shalt  }
0x59: {  	_ =	shalt  }
0x5a: {  	_ =	shalt  }
0x5b: {  	_ =	shalt  }
0x5c: {  	_ =	shalt  }
0x5d: {  	_ =	shalt  }
0x5e: {  	_ =	shalt  }
0x5f: {  	_ =	shalt  }
0x60: {  	_ =	shalt  }
0x61: {  	_ =	shalt  }
0x62: {  	_ =	shalt  }
0x63: {  	_ =	shalt  }
0x64: {  	_ =	shalt  }
0x65: {  	_ =	shalt  }
0x66: {  	_ =	shalt  }
0x67: {  	_ =	shalt  }
0x68: {  	_ =	shalt  }
0x69: {  	_ =	shalt  }
0x6a: {  	_ =	shalt  }
0x6b: {  	_ =	shalt  }
0x6c: {  	_ =	shalt  }
0x6d: {  	_ =	shalt  }
0x6e: {  	_ =	shalt  }
0x6f: {  	_ =	shalt  }
0x70: {  	_ =	shalt  }
0x71: {  	_ =	shalt  }
0x72: {  	_ =	shalt  }
0x73: {  	_ =	shalt  }
0x74: {  	_ =	shalt  }
0x75: {  	_ =	shalt  }
0x76: {  	_ =	shalt  }
0x77: {  	_ =	shalt  }
0x78: {  	_ =	shalt  }
0x79: {  	_ =	shalt  }
0x7a: {  	_ =	shalt  }
0x7b: {  	_ =	shalt  }
0x7c: {  	_ =	shalt  }
0x7d: {  	_ =	shalt  }
0x7e: {  	_ =	shalt  }
0x7f: {  	_ =	shalt  }
0x80: {  	_ =	shalt  }
0x81: {  	_ =	shalt  }
0x82: {  	_ =	shalt  }
0x83: {  	_ =	shalt  }
0x84: {  	_ =	shalt  }
0x85: {  	_ =	shalt  }
0x86: {  	_ =	shalt  }
0x87: {  	_ =	shalt  }
.Lfunc_end0:
.L_simem_size_0:
called_computation.2_lowered:
.L_overlay_start_0:
0x88: {  	s2 =	sld [smem:$0x3FD9]  }
0x89: {  	s3 =	sld [smem:$0x3FFE];
	_ =	sdelay $0x1  }
0x8a: {  	s1 =	srdreg.scid  }
0x8b: {  	s0 =	sand.u32 $0x1, s1  }
0x8c: {  	s17 =	sshll.u32 s0, $0xA;
	s2 =	sadd.s32 s3, s2  }
0x8d: {  	s2 =	sadd.s32 s2, s17  }
0x8e: {  	[smem:$0x3FB9] =	sst s2  }
0x8f: {  	_ = 	snop  }
0x90: {  	s2 =	sld [smem:$0x3FD0];
	(tm) =	ssettm $0x1  }
0x91: {  	s18 =	sld [smem:$0x3FFB];
	_ =	sdelay $0x3  }
0x92: {  	_ =	strace s18  }
0x93: {  	s3 =	sld [smem:$0x3FFC];
	_ =	sdelay $0x3  }
0x94: {  	_ =	strace s3  }
0x95: {  	s3 =	sld [smem:$0x3FFD];
	_ =	sdelay $0x3  }
0x96: {  	_ =	strace s3  }
0x97: {  	_ =	strace $0x8FFFFFFF  }
0x98: {  	s19 =	sld [smem:$0x3FDB];
	_ =	sdelay $0x1  }
0x99: {  	s4 =	simm.s32 $_scs_section_size  }
0x9a: {  	s5 =	simm.s32 $_size__tile_overlayer_lowered;
	s6 =	simm.s32 $_tile_overlayer_lowered  }
0x9b: {  	s22 =	simm.s32 $0x1BFF;
	s21 =	sshll.u32 s6, $0x1;
	s3 =	sadd.s32 s4, s19  }
0x9c: {  	s7 =	simm.s32 $0x0;
	s20 =	sshll.u32 s5, $0x1;
	s5 =	sadd.s32 s21, s3  }
0x9d: {  	[timem:s7], [sflag:s22] =	dma.local [hbm:s5], s20  }
0x9e: {  	_ =	swait.ge [sflag:s22], s20  }
0x9f: {  	s4 =	ssub.s32 $0x0, s20;
	[sflag:s22] =	ssyncset.done $0x0  }
0xa0: {  	[sflag:s22] =	ssyncadd.s32 s4;
	_ =	sdelay $0x1  }
0xa1: {  	s23 =	simm.s32 $0x1B8B  }
0xa2: {  	_ =	swait.ge [sflag:s23], $0x1  }
0xa3: {  	[sflag:s23] =	ssyncset.done $0x0  }
0xa4: {  	s25 =	simm.s32 $0x1B8E;
	s24 =	sld [smem:$0x3FFE];
	[sflag:s23] =	ssyncadd.s32 $0xFFFFFFFF  }
0xa5: {  	s26 =	simm.s32 $execute0_lowered;
	[smem:$0x3FD2] =	sst s25  }
0xa6: {  	s5 =	sshll.u32 s26, $0x1;
	_ =	strace $0x8000004C;
	[dreg:$0x1] =	wrdreg $0xFFFFFFFF  }
0xa7: {  	s28 =	simm.s32 $_size_execute0_lowered;
	s3 =	sadd.s32 s3, s5;
	[dreg:$0x0] =	wrdreg $0x0  }
0xa8: {  	s5 =	sshll.u32 s28, $0x1;
	[dreg:$0x2] =	wrdreg s3  }
0xa9: {  	[dreg:$0x3] =	wrdreg s5  }
0xaa: {  	[dreg:$0x4] =	wrdreg $0xC0  }
0xab: {  	_ =	task [dreg:s7], $0x5FFFF  }
0xac: {  	[dreg:$0x1] =	wrdreg $0xFFFFFFFF  }
0xad: {  	[dreg:$0x0] =	wrdreg $0x60  }
0xae: {  	[dreg:$0x2] =	wrdreg s2  }
0xaf: {  	[dreg:$0x3] =	wrdreg s24  }
0xb0: {  	[dreg:$0x4] =	wrdreg $0xBC000  }
0xb1: {  	[dreg:$0x5] =	wrdreg $0x9  }
0xb2: {  	_ =	task.clear_ibuf [dreg:s7], $0x6FFFF;
	_ =	strace $0x9000004C  }
0xb3: {  	s29 =	simm.s32 $0x9;
	_ =	strace $0x8000004E  }
0xb4: {  	_ =	swait.ge [sflag:s29], $0x1  }
0xb5: {  	[sflag:s29] =	ssyncadd.s32 $0xFFFFFFFF  }
0xb6: {  	_ =	strace $0x9000004E  }
0xb7: {  	_ =	sfence  }
0xb8: {  	s30 =	sld [smem:$0x0];
	_ =	sdelay $0x2  }
0xb9: {  	s31 =	sshll.u32 s1, $0xD;
	s1 =	sshrl.u32 s1, $0x2  }
0xba: {  	s3 =	sand.u32 $0x4000, s31;
	s1 =	sadd.s32 s1, s30  }
0xbb: {  	s0 =	sor.u32 s3, s0;
	s1 =	sshll.u32 s1, $0x11  }
0xbc: {  	s0 =	sor.u32 s1, s0  }
0xbd: {  	s0 =	sadd.s32 $0x8F2B, s0  }
0xbe: {  	[sflag:s0] =	ssyncadd.remote.s32 $0x1  }
0xbf: {  	_ =	sfence.sel $0xFFFF  }
0xc0: {  	[dreg:$0x0] =	wrdreg $0xFFFFFFFF;
	(pc) =	sbr.abs _section_cstart, $3  }
0xc1: {  	[dreg:$0x1] =	wrdreg $0xFFFFFFFF  }
0xc2: {  	_ =	task.clear_ibuf [dreg:s7], $0x2FFFF;
	_ =	strace $0x9FFFFFFF  }
0xc3: {  	(tm) =	ssettm $0x7FFFFFFF  }
tec
execute0_lowered:
.L_overlay_start_1:
0x0: {  	(tag) =	ssettag $0x1  }
0x1: {  	s1 =	rddreg [dreg:$0x0]  }
0x2: {  	s0 =	rddreg [dreg:$0x1]  }
0x3: {  	s2 =	rddreg [dreg:$0x2]  }
0x4: {  	s3 =	simm.s32 $0x0;
	s4 =	srdreg.scid;
	s11 =	stileid.u32  }
0x5: {  	s28 =	simm.s32 $0x400;
	s29 =	simm.s32 $0x4;
	s30 =	simm.s32 $0x2C00  }
0x6: {  	s31 =	simm.s32 $0x100;
	[smem:$0x7FF] =	sst s3;
	s6 =	sand.u32 $0x1, s4  }
0x7: {  	s4 =	sadd.s32 $0xD600, s0;
	s5 =	sadd.s32 $0x3800, s0;
	s16 =	smul.u32 $0x4E000, s11  }
0x8: {  	s8 =	sadd.s32 $0x17400, s0;
	s10 =	sshll.u32 s11, $0x1;
	s12 =	smul.u32 $0x270, s11  }
0x9: {  	p0 =	sne.s32 s11, $0x0;
	_ =	strace $0x8000004D;
	s7 =	smul.u32 $0x27100, s6  }
0xa: {  	[dreg:$0xa] =	wrdreg s8;
	s15 =	ssub.s32 $0x2, s6;
	s17 =	sor.u32 s6, s10  }
0xb: {  	s6 =	smul.u32 $0x2710, s6;
	s9 =	sshrl.u32 s15, $0x1;
	s8 =	sshrl.u32 s16, $0x2  }
0xc: {  	s14 =	smul.u32 $0x2710, s17;
	s16 =	sadd.s32 $0xD0, s12;
	s12 =	sadd.s32 $0x1A0, s12  }
0xd: {  	s0 =	sadd.s32 s7, s0;
	s13 =	ssub.s32 s15, s9;
	s23 =	sadd.s32 s8, s2  }
0xe: {  	s18 =	sshll.u32 s16, $0x7;
	s15 =	smul.u32 $0x4E20, s11;
	s19 =	sshll.u32 s12, $0x7  }
0xf: {  	s8 =	sadd.s32 $0x138000, s2;
	s16 =	sshll.u32 s16, $0x4;
	s12 =	sshll.u32 s12, $0x4  }
0x10: {  	s25 =	sadd.s32 s18, s2;
	s7 =	sadd.s32 s19, s2;
	s14 =	sshrl.u32 s14, $0x3  }
0x11: {  	s9 =	sadd.s32 $0x18200, s0;
	s13 =	smax.u32 s13, $0x1;
	[dreg:$0xc] =	wrdreg s8  }
0x12: {  	s20 =	sadd.s32 s4, s14;
	s17 =	sadd.s32 $0xA, s14;
	[dreg:$0x12] =	wrdreg s13  }
0x13: {  	s6 =	sadd.s32 s6, s15;
	s21 =	sadd.s32 s5, s14;
	[dreg:$0x11] =	wrdreg s9  }
0x14: {  	s14 =	smul.u32 $0x2700, s11;
	s11 =	simm.s32 $0x3;
	[dreg:$0xd] =	wrdreg s20  }
0x15: {  	s13 =	simm.s32 $0x380;
	[dreg:$0xe] =	wrdreg s21;
	s22 =	sadd.s32 s4, s17  }
0x16: {  	s24 =	sadd.s32 $0x190, s6;
	s26 =	sadd.s32 s5, s17;
	s18 =	sadd.s32 $0xF0, s6  }
0x17: {  	s21 =	sadd.s32 $0xA0, s6;
	s17 =	smov.u32 s7;
	[dreg:$0xf] =	wrdreg s22  }
0x18: {  	s6 =	sadd.s32 $0x140, s6;
	[dreg:$0x10] =	wrdreg s26;
	s10 =	sshrl.u32 s24, $0x3  }
0x19: {  	s19 =	sshrl.u32 s18, $0x3;
	s24 =	sshrl.u32 s21, $0x3;
	[dreg:$0x13] =	wrdreg s6  }
0x1a: {  	s18 =	simm.s32 $0x5400;
	[dreg:$0xb] =	wrdreg s17;
	s15 =	sadd.s32 s10, s5  }
0x1b: {  	s21 =	simm.s32 $0x80;
	s0 =	sadd.s32 s10, s4;
	[dreg:$0x4] =	wrdreg s15  }
0x1c: {  	s6 =	simm.s32 $0x1;
	s20 =	sadd.s32 s19, s5;
	[dreg:$0x5] =	wrdreg s0  }
0x1d: {  	s22 =	sadd.s32 s19, s4;
	s26 =	sadd.s32 s24, s5;
	[dreg:$0x6] =	wrdreg s20  }
0x1e: {  	s10 =	sadd.s32 s24, s4;
	s19 =	simm.s32 $0x5;
	[dreg:$0x7] =	wrdreg s22  }
0x1f: {  	s24 =	sadd.s32 s16, s9;
	s16 =	simm.s32 $0x0;
	[dreg:$0x8] =	wrdreg s26  }
0x20: {  	[dreg:$0x9] =	wrdreg s10;
	s20 =	simm.s32 $0x200;
	s22 =	simm.s32 $0x280  }
0x21: {  	s15 =	sadd.s32 s14, s9;
	[dreg:$0x15] =	wrdreg s24;
	s26 =	sadd.s32 s12, s9  }
0x22: {  	s0 =	simm.s32 $0x300;
	s12 =	simm.s32 $0x180;
	[dreg:$0x14] =	wrdreg s15  }
0x23: {  	s14 =	simm.s32 $0x2;
	[dreg:$0x16] =	wrdreg s26;
	s26 =	simm.s32 $0x50  }
.LBB2_1:
0x24: {  	s7 =	rddreg [dreg:$0xa]  }
0x25: {  	[tilespmem:s18], [sflag:$0x5] =	stream.linear.gather [hbm4b:s7+s3], $0x6800, $0x38;
	[tilespmem:$0x1F480] =	vst v63  }
0x26: {  	_ =	swait.ge [sflag:s19], $0x6800  }
0x27: {  	[sflag:s19] =	ssyncset.done $0x0  }
0x28: {  	[sflag:s19] =	ssyncadd.s32 $0xFFFF9800  }
0x29: {  	[spmem:s23] =	stream.linear.scatter [tilespmem:s18], [sflag:$0x5], $0x6800, $0x38;
	[tilespmem:$0x1F480] =	vst v63  }
0x2a: {  	_ =	swait.ge [sflag:s19], $0x6800  }
0x2b: {  	[sflag:s19] =	ssyncset.done $0x0  }
0x2c: {  	[sflag:s19] =	ssyncadd.s32 $0xFFFF9800  }
0x2d: {  	[spmem:s25] =	stream.linear.scatter [tilespmem:s18], [sflag:$0x5], $0x6800, $0x38;
	[tilespmem:$0x1F480] =	vst v63  }
0x2e: {  	_ =	swait.ge [sflag:s19], $0x6800  }
0x2f: {  	[sflag:s19] =	ssyncset.done $0x0  }
0x30: {  	[sflag:s19] =	ssyncadd.s32 $0xFFFF9800  }
0x31: {  	[spmem:s17] =	stream.linear.scatter [tilespmem:s18], [sflag:$0x5], $0x6800, $0x38;
	[tilespmem:$0x1F480] =	vst v63  }
0x32: {  	_ =	swait.ge [sflag:s19], $0x6800  }
0x33: {  	[sflag:s19] =	ssyncset.done $0x0  }
0x34: {  	s17 =	simm.s32 @!p0 $0x5400;
	[sflag:s19] =	ssyncadd.s32 $0xFFFF9800  }
0x35: {  	[spmem:s8] =	stream.linear.scatter @!p0 [tilespmem:s17], [sflag:$0x5], $0x800, $0x38;
	[tilespmem:$0x1F480] =	vst v63  }
0x36: {  	s17 =	simm.s32 @!p0 $0x5  }
0x37: {  	_ =	swait.ge @!p0 [sflag:s17], $0x800  }
0x38: {  	[sflag:s17] =	ssyncset.done @!p0 $0x0  }
0x39: {  	[sflag:s17] =	ssyncadd.s32 @!p0 $0xFFFFF800;
	s17 =	rddreg [dreg:$0xd]  }
0x3a: {  	[tilespmem:s3], [sflag:$0x5] =	stream.linear.gather [hbm4b:s17+s3], $0x50, $0x38;
	[tilespmem:$0x1F480] =	vst v63  }
0x3b: {  	_ =	swait.ge [sflag:s19], $0x50  }
0x3c: {  	[sflag:s19] =	ssyncset.done $0x0  }
0x3d: {  	s10 =	smov.u32 s23;
	s23 =	rddreg [dreg:$0xe];
	[sflag:s19] =	ssyncadd.s32 $0xFFFFFFB0  }
0x3e: {  	[tilespmem:s20], [sflag:$0x5] =	stream.linear.gather [hbm4b:s23+s3], $0x50, $0x38;
	[tilespmem:$0x1F480] =	vst v63  }
0x3f: {  	_ =	swait.ge [sflag:s19], $0x50  }
0x40: {  	[sflag:s19] =	ssyncset.done $0x0  }
0x41: {  	s24 =	smov.u32 s25;
	s25 =	rddreg [dreg:$0xf];
	[sflag:s19] =	ssyncadd.s32 $0xFFFFFFB0  }
0x42: {  	[tilespmem:s21], [sflag:$0x4] =	stream.linear.gather [hbm4b:s25+s3], $0x50, $0x38;
	[tilespmem:$0x1F480] =	vst v63  }
0x43: {  	s8 =	rddreg [dreg:$0x10]  }
0x44: {  	[tilespmem:s22], [sflag:$0x4] =	stream.linear.gather [hbm4b:s8+s3], $0x50, $0x38;
	[tilespmem:$0x1F480] =	vst v63  }
0x45: {  	_ = 	snop  }
0x46: {  	[tilespmem:s28], [sflag:$0x1] =	stream.indirect.gather [hbm4b:s1+s26], $0x80, s3, s26, $0xb8;
	[tilespmem:$0x1F480] =	vst v63  }
0x47: {  	[bflag:$0x0] =	sbarrier.arrive $0xFFFF  }
0x48: {  	_ =	swait.ge [sflag:s29], $0x50  }
0x49: {  	[sflag:s29] =	ssyncset.done $0x0  }
0x4a: {  	[sflag:s29] =	ssyncadd.s32 $0xFFFFFFB0  }
0x4b: {  	_ =	swait.ge [sflag:s29], $0x50  }
0x4c: {  	[sflag:s29] =	ssyncset.done $0x0  }
0x4d: {  	s9 =	rddreg [dreg:$0x9];
	[sflag:s29] =	ssyncadd.s32 $0xFFFFFFB0  }
0x4e: {  	[tilespmem:s30], [sflag:$0x2] =	stream.indirect.gather [hbm4b:s1+s26], $0x80, s21, s26, $0xb8;
	[tilespmem:$0x1F480] =	vst v63  }
0x4f: {  	s15 =	rddreg [dreg:$0x8];
	s17 =	sadd.s32 $0x0, s9  }
0x50: {  	[tilespmem:s31], [sflag:$0x3] =	stream.linear.gather [hbm4b:s17+s3], $0x50, $0x38;
	[tilespmem:$0x1F480] =	vst v63  }
0x51: {  	s23 =	sadd.s32 $0x0, s15  }
0x52: {  	[tilespmem:s0], [sflag:$0x3] =	stream.linear.gather [hbm4b:s23+s3], $0x50, $0x38;
	[tilespmem:$0x1F480] =	vst v63  }
0x53: {  	_ =	swait.ge [sflag:s6], $0x2800  }
0x54: {  	[sflag:s6] =	ssyncset.done $0x0  }
0x55: {  	[sflag:s6] =	ssyncadd.s32 $0xFFFFD800  }
0x56: {  	[spmem:s2] =	stream.indirect.scatter.add.f32 [tilespmem:s28], [sflag:$0x5], $0x80, s20, s26, $0xb8;
	[tilespmem:$0x1F480] =	vst v63  }
0x57: {  	_ =	swait.ge [sflag:s19], $0x2800  }
0x58: {  	[sflag:s19] =	ssyncset.done $0x0  }
0x59: {  	[sflag:s19] =	ssyncadd.s32 $0xFFFFD800  }
0x5a: {  	_ =	swait.ge [sflag:s11], $0x50  }
0x5b: {  	[sflag:s11] =	ssyncset.done $0x0  }
0x5c: {  	[sflag:s11] =	ssyncadd.s32 $0xFFFFFFB0  }
0x5d: {  	_ =	swait.ge [sflag:s11], $0x50  }
0x5e: {  	[sflag:s11] =	ssyncset.done $0x0  }
0x5f: {  	s25 =	rddreg [dreg:$0x7];
	[sflag:s11] =	ssyncadd.s32 $0xFFFFFFB0  }
0x60: {  	[tilespmem:s28], [sflag:$0x1] =	stream.indirect.gather [hbm4b:s1+s26], $0x80, s31, s26, $0xb8;
	[tilespmem:$0x1F480] =	vst v63  }
0x61: {  	s7 =	rddreg [dreg:$0x6];
	s17 =	sadd.s32 $0x0, s25  }
0x62: {  	[tilespmem:s12], [sflag:$0x4] =	stream.linear.gather [hbm4b:s17+s3], $0x50, $0x38;
	[tilespmem:$0x1F480] =	vst v63  }
0x63: {  	s8 =	sadd.s32 $0x0, s7  }
0x64: {  	[tilespmem:s13], [sflag:$0x4] =	stream.linear.gather [hbm4b:s8+s3], $0x50, $0x38;
	[tilespmem:$0x1F480] =	vst v63  }
0x65: {  	_ =	swait.ge [sflag:s14], $0x2800  }
0x66: {  	[sflag:s14] =	ssyncset.done $0x0  }
0x67: {  	[sflag:s14] =	ssyncadd.s32 $0xFFFFD800  }
0x68: {  	[spmem:s2] =	stream.indirect.scatter.add.f32 [tilespmem:s30], [sflag:$0x5], $0x80, s22, s26, $0xb8;
	[tilespmem:$0x1F480] =	vst v63  }
0x69: {  	_ =	swait.ge [sflag:s19], $0x2800  }
0x6a: {  	[sflag:s19] =	ssyncset.done $0x0  }
0x6b: {  	[sflag:s19] =	ssyncadd.s32 $0xFFFFD800  }
0x6c: {  	_ =	swait.ge [sflag:s29], $0x50  }
0x6d: {  	[sflag:s29] =	ssyncset.done $0x0  }
0x6e: {  	[sflag:s29] =	ssyncadd.s32 $0xFFFFFFB0  }
0x6f: {  	_ =	swait.ge [sflag:s29], $0x50  }
0x70: {  	[sflag:s29] =	ssyncset.done $0x0;
	s9 =	rddreg [dreg:$0x13]  }
0x71: {  	[sflag:s29] =	ssyncadd.s32 $0xFFFFFFB0;
	s15 =	sshrl.u32 s9, $0x3  }
0x72: {  	[tilespmem:s30], [sflag:$0x2] =	stream.indirect.gather [hbm4b:s1+s26], $0x80, s12, s26, $0xb8;
	[tilespmem:$0x1F480] =	vst v63  }
0x73: {  	s25 =	sadd.s32 s4, s15  }
0x74: {  	[tilespmem:s3], [sflag:$0x3] =	stream.linear.gather [hbm4b:s25+s3], $0x50, $0x38;
	[tilespmem:$0x1F480] =	vst v63  }
0x75: {  	s17 =	sadd.s32 s5, s15  }
0x76: {  	[tilespmem:s20], [sflag:$0x3] =	stream.linear.gather [hbm4b:s17+s3], $0x50, $0x38;
	[tilespmem:$0x1F480] =	vst v63  }
0x77: {  	_ =	swait.ge [sflag:s6], $0x2800  }
0x78: {  	[sflag:s6] =	ssyncset.done $0x0  }
0x79: {  	[sflag:s6] =	ssyncadd.s32 $0xFFFFD800  }
0x7a: {  	[spmem:s2] =	stream.indirect.scatter.add.f32 [tilespmem:s28], [sflag:$0x5], $0x80, s0, s26, $0xb8;
	[tilespmem:$0x1F480] =	vst v63  }
0x7b: {  	_ =	swait.ge [sflag:s19], $0x2800  }
0x7c: {  	[sflag:s19] =	ssyncset.done $0x0  }
0x7d: {  	[sflag:s19] =	ssyncadd.s32 $0xFFFFD800  }
0x7e: {  	_ =	swait.ge [sflag:s11], $0x50  }
0x7f: {  	[sflag:s11] =	ssyncset.done $0x0  }
0x80: {  	[sflag:s11] =	ssyncadd.s32 $0xFFFFFFB0  }
0x81: {  	_ =	swait.ge [sflag:s11], $0x50  }
0x82: {  	p1 =	por $0x0, $0x0;
	[sflag:s11] =	ssyncset.done $0x0  }
0x83: {  	s15 =	simm.s32 @!p1 $0x80;
	s17 =	rddreg [dreg:$0x5];
	[sflag:s11] =	ssyncadd.s32 $0xFFFFFFB0  }
0x84: {  	[tilespmem:s28], [sflag:$0x1] =	stream.indirect.gather [hbm4b:s1+s26], $0x80, s3, s26, $0xb8;
	[tilespmem:$0x1F480] =	vst v63  }
0x85: {  	s25 =	simm.s32 @!p1 $0x0;
	s23 =	rddreg [dreg:$0x4];
	s17 =	sadd.s32 @!p1 $0x0, s17  }
0x86: {  	[tilespmem:s15], [sflag:$0x4] =	stream.linear.gather @!p1 [hbm4b:s17+s25], $0x50, $0x38;
	[tilespmem:$0x1F480] =	vst v63  }
0x87: {  	s15 =	sadd.s32 @!p1 $0x0, s23;
	s17 =	simm.s32 @!p1 $0x280  }
0x88: {  	[tilespmem:s17], [sflag:$0x4] =	stream.linear.gather @!p1 [hbm4b:s15+s25], $0x50, $0x38;
	[tilespmem:$0x1F480] =	vst v63  }
0x89: {  	_ =	swait.ge [sflag:s14], $0x2800  }
0x8a: {  	[sflag:s14] =	ssyncset.done $0x0  }
0x8b: {  	[sflag:s14] =	ssyncadd.s32 $0xFFFFD800  }
0x8c: {  	[spmem:s2] =	stream.indirect.scatter.add.f32 [tilespmem:s30], [sflag:$0x5], $0x80, s13, s26, $0xb8;
	[tilespmem:$0x1F480] =	vst v63  }
0x8d: {  	_ =	swait.ge [sflag:s19], $0x2800  }
0x8e: {  	s23 =	simm.s32 $0x28;
	s17 =	smov.u32 s9;
	[sflag:s19] =	ssyncset.done $0x0  }
.LBB2_2:
0x8f: {  	[sflag:s19] =	ssyncadd.s32 $0xFFFFD800  }
0x90: {  	_ =	swait.ge [sflag:s29], $0x50  }
0x91: {  	[sflag:s29] =	ssyncset.done $0x0  }
0x92: {  	[sflag:s29] =	ssyncadd.s32 $0xFFFFFFB0  }
0x93: {  	_ =	swait.ge [sflag:s29], $0x50  }
0x94: {  	[sflag:s29] =	ssyncset.done $0x0  }
0x95: {  	s25 =	smov.u32 s23;
	s15 =	rddreg [dreg:$0x9];
	[sflag:s29] =	ssyncadd.s32 $0xFFFFFFB0  }
0x96: {  	[tilespmem:s30], [sflag:$0x2] =	stream.indirect.gather [hbm4b:s1+s26], $0x80, s21, s26, $0xb8;
	[tilespmem:$0x1F480] =	vst v63  }
0x97: {  	s7 =	rddreg [dreg:$0x8];
	s15 =	sadd.s32 s25, s15  }
0x98: {  	[tilespmem:s31], [sflag:$0x3] =	stream.linear.gather [hbm4b:s15+s3], $0x50, $0x38;
	[tilespmem:$0x1F480] =	vst v63  }
0x99: {  	s7 =	sadd.s32 s25, s7  }
0x9a: {  	[tilespmem:s0], [sflag:$0x3] =	stream.linear.gather [hbm4b:s7+s3], $0x50, $0x38;
	[tilespmem:$0x1F480] =	vst v63  }
0x9b: {  	_ =	swait.ge [sflag:s6], $0x2800  }
0x9c: {  	[sflag:s6] =	ssyncset.done $0x0  }
0x9d: {  	[sflag:s6] =	ssyncadd.s32 $0xFFFFD800  }
0x9e: {  	[spmem:s2] =	stream.indirect.scatter.add.f32 [tilespmem:s28], [sflag:$0x5], $0x80, s20, s26, $0xb8;
	[tilespmem:$0x1F480] =	vst v63  }
0x9f: {  	_ =	swait.ge [sflag:s19], $0x2800  }
0xa0: {  	[sflag:s19] =	ssyncset.done $0x0  }
0xa1: {  	[sflag:s19] =	ssyncadd.s32 $0xFFFFD800  }
0xa2: {  	_ =	swait.ge [sflag:s11], $0x50  }
0xa3: {  	[sflag:s11] =	ssyncset.done $0x0  }
0xa4: {  	[sflag:s11] =	ssyncadd.s32 $0xFFFFFFB0  }
0xa5: {  	_ =	swait.ge [sflag:s11], $0x50  }
0xa6: {  	[sflag:s11] =	ssyncset.done $0x0  }
0xa7: {  	s8 =	rddreg [dreg:$0x7];
	[sflag:s11] =	ssyncadd.s32 $0xFFFFFFB0  }
0xa8: {  	[tilespmem:s28], [sflag:$0x1] =	stream.indirect.gather [hbm4b:s1+s26], $0x80, s31, s26, $0xb8;
	[tilespmem:$0x1F480] =	vst v63  }
0xa9: {  	s9 =	rddreg [dreg:$0x6];
	s7 =	sadd.s32 s25, s8  }
0xaa: {  	[tilespmem:s12], [sflag:$0x4] =	stream.linear.gather [hbm4b:s7+s3], $0x50, $0x38;
	[tilespmem:$0x1F480] =	vst v63  }
0xab: {  	s15 =	sadd.s32 s25, s9  }
0xac: {  	[tilespmem:s13], [sflag:$0x4] =	stream.linear.gather [hbm4b:s15+s3], $0x50, $0x38;
	[tilespmem:$0x1F480] =	vst v63  }
0xad: {  	_ =	swait.ge [sflag:s14], $0x2800  }
0xae: {  	[sflag:s14] =	ssyncset.done $0x0  }
0xaf: {  	[sflag:s14] =	ssyncadd.s32 $0xFFFFD800  }
0xb0: {  	[spmem:s2] =	stream.indirect.scatter.add.f32 [tilespmem:s30], [sflag:$0x5], $0x80, s22, s26, $0xb8;
	[tilespmem:$0x1F480] =	vst v63  }
0xb1: {  	_ =	swait.ge [sflag:s19], $0x2800  }
0xb2: {  	[sflag:s19] =	ssyncset.done $0x0  }
0xb3: {  	[sflag:s19] =	ssyncadd.s32 $0xFFFFD800  }
0xb4: {  	_ =	swait.ge [sflag:s29], $0x50  }
0xb5: {  	[sflag:s29] =	ssyncset.done $0x0  }
0xb6: {  	[sflag:s29] =	ssyncadd.s32 $0xFFFFFFB0  }
0xb7: {  	_ =	swait.ge [sflag:s29], $0x50  }
0xb8: {  	s17 =	sadd.s32 $0x140, s17;
	[sflag:s29] =	ssyncset.done $0x0  }
0xb9: {  	s8 =	sshrl.u32 s17, $0x3;
	[sflag:s29] =	ssyncadd.s32 $0xFFFFFFB0  }
0xba: {  	[tilespmem:s30], [sflag:$0x2] =	stream.indirect.gather [hbm4b:s1+s26], $0x80, s12, s26, $0xb8;
	[tilespmem:$0x1F480] =	vst v63  }
0xbb: {  	s9 =	sadd.s32 s4, s8  }
0xbc: {  	[tilespmem:s3], [sflag:$0x3] =	stream.linear.gather [hbm4b:s9+s3], $0x50, $0x38;
	[tilespmem:$0x1F480] =	vst v63  }
0xbd: {  	s7 =	sadd.s32 s5, s8  }
0xbe: {  	[tilespmem:s20], [sflag:$0x3] =	stream.linear.gather [hbm4b:s7+s3], $0x50, $0x38;
	[tilespmem:$0x1F480] =	vst v63  }
0xbf: {  	_ =	swait.ge [sflag:s6], $0x2800  }
0xc0: {  	[sflag:s6] =	ssyncset.done $0x0  }
0xc1: {  	[sflag:s6] =	ssyncadd.s32 $0xFFFFD800  }
0xc2: {  	[spmem:s2] =	stream.indirect.scatter.add.f32 [tilespmem:s28], [sflag:$0x5], $0x80, s0, s26, $0xb8;
	[tilespmem:$0x1F480] =	vst v63  }
0xc3: {  	_ =	swait.ge [sflag:s19], $0x2800  }
0xc4: {  	[sflag:s19] =	ssyncset.done $0x0  }
0xc5: {  	[sflag:s19] =	ssyncadd.s32 $0xFFFFD800  }
0xc6: {  	_ =	swait.ge [sflag:s11], $0x50  }
0xc7: {  	[sflag:s11] =	ssyncset.done $0x0  }
0xc8: {  	[sflag:s11] =	ssyncadd.s32 $0xFFFFFFB0  }
0xc9: {  	_ =	swait.ge [sflag:s11], $0x50  }
0xca: {  	p2 =	seq.s32 s25, $0x4B0;
	[sflag:s11] =	ssyncset.done $0x0  }
0xcb: {  	s8 =	simm.s32 @!p2 $0x0;
	s7 =	rddreg [dreg:$0x5];
	[sflag:s11] =	ssyncadd.s32 $0xFFFFFFB0  }
0xcc: {  	[tilespmem:s28], [sflag:$0x1] =	stream.indirect.gather [hbm4b:s1+s26], $0x80, s3, s26, $0xb8;
	[tilespmem:$0x1F480] =	vst v63  }
0xcd: {  	s9 =	simm.s32 @!p2 $0x80;
	s15 =	rddreg [dreg:$0x4];
	s7 =	sadd.s32 @!p2 s25, s7  }
0xce: {  	[tilespmem:s9], [sflag:$0x4] =	stream.linear.gather @!p2 [hbm4b:s7+s8], $0x50, $0x38;
	[tilespmem:$0x1F480] =	vst v63  }
0xcf: {  	s23 =	sadd.s32 $0x28, s23;
	s7 =	sadd.s32 @!p2 s25, s15;
	s9 =	simm.s32 @!p2 $0x280  }
0xd0: {  	[tilespmem:s9], [sflag:$0x4] =	stream.linear.gather @!p2 [hbm4b:s7+s8], $0x50, $0x38;
	[tilespmem:$0x1F480] =	vst v63  }
0xd1: {  	p1 =	sne.s32 s23, $0x4D8;
	_ =	swait.ge [sflag:s14], $0x2800  }
.Ltmp0:
0xd2: {  	[sflag:s14] =	ssyncset.done $0x0;
	(pc) =	sbr.rel @p1 .LBB2_2-.Ltmp0, $4  }
0xd3: {  	[sflag:s14] =	ssyncadd.s32 $0xFFFFD800  }
0xd4: {  	[spmem:s2] =	stream.indirect.scatter.add.f32 [tilespmem:s30], [sflag:$0x5], $0x80, s13, s26, $0xb8;
	[tilespmem:$0x1F480] =	vst v63  }
0xd5: {  	_ =	swait.ge [sflag:s19], $0x2800  }
0xd6: {  	[sflag:s19] =	ssyncset.done $0x0  }
0xd7: {  	[sflag:s19] =	ssyncadd.s32 $0xFFFFD800  }
0xd8: {  	_ =	swait.ge [sflag:s6], $0x2800  }
0xd9: {  	[sflag:s6] =	ssyncset.done $0x0  }
0xda: {  	[sflag:s6] =	ssyncadd.s32 $0xFFFFD800  }
0xdb: {  	[spmem:s2] =	stream.indirect.scatter.add.f32 [tilespmem:s28], [sflag:$0x5], $0x80, s20, s26, $0xb8;
	[tilespmem:$0x1F480] =	vst v63  }
0xdc: {  	_ =	swait.ge [sflag:s19], $0x2800  }
0xdd: {  	[sflag:s19] =	ssyncset.done $0x0  }
0xde: {  	[sflag:s19] =	ssyncadd.s32 $0xFFFFD800  }
0xdf: {  	[bflag:$0x0] =	sbarrier.arrive $0xFFFF  }
0xe0: {  	[tilespmem:s18], [sflag:$0x5] =	stream.linear.gather [spmem:s10], $0x6800, $0x38;
	[tilespmem:$0x1F480] =	vst v63  }
0xe1: {  	_ =	swait.ge [sflag:s19], $0x6800  }
0xe2: {  	[sflag:s19] =	ssyncset.done $0x0  }
0xe3: {  	s7 =	rddreg [dreg:$0x14];
	[sflag:s19] =	ssyncadd.s32 $0xFFFF9800  }
0xe4: {  	[hbm4b:s7+s3] =	stream.linear.scatter [tilespmem:s18], [sflag:$0x5], $0x6800, $0x38;
	[tilespmem:$0x1F480] =	vst v63  }
0xe5: {  	_ =	swait.ge [sflag:s19], $0x6800  }
0xe6: {  	[sflag:s19] =	ssyncset.done $0x0  }
0xe7: {  	[sflag:s19] =	ssyncadd.s32 $0xFFFF9800  }
0xe8: {  	[tilespmem:s18], [sflag:$0x5] =	stream.linear.gather [spmem:s24], $0x6800, $0x38;
	[tilespmem:$0x1F480] =	vst v63  }
0xe9: {  	_ =	swait.ge [sflag:s19], $0x6800  }
0xea: {  	[sflag:s19] =	ssyncset.done $0x0  }
0xeb: {  	s23 =	smov.u32 s10;
	s10 =	rddreg [dreg:$0x15];
	[sflag:s19] =	ssyncadd.s32 $0xFFFF9800  }
0xec: {  	[hbm4b:s10+s3] =	stream.linear.scatter [tilespmem:s18], [sflag:$0x5], $0x6800, $0x38;
	[tilespmem:$0x1F480] =	vst v63  }
0xed: {  	_ =	swait.ge [sflag:s19], $0x6800  }
0xee: {  	[sflag:s19] =	ssyncset.done $0x0  }
0xef: {  	s17 =	rddreg [dreg:$0xb];
	[sflag:s19] =	ssyncadd.s32 $0xFFFF9800  }
0xf0: {  	[tilespmem:s18], [sflag:$0x5] =	stream.linear.gather [spmem:s17], $0x6800, $0x38;
	[tilespmem:$0x1F480] =	vst v63  }
0xf1: {  	_ =	swait.ge [sflag:s19], $0x6800  }
0xf2: {  	[sflag:s19] =	ssyncset.done $0x0  }
0xf3: {  	s15 =	rddreg [dreg:$0x16];
	[sflag:s19] =	ssyncadd.s32 $0xFFFF9800  }
0xf4: {  	[hbm4b:s15+s3] =	stream.linear.scatter [tilespmem:s18], [sflag:$0x5], $0x6800, $0x38;
	[tilespmem:$0x1F480] =	vst v63  }
0xf5: {  	_ =	swait.ge [sflag:s19], $0x6800  }
0xf6: {  	s8 =	simm.s32 @!p0 $0x5;
	[sflag:s19] =	ssyncset.done $0x0  }
0xf7: {  	s7 =	simm.s32 @!p0 $0x5400;
	s10 =	rddreg [dreg:$0xc];
	[sflag:s19] =	ssyncadd.s32 $0xFFFF9800  }
0xf8: {  	[tilespmem:s7], [sflag:$0x5] =	stream.linear.gather @!p0 [spmem:s10], $0x800, $0x38;
	[tilespmem:$0x1F480] =	vst v63  }
0xf9: {  	_ =	swait.ge @!p0 [sflag:s8], $0x800  }
0xfa: {  	[sflag:s8] =	ssyncset.done @!p0 $0x0;
	s9 =	rddreg [dreg:$0x11]  }
0xfb: {  	s15 =	simm.s32 @!p0 $0x0;
	[sflag:s8] =	ssyncadd.s32 @!p0 $0xFFFFF800;
	s9 =	sadd.s32 @!p0 $0x27000, s9  }
0xfc: {  	[hbm4b:s9+s15] =	stream.linear.scatter @!p0 [tilespmem:s7], [sflag:$0x5], $0x800, $0x38;
	[tilespmem:$0x1F480] =	vst v63  }
0xfd: {  	_ =	swait.ge @!p0 [sflag:s8], $0x800  }
0xfe: {  	s25 =	smov.u32 s24;
	s16 =	sadd.s32 $0x1, s16;
	s24 =	rddreg [dreg:$0x12]  }
0xff: {  	p1 =	sne.s32 s16, s24  }
.Ltmp1:
0x100: {  	_ = 	snop;
	(pc) =	sbr.rel @p1 .LBB2_1-.Ltmp1, $3  }
0x101: {  	_ =	sdelay $0x1  }
0x102: {  	[sflag:s8] =	ssyncset.done @!p0 $0x0  }
0x103: {  	[sflag:s8] =	ssyncadd.s32 @!p0 $0xFFFFF800;
	s8 =	smov.u32 s10  }
0x104: {  	_ =	sfence.sel $0x180000  }
0x105: {  	[bflag:$0x0] =	sbarrier.arrive $0xFFFF  }
0x106: {  	_ =	strace $0x9000004D  }
0x107: {  	[bflag:$0x2] =	sbarrier.arrive $0xFFFF  }
0x108: {  	s0 =	rddreg [dreg:$0x3]  }
0x109: {  	s0 =	sadd.s32 @!p0 $0x100000, s0  }
0x10a: {  	[sflag:s0] =	ssyncadd.tile.s32 @!p0 $0x1;
	_ =	shalt  }
.Lfunc_end2:
_tile_overlayer_lowered:
.L_overlay_start_2:
0x10b: {  	(tag) =	ssettag $0x2  }
0x10c: {  	s0 =	rddreg [dreg:$0x0];
	s2 =	stileid.u32  }
0x10d: {  	s1 =	rddreg [dreg:$0x1];
	p0 =	sne.s32 s2, $0x0  }
0x10e: {  	s3 =	rddreg [dreg:$0x2];
	[bflag:$0x3] =	sbarrier.arrive $0xFFFF;
	s2 =	simm.s32 @!p0 $0x1C05  }
0x10f: {  	[timem:s3], [sflag:s2] =	dma.local @!p0 [hbm:s0], s1  }
0x110: {  	s0 =	simm.s32 @!p0 $0x5  }
0x111: {  	_ =	swait.ge @!p0 [sflag:s0], s1  }
0x112: {  	s1 =	ssub.s32 @!p0 $0x0, s1;
	[sflag:s0] =	ssyncset.done @!p0 $0x0  }
0x113: {  	[sflag:s0] =	ssyncadd.s32 @!p0 s1  }
0x114: {  	[bflag:$0x3] =	sbarrier.arrive $0xFFFF  }
0x115: {  	_ =	shalt  }

// kernel: kernel.18.cloned.1.call-start
scs
__scs_entry_jumppad:
0x0: {  	(pc) =	sbr.rel $0x88, $3  }
0x1: {  	(tag) =	ssettag $0x0;
	lr =	simm.s32 $0x1  }
0x2: {  	[smem:$0x3F92] =	sst lr;
	_ =	strace $0xD0000000  }
0x3: {  	_ = 	snop  }
0x4: {  	_ = 	snop  }
0x5: {  	_ = 	snop  }
0x6: {  	_ = 	snop  }
0x7: {  	_ = 	snop  }
__scs_overlays_trampoline_lowered:
0x8: {  	[smem:$0x3FA1] =	sst s0  }
0x9: {  	[smem:$0x3FA2] =	sst s1  }
0xa: {  	[smem:$0x3FA3] =	sst s2  }
0xb: {  	[smem:$0x3FA4] =	sst s3  }
0xc: {  	[smem:$0x3FA5] =	sst s4  }
0xd: {  	[smem:$0x3FA6] =	sst s5  }
0xe: {  	[smem:$0x3FA7] =	sst s6  }
0xf: {  	[smem:$0x3FA8] =	sst s7  }
0x10: {  	[smem:$0x3FA9] =	sst s8  }
0x11: {  	[smem:$0x3FAA] =	sst s9;
	s0 =	simm.s32 @!p0 $0x0  }
0x12: {  	s1 =	sld [smem:$0x3F90];
	s0 =	simm.s32 @p0 $0x1  }
0x13: {  	[smem:$0x3FAB] =	sst s0;
	s0 =	simm.s32 @!p1 $0x0  }
0x14: {  	s2 =	sld [smem:$0x3F8F];
	s0 =	simm.s32 @p1 $0x1  }
0x15: {  	[smem:$0x3FAC] =	sst s0;
	s0 =	simm.s32 @!p2 $0x0  }
0x16: {  	s3 =	sld [smem:$0x3FDB];
	s0 =	simm.s32 @p2 $0x1  }
0x17: {  	s4 =	simm.s32 $0x1BF5;
	[smem:$0x3FAE] =	sst s0  }
0x18: {  	s0 =	sld [smem:$0x3F91];
	_ =	swait.ge [sflag:s4], $0x0  }
0x19: {  	s7 =	sld [smem:$0x3F92]  }
0x1a: {  	s8 =	sadd.s32 $0xFFFFE003, lr  }
0x1b: {  	s9 =	sadd.s32 $0xFFFFFEF7, lr;
	s5 =	simm.s32 $0xFFFFFFFF;
	p2 =	slt.u32 s8, $0xFFFFF086  }
0x1c: {  	p1 =	slt.u32 s9, $0xF7A;
	s5 =	simm.s32 @!p2 $0x0  }
0x1d: {  	s5 =	simm.s32 @p1 $0x1;
	p0 =	seq.s32 s7, s2  }
0x1e: {  	s7 =	smul.u32 @!p0 $0xF7A, s2;
	p2 =	seq.s32 @!p0 s5, $0x0  }
0x1f: {  	s9 =	smul.u32 $0xF7A, s1;
	s8 =	simm.s32 @!p0 $0x1BF5;
	p2 =	por !p2, p0  }
0x20: {  	[sflag:s8] =	ssyncset.s32 @!p0 $0xFFFFF086;
	s6 =	sadd.s32 @!p0 s3, s7;
	s7 =	simm.s32 @!p0 $0x108  }
0x21: {  	s3 =	sadd.s32 s3, s9;
	s6 =	sadd.s32 @!p0 $0x88, s6;
	s7 =	simm.s32 @p2 $0x1082  }
0x22: {  	[simem:s7], [sflag:s8] =	dma.local @!p0 [hbm:s6], $0xF7A  }
0x23: {  	s9 =	sor.u32 $0xD0000000, s2;
	s6 =	simm.s32 $0x108;
	_ =	swait.ge @!p0 [sflag:s8], $0x0  }
0x24: {  	s3 =	sadd.s32 $0x88, s3;
	s6 =	simm.s32 @!p1 $0x1082;
	[sflag:s4] =	ssyncset.s32 $0xFFFFF086  }
0x25: {  	[simem:s6], [sflag:s4] =	dma.local [hbm:s3], $0xF7A  }
0x26: {  	[smem:$0x3F92] =	sst s1;
	(tag) =	ssettag s2;
	_ =	strace s9  }
0x27: {  	s1 =	sld [smem:$0x3FA2]  }
0x28: {  	s2 =	sld [smem:$0x3FA3]  }
0x29: {  	s4 =	sld [smem:$0x3FA5]  }
0x2a: {  	p0 =	seq.s32 s5, $0x0;
	s5 =	sld [smem:$0x3FA6]  }
0x2b: {  	s6 =	sld [smem:$0x3FA7]  }
0x2c: {  	s7 =	sld [smem:$0x3FA8]  }
0x2d: {  	s3 =	simm.s32 $0x108;
	s8 =	sld [smem:$0x3FA9]  }
0x2e: {  	s3 =	simm.s32 @!p0 $0x1082;
	s9 =	sld [smem:$0x3FAA]  }
0x2f: {  	lr =	sadd.s32 s0, s3;
	s0 =	sld [smem:$0x3FA1]  }
0x30: {  	s3 =	sld [smem:$0x3FA4]  }
0x31: {  	[smem:$0x3FAD] =	sst s10  }
0x32: {  	s10 =	sld [smem:$0x3FAB];
	_ =	sdelay $0x3  }
0x33: {  	p0 =	seq.s32 s10, $0x1;
	s10 =	sld [smem:$0x3FAD];
	_ =	sdelay $0x3  }
0x34: {  	[smem:$0x3FAD] =	sst s10  }
0x35: {  	s10 =	sld [smem:$0x3FAC];
	_ =	sdelay $0x3  }
0x36: {  	p1 =	seq.s32 s10, $0x1;
	s10 =	sld [smem:$0x3FAD];
	_ =	sdelay $0x3  }
0x37: {  	[smem:$0x3FAD] =	sst s10  }
0x38: {  	s10 =	sld [smem:$0x3FAE]  }
0x39: {  	_ = 	snop;
	(pc) =	sbr.ind lr, $3  }
0x3a: {  	_ = 	snop  }
0x3b: {  	_ = 	snop  }
0x3c: {  	p2 =	seq.s32 s10, $0x1;
	s10 =	sld [smem:$0x3FAD]  }
0x3d: {  	_ =	shalt  }
0x3e: {  	_ =	shalt  }
0x3f: {  	_ =	shalt  }
0x40: {  	_ =	shalt  }
0x41: {  	_ =	shalt  }
0x42: {  	_ =	shalt  }
0x43: {  	_ =	shalt  }
0x44: {  	_ =	shalt  }
0x45: {  	_ =	shalt  }
0x46: {  	_ =	shalt  }
0x47: {  	_ =	shalt  }
0x48: {  	_ =	shalt  }
0x49: {  	_ =	shalt  }
0x4a: {  	_ =	shalt  }
0x4b: {  	_ =	shalt  }
0x4c: {  	_ =	shalt  }
0x4d: {  	_ =	shalt  }
0x4e: {  	_ =	shalt  }
0x4f: {  	_ =	shalt  }
0x50: {  	_ =	shalt  }
0x51: {  	_ =	shalt  }
0x52: {  	_ =	shalt  }
0x53: {  	_ =	shalt  }
0x54: {  	_ =	shalt  }
0x55: {  	_ =	shalt  }
0x56: {  	_ =	shalt  }
0x57: {  	_ =	shalt  }
0x58: {  	_ =	shalt  }
0x59: {  	_ =	shalt  }
0x5a: {  	_ =	shalt  }
0x5b: {  	_ =	shalt  }
0x5c: {  	_ =	shalt  }
0x5d: {  	_ =	shalt  }
0x5e: {  	_ =	shalt  }
0x5f: {  	_ =	shalt  }
0x60: {  	_ =	shalt  }
0x61: {  	_ =	shalt  }
0x62: {  	_ =	shalt  }
0x63: {  	_ =	shalt  }
0x64: {  	_ =	shalt  }
0x65: {  	_ =	shalt  }
0x66: {  	_ =	shalt  }
0x67: {  	_ =	shalt  }
0x68: {  	_ =	shalt  }
0x69: {  	_ =	shalt  }
0x6a: {  	_ =	shalt  }
0x6b: {  	_ =	shalt  }
0x6c: {  	_ =	shalt  }
0x6d: {  	_ =	shalt  }
0x6e: {  	_ =	shalt  }
0x6f: {  	_ =	shalt  }
0x70: {  	_ =	shalt  }
0x71: {  	_ =	shalt  }
0x72: {  	_ =	shalt  }
0x73: {  	_ =	shalt  }
0x74: {  	_ =	shalt  }
0x75: {  	_ =	shalt  }
0x76: {  	_ =	shalt  }
0x77: {  	_ =	shalt  }
0x78: {  	_ =	shalt  }
0x79: {  	_ =	shalt  }
0x7a: {  	_ =	shalt  }
0x7b: {  	_ =	shalt  }
0x7c: {  	_ =	shalt  }
0x7d: {  	_ =	shalt  }
0x7e: {  	_ =	shalt  }
0x7f: {  	_ =	shalt  }
0x80: {  	_ =	shalt  }
0x81: {  	_ =	shalt  }
0x82: {  	_ =	shalt  }
0x83: {  	_ =	shalt  }
0x84: {  	_ =	shalt  }
0x85: {  	_ =	shalt  }
0x86: {  	_ =	shalt  }
0x87: {  	_ =	shalt  }
.Lfunc_end0:
.L_simem_size_0:
called_computation.3_lowered:
.L_overlay_start_0:
0x88: {  	s2 =	sld [smem:$0x3FD9]  }
0x89: {  	s3 =	sld [smem:$0x3FFE];
	_ =	sdelay $0x1  }
0x8a: {  	s1 =	srdreg.scid  }
0x8b: {  	s0 =	sand.u32 $0x1, s1  }
0x8c: {  	s17 =	sshll.u32 s0, $0xA;
	s2 =	sadd.s32 s3, s2  }
0x8d: {  	s2 =	sadd.s32 s2, s17  }
0x8e: {  	[smem:$0x3FB9] =	sst s2  }
0x8f: {  	_ = 	snop  }
0x90: {  	s2 =	sld [smem:$0x3FD0];
	(tm) =	ssettm $0x1  }
0x91: {  	s18 =	sld [smem:$0x3FFB];
	_ =	sdelay $0x3  }
0x92: {  	_ =	strace s18  }
0x93: {  	s3 =	sld [smem:$0x3FFC];
	_ =	sdelay $0x3  }
0x94: {  	_ =	strace s3  }
0x95: {  	s3 =	sld [smem:$0x3FFD];
	_ =	sdelay $0x3  }
0x96: {  	_ =	strace s3  }
0x97: {  	_ =	strace $0x8FFFFFFF  }
0x98: {  	s19 =	sld [smem:$0x3FDB];
	_ =	sdelay $0x1  }
0x99: {  	s4 =	simm.s32 $_scs_section_size  }
0x9a: {  	s5 =	simm.s32 $_size__tile_overlayer_lowered;
	s6 =	simm.s32 $_tile_overlayer_lowered  }
0x9b: {  	s22 =	simm.s32 $0x1BFF;
	s21 =	sshll.u32 s6, $0x1;
	s3 =	sadd.s32 s4, s19  }
0x9c: {  	s7 =	simm.s32 $0x0;
	s20 =	sshll.u32 s5, $0x1;
	s5 =	sadd.s32 s21, s3  }
0x9d: {  	[timem:s7], [sflag:s22] =	dma.local [hbm:s5], s20  }
0x9e: {  	_ =	swait.ge [sflag:s22], s20  }
0x9f: {  	s4 =	ssub.s32 $0x0, s20;
	[sflag:s22] =	ssyncset.done $0x0  }
0xa0: {  	[sflag:s22] =	ssyncadd.s32 s4;
	_ =	sdelay $0x1  }
0xa1: {  	s23 =	simm.s32 $0x1B8B  }
0xa2: {  	_ =	swait.ge [sflag:s23], $0x1  }
0xa3: {  	[sflag:s23] =	ssyncset.done $0x0  }
0xa4: {  	s25 =	simm.s32 $0x1B8E;
	s24 =	sld [smem:$0x3FFE];
	[sflag:s23] =	ssyncadd.s32 $0xFFFFFFFF  }
0xa5: {  	s26 =	simm.s32 $execute0_lowered;
	[smem:$0x3FD2] =	sst s25  }
0xa6: {  	s5 =	sshll.u32 s26, $0x1;
	_ =	strace $0x8000004F;
	[dreg:$0x1] =	wrdreg $0xFFFFFFFF  }
0xa7: {  	s28 =	simm.s32 $_size_execute0_lowered;
	s3 =	sadd.s32 s3, s5;
	[dreg:$0x0] =	wrdreg $0x0  }
0xa8: {  	s5 =	sshll.u32 s28, $0x1;
	[dreg:$0x2] =	wrdreg s3  }
0xa9: {  	[dreg:$0x3] =	wrdreg s5  }
0xaa: {  	[dreg:$0x4] =	wrdreg $0xC0  }
0xab: {  	_ =	task [dreg:s7], $0x5FFFF  }
0xac: {  	[dreg:$0x1] =	wrdreg $0xFFFFFFFF  }
0xad: {  	[dreg:$0x0] =	wrdreg $0x60  }
0xae: {  	[dreg:$0x2] =	wrdreg s2  }
0xaf: {  	[dreg:$0x3] =	wrdreg s24  }
0xb0: {  	[dreg:$0x4] =	wrdreg $0xBC000  }
0xb1: {  	[dreg:$0x5] =	wrdreg $0x9  }
0xb2: {  	_ =	task.clear_ibuf [dreg:s7], $0x6FFFF;
	_ =	strace $0x9000004F  }
0xb3: {  	s29 =	simm.s32 $0x9;
	_ =	strace $0x80000051  }
0xb4: {  	_ =	swait.ge [sflag:s29], $0x1  }
0xb5: {  	[sflag:s29] =	ssyncadd.s32 $0xFFFFFFFF  }
0xb6: {  	_ =	strace $0x90000051  }
0xb7: {  	_ =	sfence  }
0xb8: {  	s30 =	sld [smem:$0x0];
	_ =	sdelay $0x2  }
0xb9: {  	s31 =	sshll.u32 s1, $0xD;
	s1 =	sshrl.u32 s1, $0x2  }
0xba: {  	s3 =	sand.u32 $0x4000, s31;
	s1 =	sadd.s32 s1, s30  }
0xbb: {  	s0 =	sor.u32 s3, s0;
	s1 =	sshll.u32 s1, $0x11  }
0xbc: {  	s0 =	sor.u32 s1, s0  }
0xbd: {  	s0 =	sadd.s32 $0x8F2B, s0  }
0xbe: {  	[sflag:s0] =	ssyncadd.remote.s32 $0x1  }
0xbf: {  	_ =	sfence.sel $0xFFFF  }
0xc0: {  	[dreg:$0x0] =	wrdreg $0xFFFFFFFF;
	(pc) =	sbr.abs _section_cstart, $3  }
0xc1: {  	[dreg:$0x1] =	wrdreg $0xFFFFFFFF  }
0xc2: {  	_ =	task.clear_ibuf [dreg:s7], $0x2FFFF;
	_ =	strace $0x9FFFFFFF  }
0xc3: {  	(tm) =	ssettm $0x7FFFFFFF  }
tec
execute0_lowered:
.L_overlay_start_1:
0x0: {  	(tag) =	ssettag $0x1  }
0x1: {  	s1 =	rddreg [dreg:$0x0]  }
0x2: {  	s0 =	rddreg [dreg:$0x1]  }
0x3: {  	s2 =	rddreg [dreg:$0x2]  }
0x4: {  	s3 =	simm.s32 $0x0;
	s4 =	srdreg.scid;
	s11 =	stileid.u32  }
0x5: {  	s28 =	simm.s32 $0x400;
	s29 =	simm.s32 $0x4;
	s30 =	simm.s32 $0x2C00  }
0x6: {  	s31 =	simm.s32 $0x100;
	[smem:$0x7FF] =	sst s3;
	s6 =	sand.u32 $0x1, s4  }
0x7: {  	s4 =	sadd.s32 $0xD600, s0;
	s5 =	sadd.s32 $0x3800, s0;
	s16 =	smul.u32 $0x4E000, s11  }
0x8: {  	s8 =	sadd.s32 $0x17400, s0;
	s10 =	sshll.u32 s11, $0x1;
	s12 =	smul.u32 $0x270, s11  }
0x9: {  	p0 =	sne.s32 s11, $0x0;
	_ =	strace $0x80000050;
	s7 =	smul.u32 $0x27100, s6  }
0xa: {  	[dreg:$0xa] =	wrdreg s8;
	s15 =	ssub.s32 $0x2, s6;
	s17 =	sor.u32 s6, s10  }
0xb: {  	s6 =	smul.u32 $0x2710, s6;
	s9 =	sshrl.u32 s15, $0x1;
	s8 =	sshrl.u32 s16, $0x2  }
0xc: {  	s14 =	smul.u32 $0x2710, s17;
	s16 =	sadd.s32 $0xD0, s12;
	s12 =	sadd.s32 $0x1A0, s12  }
0xd: {  	s0 =	sadd.s32 s7, s0;
	s13 =	ssub.s32 s15, s9;
	s23 =	sadd.s32 s8, s2  }
0xe: {  	s18 =	sshll.u32 s16, $0x7;
	s15 =	smul.u32 $0x4E20, s11;
	s19 =	sshll.u32 s12, $0x7  }
0xf: {  	s8 =	sadd.s32 $0x138000, s2;
	s16 =	sshll.u32 s16, $0x4;
	s12 =	sshll.u32 s12, $0x4  }
0x10: {  	s25 =	sadd.s32 s18, s2;
	s7 =	sadd.s32 s19, s2;
	s14 =	sshrl.u32 s14, $0x3  }
0x11: {  	s9 =	sadd.s32 $0x18200, s0;
	s13 =	smax.u32 s13, $0x1;
	[dreg:$0xc] =	wrdreg s8  }
0x12: {  	s20 =	sadd.s32 s4, s14;
	s17 =	sadd.s32 $0xA, s14;
	[dreg:$0x12] =	wrdreg s13  }
0x13: {  	s6 =	sadd.s32 s6, s15;
	s21 =	sadd.s32 s5, s14;
	[dreg:$0x11] =	wrdreg s9  }
0x14: {  	s14 =	smul.u32 $0x2700, s11;
	s11 =	simm.s32 $0x3;
	[dreg:$0xd] =	wrdreg s20  }
0x15: {  	s13 =	simm.s32 $0x380;
	[dreg:$0xe] =	wrdreg s21;
	s22 =	sadd.s32 s4, s17  }
0x16: {  	s24 =	sadd.s32 $0x190, s6;
	s26 =	sadd.s32 s5, s17;
	s18 =	sadd.s32 $0xF0, s6  }
0x17: {  	s21 =	sadd.s32 $0xA0, s6;
	s17 =	smov.u32 s7;
	[dreg:$0xf] =	wrdreg s22  }
0x18: {  	s6 =	sadd.s32 $0x140, s6;
	[dreg:$0x10] =	wrdreg s26;
	s10 =	sshrl.u32 s24, $0x3  }
0x19: {  	s19 =	sshrl.u32 s18, $0x3;
	s24 =	sshrl.u32 s21, $0x3;
	[dreg:$0x13] =	wrdreg s6  }
0x1a: {  	s18 =	simm.s32 $0x5400;
	[dreg:$0xb] =	wrdreg s17;
	s15 =	sadd.s32 s10, s5  }
0x1b: {  	s21 =	simm.s32 $0x80;
	s0 =	sadd.s32 s10, s4;
	[dreg:$0x4] =	wrdreg s15  }
0x1c: {  	s6 =	simm.s32 $0x1;
	s20 =	sadd.s32 s19, s5;
	[dreg:$0x5] =	wrdreg s0  }
0x1d: {  	s22 =	sadd.s32 s19, s4;
	s26 =	sadd.s32 s24, s5;
	[dreg:$0x6] =	wrdreg s20  }
0x1e: {  	s10 =	sadd.s32 s24, s4;
	s19 =	simm.s32 $0x5;
	[dreg:$0x7] =	wrdreg s22  }
0x1f: {  	s24 =	sadd.s32 s16, s9;
	s16 =	simm.s32 $0x0;
	[dreg:$0x8] =	wrdreg s26  }
0x20: {  	[dreg:$0x9] =	wrdreg s10;
	s20 =	simm.s32 $0x200;
	s22 =	simm.s32 $0x280  }
0x21: {  	s15 =	sadd.s32 s14, s9;
	[dreg:$0x15] =	wrdreg s24;
	s26 =	sadd.s32 s12, s9  }
0x22: {  	s0 =	simm.s32 $0x300;
	s12 =	simm.s32 $0x180;
	[dreg:$0x14] =	wrdreg s15  }
0x23: {  	s14 =	simm.s32 $0x2;
	[dreg:$0x16] =	wrdreg s26;
	s26 =	simm.s32 $0x50  }
.LBB2_1:
0x24: {  	s7 =	rddreg [dreg:$0xa]  }
0x25: {  	[tilespmem:s18], [sflag:$0x5] =	stream.linear.gather [hbm4b:s7+s3], $0x6800, $0x38;
	[tilespmem:$0x1F480] =	vst v63  }
0x26: {  	_ =	swait.ge [sflag:s19], $0x6800  }
0x27: {  	[sflag:s19] =	ssyncset.done $0x0  }
0x28: {  	[sflag:s19] =	ssyncadd.s32 $0xFFFF9800  }
0x29: {  	[spmem:s23] =	stream.linear.scatter [tilespmem:s18], [sflag:$0x5], $0x6800, $0x38;
	[tilespmem:$0x1F480] =	vst v63  }
0x2a: {  	_ =	swait.ge [sflag:s19], $0x6800  }
0x2b: {  	[sflag:s19] =	ssyncset.done $0x0  }
0x2c: {  	[sflag:s19] =	ssyncadd.s32 $0xFFFF9800  }
0x2d: {  	[spmem:s25] =	stream.linear.scatter [tilespmem:s18], [sflag:$0x5], $0x6800, $0x38;
	[tilespmem:$0x1F480] =	vst v63  }
0x2e: {  	_ =	swait.ge [sflag:s19], $0x6800  }
0x2f: {  	[sflag:s19] =	ssyncset.done $0x0  }
0x30: {  	[sflag:s19] =	ssyncadd.s32 $0xFFFF9800  }
0x31: {  	[spmem:s17] =	stream.linear.scatter [tilespmem:s18], [sflag:$0x5], $0x6800, $0x38;
	[tilespmem:$0x1F480] =	vst v63  }
0x32: {  	_ =	swait.ge [sflag:s19], $0x6800  }
0x33: {  	[sflag:s19] =	ssyncset.done $0x0  }
0x34: {  	s17 =	simm.s32 @!p0 $0x5400;
	[sflag:s19] =	ssyncadd.s32 $0xFFFF9800  }
0x35: {  	[spmem:s8] =	stream.linear.scatter @!p0 [tilespmem:s17], [sflag:$0x5], $0x800, $0x38;
	[tilespmem:$0x1F480] =	vst v63  }
0x36: {  	s17 =	simm.s32 @!p0 $0x5  }
0x37: {  	_ =	swait.ge @!p0 [sflag:s17], $0x800  }
0x38: {  	[sflag:s17] =	ssyncset.done @!p0 $0x0  }
0x39: {  	[sflag:s17] =	ssyncadd.s32 @!p0 $0xFFFFF800;
	s17 =	rddreg [dreg:$0xd]  }
0x3a: {  	[tilespmem:s3], [sflag:$0x5] =	stream.linear.gather [hbm4b:s17+s3], $0x50, $0x38;
	[tilespmem:$0x1F480] =	vst v63  }
0x3b: {  	_ =	swait.ge [sflag:s19], $0x50  }
0x3c: {  	[sflag:s19] =	ssyncset.done $0x0  }
0x3d: {  	s10 =	smov.u32 s23;
	s23 =	rddreg [dreg:$0xe];
	[sflag:s19] =	ssyncadd.s32 $0xFFFFFFB0  }
0x3e: {  	[tilespmem:s20], [sflag:$0x5] =	stream.linear.gather [hbm4b:s23+s3], $0x50, $0x38;
	[tilespmem:$0x1F480] =	vst v63  }
0x3f: {  	_ =	swait.ge [sflag:s19], $0x50  }
0x40: {  	[sflag:s19] =	ssyncset.done $0x0  }
0x41: {  	s24 =	smov.u32 s25;
	s25 =	rddreg [dreg:$0xf];
	[sflag:s19] =	ssyncadd.s32 $0xFFFFFFB0  }
0x42: {  	[tilespmem:s21], [sflag:$0x4] =	stream.linear.gather [hbm4b:s25+s3], $0x50, $0x38;
	[tilespmem:$0x1F480] =	vst v63  }
0x43: {  	s8 =	rddreg [dreg:$0x10]  }
0x44: {  	[tilespmem:s22], [sflag:$0x4] =	stream.linear.gather [hbm4b:s8+s3], $0x50, $0x38;
	[tilespmem:$0x1F480] =	vst v63  }
0x45: {  	_ = 	snop  }
0x46: {  	[tilespmem:s28], [sflag:$0x1] =	stream.indirect.gather [hbm4b:s1+s26], $0x80, s3, s26, $0xb8;
	[tilespmem:$0x1F480] =	vst v63  }
0x47: {  	[bflag:$0x0] =	sbarrier.arrive $0xFFFF  }
0x48: {  	_ =	swait.ge [sflag:s29], $0x50  }
0x49: {  	[sflag:s29] =	ssyncset.done $0x0  }
0x4a: {  	[sflag:s29] =	ssyncadd.s32 $0xFFFFFFB0  }
0x4b: {  	_ =	swait.ge [sflag:s29], $0x50  }
0x4c: {  	[sflag:s29] =	ssyncset.done $0x0  }
0x4d: {  	s9 =	rddreg [dreg:$0x9];
	[sflag:s29] =	ssyncadd.s32 $0xFFFFFFB0  }
0x4e: {  	[tilespmem:s30], [sflag:$0x2] =	stream.indirect.gather [hbm4b:s1+s26], $0x80, s21, s26, $0xb8;
	[tilespmem:$0x1F480] =	vst v63  }
0x4f: {  	s15 =	rddreg [dreg:$0x8];
	s17 =	sadd.s32 $0x0, s9  }
0x50: {  	[tilespmem:s31], [sflag:$0x3] =	stream.linear.gather [hbm4b:s17+s3], $0x50, $0x38;
	[tilespmem:$0x1F480] =	vst v63  }
0x51: {  	s23 =	sadd.s32 $0x0, s15  }
0x52: {  	[tilespmem:s0], [sflag:$0x3] =	stream.linear.gather [hbm4b:s23+s3], $0x50, $0x38;
	[tilespmem:$0x1F480] =	vst v63  }
0x53: {  	_ =	swait.ge [sflag:s6], $0x2800  }
0x54: {  	[sflag:s6] =	ssyncset.done $0x0  }
0x55: {  	[sflag:s6] =	ssyncadd.s32 $0xFFFFD800  }
0x56: {  	[spmem:s2] =	stream.indirect.scatter.add.f32 [tilespmem:s28], [sflag:$0x5], $0x80, s20, s26, $0xb8;
	[tilespmem:$0x1F480] =	vst v63  }
0x57: {  	_ =	swait.ge [sflag:s19], $0x2800  }
0x58: {  	[sflag:s19] =	ssyncset.done $0x0  }
0x59: {  	[sflag:s19] =	ssyncadd.s32 $0xFFFFD800  }
0x5a: {  	_ =	swait.ge [sflag:s11], $0x50  }
0x5b: {  	[sflag:s11] =	ssyncset.done $0x0  }
0x5c: {  	[sflag:s11] =	ssyncadd.s32 $0xFFFFFFB0  }
0x5d: {  	_ =	swait.ge [sflag:s11], $0x50  }
0x5e: {  	[sflag:s11] =	ssyncset.done $0x0  }
0x5f: {  	s25 =	rddreg [dreg:$0x7];
	[sflag:s11] =	ssyncadd.s32 $0xFFFFFFB0  }
0x60: {  	[tilespmem:s28], [sflag:$0x1] =	stream.indirect.gather [hbm4b:s1+s26], $0x80, s31, s26, $0xb8;
	[tilespmem:$0x1F480] =	vst v63  }
0x61: {  	s7 =	rddreg [dreg:$0x6];
	s17 =	sadd.s32 $0x0, s25  }
0x62: {  	[tilespmem:s12], [sflag:$0x4] =	stream.linear.gather [hbm4b:s17+s3], $0x50, $0x38;
	[tilespmem:$0x1F480] =	vst v63  }
0x63: {  	s8 =	sadd.s32 $0x0, s7  }
0x64: {  	[tilespmem:s13], [sflag:$0x4] =	stream.linear.gather [hbm4b:s8+s3], $0x50, $0x38;
	[tilespmem:$0x1F480] =	vst v63  }
0x65: {  	_ =	swait.ge [sflag:s14], $0x2800  }
0x66: {  	[sflag:s14] =	ssyncset.done $0x0  }
0x67: {  	[sflag:s14] =	ssyncadd.s32 $0xFFFFD800  }
0x68: {  	[spmem:s2] =	stream.indirect.scatter.add.f32 [tilespmem:s30], [sflag:$0x5], $0x80, s22, s26, $0xb8;
	[tilespmem:$0x1F480] =	vst v63  }
0x69: {  	_ =	swait.ge [sflag:s19], $0x2800  }
0x6a: {  	[sflag:s19] =	ssyncset.done $0x0  }
0x6b: {  	[sflag:s19] =	ssyncadd.s32 $0xFFFFD800  }
0x6c: {  	_ =	swait.ge [sflag:s29], $0x50  }
0x6d: {  	[sflag:s29] =	ssyncset.done $0x0  }
0x6e: {  	[sflag:s29] =	ssyncadd.s32 $0xFFFFFFB0  }
0x6f: {  	_ =	swait.ge [sflag:s29], $0x50  }
0x70: {  	[sflag:s29] =	ssyncset.done $0x0;
	s9 =	rddreg [dreg:$0x13]  }
0x71: {  	[sflag:s29] =	ssyncadd.s32 $0xFFFFFFB0;
	s15 =	sshrl.u32 s9, $0x3  }
0x72: {  	[tilespmem:s30], [sflag:$0x2] =	stream.indirect.gather [hbm4b:s1+s26], $0x80, s12, s26, $0xb8;
	[tilespmem:$0x1F480] =	vst v63  }
0x73: {  	s25 =	sadd.s32 s4, s15  }
0x74: {  	[tilespmem:s3], [sflag:$0x3] =	stream.linear.gather [hbm4b:s25+s3], $0x50, $0x38;
	[tilespmem:$0x1F480] =	vst v63  }
0x75: {  	s17 =	sadd.s32 s5, s15  }
0x76: {  	[tilespmem:s20], [sflag:$0x3] =	stream.linear.gather [hbm4b:s17+s3], $0x50, $0x38;
	[tilespmem:$0x1F480] =	vst v63  }
0x77: {  	_ =	swait.ge [sflag:s6], $0x2800  }
0x78: {  	[sflag:s6] =	ssyncset.done $0x0  }
0x79: {  	[sflag:s6] =	ssyncadd.s32 $0xFFFFD800  }
0x7a: {  	[spmem:s2] =	stream.indirect.scatter.add.f32 [tilespmem:s28], [sflag:$0x5], $0x80, s0, s26, $0xb8;
	[tilespmem:$0x1F480] =	vst v63  }
0x7b: {  	_ =	swait.ge [sflag:s19], $0x2800  }
0x7c: {  	[sflag:s19] =	ssyncset.done $0x0  }
0x7d: {  	[sflag:s19] =	ssyncadd.s32 $0xFFFFD800  }
0x7e: {  	_ =	swait.ge [sflag:s11], $0x50  }
0x7f: {  	[sflag:s11] =	ssyncset.done $0x0  }
0x80: {  	[sflag:s11] =	ssyncadd.s32 $0xFFFFFFB0  }
0x81: {  	_ =	swait.ge [sflag:s11], $0x50  }
0x82: {  	p1 =	por $0x0, $0x0;
	[sflag:s11] =	ssyncset.done $0x0  }
0x83: {  	s15 =	simm.s32 @!p1 $0x80;
	s17 =	rddreg [dreg:$0x5];
	[sflag:s11] =	ssyncadd.s32 $0xFFFFFFB0  }
0x84: {  	[tilespmem:s28], [sflag:$0x1] =	stream.indirect.gather [hbm4b:s1+s26], $0x80, s3, s26, $0xb8;
	[tilespmem:$0x1F480] =	vst v63  }
0x85: {  	s25 =	simm.s32 @!p1 $0x0;
	s23 =	rddreg [dreg:$0x4];
	s17 =	sadd.s32 @!p1 $0x0, s17  }
0x86: {  	[tilespmem:s15], [sflag:$0x4] =	stream.linear.gather @!p1 [hbm4b:s17+s25], $0x50, $0x38;
	[tilespmem:$0x1F480] =	vst v63  }
0x87: {  	s15 =	sadd.s32 @!p1 $0x0, s23;
	s17 =	simm.s32 @!p1 $0x280  }
0x88: {  	[tilespmem:s17], [sflag:$0x4] =	stream.linear.gather @!p1 [hbm4b:s15+s25], $0x50, $0x38;
	[tilespmem:$0x1F480] =	vst v63  }
0x89: {  	_ =	swait.ge [sflag:s14], $0x2800  }
0x8a: {  	[sflag:s14] =	ssyncset.done $0x0  }
0x8b: {  	[sflag:s14] =	ssyncadd.s32 $0xFFFFD800  }
0x8c: {  	[spmem:s2] =	stream.indirect.scatter.add.f32 [tilespmem:s30], [sflag:$0x5], $0x80, s13, s26, $0xb8;
	[tilespmem:$0x1F480] =	vst v63  }
0x8d: {  	_ =	swait.ge [sflag:s19], $0x2800  }
0x8e: {  	s23 =	simm.s32 $0x28;
	s17 =	smov.u32 s9;
	[sflag:s19] =	ssyncset.done $0x0  }
.LBB2_2:
0x8f: {  	[sflag:s19] =	ssyncadd.s32 $0xFFFFD800  }
0x90: {  	_ =	swait.ge [sflag:s29], $0x50  }
0x91: {  	[sflag:s29] =	ssyncset.done $0x0  }
0x92: {  	[sflag:s29] =	ssyncadd.s32 $0xFFFFFFB0  }
0x93: {  	_ =	swait.ge [sflag:s29], $0x50  }
0x94: {  	[sflag:s29] =	ssyncset.done $0x0  }
0x95: {  	s25 =	smov.u32 s23;
	s15 =	rddreg [dreg:$0x9];
	[sflag:s29] =	ssyncadd.s32 $0xFFFFFFB0  }
0x96: {  	[tilespmem:s30], [sflag:$0x2] =	stream.indirect.gather [hbm4b:s1+s26], $0x80, s21, s26, $0xb8;
	[tilespmem:$0x1F480] =	vst v63  }
0x97: {  	s7 =	rddreg [dreg:$0x8];
	s15 =	sadd.s32 s25, s15  }
0x98: {  	[tilespmem:s31], [sflag:$0x3] =	stream.linear.gather [hbm4b:s15+s3], $0x50, $0x38;
	[tilespmem:$0x1F480] =	vst v63  }
0x99: {  	s7 =	sadd.s32 s25, s7  }
0x9a: {  	[tilespmem:s0], [sflag:$0x3] =	stream.linear.gather [hbm4b:s7+s3], $0x50, $0x38;
	[tilespmem:$0x1F480] =	vst v63  }
0x9b: {  	_ =	swait.ge [sflag:s6], $0x2800  }
0x9c: {  	[sflag:s6] =	ssyncset.done $0x0  }
0x9d: {  	[sflag:s6] =	ssyncadd.s32 $0xFFFFD800  }
0x9e: {  	[spmem:s2] =	stream.indirect.scatter.add.f32 [tilespmem:s28], [sflag:$0x5], $0x80, s20, s26, $0xb8;
	[tilespmem:$0x1F480] =	vst v63  }
0x9f: {  	_ =	swait.ge [sflag:s19], $0x2800  }
0xa0: {  	[sflag:s19] =	ssyncset.done $0x0  }
0xa1: {  	[sflag:s19] =	ssyncadd.s32 $0xFFFFD800  }
0xa2: {  	_ =	swait.ge [sflag:s11], $0x50  }
0xa3: {  	[sflag:s11] =	ssyncset.done $0x0  }
0xa4: {  	[sflag:s11] =	ssyncadd.s32 $0xFFFFFFB0  }
0xa5: {  	_ =	swait.ge [sflag:s11], $0x50  }
0xa6: {  	[sflag:s11] =	ssyncset.done $0x0  }
0xa7: {  	s8 =	rddreg [dreg:$0x7];
	[sflag:s11] =	ssyncadd.s32 $0xFFFFFFB0  }
0xa8: {  	[tilespmem:s28], [sflag:$0x1] =	stream.indirect.gather [hbm4b:s1+s26], $0x80, s31, s26, $0xb8;
	[tilespmem:$0x1F480] =	vst v63  }
0xa9: {  	s9 =	rddreg [dreg:$0x6];
	s7 =	sadd.s32 s25, s8  }
0xaa: {  	[tilespmem:s12], [sflag:$0x4] =	stream.linear.gather [hbm4b:s7+s3], $0x50, $0x38;
	[tilespmem:$0x1F480] =	vst v63  }
0xab: {  	s15 =	sadd.s32 s25, s9  }
0xac: {  	[tilespmem:s13], [sflag:$0x4] =	stream.linear.gather [hbm4b:s15+s3], $0x50, $0x38;
	[tilespmem:$0x1F480] =	vst v63  }
0xad: {  	_ =	swait.ge [sflag:s14], $0x2800  }
0xae: {  	[sflag:s14] =	ssyncset.done $0x0  }
0xaf: {  	[sflag:s14] =	ssyncadd.s32 $0xFFFFD800  }
0xb0: {  	[spmem:s2] =	stream.indirect.scatter.add.f32 [tilespmem:s30], [sflag:$0x5], $0x80, s22, s26, $0xb8;
	[tilespmem:$0x1F480] =	vst v63  }
0xb1: {  	_ =	swait.ge [sflag:s19], $0x2800  }
0xb2: {  	[sflag:s19] =	ssyncset.done $0x0  }
0xb3: {  	[sflag:s19] =	ssyncadd.s32 $0xFFFFD800  }
0xb4: {  	_ =	swait.ge [sflag:s29], $0x50  }
0xb5: {  	[sflag:s29] =	ssyncset.done $0x0  }
0xb6: {  	[sflag:s29] =	ssyncadd.s32 $0xFFFFFFB0  }
0xb7: {  	_ =	swait.ge [sflag:s29], $0x50  }
0xb8: {  	s17 =	sadd.s32 $0x140, s17;
	[sflag:s29] =	ssyncset.done $0x0  }
0xb9: {  	s8 =	sshrl.u32 s17, $0x3;
	[sflag:s29] =	ssyncadd.s32 $0xFFFFFFB0  }
0xba: {  	[tilespmem:s30], [sflag:$0x2] =	stream.indirect.gather [hbm4b:s1+s26], $0x80, s12, s26, $0xb8;
	[tilespmem:$0x1F480] =	vst v63  }
0xbb: {  	s9 =	sadd.s32 s4, s8  }
0xbc: {  	[tilespmem:s3], [sflag:$0x3] =	stream.linear.gather [hbm4b:s9+s3], $0x50, $0x38;
	[tilespmem:$0x1F480] =	vst v63  }
0xbd: {  	s7 =	sadd.s32 s5, s8  }
0xbe: {  	[tilespmem:s20], [sflag:$0x3] =	stream.linear.gather [hbm4b:s7+s3], $0x50, $0x38;
	[tilespmem:$0x1F480] =	vst v63  }
0xbf: {  	_ =	swait.ge [sflag:s6], $0x2800  }
0xc0: {  	[sflag:s6] =	ssyncset.done $0x0  }
0xc1: {  	[sflag:s6] =	ssyncadd.s32 $0xFFFFD800  }
0xc2: {  	[spmem:s2] =	stream.indirect.scatter.add.f32 [tilespmem:s28], [sflag:$0x5], $0x80, s0, s26, $0xb8;
	[tilespmem:$0x1F480] =	vst v63  }
0xc3: {  	_ =	swait.ge [sflag:s19], $0x2800  }
0xc4: {  	[sflag:s19] =	ssyncset.done $0x0  }
0xc5: {  	[sflag:s19] =	ssyncadd.s32 $0xFFFFD800  }
0xc6: {  	_ =	swait.ge [sflag:s11], $0x50  }
0xc7: {  	[sflag:s11] =	ssyncset.done $0x0  }
0xc8: {  	[sflag:s11] =	ssyncadd.s32 $0xFFFFFFB0  }
0xc9: {  	_ =	swait.ge [sflag:s11], $0x50  }
0xca: {  	p2 =	seq.s32 s25, $0x4B0;
	[sflag:s11] =	ssyncset.done $0x0  }
0xcb: {  	s8 =	simm.s32 @!p2 $0x0;
	s7 =	rddreg [dreg:$0x5];
	[sflag:s11] =	ssyncadd.s32 $0xFFFFFFB0  }
0xcc: {  	[tilespmem:s28], [sflag:$0x1] =	stream.indirect.gather [hbm4b:s1+s26], $0x80, s3, s26, $0xb8;
	[tilespmem:$0x1F480] =	vst v63  }
0xcd: {  	s9 =	simm.s32 @!p2 $0x80;
	s15 =	rddreg [dreg:$0x4];
	s7 =	sadd.s32 @!p2 s25, s7  }
0xce: {  	[tilespmem:s9], [sflag:$0x4] =	stream.linear.gather @!p2 [hbm4b:s7+s8], $0x50, $0x38;
	[tilespmem:$0x1F480] =	vst v63  }
0xcf: {  	s23 =	sadd.s32 $0x28, s23;
	s7 =	sadd.s32 @!p2 s25, s15;
	s9 =	simm.s32 @!p2 $0x280  }
0xd0: {  	[tilespmem:s9], [sflag:$0x4] =	stream.linear.gather @!p2 [hbm4b:s7+s8], $0x50, $0x38;
	[tilespmem:$0x1F480] =	vst v63  }
0xd1: {  	p1 =	sne.s32 s23, $0x4D8;
	_ =	swait.ge [sflag:s14], $0x2800  }
.Ltmp0:
0xd2: {  	[sflag:s14] =	ssyncset.done $0x0;
	(pc) =	sbr.rel @p1 .LBB2_2-.Ltmp0, $4  }
0xd3: {  	[sflag:s14] =	ssyncadd.s32 $0xFFFFD800  }
0xd4: {  	[spmem:s2] =	stream.indirect.scatter.add.f32 [tilespmem:s30], [sflag:$0x5], $0x80, s13, s26, $0xb8;
	[tilespmem:$0x1F480] =	vst v63  }
0xd5: {  	_ =	swait.ge [sflag:s19], $0x2800  }
0xd6: {  	[sflag:s19] =	ssyncset.done $0x0  }
0xd7: {  	[sflag:s19] =	ssyncadd.s32 $0xFFFFD800  }
0xd8: {  	_ =	swait.ge [sflag:s6], $0x2800  }
0xd9: {  	[sflag:s6] =	ssyncset.done $0x0  }
0xda: {  	[sflag:s6] =	ssyncadd.s32 $0xFFFFD800  }
0xdb: {  	[spmem:s2] =	stream.indirect.scatter.add.f32 [tilespmem:s28], [sflag:$0x5], $0x80, s20, s26, $0xb8;
	[tilespmem:$0x1F480] =	vst v63  }
0xdc: {  	_ =	swait.ge [sflag:s19], $0x2800  }
0xdd: {  	[sflag:s19] =	ssyncset.done $0x0  }
0xde: {  	[sflag:s19] =	ssyncadd.s32 $0xFFFFD800  }
0xdf: {  	[bflag:$0x0] =	sbarrier.arrive $0xFFFF  }
0xe0: {  	[tilespmem:s18], [sflag:$0x5] =	stream.linear.gather [spmem:s10], $0x6800, $0x38;
	[tilespmem:$0x1F480] =	vst v63  }
0xe1: {  	_ =	swait.ge [sflag:s19], $0x6800  }
0xe2: {  	[sflag:s19] =	ssyncset.done $0x0  }
0xe3: {  	s7 =	rddreg [dreg:$0x14];
	[sflag:s19] =	ssyncadd.s32 $0xFFFF9800  }
0xe4: {  	[hbm4b:s7+s3] =	stream.linear.scatter [tilespmem:s18], [sflag:$0x5], $0x6800, $0x38;
	[tilespmem:$0x1F480] =	vst v63  }
0xe5: {  	_ =	swait.ge [sflag:s19], $0x6800  }
0xe6: {  	[sflag:s19] =	ssyncset.done $0x0  }
0xe7: {  	[sflag:s19] =	ssyncadd.s32 $0xFFFF9800  }
0xe8: {  	[tilespmem:s18], [sflag:$0x5] =	stream.linear.gather [spmem:s24], $0x6800, $0x38;
	[tilespmem:$0x1F480] =	vst v63  }
0xe9: {  	_ =	swait.ge [sflag:s19], $0x6800  }
0xea: {  	[sflag:s19] =	ssyncset.done $0x0  }
0xeb: {  	s23 =	smov.u32 s10;
	s10 =	rddreg [dreg:$0x15];
	[sflag:s19] =	ssyncadd.s32 $0xFFFF9800  }
0xec: {  	[hbm4b:s10+s3] =	stream.linear.scatter [tilespmem:s18], [sflag:$0x5], $0x6800, $0x38;
	[tilespmem:$0x1F480] =	vst v63  }
0xed: {  	_ =	swait.ge [sflag:s19], $0x6800  }
0xee: {  	[sflag:s19] =	ssyncset.done $0x0  }
0xef: {  	s17 =	rddreg [dreg:$0xb];
	[sflag:s19] =	ssyncadd.s32 $0xFFFF9800  }
0xf0: {  	[tilespmem:s18], [sflag:$0x5] =	stream.linear.gather [spmem:s17], $0x6800, $0x38;
	[tilespmem:$0x1F480] =	vst v63  }
0xf1: {  	_ =	swait.ge [sflag:s19], $0x6800  }
0xf2: {  	[sflag:s19] =	ssyncset.done $0x0  }
0xf3: {  	s15 =	rddreg [dreg:$0x16];
	[sflag:s19] =	ssyncadd.s32 $0xFFFF9800  }
0xf4: {  	[hbm4b:s15+s3] =	stream.linear.scatter [tilespmem:s18], [sflag:$0x5], $0x6800, $0x38;
	[tilespmem:$0x1F480] =	vst v63  }
0xf5: {  	_ =	swait.ge [sflag:s19], $0x6800  }
0xf6: {  	s8 =	simm.s32 @!p0 $0x5;
	[sflag:s19] =	ssyncset.done $0x0  }
0xf7: {  	s7 =	simm.s32 @!p0 $0x5400;
	s10 =	rddreg [dreg:$0xc];
	[sflag:s19] =	ssyncadd.s32 $0xFFFF9800  }
0xf8: {  	[tilespmem:s7], [sflag:$0x5] =	stream.linear.gather @!p0 [spmem:s10], $0x800, $0x38;
	[tilespmem:$0x1F480] =	vst v63  }
0xf9: {  	_ =	swait.ge @!p0 [sflag:s8], $0x800  }
0xfa: {  	[sflag:s8] =	ssyncset.done @!p0 $0x0;
	s9 =	rddreg [dreg:$0x11]  }
0xfb: {  	s15 =	simm.s32 @!p0 $0x0;
	[sflag:s8] =	ssyncadd.s32 @!p0 $0xFFFFF800;
	s9 =	sadd.s32 @!p0 $0x27000, s9  }
0xfc: {  	[hbm4b:s9+s15] =	stream.linear.scatter @!p0 [tilespmem:s7], [sflag:$0x5], $0x800, $0x38;
	[tilespmem:$0x1F480] =	vst v63  }
0xfd: {  	_ =	swait.ge @!p0 [sflag:s8], $0x800  }
0xfe: {  	s25 =	smov.u32 s24;
	s16 =	sadd.s32 $0x1, s16;
	s24 =	rddreg [dreg:$0x12]  }
0xff: {  	p1 =	sne.s32 s16, s24  }
.Ltmp1:
0x100: {  	_ = 	snop;
	(pc) =	sbr.rel @p1 .LBB2_1-.Ltmp1, $3  }
0x101: {  	_ =	sdelay $0x1  }
0x102: {  	[sflag:s8] =	ssyncset.done @!p0 $0x0  }
0x103: {  	[sflag:s8] =	ssyncadd.s32 @!p0 $0xFFFFF800;
	s8 =	smov.u32 s10  }
0x104: {  	_ =	sfence.sel $0x180000  }
0x105: {  	[bflag:$0x0] =	sbarrier.arrive $0xFFFF  }
0x106: {  	_ =	strace $0x90000050  }
0x107: {  	[bflag:$0x2] =	sbarrier.arrive $0xFFFF  }
0x108: {  	s0 =	rddreg [dreg:$0x3]  }
0x109: {  	s0 =	sadd.s32 @!p0 $0x100000, s0  }
0x10a: {  	[sflag:s0] =	ssyncadd.tile.s32 @!p0 $0x1;
	_ =	shalt  }
.Lfunc_end2:
_tile_overlayer_lowered:
.L_overlay_start_2:
0x10b: {  	(tag) =	ssettag $0x2  }
0x10c: {  	s0 =	rddreg [dreg:$0x0];
	s2 =	stileid.u32  }
0x10d: {  	s1 =	rddreg [dreg:$0x1];
	p0 =	sne.s32 s2, $0x0  }
0x10e: {  	s3 =	rddreg [dreg:$0x2];
	[bflag:$0x3] =	sbarrier.arrive $0xFFFF;
	s2 =	simm.s32 @!p0 $0x1C05  }
0x10f: {  	[timem:s3], [sflag:s2] =	dma.local @!p0 [hbm:s0], s1  }
0x110: {  	s0 =	simm.s32 @!p0 $0x5  }
0x111: {  	_ =	swait.ge @!p0 [sflag:s0], s1  }
0x112: {  	s1 =	ssub.s32 @!p0 $0x0, s1;
	[sflag:s0] =	ssyncset.done @!p0 $0x0  }
0x113: {  	[sflag:s0] =	ssyncadd.s32 @!p0 s1  }
0x114: {  	[bflag:$0x3] =	sbarrier.arrive $0xFFFF  }
0x115: {  	_ =	shalt  }

// kernel: kernel.9.cloned.1.call-start
scs
__scs_entry_jumppad:
0x0: {  	(pc) =	sbr.rel $0x88, $3  }
0x1: {  	(tag) =	ssettag $0x0;
	lr =	simm.s32 $0x1  }
0x2: {  	[smem:$0x3F92] =	sst lr;
	_ =	strace $0xD0000000  }
0x3: {  	_ = 	snop  }
0x4: {  	_ = 	snop  }
0x5: {  	_ = 	snop  }
0x6: {  	_ = 	snop  }
0x7: {  	_ = 	snop  }
__scs_overlays_trampoline_lowered:
0x8: {  	[smem:$0x3FA1] =	sst s0  }
0x9: {  	[smem:$0x3FA2] =	sst s1  }
0xa: {  	[smem:$0x3FA3] =	sst s2  }
0xb: {  	[smem:$0x3FA4] =	sst s3  }
0xc: {  	[smem:$0x3FA5] =	sst s4  }
0xd: {  	[smem:$0x3FA6] =	sst s5  }
0xe: {  	[smem:$0x3FA7] =	sst s6  }
0xf: {  	[smem:$0x3FA8] =	sst s7  }
0x10: {  	[smem:$0x3FA9] =	sst s8  }
0x11: {  	[smem:$0x3FAA] =	sst s9;
	s0 =	simm.s32 @!p0 $0x0  }
0x12: {  	s1 =	sld [smem:$0x3F90];
	s0 =	simm.s32 @p0 $0x1  }
0x13: {  	[smem:$0x3FAB] =	sst s0;
	s0 =	simm.s32 @!p1 $0x0  }
0x14: {  	s2 =	sld [smem:$0x3F8F];
	s0 =	simm.s32 @p1 $0x1  }
0x15: {  	[smem:$0x3FAC] =	sst s0;
	s0 =	simm.s32 @!p2 $0x0  }
0x16: {  	s3 =	sld [smem:$0x3FDB];
	s0 =	simm.s32 @p2 $0x1  }
0x17: {  	s4 =	simm.s32 $0x1BF5;
	[smem:$0x3FAE] =	sst s0  }
0x18: {  	s0 =	sld [smem:$0x3F91];
	_ =	swait.ge [sflag:s4], $0x0  }
0x19: {  	s7 =	sld [smem:$0x3F92]  }
0x1a: {  	s8 =	sadd.s32 $0xFFFFE003, lr  }
0x1b: {  	s9 =	sadd.s32 $0xFFFFFEF7, lr;
	s5 =	simm.s32 $0xFFFFFFFF;
	p2 =	slt.u32 s8, $0xFFFFF086  }
0x1c: {  	p1 =	slt.u32 s9, $0xF7A;
	s5 =	simm.s32 @!p2 $0x0  }
0x1d: {  	s5 =	simm.s32 @p1 $0x1;
	p0 =	seq.s32 s7, s2  }
0x1e: {  	s7 =	smul.u32 @!p0 $0xF7A, s2;
	p2 =	seq.s32 @!p0 s5, $0x0  }
0x1f: {  	s9 =	smul.u32 $0xF7A, s1;
	s8 =	simm.s32 @!p0 $0x1BF5;
	p2 =	por !p2, p0  }
0x20: {  	[sflag:s8] =	ssyncset.s32 @!p0 $0xFFFFF086;
	s6 =	sadd.s32 @!p0 s3, s7;
	s7 =	simm.s32 @!p0 $0x108  }
0x21: {  	s3 =	sadd.s32 s3, s9;
	s6 =	sadd.s32 @!p0 $0x88, s6;
	s7 =	simm.s32 @p2 $0x1082  }
0x22: {  	[simem:s7], [sflag:s8] =	dma.local @!p0 [hbm:s6], $0xF7A  }
0x23: {  	s9 =	sor.u32 $0xD0000000, s2;
	s6 =	simm.s32 $0x108;
	_ =	swait.ge @!p0 [sflag:s8], $0x0  }
0x24: {  	s3 =	sadd.s32 $0x88, s3;
	s6 =	simm.s32 @!p1 $0x1082;
	[sflag:s4] =	ssyncset.s32 $0xFFFFF086  }
0x25: {  	[simem:s6], [sflag:s4] =	dma.local [hbm:s3], $0xF7A  }
0x26: {  	[smem:$0x3F92] =	sst s1;
	(tag) =	ssettag s2;
	_ =	strace s9  }
0x27: {  	s1 =	sld [smem:$0x3FA2]  }
0x28: {  	s2 =	sld [smem:$0x3FA3]  }
0x29: {  	s4 =	sld [smem:$0x3FA5]  }
0x2a: {  	p0 =	seq.s32 s5, $0x0;
	s5 =	sld [smem:$0x3FA6]  }
0x2b: {  	s6 =	sld [smem:$0x3FA7]  }
0x2c: {  	s7 =	sld [smem:$0x3FA8]  }
0x2d: {  	s3 =	simm.s32 $0x108;
	s8 =	sld [smem:$0x3FA9]  }
0x2e: {  	s3 =	simm.s32 @!p0 $0x1082;
	s9 =	sld [smem:$0x3FAA]  }
0x2f: {  	lr =	sadd.s32 s0, s3;
	s0 =	sld [smem:$0x3FA1]  }
0x30: {  	s3 =	sld [smem:$0x3FA4]  }
0x31: {  	[smem:$0x3FAD] =	sst s10  }
0x32: {  	s10 =	sld [smem:$0x3FAB];
	_ =	sdelay $0x3  }
0x33: {  	p0 =	seq.s32 s10, $0x1;
	s10 =	sld [smem:$0x3FAD];
	_ =	sdelay $0x3  }
0x34: {  	[smem:$0x3FAD] =	sst s10  }
0x35: {  	s10 =	sld [smem:$0x3FAC];
	_ =	sdelay $0x3  }
0x36: {  	p1 =	seq.s32 s10, $0x1;
	s10 =	sld [smem:$0x3FAD];
	_ =	sdelay $0x3  }
0x37: {  	[smem:$0x3FAD] =	sst s10  }
0x38: {  	s10 =	sld [smem:$0x3FAE]  }
0x39: {  	_ = 	snop;
	(pc) =	sbr.ind lr, $3  }
0x3a: {  	_ = 	snop  }
0x3b: {  	_ = 	snop  }
0x3c: {  	p2 =	seq.s32 s10, $0x1;
	s10 =	sld [smem:$0x3FAD]  }
0x3d: {  	_ =	shalt  }
0x3e: {  	_ =	shalt  }
0x3f: {  	_ =	shalt  }
0x40: {  	_ =	shalt  }
0x41: {  	_ =	shalt  }
0x42: {  	_ =	shalt  }
0x43: {  	_ =	shalt  }
0x44: {  	_ =	shalt  }
0x45: {  	_ =	shalt  }
0x46: {  	_ =	shalt  }
0x47: {  	_ =	shalt  }
0x48: {  	_ =	shalt  }
0x49: {  	_ =	shalt  }
0x4a: {  	_ =	shalt  }
0x4b: {  	_ =	shalt  }
0x4c: {  	_ =	shalt  }
0x4d: {  	_ =	shalt  }
0x4e: {  	_ =	shalt  }
0x4f: {  	_ =	shalt  }
0x50: {  	_ =	shalt  }
0x51: {  	_ =	shalt  }
0x52: {  	_ =	shalt  }
0x53: {  	_ =	shalt  }
0x54: {  	_ =	shalt  }
0x55: {  	_ =	shalt  }
0x56: {  	_ =	shalt  }
0x57: {  	_ =	shalt  }
0x58: {  	_ =	shalt  }
0x59: {  	_ =	shalt  }
0x5a: {  	_ =	shalt  }
0x5b: {  	_ =	shalt  }
0x5c: {  	_ =	shalt  }
0x5d: {  	_ =	shalt  }
0x5e: {  	_ =	shalt  }
0x5f: {  	_ =	shalt  }
0x60: {  	_ =	shalt  }
0x61: {  	_ =	shalt  }
0x62: {  	_ =	shalt  }
0x63: {  	_ =	shalt  }
0x64: {  	_ =	shalt  }
0x65: {  	_ =	shalt  }
0x66: {  	_ =	shalt  }
0x67: {  	_ =	shalt  }
0x68: {  	_ =	shalt  }
0x69: {  	_ =	shalt  }
0x6a: {  	_ =	shalt  }
0x6b: {  	_ =	shalt  }
0x6c: {  	_ =	shalt  }
0x6d: {  	_ =	shalt  }
0x6e: {  	_ =	shalt  }
0x6f: {  	_ =	shalt  }
0x70: {  	_ =	shalt  }
0x71: {  	_ =	shalt  }
0x72: {  	_ =	shalt  }
0x73: {  	_ =	shalt  }
0x74: {  	_ =	shalt  }
0x75: {  	_ =	shalt  }
0x76: {  	_ =	shalt  }
0x77: {  	_ =	shalt  }
0x78: {  	_ =	shalt  }
0x79: {  	_ =	shalt  }
0x7a: {  	_ =	shalt  }
0x7b: {  	_ =	shalt  }
0x7c: {  	_ =	shalt  }
0x7d: {  	_ =	shalt  }
0x7e: {  	_ =	shalt  }
0x7f: {  	_ =	shalt  }
0x80: {  	_ =	shalt  }
0x81: {  	_ =	shalt  }
0x82: {  	_ =	shalt  }
0x83: {  	_ =	shalt  }
0x84: {  	_ =	shalt  }
0x85: {  	_ =	shalt  }
0x86: {  	_ =	shalt  }
0x87: {  	_ =	shalt  }
.Lfunc_end0:
.L_simem_size_0:
called_computation_lowered:
.L_overlay_start_0:
0x88: {  	s2 =	sld [smem:$0x3FD9]  }
0x89: {  	s3 =	sld [smem:$0x3FFE];
	_ =	sdelay $0x1  }
0x8a: {  	s1 =	srdreg.scid  }
0x8b: {  	s0 =	sand.u32 $0x1, s1  }
0x8c: {  	s17 =	sshll.u32 s0, $0xA;
	s2 =	sadd.s32 s3, s2  }
0x8d: {  	s2 =	sadd.s32 s2, s17  }
0x8e: {  	[smem:$0x3FB9] =	sst s2  }
0x8f: {  	_ = 	snop  }
0x90: {  	s18 =	sld [smem:$0x3FD0];
	(tm) =	ssettm $0x1  }
0x91: {  	s19 =	sld [smem:$0x3FFB];
	_ =	sdelay $0x3  }
0x92: {  	_ =	strace s19  }
0x93: {  	s2 =	sld [smem:$0x3FFC];
	_ =	sdelay $0x3  }
0x94: {  	_ =	strace s2  }
0x95: {  	s2 =	sld [smem:$0x3FFD];
	_ =	sdelay $0x3  }
0x96: {  	_ =	strace s2  }
0x97: {  	_ =	strace $0x8FFFFFFF  }
0x98: {  	s20 =	sld [smem:$0x3FDB];
	_ =	sdelay $0x1  }
0x99: {  	s4 =	simm.s32 $_scs_section_size  }
0x9a: {  	s5 =	simm.s32 $_size__tile_overlayer_lowered;
	s6 =	simm.s32 $_tile_overlayer_lowered  }
0x9b: {  	s7 =	simm.s32 $0x1BFF;
	s21 =	sshll.u32 s6, $0x1;
	s4 =	sadd.s32 s4, s20  }
0x9c: {  	s22 =	simm.s32 $0x0;
	s5 =	sshll.u32 s5, $0x1;
	s6 =	sadd.s32 s21, s4  }
0x9d: {  	[timem:s22], [sflag:s7] =	dma.local [hbm:s6], s5  }
0x9e: {  	_ =	swait.ge [sflag:s7], s5  }
0x9f: {  	s5 =	ssub.s32 $0x0, s5;
	[sflag:s7] =	ssyncset.done $0x0  }
0xa0: {  	[sflag:s7] =	ssyncadd.s32 s5;
	_ =	sdelay $0x1  }
0xa1: {  	s23 =	simm.s32 $0x1B8B  }
0xa2: {  	_ =	swait.ge [sflag:s23], $0x1  }
0xa3: {  	[sflag:s23] =	ssyncset.done $0x0  }
0xa4: {  	[sflag:s23] =	ssyncadd.s32 $0xFFFFFFFF  }
0xa5: {  	s5 =	sld [smem:$0x0]  }
0xa6: {  	s6 =	sand.u32 $0xFFFFFFFE, s1  }
0xa7: {  	p0 =	sne.s32 s1, s6  }
0xa8: {  	s6 =	sshll.u32 @p0 s6, $0xE  }
0xa9: {  	s6 =	sadd.s32 @p0 $0x11B8D, s6;
	s7 =	sshll.u32 @p0 s5, $0x11  }
0xaa: {  	s6 =	sor.u32 @p0 s7, s6  }
0xab: {  	[sflag:s6] =	ssyncadd.remote.s32 @p0 $0x1;
	_ =	sdelay $0x1  }
0xac: {  	s6 =	simm.s32 @p0 $0x1B8D  }
0xad: {  	_ =	swait.eq @p0 [sflag:s6], $0x1  }
0xae: {  	[sflag:s6] =	ssyncadd.s32 @p0 $0xFFFFFFFF  }
0xaf: {  	s7 =	sshll.u32 @!p0 s1, $0xE  }
0xb0: {  	s7 =	sor.u32 @!p0 $0x4000, s7;
	s6 =	simm.s32 @!p0 $0x1B8D  }
0xb1: {  	s5 =	sshll.u32 @!p0 s5, $0x11;
	s7 =	sadd.s32 @!p0 $0x11B8D, s7;
	_ =	swait.eq @!p0 [sflag:s6], $0x1  }
0xb2: {  	s5 =	sor.u32 @!p0 s5, s7;
	[sflag:s6] =	ssyncadd.s32 @!p0 $0xFFFFFFFF  }
0xb3: {  	s25 =	simm.s32 $0x1B8E;
	s24 =	sld [smem:$0x3FFE];
	[sflag:s5] =	ssyncadd.remote.s32 @!p0 $0x1  }
0xb4: {  	s26 =	simm.s32 $execute0_lowered;
	[smem:$0x3FD2] =	sst s25  }
0xb5: {  	s6 =	sshll.u32 s26, $0x1;
	_ =	strace $0x80000049;
	[dreg:$0x1] =	wrdreg $0xFFFFFFFF  }
0xb6: {  	s28 =	simm.s32 $_size_execute0_lowered;
	s4 =	sadd.s32 s4, s6;
	[dreg:$0x0] =	wrdreg $0x0  }
0xb7: {  	s6 =	sshll.u32 s28, $0x1;
	[dreg:$0x2] =	wrdreg s4  }
0xb8: {  	[dreg:$0x3] =	wrdreg s6  }
0xb9: {  	[dreg:$0x4] =	wrdreg $0xC0  }
0xba: {  	_ =	task [dreg:s22], $0x5FFFF  }
0xbb: {  	[dreg:$0x1] =	wrdreg $0xFFFFFFFF  }
0xbc: {  	[dreg:$0x0] =	wrdreg $0x60  }
0xbd: {  	[dreg:$0x2] =	wrdreg s24  }
0xbe: {  	[dreg:$0x3] =	wrdreg s18  }
0xbf: {  	[dreg:$0x4] =	wrdreg $0x92000  }
0xc0: {  	[dreg:$0x5] =	wrdreg $0x9  }
0xc1: {  	_ =	task.clear_ibuf [dreg:s22], $0x6FFFF;
	_ =	strace $0x90000049  }
0xc2: {  	s29 =	simm.s32 $0x9;
	_ =	strace $0x8000004B  }
0xc3: {  	_ =	swait.ge [sflag:s29], $0x1  }
0xc4: {  	[sflag:s29] =	ssyncadd.s32 $0xFFFFFFFF  }
0xc5: {  	_ =	strace $0x9000004B  }
0xc6: {  	_ =	sfence  }
0xc7: {  	s30 =	sld [smem:$0x0];
	_ =	sdelay $0x2  }
0xc8: {  	s31 =	sshll.u32 s1, $0xD;
	s1 =	sshrl.u32 s1, $0x2  }
0xc9: {  	s4 =	sand.u32 $0x4000, s31;
	s1 =	sadd.s32 s1, s30  }
0xca: {  	s0 =	sor.u32 s4, s0;
	s1 =	sshll.u32 s1, $0x11  }
0xcb: {  	s0 =	sor.u32 s1, s0  }
0xcc: {  	s0 =	sadd.s32 $0x8F2B, s0  }
0xcd: {  	[sflag:s0] =	ssyncadd.remote.s32 $0x1  }
0xce: {  	_ =	sfence.sel $0xFFFF  }
0xcf: {  	[dreg:$0x0] =	wrdreg $0xFFFFFFFF;
	(pc) =	sbr.abs _section_cstart, $3  }
0xd0: {  	[dreg:$0x1] =	wrdreg $0xFFFFFFFF  }
0xd1: {  	_ =	task.clear_ibuf [dreg:s22], $0x2FFFF;
	_ =	strace $0x9FFFFFFF  }
0xd2: {  	(tm) =	ssettm $0x7FFFFFFF  }
0xd3: {  	_ =	shalt  }
tec
execute0_lowered:
.L_overlay_start_1:
0x0: {  	(tag) =	ssettag $0x1  }
0x1: {  	s0 =	rddreg [dreg:$0x0]  }
0x2: {  	s2 =	rddreg [dreg:$0x2];
	s1 =	srdreg.scid;
	s3 =	simm.s32 $0x0  }
0x3: {  	s26 =	stileid.u32;
	s28 =	simm.s32 $0x80;
	s29 =	simm.s32 $0x50  }
0x4: {  	s30 =	simm.s32 $0x4;
	s31 =	simm.s32 $0x1;
	s1 =	sand.u32 $0x1, s1  }
0x5: {  	[smem:$0x7FF] =	sst s3;
	s4 =	sadd.s32 $0x3800, s0;
	s8 =	smul.u32 $0x270, s26  }
0x6: {  	s6 =	sadd.s32 $0x17400, s0;
	s7 =	sshll.u32 s26, $0x1;
	s10 =	smul.u32 $0x4E000, s26  }
0x7: {  	p0 =	sne.s32 s26, $0x0;
	s5 =	smul.u32 $0x27100, s1;
	_ =	strace $0x8000004A  }
0x8: {  	s14 =	ssub.s32 $0x2, s1;
	s7 =	sor.u32 s1, s7;
	s19 =	smul.u32 $0x2710, s1  }
0x9: {  	[dreg:$0x4] =	wrdreg s6;
	s9 =	sshrl.u32 s14, $0x1;
	s15 =	smul.u32 $0x2710, s7  }
0xa: {  	s13 =	sadd.s32 $0xD0, s8;
	s16 =	sshrl.u32 s10, $0x2;
	s0 =	sadd.s32 s5, s0  }
0xb: {  	s11 =	ssub.s32 s14, s9;
	s17 =	sshll.u32 s13, $0x7;
	s14 =	sadd.s32 $0x1A0, s8  }
0xc: {  	s6 =	sadd.s32 s16, s2;
	s9 =	sadd.s32 $0x138000, s2;
	s16 =	smul.u32 $0x4E20, s26  }
0xd: {  	s1 =	sshll.u32 s13, $0x4;
	s5 =	simm.s32 $0x2;
	s18 =	sshrl.u32 s15, $0x3  }
0xe: {  	s7 =	sadd.s32 s17, s2;
	s11 =	smax.u32 s11, $0x1;
	s10 =	sadd.s32 s4, s18  }
0xf: {  	s8 =	sshll.u32 s14, $0x7;
	[dreg:$0x6] =	wrdreg s11;
	s12 =	sadd.s32 $0xA, s10  }
0x10: {  	s15 =	smul.u32 $0x2700, s26;
	s20 =	sadd.s32 $0x4C4, s10;
	[dreg:$0x5] =	wrdreg s12  }
0x11: {  	s13 =	sshll.u32 s14, $0x4;
	s21 =	sadd.s32 $0x4CE, s10;
	[dreg:$0x7] =	wrdreg s20  }
0x12: {  	s8 =	sadd.s32 s8, s2;
	s22 =	sadd.s32 $0x4D8, s10;
	[dreg:$0x8] =	wrdreg s21  }
0x13: {  	s12 =	sadd.s32 $0x66400, s0;
	s0 =	sadd.s32 s19, s16;
	[dreg:$0x9] =	wrdreg s22  }
0x14: {  	s21 =	simm.s32 $0x2A00;
	s22 =	simm.s32 $0x5;
	s17 =	sadd.s32 $0x140, s0  }
0x15: {  	s23 =	sadd.s32 $0x190, s0;
	s24 =	sadd.s32 $0xF0, s0;
	s0 =	sadd.s32 $0xA0, s0  }
0x16: {  	s26 =	sadd.s32 s15, s12;
	s11 =	sshrl.u32 s23, $0x3;
	s25 =	sshrl.u32 s24, $0x3  }
0x17: {  	s0 =	sshrl.u32 s0, $0x3;
	[dreg:$0xa] =	wrdreg s26;
	s24 =	sadd.s32 s1, s12  }
0x18: {  	s26 =	simm.s32 $0x200;
	s1 =	simm.s32 $0x3;
	s18 =	sadd.s32 s11, s4  }
0x19: {  	s19 =	sadd.s32 s25, s4;
	s20 =	sadd.s32 s0, s4;
	s25 =	sadd.s32 s13, s12  }
0x1a: {  	s0 =	simm.s32 $0x100;
	s11 =	simm.s32 $0x180;
	s13 =	simm.s32 $0x0  }
.LBB2_1:
0x1b: {  	s14 =	rddreg [dreg:$0x4]  }
0x1c: {  	[tilespmem:s21], [sflag:$0x5] =	stream.linear.gather [hbm4b:s14+s3], $0x6800, $0x38;
	[tilespmem:$0x1CA80] =	vst v63  }
0x1d: {  	_ =	swait.ge [sflag:s22], $0x6800  }
0x1e: {  	[sflag:s22] =	ssyncset.done $0x0  }
0x1f: {  	[sflag:s22] =	ssyncadd.s32 $0xFFFF9800  }
0x20: {  	[spmem:s6] =	stream.linear.scatter [tilespmem:s21], [sflag:$0x5], $0x6800, $0x38;
	[tilespmem:$0x1CA80] =	vst v63  }
0x21: {  	_ =	swait.ge [sflag:s22], $0x6800  }
0x22: {  	[sflag:s22] =	ssyncset.done $0x0  }
0x23: {  	[sflag:s22] =	ssyncadd.s32 $0xFFFF9800  }
0x24: {  	[spmem:s7] =	stream.linear.scatter [tilespmem:s21], [sflag:$0x5], $0x6800, $0x38;
	[tilespmem:$0x1CA80] =	vst v63  }
0x25: {  	_ =	swait.ge [sflag:s22], $0x6800  }
0x26: {  	[sflag:s22] =	ssyncset.done $0x0  }
0x27: {  	[sflag:s22] =	ssyncadd.s32 $0xFFFF9800  }
0x28: {  	[spmem:s8] =	stream.linear.scatter [tilespmem:s21], [sflag:$0x5], $0x6800, $0x38;
	[tilespmem:$0x1CA80] =	vst v63  }
0x29: {  	_ =	swait.ge [sflag:s22], $0x6800  }
0x2a: {  	[sflag:s22] =	ssyncset.done $0x0  }
0x2b: {  	[sflag:s22] =	ssyncadd.s32 $0xFFFF9800  }
0x2c: {  	s16 =	rddreg [dreg:$0x1]  }
0x2d: {  	[tilespmem:s26], [sflag:$0x5] =	stream.linear.gather [hbm4b:s16+s3], $0x2800, $0x38;
	[tilespmem:$0x1CA80] =	vst v63  }
0x2e: {  	_ =	swait.ge [sflag:s22], $0x2800  }
0x2f: {  	[sflag:s22] =	ssyncset.done $0x0  }
0x30: {  	s14 =	simm.s32 @!p0 $0x2A00;
	[sflag:s22] =	ssyncadd.s32 $0xFFFFD800  }
0x31: {  	[spmem:s9] =	stream.linear.scatter @!p0 [tilespmem:s14], [sflag:$0x5], $0x800, $0x38;
	[tilespmem:$0x1CA80] =	vst v63  }
0x32: {  	s14 =	simm.s32 @!p0 $0x5  }
0x33: {  	_ =	swait.ge @!p0 [sflag:s14], $0x800  }
0x34: {  	[sflag:s14] =	ssyncset.done @!p0 $0x0  }
0x35: {  	[sflag:s14] =	ssyncadd.s32 @!p0 $0xFFFFF800  }
0x36: {  	[tilespmem:s3], [sflag:$0x5] =	stream.linear.gather [hbm4b:s10+s3], $0x50, $0x38;
	[tilespmem:$0x1CA80] =	vst v63  }
0x37: {  	_ =	swait.ge [sflag:s22], $0x50  }
0x38: {  	[sflag:s22] =	ssyncset.done $0x0  }
0x39: {  	s23 =	rddreg [dreg:$0x5];
	[sflag:s22] =	ssyncadd.s32 $0xFFFFFFB0  }
0x3a: {  	[tilespmem:s28], [sflag:$0x4] =	stream.linear.gather [hbm4b:s23+s3], $0x50, $0x38;
	[tilespmem:$0x1CA80] =	vst v63  }
0x3b: {  	[bflag:$0x0] =	sbarrier.arrive $0xFFFF  }
0x3c: {  	[spmem:s2] =	stream.indirect.scatter.add.f32 [tilespmem:s26], [sflag:$0x1], $0x80, s3, s29, $0xb8;
	[tilespmem:$0x1CA80] =	vst v63  }
0x3d: {  	_ =	swait.ge [sflag:s30], $0x50  }
0x3e: {  	[sflag:s30] =	ssyncset.done $0x0  }
0x3f: {  	[sflag:s30] =	ssyncadd.s32 $0xFFFFFFB0  }
0x40: {  	[spmem:s2] =	stream.indirect.scatter.add.f32 [tilespmem:s26], [sflag:$0x2], $0x80, s28, s29, $0xb8;
	[tilespmem:$0x1CA80] =	vst v63  }
0x41: {  	_ =	swait.ge [sflag:s31], $0x2800  }
0x42: {  	[sflag:s31] =	ssyncset.done $0x0  }
0x43: {  	s15 =	sadd.s32 $0x0, s20;
	[sflag:s31] =	ssyncadd.s32 $0xFFFFD800  }
0x44: {  	[tilespmem:s0], [sflag:$0x3] =	stream.linear.gather [hbm4b:s15+s3], $0x50, $0x38;
	[tilespmem:$0x1CA80] =	vst v63  }
0x45: {  	_ =	swait.ge [sflag:s1], $0x50  }
0x46: {  	[sflag:s1] =	ssyncset.done $0x0  }
0x47: {  	[sflag:s1] =	ssyncadd.s32 $0xFFFFFFB0  }
0x48: {  	[spmem:s2] =	stream.indirect.scatter.add.f32 [tilespmem:s26], [sflag:$0x1], $0x80, s0, s29, $0xb8;
	[tilespmem:$0x1CA80] =	vst v63  }
0x49: {  	_ =	swait.ge [sflag:s5], $0x2800  }
0x4a: {  	[sflag:s5] =	ssyncset.done $0x0  }
0x4b: {  	s16 =	sadd.s32 $0x0, s19;
	[sflag:s5] =	ssyncadd.s32 $0xFFFFD800  }
0x4c: {  	[tilespmem:s11], [sflag:$0x4] =	stream.linear.gather [hbm4b:s16+s3], $0x50, $0x38;
	[tilespmem:$0x1CA80] =	vst v63  }
0x4d: {  	_ =	swait.ge [sflag:s30], $0x50  }
0x4e: {  	[sflag:s30] =	ssyncset.done $0x0  }
0x4f: {  	[sflag:s30] =	ssyncadd.s32 $0xFFFFFFB0  }
0x50: {  	[spmem:s2] =	stream.indirect.scatter.add.f32 [tilespmem:s26], [sflag:$0x2], $0x80, s11, s29, $0xb8;
	[tilespmem:$0x1CA80] =	vst v63  }
0x51: {  	_ =	swait.ge [sflag:s31], $0x2800  }
0x52: {  	s23 =	sshrl.u32 s17, $0x3;
	[sflag:s31] =	ssyncset.done $0x0  }
0x53: {  	s14 =	sadd.s32 s4, s23;
	[sflag:s31] =	ssyncadd.s32 $0xFFFFD800  }
0x54: {  	[tilespmem:s3], [sflag:$0x3] =	stream.linear.gather [hbm4b:s14+s3], $0x50, $0x38;
	[tilespmem:$0x1CA80] =	vst v63  }
0x55: {  	_ =	swait.ge [sflag:s1], $0x50  }
0x56: {  	[sflag:s1] =	ssyncset.done $0x0  }
0x57: {  	[sflag:s1] =	ssyncadd.s32 $0xFFFFFFB0  }
0x58: {  	[spmem:s2] =	stream.indirect.scatter.add.f32 [tilespmem:s26], [sflag:$0x1], $0x80, s3, s29, $0xb8;
	[tilespmem:$0x1CA80] =	vst v63  }
0x59: {  	_ =	swait.ge [sflag:s5], $0x2800  }
0x5a: {  	s15 =	sadd.s32 $0x140, s17;
	[sflag:s5] =	ssyncset.done $0x0  }
0x5b: {  	s16 =	sadd.s32 $0x0, s18;
	s14 =	simm.s32 $0x28;
	[sflag:s5] =	ssyncadd.s32 $0xFFFFD800  }
.LBB2_2:
0x5c: {  	[tilespmem:s28], [sflag:$0x4] =	stream.linear.gather [hbm4b:s16+s3], $0x50, $0x38;
	[tilespmem:$0x1CA80] =	vst v63  }
0x5d: {  	s16 =	smov.u32 s14  }
0x5e: {  	p1 =	sne.s32 s14, $0x488;
	s14 =	sadd.s32 $0x28, s14;
	_ =	swait.ge [sflag:s30], $0x50  }
0x5f: {  	[sflag:s30] =	ssyncset.done $0x0  }
0x60: {  	[sflag:s30] =	ssyncadd.s32 $0xFFFFFFB0  }
0x61: {  	[spmem:s2] =	stream.indirect.scatter.add.f32 [tilespmem:s26], [sflag:$0x2], $0x80, s28, s29, $0xb8;
	[tilespmem:$0x1CA80] =	vst v63  }
0x62: {  	_ =	swait.ge [sflag:s31], $0x2800  }
0x63: {  	[sflag:s31] =	ssyncset.done $0x0  }
0x64: {  	s23 =	sadd.s32 s16, s20;
	[sflag:s31] =	ssyncadd.s32 $0xFFFFD800  }
0x65: {  	[tilespmem:s0], [sflag:$0x3] =	stream.linear.gather [hbm4b:s23+s3], $0x50, $0x38;
	[tilespmem:$0x1CA80] =	vst v63  }
0x66: {  	_ =	swait.ge [sflag:s1], $0x50  }
0x67: {  	[sflag:s1] =	ssyncset.done $0x0  }
0x68: {  	[sflag:s1] =	ssyncadd.s32 $0xFFFFFFB0  }
0x69: {  	[spmem:s2] =	stream.indirect.scatter.add.f32 [tilespmem:s26], [sflag:$0x1], $0x80, s0, s29, $0xb8;
	[tilespmem:$0x1CA80] =	vst v63  }
0x6a: {  	_ =	swait.ge [sflag:s5], $0x2800  }
0x6b: {  	[sflag:s5] =	ssyncset.done $0x0  }
0x6c: {  	s23 =	sadd.s32 s16, s19;
	[sflag:s5] =	ssyncadd.s32 $0xFFFFD800  }
0x6d: {  	[tilespmem:s11], [sflag:$0x4] =	stream.linear.gather [hbm4b:s23+s3], $0x50, $0x38;
	[tilespmem:$0x1CA80] =	vst v63  }
0x6e: {  	_ =	swait.ge [sflag:s30], $0x50  }
0x6f: {  	[sflag:s30] =	ssyncset.done $0x0  }
0x70: {  	[sflag:s30] =	ssyncadd.s32 $0xFFFFFFB0  }
0x71: {  	[spmem:s2] =	stream.indirect.scatter.add.f32 [tilespmem:s26], [sflag:$0x2], $0x80, s11, s29, $0xb8;
	[tilespmem:$0x1CA80] =	vst v63  }
0x72: {  	_ =	swait.ge [sflag:s31], $0x2800  }
0x73: {  	s23 =	sshrl.u32 s15, $0x3;
	[sflag:s31] =	ssyncset.done $0x0  }
0x74: {  	s23 =	sadd.s32 s4, s23;
	[sflag:s31] =	ssyncadd.s32 $0xFFFFD800  }
0x75: {  	[tilespmem:s3], [sflag:$0x3] =	stream.linear.gather [hbm4b:s23+s3], $0x50, $0x38;
	[tilespmem:$0x1CA80] =	vst v63  }
0x76: {  	_ =	swait.ge [sflag:s1], $0x50  }
0x77: {  	[sflag:s1] =	ssyncset.done $0x0  }
.Ltmp0:
0x78: {  	[sflag:s1] =	ssyncadd.s32 $0xFFFFFFB0;
	(pc) =	sbr.rel @p1 .LBB2_2-.Ltmp0, $4  }
0x79: {  	[spmem:s2] =	stream.indirect.scatter.add.f32 [tilespmem:s26], [sflag:$0x1], $0x80, s3, s29, $0xb8;
	[tilespmem:$0x1CA80] =	vst v63  }
0x7a: {  	_ =	swait.ge [sflag:s5], $0x2800  }
0x7b: {  	[sflag:s5] =	ssyncset.done $0x0  }
0x7c: {  	s16 =	sadd.s32 s16, s18;
	s15 =	sadd.s32 $0x140, s15;
	[sflag:s5] =	ssyncadd.s32 $0xFFFFD800  }
0x7d: {  	[tilespmem:s28], [sflag:$0x4] =	stream.linear.gather [hbm4b:s16+s3], $0x50, $0x38;
	[tilespmem:$0x1CA80] =	vst v63  }
0x7e: {  	_ =	swait.ge [sflag:s30], $0x50  }
0x7f: {  	[sflag:s30] =	ssyncset.done $0x0  }
0x80: {  	[sflag:s30] =	ssyncadd.s32 $0xFFFFFFB0  }
0x81: {  	[spmem:s2] =	stream.indirect.scatter.add.f32 [tilespmem:s26], [sflag:$0x2], $0x80, s28, s29, $0xb8;
	[tilespmem:$0x1CA80] =	vst v63  }
0x82: {  	_ =	swait.ge [sflag:s31], $0x2800  }
0x83: {  	[sflag:s31] =	ssyncset.done $0x0  }
0x84: {  	s14 =	rddreg [dreg:$0x7];
	[sflag:s31] =	ssyncadd.s32 $0xFFFFD800  }
0x85: {  	[tilespmem:s0], [sflag:$0x3] =	stream.linear.gather [hbm4b:s14+s3], $0x50, $0x38;
	[tilespmem:$0x1CA80] =	vst v63  }
0x86: {  	_ =	swait.ge [sflag:s1], $0x50  }
0x87: {  	[sflag:s1] =	ssyncset.done $0x0  }
0x88: {  	[sflag:s1] =	ssyncadd.s32 $0xFFFFFFB0  }
0x89: {  	[spmem:s2] =	stream.indirect.scatter.add.f32 [tilespmem:s26], [sflag:$0x1], $0x80, s0, s29, $0xb8;
	[tilespmem:$0x1CA80] =	vst v63  }
0x8a: {  	_ =	swait.ge [sflag:s5], $0x2800  }
0x8b: {  	[sflag:s5] =	ssyncset.done $0x0  }
0x8c: {  	s23 =	rddreg [dreg:$0x8];
	[sflag:s5] =	ssyncadd.s32 $0xFFFFD800  }
0x8d: {  	[tilespmem:s11], [sflag:$0x4] =	stream.linear.gather [hbm4b:s23+s3], $0x50, $0x38;
	[tilespmem:$0x1CA80] =	vst v63  }
0x8e: {  	_ =	swait.ge [sflag:s30], $0x50  }
0x8f: {  	[sflag:s30] =	ssyncset.done $0x0  }
0x90: {  	[sflag:s30] =	ssyncadd.s32 $0xFFFFFFB0  }
0x91: {  	[spmem:s2] =	stream.indirect.scatter.add.f32 [tilespmem:s26], [sflag:$0x2], $0x80, s11, s29, $0xb8;
	[tilespmem:$0x1CA80] =	vst v63  }
0x92: {  	_ =	swait.ge [sflag:s31], $0x2800  }
0x93: {  	[sflag:s31] =	ssyncset.done $0x0  }
0x94: {  	s15 =	rddreg [dreg:$0x9];
	[sflag:s31] =	ssyncadd.s32 $0xFFFFD800  }
0x95: {  	[tilespmem:s3], [sflag:$0x3] =	stream.linear.gather [hbm4b:s15+s3], $0x50, $0x38;
	[tilespmem:$0x1CA80] =	vst v63  }
0x96: {  	_ =	swait.ge [sflag:s1], $0x50  }
0x97: {  	[sflag:s1] =	ssyncset.done $0x0  }
0x98: {  	[sflag:s1] =	ssyncadd.s32 $0xFFFFFFB0  }
0x99: {  	[spmem:s2] =	stream.indirect.scatter.add.f32 [tilespmem:s26], [sflag:$0x1], $0x80, s3, s29, $0xb8;
	[tilespmem:$0x1CA80] =	vst v63  }
0x9a: {  	_ =	swait.ge [sflag:s5], $0x2800  }
0x9b: {  	[sflag:s5] =	ssyncset.done $0x0  }
0x9c: {  	[sflag:s5] =	ssyncadd.s32 $0xFFFFD800  }
0x9d: {  	_ =	swait.ge [sflag:s31], $0x2800  }
0x9e: {  	[sflag:s31] =	ssyncset.done $0x0  }
0x9f: {  	[sflag:s31] =	ssyncadd.s32 $0xFFFFD800  }
0xa0: {  	[bflag:$0x0] =	sbarrier.arrive $0xFFFF  }
0xa1: {  	[tilespmem:s21], [sflag:$0x5] =	stream.linear.gather [spmem:s6], $0x6800, $0x38;
	[tilespmem:$0x1CA80] =	vst v63  }
0xa2: {  	_ =	swait.ge [sflag:s22], $0x6800  }
0xa3: {  	[sflag:s22] =	ssyncset.done $0x0  }
0xa4: {  	s16 =	rddreg [dreg:$0xa];
	[sflag:s22] =	ssyncadd.s32 $0xFFFF9800  }
0xa5: {  	[hbm4b:s16+s3] =	stream.linear.scatter [tilespmem:s21], [sflag:$0x5], $0x6800, $0x38;
	[tilespmem:$0x1CA80] =	vst v63  }
0xa6: {  	_ =	swait.ge [sflag:s22], $0x6800  }
0xa7: {  	[sflag:s22] =	ssyncset.done $0x0  }
0xa8: {  	[sflag:s22] =	ssyncadd.s32 $0xFFFF9800  }
0xa9: {  	[tilespmem:s21], [sflag:$0x5] =	stream.linear.gather [spmem:s7], $0x6800, $0x38;
	[tilespmem:$0x1CA80] =	vst v63  }
0xaa: {  	_ =	swait.ge [sflag:s22], $0x6800  }
0xab: {  	[sflag:s22] =	ssyncset.done $0x0  }
0xac: {  	[sflag:s22] =	ssyncadd.s32 $0xFFFF9800  }
0xad: {  	[hbm4b:s24+s3] =	stream.linear.scatter [tilespmem:s21], [sflag:$0x5], $0x6800, $0x38;
	[tilespmem:$0x1CA80] =	vst v63  }
0xae: {  	_ =	swait.ge [sflag:s22], $0x6800  }
0xaf: {  	[sflag:s22] =	ssyncset.done $0x0  }
0xb0: {  	[sflag:s22] =	ssyncadd.s32 $0xFFFF9800  }
0xb1: {  	[tilespmem:s21], [sflag:$0x5] =	stream.linear.gather [spmem:s8], $0x6800, $0x38;
	[tilespmem:$0x1CA80] =	vst v63  }
0xb2: {  	_ =	swait.ge [sflag:s22], $0x6800  }
0xb3: {  	[sflag:s22] =	ssyncset.done $0x0  }
0xb4: {  	[sflag:s22] =	ssyncadd.s32 $0xFFFF9800  }
0xb5: {  	[hbm4b:s25+s3] =	stream.linear.scatter [tilespmem:s21], [sflag:$0x5], $0x6800, $0x38;
	[tilespmem:$0x1CA80] =	vst v63  }
0xb6: {  	_ =	swait.ge [sflag:s22], $0x6800  }
0xb7: {  	[sflag:s22] =	ssyncset.done $0x0  }
0xb8: {  	s14 =	simm.s32 @!p0 $0x2A00;
	s15 =	simm.s32 @!p0 $0x5;
	[sflag:s22] =	ssyncadd.s32 $0xFFFF9800  }
0xb9: {  	[tilespmem:s14], [sflag:$0x5] =	stream.linear.gather @!p0 [spmem:s9], $0x800, $0x38;
	[tilespmem:$0x1CA80] =	vst v63  }
0xba: {  	_ =	swait.ge @!p0 [sflag:s15], $0x800  }
0xbb: {  	[sflag:s15] =	ssyncset.done @!p0 $0x0  }
0xbc: {  	s23 =	simm.s32 @!p0 $0x0;
	s16 =	sadd.s32 @!p0 $0x27000, s12;
	[sflag:s15] =	ssyncadd.s32 @!p0 $0xFFFFF800  }
0xbd: {  	[hbm4b:s16+s23] =	stream.linear.scatter @!p0 [tilespmem:s14], [sflag:$0x5], $0x800, $0x38;
	[tilespmem:$0x1CA80] =	vst v63  }
0xbe: {  	_ =	swait.ge @!p0 [sflag:s15], $0x800  }
0xbf: {  	s13 =	sadd.s32 $0x1, s13;
	s23 =	rddreg [dreg:$0x6]  }
0xc0: {  	p1 =	sne.s32 s13, s23  }
.Ltmp1:
0xc1: {  	_ = 	snop;
	(pc) =	sbr.rel @p1 .LBB2_1-.Ltmp1, $3  }
0xc2: {  	_ =	sdelay $0x1  }
0xc3: {  	[sflag:s15] =	ssyncset.done @!p0 $0x0  }
0xc4: {  	[sflag:s15] =	ssyncadd.s32 @!p0 $0xFFFFF800  }
0xc5: {  	_ =	sfence.sel $0x180000  }
0xc6: {  	[bflag:$0x0] =	sbarrier.arrive $0xFFFF  }
0xc7: {  	_ =	strace $0x9000004A  }
0xc8: {  	[bflag:$0x2] =	sbarrier.arrive $0xFFFF  }
0xc9: {  	s0 =	rddreg [dreg:$0x3]  }
0xca: {  	s0 =	sadd.s32 @!p0 $0x100000, s0  }
0xcb: {  	[sflag:s0] =	ssyncadd.tile.s32 @!p0 $0x1;
	_ =	shalt  }
.Lfunc_end2:
_tile_overlayer_lowered:
.L_overlay_start_2:
0xcc: {  	(tag) =	ssettag $0x2  }
0xcd: {  	s0 =	rddreg [dreg:$0x0];
	s2 =	stileid.u32  }
0xce: {  	s1 =	rddreg [dreg:$0x1];
	p0 =	sne.s32 s2, $0x0  }
0xcf: {  	s3 =	rddreg [dreg:$0x2];
	[bflag:$0x3] =	sbarrier.arrive $0xFFFF;
	s2 =	simm.s32 @!p0 $0x1C05  }
0xd0: {  	[timem:s3], [sflag:s2] =	dma.local @!p0 [hbm:s0], s1  }
0xd1: {  	s0 =	simm.s32 @!p0 $0x5  }
0xd2: {  	_ =	swait.ge @!p0 [sflag:s0], s1  }
0xd3: {  	s1 =	ssub.s32 @!p0 $0x0, s1;
	[sflag:s0] =	ssyncset.done @!p0 $0x0  }
0xd4: {  	[sflag:s0] =	ssyncadd.s32 @!p0 s1  }
0xd5: {  	[bflag:$0x3] =	sbarrier.arrive $0xFFFF  }
0xd6: {  	_ =	shalt  }

</sc_bundles>
